<compile_context>
chip_gen: v7x
topology: tpu7x:2x2x1
jax: 0.10.2.dev20260603
libtpu: 0.0.44.dev20260713+nightly
codegen_flags: <defaults>
</compile_context>

<pallas_src>
import dataclasses
import functools

import jax
import jax.numpy as jnp
from jax import lax
from jax.experimental import pallas as pl
from jax.experimental.pallas import tpu as pltpu
from jax.experimental.pallas import tpu_sc as plsc

_N = 10000
_NP = 10240
_H = 16
_C = 2
_NCORE = 2
_NSUB = 16
_NW = _NCORE * _NSUB
_EP = 327680
_EPW = _EP // _NW
_CB = 1024
_NCH = _EPW // _CB
_NPT = _NP // _NSUB

_mesh = plsc.VectorSubcoreMesh(core_axis_name="c", subcore_axis_name="s")

_sc_cp = pltpu.CompilerParams()
if "needs_layout_passes" in pltpu.CompilerParams.__dataclass_fields__:
  _sc_cp = dataclasses.replace(_sc_cp, needs_layout_passes=False)
_sc_cp = dataclasses.replace(_sc_cp, use_tc_tiling_on_sc=False)


def _sc_deg(dst3d, ew3d, zeros_nh):

  @functools.partial(
      pl.kernel,
      out_type=jax.ShapeDtypeStruct((_NCORE, _NP, _H), jnp.float32),
      mesh=_mesh,
      compiler_params=_sc_cp,
      scratch_types=[
          pltpu.VMEM((_NCH, _CB), jnp.int32),
          pltpu.VMEM((_NCH, _CB), jnp.float32),
          pltpu.VMEM((_CB, _H), jnp.float32),
          pltpu.VMEM((_CB, _H), jnp.float32),
          pltpu.VMEM_SHARED((_NP, _H), jnp.float32),
          pltpu.SemaphoreType.DMA,
          pltpu.SemaphoreType.DMA,
      ],
  )
  def k(dst_hbm, ew_hbm, z_hbm, out_hbm, dstv, ewv, rows0, rows1, acc_sh,
        ss0, ss1):
    c = lax.axis_index("c")
    s = lax.axis_index("s")
    w = c * _NSUB + s
    pltpu.sync_copy(z_hbm.at[pl.ds(s * _NPT, _NPT)],
                    acc_sh.at[pl.ds(s * _NPT, _NPT)])
    pltpu.sync_copy(dst_hbm.at[w], dstv)
    pltpu.sync_copy(ew_hbm.at[w], ewv)
    zrow = jnp.zeros((_H,), jnp.float32)
    bufs = (rows0, rows1)
    sems = (ss0, ss1)
    pend = [None, None]

    for rowsv in bufs:
      @pl.loop(0, _CB)
      def _(i):
        rowsv[i, :] = zrow

    plsc.subcore_barrier()
    iota = lax.iota(jnp.int32, 16)
    zer16 = jnp.zeros((16,), jnp.int32)

    for ch in range(_NCH):
      b = ch % 2
      rowsv = bufs[b]
      if pend[b] is not None:
        pend[b].wait()
      cful = jnp.full((16,), ch, jnp.int32)

      @pl.loop(0, _CB // 16)
      def _(g):
        ew16 = plsc.load_gather(ewv, [cful, iota + g * 16])
        plsc.store_scatter(rowsv, [iota + g * 16, zer16], ew16)

      pend[b] = pltpu.async_copy(rowsv, acc_sh.at[dstv.at[ch]],
                                 sems[b], add=True)

    for p in pend:
      p.wait()

    plsc.subcore_barrier()
    pltpu.sync_copy(acc_sh.at[pl.ds(s * _NPT, _NPT)],
                    out_hbm.at[c, pl.ds(s * _NPT, _NPT)])

  return k(dst3d, ew3d, zeros_nh)


def _sc_agg(src3d, dst3d, ew3d, table_nh, zeros_nh):

  @functools.partial(
      pl.kernel,
      out_type=jax.ShapeDtypeStruct((_NCORE, _NP, _H), jnp.float32),
      mesh=_mesh,
      compiler_params=_sc_cp,
      scratch_types=[
          pltpu.VMEM((_NCH, _CB), jnp.int32),
          pltpu.VMEM((_NCH, _CB), jnp.int32),
          pltpu.VMEM((_NCH, _CB), jnp.float32),
          pltpu.VMEM((_CB, _H), jnp.float32),
          pltpu.VMEM((_CB, _H), jnp.float32),
          pltpu.VMEM((_CB, _H), jnp.float32),
          pltpu.VMEM((_CB, _H), jnp.float32),
          pltpu.VMEM_SHARED((_NP, _H), jnp.float32),
          pltpu.SemaphoreType.DMA,
          pltpu.SemaphoreType.DMA,
          pltpu.SemaphoreType.DMA,
          pltpu.SemaphoreType.DMA,
          pltpu.SemaphoreType.DMA,
          pltpu.SemaphoreType.DMA,
          pltpu.SemaphoreType.DMA,
          pltpu.SemaphoreType.DMA,
      ],
  )
  def k(src_hbm, dst_hbm, ew_hbm, tab_hbm, z_hbm,
        out_hbm, srcv, dstv, ewv, rows0, rows1, rows2, rows3, acc_sh,
        gs0, gs1, gs2, gs3, ss0, ss1, ss2, ss3):
    c = lax.axis_index("c")
    s = lax.axis_index("s")
    w = c * _NSUB + s
    pltpu.sync_copy(z_hbm.at[pl.ds(s * _NPT, _NPT)],
                    acc_sh.at[pl.ds(s * _NPT, _NPT)])
    pltpu.sync_copy(src_hbm.at[w], srcv)
    pltpu.sync_copy(dst_hbm.at[w], dstv)
    pltpu.sync_copy(ew_hbm.at[w], ewv)
    plsc.subcore_barrier()

    bufs = (rows0, rows1, rows2, rows3)
    gsems = (gs0, gs1, gs2, gs3)
    ssems = (ss0, ss1, ss2, ss3)
    pg = [None] * 4
    ps = [None] * 4
    for g in range(3):
      pg[g] = pltpu.async_copy(tab_hbm.at[srcv.at[g]], bufs[g], gsems[g])
    for ch in range(_NCH):
      b = ch % 4
      rows = bufs[b]
      pg[b].wait()
      cful = jnp.full((16,), ch, jnp.int32)

      @pl.loop(0, _CB // 4)
      def _(q):
        i0 = q * 4
        for u in range(4):
          sp = plsc.load_gather(
              ewv, [cful, jnp.full((16,), i0 + u, jnp.int32)])
          rows[i0 + u, :] = rows[i0 + u, :] * sp

      ps[b] = pltpu.async_copy(rows, acc_sh.at[dstv.at[ch]],
                               ssems[b], add=True)
      g = ch + 3
      if g < _NCH:
        gb = g % 4
        if ps[gb] is not None:
          ps[gb].wait()
        pg[gb] = pltpu.async_copy(tab_hbm.at[srcv.at[g]], bufs[gb],
                                  gsems[gb])
    for ch in range(_NCH - 4, _NCH):
      ps[ch % 4].wait()

    plsc.subcore_barrier()
    pltpu.sync_copy(acc_sh.at[pl.ds(s * _NPT, _NPT)],
                    out_hbm.at[c, pl.ds(s * _NPT, _NPT)])

  return k(src3d, dst3d, ew3d, table_nh, zeros_nh)


_NPK = _NP // 8


def _tc_h1p(x4, W1p):

  def body(x_ref, w_ref, o_ref):
    acc = jnp.zeros((_NPK, 128), jnp.float32)
    for k in range(8):
      d = jnp.dot(x_ref[:, k, :], w_ref[...],
                  preferred_element_type=jnp.float32)
      acc = acc + (d if k == 0 else jnp.roll(d, 16 * k, axis=1))
    o_ref[...] = acc

  return pl.pallas_call(
      body,
      in_specs=[pl.BlockSpec((_NPK, 8, 128), lambda: (0, 0, 0)),
                pl.BlockSpec((128, 128), lambda: (0, 0))],
      out_specs=pl.BlockSpec((_NPK, 128), lambda: (0, 0)),
      out_shape=jax.ShapeDtypeStruct((_NPK, 128), jnp.float32))(x4, W1p)


def _tc_post_deg(partsp, h1p, B, BT):

  def body(p_ref, h_ref, b_ref, bt_ref, xs_ref, d_ref):
    deg8 = jnp.dot(p_ref[0] + p_ref[1], bt_ref[...],
                   preferred_element_type=jnp.float32,
                   precision=lax.Precision.HIGHEST) + 1.0
    d = jnp.dot(lax.rsqrt(deg8), b_ref[...],
                preferred_element_type=jnp.float32,
                precision=lax.Precision.HIGHEST)
    d_ref[...] = d
    xs_ref[...] = h_ref[...] * d

  return pl.pallas_call(
      body,
      in_specs=[pl.BlockSpec((_NCORE, _NPK, 128), lambda: (0, 0, 0)),
                pl.BlockSpec((_NPK, 128), lambda: (0, 0)),
                pl.BlockSpec((8, 128), lambda: (0, 0)),
                pl.BlockSpec((128, 8), lambda: (0, 0))],
      out_specs=[pl.BlockSpec((_NPK, 128), lambda: (0, 0))] * 2,
      out_shape=[jax.ShapeDtypeStruct((_NPK, 128), jnp.float32)] * 2,
  )(partsp, h1p, B, BT)


def _tc_mid(partsp, dinv, h1p, b1t):

  def body(p_ref, d_ref, h_ref, b_ref, rs_ref, r_ref):
    d = d_ref[...]
    a1 = d * (p_ref[0] + p_ref[1]) + d * d * h_ref[...] + b_ref[...]
    r = jnp.maximum(a1, 0.0)
    r_ref[...] = r
    rs_ref[...] = d * r

  return pl.pallas_call(
      body,
      in_specs=[pl.BlockSpec((_NCORE, _NPK, 128), lambda: (0, 0, 0)),
                pl.BlockSpec((_NPK, 128), lambda: (0, 0)),
                pl.BlockSpec((_NPK, 128), lambda: (0, 0)),
                pl.BlockSpec((1, 128), lambda: (0, 0))],
      out_specs=[pl.BlockSpec((_NPK, 128), lambda: (0, 0))] * 2,
      out_shape=[jax.ShapeDtypeStruct((_NPK, 128), jnp.float32)] * 2,
  )(partsp, dinv, h1p, b1t)


def _tc_final(partsp, dinv, rp, W2t, BT, P01, b2):

  def body(p_ref, d_ref, r_ref, w_ref, bt_ref, q_ref, b_ref, o_ref):
    d = d_ref[...]
    a2 = d * (p_ref[0] + p_ref[1]) + d * d * r_ref[...]
    bt = bt_ref[...]
    z0 = jnp.dot(a2 * w_ref[0], bt, preferred_element_type=jnp.float32,
                 precision=lax.Precision.HIGHEST) + b_ref[0, 0]
    z1 = jnp.dot(a2 * w_ref[1], bt, preferred_element_type=jnp.float32,
                 precision=lax.Precision.HIGHEST) + b_ref[0, 1]
    m = jnp.maximum(z0, z1)
    lse = m + jnp.log(jnp.exp(z0 - m) + jnp.exp(z1 - m))
    o_ref[...] = (jnp.dot(z0 - lse, q_ref[0],
                          preferred_element_type=jnp.float32,
                          precision=lax.Precision.HIGHEST)
                  + jnp.dot(z1 - lse, q_ref[1],
                            preferred_element_type=jnp.float32,
                            precision=lax.Precision.HIGHEST))

  return pl.pallas_call(
      body,
      in_specs=[pl.BlockSpec((_NCORE, _NPK, 128), lambda: (0, 0, 0)),
                pl.BlockSpec((_NPK, 128), lambda: (0, 0)),
                pl.BlockSpec((_NPK, 128), lambda: (0, 0)),
                pl.BlockSpec((2, 128), lambda: (0, 0)),
                pl.BlockSpec((128, 8), lambda: (0, 0)),
                pl.BlockSpec((2, 8, 16), lambda: (0, 0, 0)),
                pl.BlockSpec((1, 2), lambda: (0, 0))],
      out_specs=pl.BlockSpec((_NPK, 16), lambda: (0, 0)),
      out_shape=jax.ShapeDtypeStruct((_NPK, 16), jnp.float32),
  )(partsp, dinv, rp, W2t, BT, P01, b2)


def kernel(x, edge_index, edge_weight, W1, b1, W2, b2):
  src = edge_index[0].astype(jnp.int32)
  dst = edge_index[1].astype(jnp.int32)
  ew = edge_weight.astype(jnp.float32)
  pad = _EP - ew.shape[0]
  src3d = jnp.pad(src, (0, pad)).reshape(_NW, _NCH, _CB)
  dst3d = jnp.pad(dst, (0, pad)).reshape(_NW, _NCH, _CB)
  ew3d = jnp.pad(ew, (0, pad)).reshape(_NW, _NCH, _CB)
  zeros_nh = jnp.zeros((_NP, _H), jnp.float32)

  lanes = jnp.arange(128)
  B = (lanes[None, :] // 16 == jnp.arange(8)[:, None]).astype(jnp.float32)
  BT = B.T
  W1p = jnp.pad(W1, ((0, 0), (0, 128 - _H)))
  W2t = jnp.tile(W2.T, (1, 8))
  P01 = jnp.zeros((2, 8, 16), jnp.float32)
  for k in range(8):
    P01 = P01.at[0, k, 2 * k].set(1.0)
    P01 = P01.at[1, k, 2 * k + 1].set(1.0)
  b1t = jnp.tile(b1, 8).reshape(1, 128)
  b2t = b2.reshape(1, 2)

  xp = jnp.pad(x, ((0, _NP - x.shape[0]), (0, 0)))
  x4 = xp.reshape(_NPK, 8, 128)
  h1p = _tc_h1p(x4, W1p)
  degp = _sc_deg(dst3d, ew3d, zeros_nh)
  partsd = degp.reshape(_NCORE, _NPK, 128)
  xsp, dinv = _tc_post_deg(partsd, h1p, B, BT)
  a1p = _sc_agg(src3d, dst3d, ew3d, xsp.reshape(_NP, _H), zeros_nh)
  rsp, rp = _tc_mid(a1p.reshape(_NCORE, _NPK, 128), dinv, h1p, b1t)
  a2p = _sc_agg(src3d, dst3d, ew3d, rsp.reshape(_NP, _H), zeros_nh)
  outp = _tc_final(a2p.reshape(_NCORE, _NPK, 128), dinv, rp, W2t, BT, P01, b2t)
  return outp.reshape(_NP, _C)[:_N]

# --- scband reference (transcript-rebuilt; emitter-appended) ---
"""Pipeline reference for scband-net-87540023427398 (READ-ONLY COPY).

The authoritative reference and input builder live on the scoring server;
editing this copy changes nothing except your own understanding.
"""

import jax, jax.numpy as jnp
import numpy as np

N = 10000
E = 320000
D = 128
H = 16
C = 2


def setup_inputs(seed: int = 0) -> dict:
    key = jax.random.key(seed)
    k1, k2, k3, k4, k5 = jax.random.split(key, 5)
    x = jax.random.normal(k1, (N, D), dtype=jnp.float32)
    edge_index = jax.random.randint(k2, (2, E), 0, N)
    edge_weight = jax.random.uniform(k3, (E,), dtype=jnp.float32)
    W1 = jax.random.normal(k4, (D, H), dtype=jnp.float32) * 0.1
    b1 = jnp.zeros((H,), dtype=jnp.float32)
    W2 = jax.random.normal(k5, (H, C), dtype=jnp.float32) * 0.1
    b2 = jnp.zeros((C,), dtype=jnp.float32)
    return {"x": x, "edge_index": edge_index, "edge_weight": edge_weight,
            "W1": W1, "b1": b1, "W2": W2, "b2": b2}


def gcn_conv(x, src, dst, ew, W, b):
    # Faithful GCNConv: add self-loops (weight 1), symmetric normalization,
    # linear transform, then weighted scatter-add aggregation.
    n = x.shape[0]
    loop = jnp.arange(n)
    src2 = jnp.concatenate([src, loop])
    dst2 = jnp.concatenate([dst, loop])
    ew2 = jnp.concatenate([ew, jnp.ones((n,), dtype=ew.dtype)])
    deg = jnp.zeros((n,), dtype=ew.dtype).at[dst2].add(ew2)
    dinv = deg ** -0.5  # deg >= 1 due to self-loops
    norm = dinv[src2] * ew2 * dinv[dst2]
    h = x @ W
    out = jnp.zeros_like(h).at[dst2].add(norm[:, None] * h[src2])
    return out + b


def reference(x, edge_index, edge_weight, W1, b1, W2, b2):
    src = edge_index[0]
    dst = edge_index[1]
    h = jax.nn.relu(gcn_conv(x, src, dst, edge_weight, W1, b1))
    # F.dropout(training=self.training) is identity in eval mode
    h = gcn_conv(h, src, dst, edge_weight, W2, b2)
    return jax.nn.log_softmax(h, axis=1)

if __name__ == "__main__":
    import jax
    _d = setup_inputs()
    print(jax.jit(kernel)(*tuple(_d.values())))

</pallas_src>

<mosaic_0001>
#map = affine_map<(d0, d1) -> (0, 0, 0)>
#map1 = affine_map<(d0, d1) -> (0, 0)>
module attributes {stable_mosaic.version = 14 : i64} {
  func.func @k(%arg0: i32, %arg1: i32, %arg2: memref<32x10x1024xi32, #tpu.memory_space<hbm>>, %arg3: memref<32x10x1024xi32, #tpu.memory_space<hbm>>, %arg4: memref<32x10x1024xf32, #tpu.memory_space<hbm>>, %arg5: memref<10240x16xf32, #tpu.memory_space<hbm>>, %arg6: memref<10240x16xf32, #tpu.memory_space<hbm>>, %arg7: memref<2x10240x16xf32, #tpu.memory_space<hbm>>, %arg8: memref<10x1024xi32, #tpu.memory_space<vmem>>, %arg9: memref<10x1024xi32, #tpu.memory_space<vmem>>, %arg10: memref<10x1024xf32, #tpu.memory_space<vmem>>, %arg11: memref<1024x16xf32, #tpu.memory_space<vmem>>, %arg12: memref<1024x16xf32, #tpu.memory_space<vmem>>, %arg13: memref<1024x16xf32, #tpu.memory_space<vmem>>, %arg14: memref<1024x16xf32, #tpu.memory_space<vmem>>, %arg15: memref<10240x16xf32, #tpu.memory_space<vmem_shared>>, %arg16: memref<!tpu.dma_semaphore, #tpu.memory_space<semaphore_mem>>, %arg17: memref<!tpu.dma_semaphore, #tpu.memory_space<semaphore_mem>>, %arg18: memref<!tpu.dma_semaphore, #tpu.memory_space<semaphore_mem>>, %arg19: memref<!tpu.dma_semaphore, #tpu.memory_space<semaphore_mem>>, %arg20: memref<!tpu.dma_semaphore, #tpu.memory_space<semaphore_mem>>, %arg21: memref<!tpu.dma_semaphore, #tpu.memory_space<semaphore_mem>>, %arg22: memref<!tpu.dma_semaphore, #tpu.memory_space<semaphore_mem>>, %arg23: memref<!tpu.dma_semaphore, #tpu.memory_space<semaphore_mem>>) attributes {dimension_semantics = [#tpu.dimension_semantics<core_parallel>, #tpu.dimension_semantics<subcore_parallel>], iteration_bounds = array<i64: 2, 16>, scalar_prefetch = 0 : i64, scratch_operands = 16 : i64, tpu.core_type = #tpu.core_type<sc_vector_subcore>, window_params = [{transform_indices = #map}, {transform_indices = #map}, {transform_indices = #map}, {transform_indices = #map1}, {transform_indices = #map1}, {transform_indices = #map}]} {
    %mul3A = arith.constant 16 : i32
    %mul3A_0 = arith.muli %arg0, %mul3A : i32
    %add3A = arith.addi %mul3A_0, %arg1 : i32
    %mul3A_1 = arith.constant 640 : i32
    %mul3A_2 = arith.muli %arg1, %mul3A_1 : i32
    %mul3A_3 = arith.constant 640 : i32
    %mul3A_4 = arith.muli %arg1, %mul3A_3 : i32
    "tpu.region"() ({
      %run_scoped3A = tpu.sem_alloc : memref<!tpu.dma_semaphore, #tpu.memory_space<semaphore_mem>>
      %dma_start3A_356 = arith.constant 0 : i32
      %dma_start3A_357 = tpu.memref_slice %arg15[%mul3A_4, %dma_start3A_356] : memref<10240x16xf32, #tpu.memory_space<vmem_shared>> -> memref<640x16xf32, #tpu.memory_space<vmem_shared>>
      %dma_start3A_358 = arith.constant 0 : i32
      %dma_start3A_359 = tpu.memref_slice %arg6[%mul3A_2, %dma_start3A_358] : memref<10240x16xf32, #tpu.memory_space<hbm>> -> memref<640x16xf32, #tpu.memory_space<hbm>>
      tpu.enqueue_dma source(%dma_start3A_359 : memref<640x16xf32, #tpu.memory_space<hbm>>) target(%dma_start3A_357 : memref<640x16xf32, #tpu.memory_space<vmem_shared>>) target_semaphore(%run_scoped3A : memref<!tpu.dma_semaphore, #tpu.memory_space<semaphore_mem>>)
      %dma_wait3A_360 = arith.constant 0 : i32
      %dma_wait3A_361 = tpu.memref_slice %arg15[%mul3A_4, %dma_wait3A_360] : memref<10240x16xf32, #tpu.memory_space<vmem_shared>> -> memref<640x16xf32, #tpu.memory_space<vmem_shared>>
      %dma_wait3A_362 = arith.constant 0 : i32
      %dma_wait3A_363 = tpu.memref_slice %arg6[%mul3A_2, %dma_wait3A_362] : memref<10240x16xf32, #tpu.memory_space<hbm>> -> memref<640x16xf32, #tpu.memory_space<hbm>>
      tpu.wait_dma2 semaphore(%run_scoped3A : memref<!tpu.dma_semaphore, #tpu.memory_space<semaphore_mem>>) src(%dma_wait3A_363 : memref<640x16xf32, #tpu.memory_space<hbm>>) dst(%dma_wait3A_361 : memref<640x16xf32, #tpu.memory_space<vmem_shared>>)
      tpu.yield
    }) : () -> ()
    "tpu.region"() ({
      %run_scoped3A = tpu.sem_alloc : memref<!tpu.dma_semaphore, #tpu.memory_space<semaphore_mem>>
      %dma_start3A_356 = arith.constant 0 : i32
      %dma_start3A_357 = arith.constant 0 : i32
      %dma_start3A_358 = tpu.memref_slice %arg2[%add3A, %dma_start3A_356, %dma_start3A_357] : memref<32x10x1024xi32, #tpu.memory_space<hbm>> -> memref<1x10x1024xi32, #tpu.memory_space<hbm>>
      %dma_start3A_359 = tpu.memref_squeeze %dma_start3A_358 : memref<1x10x1024xi32, #tpu.memory_space<hbm>> -> memref<10x1024xi32, #tpu.memory_space<hbm>>
      %dma_start3A_360 = arith.constant 0 : i32
      %dma_start3A_361 = arith.constant 0 : i32
      %dma_start3A_362 = tpu.memref_slice %arg2[%add3A, %dma_start3A_360, %dma_start3A_361] : memref<32x10x1024xi32, #tpu.memory_space<hbm>> -> memref<1x10x1024xi32, #tpu.memory_space<hbm>>
      %dma_start3A_363 = tpu.memref_squeeze %dma_start3A_362 : memref<1x10x1024xi32, #tpu.memory_space<hbm>> -> memref<10x1024xi32, #tpu.memory_space<hbm>>
      tpu.enqueue_dma source(%dma_start3A_363 : memref<10x1024xi32, #tpu.memory_space<hbm>>) target(%arg8 : memref<10x1024xi32, #tpu.memory_space<vmem>>) target_semaphore(%run_scoped3A : memref<!tpu.dma_semaphore, #tpu.memory_space<semaphore_mem>>)
      %dma_wait3A_364 = arith.constant 0 : i32
      %dma_wait3A_365 = arith.constant 0 : i32
      %dma_wait3A_366 = tpu.memref_slice %arg2[%add3A, %dma_wait3A_364, %dma_wait3A_365] : memref<32x10x1024xi32, #tpu.memory_space<hbm>> -> memref<1x10x1024xi32, #tpu.memory_space<hbm>>
      %dma_wait3A_367 = tpu.memref_squeeze %dma_wait3A_366 : memref<1x10x1024xi32, #tpu.memory_space<hbm>> -> memref<10x1024xi32, #tpu.memory_space<hbm>>
      %dma_wait3A_368 = arith.constant 0 : i32
      %dma_wait3A_369 = arith.constant 0 : i32
      %dma_wait3A_370 = tpu.memref_slice %arg2[%add3A, %dma_wait3A_368, %dma_wait3A_369] : memref<32x10x1024xi32, #tpu.memory_space<hbm>> -> memref<1x10x1024xi32, #tpu.memory_space<hbm>>
      %dma_wait3A_371 = tpu.memref_squeeze %dma_wait3A_370 : memref<1x10x1024xi32, #tpu.memory_space<hbm>> -> memref<10x1024xi32, #tpu.memory_space<hbm>>
      tpu.wait_dma2 semaphore(%run_scoped3A : memref<!tpu.dma_semaphore, #tpu.memory_space<semaphore_mem>>) src(%dma_wait3A_371 : memref<10x1024xi32, #tpu.memory_space<hbm>>) dst(%arg8 : memref<10x1024xi32, #tpu.memory_space<vmem>>)
      tpu.yield
    }) : () -> ()
    "tpu.region"() ({
      %run_scoped3A = tpu.sem_alloc : memref<!tpu.dma_semaphore, #tpu.memory_space<semaphore_mem>>
      %dma_start3A_356 = arith.constant 0 : i32
      %dma_start3A_357 = arith.constant 0 : i32
      %dma_start3A_358 = tpu.memref_slice %arg3[%add3A, %dma_start3A_356, %dma_start3A_357] : memref<32x10x1024xi32, #tpu.memory_space<hbm>> -> memref<1x10x1024xi32, #tpu.memory_space<hbm>>
      %dma_start3A_359 = tpu.memref_squeeze %dma_start3A_358 : memref<1x10x1024xi32, #tpu.memory_space<hbm>> -> memref<10x1024xi32, #tpu.memory_space<hbm>>
      %dma_start3A_360 = arith.constant 0 : i32
      %dma_start3A_361 = arith.constant 0 : i32
      %dma_start3A_362 = tpu.memref_slice %arg3[%add3A, %dma_start3A_360, %dma_start3A_361] : memref<32x10x1024xi32, #tpu.memory_space<hbm>> -> memref<1x10x1024xi32, #tpu.memory_space<hbm>>
      %dma_start3A_363 = tpu.memref_squeeze %dma_start3A_362 : memref<1x10x1024xi32, #tpu.memory_space<hbm>> -> memref<10x1024xi32, #tpu.memory_space<hbm>>
      tpu.enqueue_dma source(%dma_start3A_363 : memref<10x1024xi32, #tpu.memory_space<hbm>>) target(%arg9 : memref<10x1024xi32, #tpu.memory_space<vmem>>) target_semaphore(%run_scoped3A : memref<!tpu.dma_semaphore, #tpu.memory_space<semaphore_mem>>)
      %dma_wait3A_364 = arith.constant 0 : i32
      %dma_wait3A_365 = arith.constant 0 : i32
      %dma_wait3A_366 = tpu.memref_slice %arg3[%add3A, %dma_wait3A_364, %dma_wait3A_365] : memref<32x10x1024xi32, #tpu.memory_space<hbm>> -> memref<1x10x1024xi32, #tpu.memory_space<hbm>>
      %dma_wait3A_367 = tpu.memref_squeeze %dma_wait3A_366 : memref<1x10x1024xi32, #tpu.memory_space<hbm>> -> memref<10x1024xi32, #tpu.memory_space<hbm>>
      %dma_wait3A_368 = arith.constant 0 : i32
      %dma_wait3A_369 = arith.constant 0 : i32
      %dma_wait3A_370 = tpu.memref_slice %arg3[%add3A, %dma_wait3A_368, %dma_wait3A_369] : memref<32x10x1024xi32, #tpu.memory_space<hbm>> -> memref<1x10x1024xi32, #tpu.memory_space<hbm>>
      %dma_wait3A_371 = tpu.memref_squeeze %dma_wait3A_370 : memref<1x10x1024xi32, #tpu.memory_space<hbm>> -> memref<10x1024xi32, #tpu.memory_space<hbm>>
      tpu.wait_dma2 semaphore(%run_scoped3A : memref<!tpu.dma_semaphore, #tpu.memory_space<semaphore_mem>>) src(%dma_wait3A_371 : memref<10x1024xi32, #tpu.memory_space<hbm>>) dst(%arg9 : memref<10x1024xi32, #tpu.memory_space<vmem>>)
      tpu.yield
    }) : () -> ()
    "tpu.region"() ({
      %run_scoped3A = tpu.sem_alloc : memref<!tpu.dma_semaphore, #tpu.memory_space<semaphore_mem>>
      %dma_start3A_356 = arith.constant 0 : i32
      %dma_start3A_357 = arith.constant 0 : i32
      %dma_start3A_358 = tpu.memref_slice %arg4[%add3A, %dma_start3A_356, %dma_start3A_357] : memref<32x10x1024xf32, #tpu.memory_space<hbm>> -> memref<1x10x1024xf32, #tpu.memory_space<hbm>>
      %dma_start3A_359 = tpu.memref_squeeze %dma_start3A_358 : memref<1x10x1024xf32, #tpu.memory_space<hbm>> -> memref<10x1024xf32, #tpu.memory_space<hbm>>
      %dma_start3A_360 = arith.constant 0 : i32
      %dma_start3A_361 = arith.constant 0 : i32
      %dma_start3A_362 = tpu.memref_slice %arg4[%add3A, %dma_start3A_360, %dma_start3A_361] : memref<32x10x1024xf32, #tpu.memory_space<hbm>> -> memref<1x10x1024xf32, #tpu.memory_space<hbm>>
      %dma_start3A_363 = tpu.memref_squeeze %dma_start3A_362 : memref<1x10x1024xf32, #tpu.memory_space<hbm>> -> memref<10x1024xf32, #tpu.memory_space<hbm>>
      tpu.enqueue_dma source(%dma_start3A_363 : memref<10x1024xf32, #tpu.memory_space<hbm>>) target(%arg10 : memref<10x1024xf32, #tpu.memory_space<vmem>>) target_semaphore(%run_scoped3A : memref<!tpu.dma_semaphore, #tpu.memory_space<semaphore_mem>>)
      %dma_wait3A_364 = arith.constant 0 : i32
      %dma_wait3A_365 = arith.constant 0 : i32
      %dma_wait3A_366 = tpu.memref_slice %arg4[%add3A, %dma_wait3A_364, %dma_wait3A_365] : memref<32x10x1024xf32, #tpu.memory_space<hbm>> -> memref<1x10x1024xf32, #tpu.memory_space<hbm>>
      %dma_wait3A_367 = tpu.memref_squeeze %dma_wait3A_366 : memref<1x10x1024xf32, #tpu.memory_space<hbm>> -> memref<10x1024xf32, #tpu.memory_space<hbm>>
      %dma_wait3A_368 = arith.constant 0 : i32
      %dma_wait3A_369 = arith.constant 0 : i32
      %dma_wait3A_370 = tpu.memref_slice %arg4[%add3A, %dma_wait3A_368, %dma_wait3A_369] : memref<32x10x1024xf32, #tpu.memory_space<hbm>> -> memref<1x10x1024xf32, #tpu.memory_space<hbm>>
      %dma_wait3A_371 = tpu.memref_squeeze %dma_wait3A_370 : memref<1x10x1024xf32, #tpu.memory_space<hbm>> -> memref<10x1024xf32, #tpu.memory_space<hbm>>
      tpu.wait_dma2 semaphore(%run_scoped3A : memref<!tpu.dma_semaphore, #tpu.memory_space<semaphore_mem>>) src(%dma_wait3A_371 : memref<10x1024xf32, #tpu.memory_space<hbm>>) dst(%arg10 : memref<10x1024xf32, #tpu.memory_space<vmem>>)
      tpu.yield
    }) : () -> ()
    %barrier3A = arith.constant 0 : index
    tpu.barrier barrier_id(%barrier3A)
    %dma_start3A = arith.constant 0 : i32
    %dma_start3A_5 = arith.constant 0 : i32
    %dma_start3A_6 = tpu.memref_slice %arg8[%dma_start3A, %dma_start3A_5] : memref<10x1024xi32, #tpu.memory_space<vmem>> -> memref<1x1024xi32, #tpu.memory_space<vmem>>
    %dma_start3A_7 = tpu.memref_squeeze %dma_start3A_6 : memref<1x1024xi32, #tpu.memory_space<vmem>> -> memref<1024xi32, #tpu.memory_space<vmem>>
    %dma_start3A_8 = arith.constant 0 : i32
    %dma_start3A_9 = arith.constant 0 : i32
    %dma_start3A_10 = tpu.memref_slice %arg5[%dma_start3A_8, %dma_start3A_9] : memref<10240x16xf32, #tpu.memory_space<hbm>> -> memref<10240x16xf32, #tpu.memory_space<hbm>>
    tpu.enqueue_indirect_dma source(%dma_start3A_10 : memref<10240x16xf32, #tpu.memory_space<hbm>>) target(%arg11 : memref<1024x16xf32, #tpu.memory_space<vmem>>) offsets(%dma_start3A_7 : memref<1024xi32, #tpu.memory_space<vmem>>) semaphore(%arg16 : memref<!tpu.dma_semaphore, #tpu.memory_space<semaphore_mem>>)
    %dma_start3A_11 = arith.constant 1 : i32
    %dma_start3A_12 = arith.constant 0 : i32
    %dma_start3A_13 = tpu.memref_slice %arg8[%dma_start3A_11, %dma_start3A_12] : memref<10x1024xi32, #tpu.memory_space<vmem>> -> memref<1x1024xi32, #tpu.memory_space<vmem>>
    %dma_start3A_14 = tpu.memref_squeeze %dma_start3A_13 : memref<1x1024xi32, #tpu.memory_space<vmem>> -> memref<1024xi32, #tpu.memory_space<vmem>>
    %dma_start3A_15 = arith.constant 0 : i32
    %dma_start3A_16 = arith.constant 0 : i32
    %dma_start3A_17 = tpu.memref_slice %arg5[%dma_start3A_15, %dma_start3A_16] : memref<10240x16xf32, #tpu.memory_space<hbm>> -> memref<10240x16xf32, #tpu.memory_space<hbm>>
    tpu.enqueue_indirect_dma source(%dma_start3A_17 : memref<10240x16xf32, #tpu.memory_space<hbm>>) target(%arg12 : memref<1024x16xf32, #tpu.memory_space<vmem>>) offsets(%dma_start3A_14 : memref<1024xi32, #tpu.memory_space<vmem>>) semaphore(%arg17 : memref<!tpu.dma_semaphore, #tpu.memory_space<semaphore_mem>>)
    %dma_start3A_18 = arith.constant 2 : i32
    %dma_start3A_19 = arith.constant 0 : i32
    %dma_start3A_20 = tpu.memref_slice %arg8[%dma_start3A_18, %dma_start3A_19] : memref<10x1024xi32, #tpu.memory_space<vmem>> -> memref<1x1024xi32, #tpu.memory_space<vmem>>
    %dma_start3A_21 = tpu.memref_squeeze %dma_start3A_20 : memref<1x1024xi32, #tpu.memory_space<vmem>> -> memref<1024xi32, #tpu.memory_space<vmem>>
    %dma_start3A_22 = arith.constant 0 : i32
    %dma_start3A_23 = arith.constant 0 : i32
    %dma_start3A_24 = tpu.memref_slice %arg5[%dma_start3A_22, %dma_start3A_23] : memref<10240x16xf32, #tpu.memory_space<hbm>> -> memref<10240x16xf32, #tpu.memory_space<hbm>>
    tpu.enqueue_indirect_dma source(%dma_start3A_24 : memref<10240x16xf32, #tpu.memory_space<hbm>>) target(%arg13 : memref<1024x16xf32, #tpu.memory_space<vmem>>) offsets(%dma_start3A_21 : memref<1024xi32, #tpu.memory_space<vmem>>) semaphore(%arg18 : memref<!tpu.dma_semaphore, #tpu.memory_space<semaphore_mem>>)
    %dma_wait3A = arith.constant 0 : i32
    %dma_wait3A_25 = arith.constant 0 : i32
    %dma_wait3A_26 = tpu.memref_slice %arg8[%dma_wait3A, %dma_wait3A_25] : memref<10x1024xi32, #tpu.memory_space<vmem>> -> memref<1x1024xi32, #tpu.memory_space<vmem>>
    %dma_wait3A_27 = tpu.memref_squeeze %dma_wait3A_26 : memref<1x1024xi32, #tpu.memory_space<vmem>> -> memref<1024xi32, #tpu.memory_space<vmem>>
    %dma_wait3A_28 = arith.constant 0 : i32
    %dma_wait3A_29 = arith.constant 0 : i32
    %dma_wait3A_30 = tpu.memref_slice %arg5[%dma_wait3A_28, %dma_wait3A_29] : memref<10240x16xf32, #tpu.memory_space<hbm>> -> memref<10240x16xf32, #tpu.memory_space<hbm>>
    tpu.wait_indirect_dma semaphore(%arg16 : memref<!tpu.dma_semaphore, #tpu.memory_space<semaphore_mem>>) src(%dma_wait3A_30 : memref<10240x16xf32, #tpu.memory_space<hbm>>) dst(%arg11 : memref<1024x16xf32, #tpu.memory_space<vmem>>)
    %broadcast_in_dim3A = arith.constant 0 : i32
    %broadcast_in_dim3A_31 = vector.broadcast %broadcast_in_dim3A : i32 to vector<16xi32>
    %scan3A = arith.constant 0 : i32
    %scan3A_32 = arith.constant 256 : i32
    %scan3A_33 = arith.addi %scan3A, %scan3A_32 : i32
    %scan3A_34 = arith.constant 1 : i32
    scf.for %scan3A_356 = %scan3A to %scan3A_33 step %scan3A_34  : i32 {
      %mul3A_357 = arith.constant 1 : i32
      %mul3A_358 = arith.muli %scan3A_356, %mul3A_357 : i32
      %add3A_359 = arith.constant 0 : i32
      %add3A_360 = arith.addi %add3A_359, %mul3A_358 : i32
      %mul3A_361 = arith.constant 4 : i32
      %mul3A_362 = arith.muli %add3A_360, %mul3A_361 : i32
      %add3A_363 = arith.constant 0 : i32
      %add3A_364 = arith.addi %mul3A_362, %add3A_363 : i32
      %broadcast_in_dim3A_365 = vector.broadcast %add3A_364 : i32 to vector<16xi32>
      %gather3A = tpu.vector_load_idx %arg10[%broadcast_in_dim3A_31, %broadcast_in_dim3A_365] : memref<10x1024xf32, #tpu.memory_space<vmem>>[vector<16xi32>, vector<16xi32>], vector<16xf32>,
      %add3A_366 = arith.constant 0 : i32
      %add3A_367 = arith.addi %mul3A_362, %add3A_366 : i32
      %get3A = arith.index_cast %add3A_367 : i32 to index
      %get3A_368 = arith.constant 0 : index
      %get3A_369 = tpu.vector_load %arg11[%get3A, %get3A_368] {strides = array<i32>} : memref<1024x16xf32, #tpu.memory_space<vmem>>, vector<16xf32>,
      %mul3A_370 = arith.mulf %get3A_369, %gather3A : vector<16xf32>
      %add3A_371 = arith.constant 0 : i32
      %add3A_372 = arith.addi %mul3A_362, %add3A_371 : i32
      %swap3A = arith.index_cast %add3A_372 : i32 to index
      %swap3A_373 = arith.constant 0 : index
      %swap3A_374 = tpu.vector_load %arg11[%swap3A, %swap3A_373] {strides = array<i32>} : memref<1024x16xf32, #tpu.memory_space<vmem>>, vector<16xf32>,
      tpu.vector_store %arg11[%swap3A, %swap3A_373], %mul3A_370 {strides = array<i32>} : memref<1024x16xf32, #tpu.memory_space<vmem>>, vector<16xf32>,
      %add3A_375 = arith.constant 1 : i32
      %add3A_376 = arith.addi %mul3A_362, %add3A_375 : i32
      %broadcast_in_dim3A_377 = vector.broadcast %add3A_376 : i32 to vector<16xi32>
      %gather3A_378 = tpu.vector_load_idx %arg10[%broadcast_in_dim3A_31, %broadcast_in_dim3A_377] : memref<10x1024xf32, #tpu.memory_space<vmem>>[vector<16xi32>, vector<16xi32>], vector<16xf32>,
      %add3A_379 = arith.constant 1 : i32
      %add3A_380 = arith.addi %mul3A_362, %add3A_379 : i32
      %get3A_381 = arith.index_cast %add3A_380 : i32 to index
      %get3A_382 = arith.constant 0 : index
      %get3A_383 = tpu.vector_load %arg11[%get3A_381, %get3A_382] {strides = array<i32>} : memref<1024x16xf32, #tpu.memory_space<vmem>>, vector<16xf32>,
      %mul3A_384 = arith.mulf %get3A_383, %gather3A_378 : vector<16xf32>
      %add3A_385 = arith.constant 1 : i32
      %add3A_386 = arith.addi %mul3A_362, %add3A_385 : i32
      %swap3A_387 = arith.index_cast %add3A_386 : i32 to index
      %swap3A_388 = arith.constant 0 : index
      %swap3A_389 = tpu.vector_load %arg11[%swap3A_387, %swap3A_388] {strides = array<i32>} : memref<1024x16xf32, #tpu.memory_space<vmem>>, vector<16xf32>,
      tpu.vector_store %arg11[%swap3A_387, %swap3A_388], %mul3A_384 {strides = array<i32>} : memref<1024x16xf32, #tpu.memory_space<vmem>>, vector<16xf32>,
      %add3A_390 = arith.constant 2 : i32
      %add3A_391 = arith.addi %mul3A_362, %add3A_390 : i32
      %broadcast_in_dim3A_392 = vector.broadcast %add3A_391 : i32 to vector<16xi32>
      %gather3A_393 = tpu.vector_load_idx %arg10[%broadcast_in_dim3A_31, %broadcast_in_dim3A_392] : memref<10x1024xf32, #tpu.memory_space<vmem>>[vector<16xi32>, vector<16xi32>], vector<16xf32>,
      %add3A_394 = arith.constant 2 : i32
      %add3A_395 = arith.addi %mul3A_362, %add3A_394 : i32
      %get3A_396 = arith.index_cast %add3A_395 : i32 to index
      %get3A_397 = arith.constant 0 : index
      %get3A_398 = tpu.vector_load %arg11[%get3A_396, %get3A_397] {strides = array<i32>} : memref<1024x16xf32, #tpu.memory_space<vmem>>, vector<16xf32>,
      %mul3A_399 = arith.mulf %get3A_398, %gather3A_393 : vector<16xf32>
      %add3A_400 = arith.constant 2 : i32
      %add3A_401 = arith.addi %mul3A_362, %add3A_400 : i32
      %swap3A_402 = arith.index_cast %add3A_401 : i32 to index
      %swap3A_403 = arith.constant 0 : index
      %swap3A_404 = tpu.vector_load %arg11[%swap3A_402, %swap3A_403] {strides = array<i32>} : memref<1024x16xf32, #tpu.memory_space<vmem>>, vector<16xf32>,
      tpu.vector_store %arg11[%swap3A_402, %swap3A_403], %mul3A_399 {strides = array<i32>} : memref<1024x16xf32, #tpu.memory_space<vmem>>, vector<16xf32>,
      %add3A_405 = arith.constant 3 : i32
      %add3A_406 = arith.addi %mul3A_362, %add3A_405 : i32
      %broadcast_in_dim3A_407 = vector.broadcast %add3A_406 : i32 to vector<16xi32>
      %gather3A_408 = tpu.vector_load_idx %arg10[%broadcast_in_dim3A_31, %broadcast_in_dim3A_407] : memref<10x1024xf32, #tpu.memory_space<vmem>>[vector<16xi32>, vector<16xi32>], vector<16xf32>,
      %add3A_409 = arith.constant 3 : i32
      %add3A_410 = arith.addi %mul3A_362, %add3A_409 : i32
      %get3A_411 = arith.index_cast %add3A_410 : i32 to index
      %get3A_412 = arith.constant 0 : index
      %get3A_413 = tpu.vector_load %arg11[%get3A_411, %get3A_412] {strides = array<i32>} : memref<1024x16xf32, #tpu.memory_space<vmem>>, vector<16xf32>,
      %mul3A_414 = arith.mulf %get3A_413, %gather3A_408 : vector<16xf32>
      %add3A_415 = arith.constant 3 : i32
      %add3A_416 = arith.addi %mul3A_362, %add3A_415 : i32
      %swap3A_417 = arith.index_cast %add3A_416 : i32 to index
      %swap3A_418 = arith.constant 0 : index
      %swap3A_419 = tpu.vector_load %arg11[%swap3A_417, %swap3A_418] {strides = array<i32>} : memref<1024x16xf32, #tpu.memory_space<vmem>>, vector<16xf32>,
      tpu.vector_store %arg11[%swap3A_417, %swap3A_418], %mul3A_414 {strides = array<i32>} : memref<1024x16xf32, #tpu.memory_space<vmem>>, vector<16xf32>,
    }
    %scan3A_35 = arith.constant 256 : i32
    %dma_start3A_36 = arith.constant 0 : i32
    %dma_start3A_37 = arith.constant 0 : i32
    %dma_start3A_38 = tpu.memref_slice %arg9[%dma_start3A_36, %dma_start3A_37] : memref<10x1024xi32, #tpu.memory_space<vmem>> -> memref<1x1024xi32, #tpu.memory_space<vmem>>
    %dma_start3A_39 = tpu.memref_squeeze %dma_start3A_38 : memref<1x1024xi32, #tpu.memory_space<vmem>> -> memref<1024xi32, #tpu.memory_space<vmem>>
    %dma_start3A_40 = arith.constant 0 : i32
    %dma_start3A_41 = arith.constant 0 : i32
    %dma_start3A_42 = tpu.memref_slice %arg15[%dma_start3A_40, %dma_start3A_41] : memref<10240x16xf32, #tpu.memory_space<vmem_shared>> -> memref<10240x16xf32, #tpu.memory_space<vmem_shared>>
    tpu.enqueue_indirect_dma source(%arg11 : memref<1024x16xf32, #tpu.memory_space<vmem>>) target(%dma_start3A_42 : memref<10240x16xf32, #tpu.memory_space<vmem_shared>>) offsets(%dma_start3A_39 : memref<1024xi32, #tpu.memory_space<vmem>>) semaphore(%arg20 : memref<!tpu.dma_semaphore, #tpu.memory_space<semaphore_mem>>) {add = true}
    %dma_start3A_43 = arith.constant 3 : i32
    %dma_start3A_44 = arith.constant 0 : i32
    %dma_start3A_45 = tpu.memref_slice %arg8[%dma_start3A_43, %dma_start3A_44] : memref<10x1024xi32, #tpu.memory_space<vmem>> -> memref<1x1024xi32, #tpu.memory_space<vmem>>
    %dma_start3A_46 = tpu.memref_squeeze %dma_start3A_45 : memref<1x1024xi32, #tpu.memory_space<vmem>> -> memref<1024xi32, #tpu.memory_space<vmem>>
    %dma_start3A_47 = arith.constant 0 : i32
    %dma_start3A_48 = arith.constant 0 : i32
    %dma_start3A_49 = tpu.memref_slice %arg5[%dma_start3A_47, %dma_start3A_48] : memref<10240x16xf32, #tpu.memory_space<hbm>> -> memref<10240x16xf32, #tpu.memory_space<hbm>>
    tpu.enqueue_indirect_dma source(%dma_start3A_49 : memref<10240x16xf32, #tpu.memory_space<hbm>>) target(%arg14 : memref<1024x16xf32, #tpu.memory_space<vmem>>) offsets(%dma_start3A_46 : memref<1024xi32, #tpu.memory_space<vmem>>) semaphore(%arg19 : memref<!tpu.dma_semaphore, #tpu.memory_space<semaphore_mem>>)
    %dma_wait3A_50 = arith.constant 1 : i32
    %dma_wait3A_51 = arith.constant 0 : i32
    %dma_wait3A_52 = tpu.memref_slice %arg8[%dma_wait3A_50, %dma_wait3A_51] : memref<10x1024xi32, #tpu.memory_space<vmem>> -> memref<1x1024xi32, #tpu.memory_space<vmem>>
    %dma_wait3A_53 = tpu.memref_squeeze %dma_wait3A_52 : memref<1x1024xi32, #tpu.memory_space<vmem>> -> memref<1024xi32, #tpu.memory_space<vmem>>
    %dma_wait3A_54 = arith.constant 0 : i32
    %dma_wait3A_55 = arith.constant 0 : i32
    %dma_wait3A_56 = tpu.memref_slice %arg5[%dma_wait3A_54, %dma_wait3A_55] : memref<10240x16xf32, #tpu.memory_space<hbm>> -> memref<10240x16xf32, #tpu.memory_space<hbm>>
    tpu.wait_indirect_dma semaphore(%arg17 : memref<!tpu.dma_semaphore, #tpu.memory_space<semaphore_mem>>) src(%dma_wait3A_56 : memref<10240x16xf32, #tpu.memory_space<hbm>>) dst(%arg12 : memref<1024x16xf32, #tpu.memory_space<vmem>>)
    %broadcast_in_dim3A_57 = arith.constant 1 : i32
    %broadcast_in_dim3A_58 = vector.broadcast %broadcast_in_dim3A_57 : i32 to vector<16xi32>
    %scan3A_59 = arith.constant 0 : i32
    %scan3A_60 = arith.constant 256 : i32
    %scan3A_61 = arith.addi %scan3A_59, %scan3A_60 : i32
    %scan3A_62 = arith.constant 1 : i32
    scf.for %scan3A_356 = %scan3A_59 to %scan3A_61 step %scan3A_62  : i32 {
      %mul3A_357 = arith.constant 1 : i32
      %mul3A_358 = arith.muli %scan3A_356, %mul3A_357 : i32
      %add3A_359 = arith.constant 0 : i32
      %add3A_360 = arith.addi %add3A_359, %mul3A_358 : i32
      %mul3A_361 = arith.constant 4 : i32
      %mul3A_362 = arith.muli %add3A_360, %mul3A_361 : i32
      %add3A_363 = arith.constant 0 : i32
      %add3A_364 = arith.addi %mul3A_362, %add3A_363 : i32
      %broadcast_in_dim3A_365 = vector.broadcast %add3A_364 : i32 to vector<16xi32>
      %gather3A = tpu.vector_load_idx %arg10[%broadcast_in_dim3A_58, %broadcast_in_dim3A_365] : memref<10x1024xf32, #tpu.memory_space<vmem>>[vector<16xi32>, vector<16xi32>], vector<16xf32>,
      %add3A_366 = arith.constant 0 : i32
      %add3A_367 = arith.addi %mul3A_362, %add3A_366 : i32
      %get3A = arith.index_cast %add3A_367 : i32 to index
      %get3A_368 = arith.constant 0 : index
      %get3A_369 = tpu.vector_load %arg12[%get3A, %get3A_368] {strides = array<i32>} : memref<1024x16xf32, #tpu.memory_space<vmem>>, vector<16xf32>,
      %mul3A_370 = arith.mulf %get3A_369, %gather3A : vector<16xf32>
      %add3A_371 = arith.constant 0 : i32
      %add3A_372 = arith.addi %mul3A_362, %add3A_371 : i32
      %swap3A = arith.index_cast %add3A_372 : i32 to index
      %swap3A_373 = arith.constant 0 : index
      %swap3A_374 = tpu.vector_load %arg12[%swap3A, %swap3A_373] {strides = array<i32>} : memref<1024x16xf32, #tpu.memory_space<vmem>>, vector<16xf32>,
      tpu.vector_store %arg12[%swap3A, %swap3A_373], %mul3A_370 {strides = array<i32>} : memref<1024x16xf32, #tpu.memory_space<vmem>>, vector<16xf32>,
      %add3A_375 = arith.constant 1 : i32
      %add3A_376 = arith.addi %mul3A_362, %add3A_375 : i32
      %broadcast_in_dim3A_377 = vector.broadcast %add3A_376 : i32 to vector<16xi32>
      %gather3A_378 = tpu.vector_load_idx %arg10[%broadcast_in_dim3A_58, %broadcast_in_dim3A_377] : memref<10x1024xf32, #tpu.memory_space<vmem>>[vector<16xi32>, vector<16xi32>], vector<16xf32>,
      %add3A_379 = arith.constant 1 : i32
      %add3A_380 = arith.addi %mul3A_362, %add3A_379 : i32
      %get3A_381 = arith.index_cast %add3A_380 : i32 to index
      %get3A_382 = arith.constant 0 : index
      %get3A_383 = tpu.vector_load %arg12[%get3A_381, %get3A_382] {strides = array<i32>} : memref<1024x16xf32, #tpu.memory_space<vmem>>, vector<16xf32>,
      %mul3A_384 = arith.mulf %get3A_383, %gather3A_378 : vector<16xf32>
      %add3A_385 = arith.constant 1 : i32
      %add3A_386 = arith.addi %mul3A_362, %add3A_385 : i32
      %swap3A_387 = arith.index_cast %add3A_386 : i32 to index
      %swap3A_388 = arith.constant 0 : index
      %swap3A_389 = tpu.vector_load %arg12[%swap3A_387, %swap3A_388] {strides = array<i32>} : memref<1024x16xf32, #tpu.memory_space<vmem>>, vector<16xf32>,
      tpu.vector_store %arg12[%swap3A_387, %swap3A_388], %mul3A_384 {strides = array<i32>} : memref<1024x16xf32, #tpu.memory_space<vmem>>, vector<16xf32>,
      %add3A_390 = arith.constant 2 : i32
      %add3A_391 = arith.addi %mul3A_362, %add3A_390 : i32
      %broadcast_in_dim3A_392 = vector.broadcast %add3A_391 : i32 to vector<16xi32>
      %gather3A_393 = tpu.vector_load_idx %arg10[%broadcast_in_dim3A_58, %broadcast_in_dim3A_392] : memref<10x1024xf32, #tpu.memory_space<vmem>>[vector<16xi32>, vector<16xi32>], vector<16xf32>,
      %add3A_394 = arith.constant 2 : i32
      %add3A_395 = arith.addi %mul3A_362, %add3A_394 : i32
      %get3A_396 = arith.index_cast %add3A_395 : i32 to index
      %get3A_397 = arith.constant 0 : index
      %get3A_398 = tpu.vector_load %arg12[%get3A_396, %get3A_397] {strides = array<i32>} : memref<1024x16xf32, #tpu.memory_space<vmem>>, vector<16xf32>,
      %mul3A_399 = arith.mulf %get3A_398, %gather3A_393 : vector<16xf32>
      %add3A_400 = arith.constant 2 : i32
      %add3A_401 = arith.addi %mul3A_362, %add3A_400 : i32
      %swap3A_402 = arith.index_cast %add3A_401 : i32 to index
      %swap3A_403 = arith.constant 0 : index
      %swap3A_404 = tpu.vector_load %arg12[%swap3A_402, %swap3A_403] {strides = array<i32>} : memref<1024x16xf32, #tpu.memory_space<vmem>>, vector<16xf32>,
      tpu.vector_store %arg12[%swap3A_402, %swap3A_403], %mul3A_399 {strides = array<i32>} : memref<1024x16xf32, #tpu.memory_space<vmem>>, vector<16xf32>,
      %add3A_405 = arith.constant 3 : i32
      %add3A_406 = arith.addi %mul3A_362, %add3A_405 : i32
      %broadcast_in_dim3A_407 = vector.broadcast %add3A_406 : i32 to vector<16xi32>
      %gather3A_408 = tpu.vector_load_idx %arg10[%broadcast_in_dim3A_58, %broadcast_in_dim3A_407] : memref<10x1024xf32, #tpu.memory_space<vmem>>[vector<16xi32>, vector<16xi32>], vector<16xf32>,
      %add3A_409 = arith.constant 3 : i32
      %add3A_410 = arith.addi %mul3A_362, %add3A_409 : i32
      %get3A_411 = arith.index_cast %add3A_410 : i32 to index
      %get3A_412 = arith.constant 0 : index
      %get3A_413 = tpu.vector_load %arg12[%get3A_411, %get3A_412] {strides = array<i32>} : memref<1024x16xf32, #tpu.memory_space<vmem>>, vector<16xf32>,
      %mul3A_414 = arith.mulf %get3A_413, %gather3A_408 : vector<16xf32>
      %add3A_415 = arith.constant 3 : i32
      %add3A_416 = arith.addi %mul3A_362, %add3A_415 : i32
      %swap3A_417 = arith.index_cast %add3A_416 : i32 to index
      %swap3A_418 = arith.constant 0 : index
      %swap3A_419 = tpu.vector_load %arg12[%swap3A_417, %swap3A_418] {strides = array<i32>} : memref<1024x16xf32, #tpu.memory_space<vmem>>, vector<16xf32>,
      tpu.vector_store %arg12[%swap3A_417, %swap3A_418], %mul3A_414 {strides = array<i32>} : memref<1024x16xf32, #tpu.memory_space<vmem>>, vector<16xf32>,
    }
    %scan3A_63 = arith.constant 256 : i32
    %dma_start3A_64 = arith.constant 1 : i32
    %dma_start3A_65 = arith.constant 0 : i32
    %dma_start3A_66 = tpu.memref_slice %arg9[%dma_start3A_64, %dma_start3A_65] : memref<10x1024xi32, #tpu.memory_space<vmem>> -> memref<1x1024xi32, #tpu.memory_space<vmem>>
    %dma_start3A_67 = tpu.memref_squeeze %dma_start3A_66 : memref<1x1024xi32, #tpu.memory_space<vmem>> -> memref<1024xi32, #tpu.memory_space<vmem>>
    %dma_start3A_68 = arith.constant 0 : i32
    %dma_start3A_69 = arith.constant 0 : i32
    %dma_start3A_70 = tpu.memref_slice %arg15[%dma_start3A_68, %dma_start3A_69] : memref<10240x16xf32, #tpu.memory_space<vmem_shared>> -> memref<10240x16xf32, #tpu.memory_space<vmem_shared>>
    tpu.enqueue_indirect_dma source(%arg12 : memref<1024x16xf32, #tpu.memory_space<vmem>>) target(%dma_start3A_70 : memref<10240x16xf32, #tpu.memory_space<vmem_shared>>) offsets(%dma_start3A_67 : memref<1024xi32, #tpu.memory_space<vmem>>) semaphore(%arg21 : memref<!tpu.dma_semaphore, #tpu.memory_space<semaphore_mem>>) {add = true}
    %dma_wait3A_71 = arith.constant 0 : i32
    %dma_wait3A_72 = arith.constant 0 : i32
    %dma_wait3A_73 = tpu.memref_slice %arg9[%dma_wait3A_71, %dma_wait3A_72] : memref<10x1024xi32, #tpu.memory_space<vmem>> -> memref<1x1024xi32, #tpu.memory_space<vmem>>
    %dma_wait3A_74 = tpu.memref_squeeze %dma_wait3A_73 : memref<1x1024xi32, #tpu.memory_space<vmem>> -> memref<1024xi32, #tpu.memory_space<vmem>>
    %dma_wait3A_75 = arith.constant 0 : i32
    %dma_wait3A_76 = arith.constant 0 : i32
    %dma_wait3A_77 = tpu.memref_slice %arg15[%dma_wait3A_75, %dma_wait3A_76] : memref<10240x16xf32, #tpu.memory_space<vmem_shared>> -> memref<10240x16xf32, #tpu.memory_space<vmem_shared>>
    tpu.wait_indirect_dma semaphore(%arg20 : memref<!tpu.dma_semaphore, #tpu.memory_space<semaphore_mem>>) src(%arg11 : memref<1024x16xf32, #tpu.memory_space<vmem>>) dst(%dma_wait3A_77 : memref<10240x16xf32, #tpu.memory_space<vmem_shared>>)
    %dma_start3A_78 = arith.constant 4 : i32
    %dma_start3A_79 = arith.constant 0 : i32
    %dma_start3A_80 = tpu.memref_slice %arg8[%dma_start3A_78, %dma_start3A_79] : memref<10x1024xi32, #tpu.memory_space<vmem>> -> memref<1x1024xi32, #tpu.memory_space<vmem>>
    %dma_start3A_81 = tpu.memref_squeeze %dma_start3A_80 : memref<1x1024xi32, #tpu.memory_space<vmem>> -> memref<1024xi32, #tpu.memory_space<vmem>>
    %dma_start3A_82 = arith.constant 0 : i32
    %dma_start3A_83 = arith.constant 0 : i32
    %dma_start3A_84 = tpu.memref_slice %arg5[%dma_start3A_82, %dma_start3A_83] : memref<10240x16xf32, #tpu.memory_space<hbm>> -> memref<10240x16xf32, #tpu.memory_space<hbm>>
    tpu.enqueue_indirect_dma source(%dma_start3A_84 : memref<10240x16xf32, #tpu.memory_space<hbm>>) target(%arg11 : memref<1024x16xf32, #tpu.memory_space<vmem>>) offsets(%dma_start3A_81 : memref<1024xi32, #tpu.memory_space<vmem>>) semaphore(%arg16 : memref<!tpu.dma_semaphore, #tpu.memory_space<semaphore_mem>>)
    %dma_wait3A_85 = arith.constant 2 : i32
    %dma_wait3A_86 = arith.constant 0 : i32
    %dma_wait3A_87 = tpu.memref_slice %arg8[%dma_wait3A_85, %dma_wait3A_86] : memref<10x1024xi32, #tpu.memory_space<vmem>> -> memref<1x1024xi32, #tpu.memory_space<vmem>>
    %dma_wait3A_88 = tpu.memref_squeeze %dma_wait3A_87 : memref<1x1024xi32, #tpu.memory_space<vmem>> -> memref<1024xi32, #tpu.memory_space<vmem>>
    %dma_wait3A_89 = arith.constant 0 : i32
    %dma_wait3A_90 = arith.constant 0 : i32
    %dma_wait3A_91 = tpu.memref_slice %arg5[%dma_wait3A_89, %dma_wait3A_90] : memref<10240x16xf32, #tpu.memory_space<hbm>> -> memref<10240x16xf32, #tpu.memory_space<hbm>>
    tpu.wait_indirect_dma semaphore(%arg18 : memref<!tpu.dma_semaphore, #tpu.memory_space<semaphore_mem>>) src(%dma_wait3A_91 : memref<10240x16xf32, #tpu.memory_space<hbm>>) dst(%arg13 : memref<1024x16xf32, #tpu.memory_space<vmem>>)
    %broadcast_in_dim3A_92 = arith.constant 2 : i32
    %broadcast_in_dim3A_93 = vector.broadcast %broadcast_in_dim3A_92 : i32 to vector<16xi32>
    %scan3A_94 = arith.constant 0 : i32
    %scan3A_95 = arith.constant 256 : i32
    %scan3A_96 = arith.addi %scan3A_94, %scan3A_95 : i32
    %scan3A_97 = arith.constant 1 : i32
    scf.for %scan3A_356 = %scan3A_94 to %scan3A_96 step %scan3A_97  : i32 {
      %mul3A_357 = arith.constant 1 : i32
      %mul3A_358 = arith.muli %scan3A_356, %mul3A_357 : i32
      %add3A_359 = arith.constant 0 : i32
      %add3A_360 = arith.addi %add3A_359, %mul3A_358 : i32
      %mul3A_361 = arith.constant 4 : i32
      %mul3A_362 = arith.muli %add3A_360, %mul3A_361 : i32
      %add3A_363 = arith.constant 0 : i32
      %add3A_364 = arith.addi %mul3A_362, %add3A_363 : i32
      %broadcast_in_dim3A_365 = vector.broadcast %add3A_364 : i32 to vector<16xi32>
      %gather3A = tpu.vector_load_idx %arg10[%broadcast_in_dim3A_93, %broadcast_in_dim3A_365] : memref<10x1024xf32, #tpu.memory_space<vmem>>[vector<16xi32>, vector<16xi32>], vector<16xf32>,
      %add3A_366 = arith.constant 0 : i32
      %add3A_367 = arith.addi %mul3A_362, %add3A_366 : i32
      %get3A = arith.index_cast %add3A_367 : i32 to index
      %get3A_368 = arith.constant 0 : index
      %get3A_369 = tpu.vector_load %arg13[%get3A, %get3A_368] {strides = array<i32>} : memref<1024x16xf32, #tpu.memory_space<vmem>>, vector<16xf32>,
      %mul3A_370 = arith.mulf %get3A_369, %gather3A : vector<16xf32>
      %add3A_371 = arith.constant 0 : i32
      %add3A_372 = arith.addi %mul3A_362, %add3A_371 : i32
      %swap3A = arith.index_cast %add3A_372 : i32 to index
      %swap3A_373 = arith.constant 0 : index
      %swap3A_374 = tpu.vector_load %arg13[%swap3A, %swap3A_373] {strides = array<i32>} : memref<1024x16xf32, #tpu.memory_space<vmem>>, vector<16xf32>,
      tpu.vector_store %arg13[%swap3A, %swap3A_373], %mul3A_370 {strides = array<i32>} : memref<1024x16xf32, #tpu.memory_space<vmem>>, vector<16xf32>,
      %add3A_375 = arith.constant 1 : i32
      %add3A_376 = arith.addi %mul3A_362, %add3A_375 : i32
      %broadcast_in_dim3A_377 = vector.broadcast %add3A_376 : i32 to vector<16xi32>
      %gather3A_378 = tpu.vector_load_idx %arg10[%broadcast_in_dim3A_93, %broadcast_in_dim3A_377] : memref<10x1024xf32, #tpu.memory_space<vmem>>[vector<16xi32>, vector<16xi32>], vector<16xf32>,
      %add3A_379 = arith.constant 1 : i32
      %add3A_380 = arith.addi %mul3A_362, %add3A_379 : i32
      %get3A_381 = arith.index_cast %add3A_380 : i32 to index
      %get3A_382 = arith.constant 0 : index
      %get3A_383 = tpu.vector_load %arg13[%get3A_381, %get3A_382] {strides = array<i32>} : memref<1024x16xf32, #tpu.memory_space<vmem>>, vector<16xf32>,
      %mul3A_384 = arith.mulf %get3A_383, %gather3A_378 : vector<16xf32>
      %add3A_385 = arith.constant 1 : i32
      %add3A_386 = arith.addi %mul3A_362, %add3A_385 : i32
      %swap3A_387 = arith.index_cast %add3A_386 : i32 to index
      %swap3A_388 = arith.constant 0 : index
      %swap3A_389 = tpu.vector_load %arg13[%swap3A_387, %swap3A_388] {strides = array<i32>} : memref<1024x16xf32, #tpu.memory_space<vmem>>, vector<16xf32>,
      tpu.vector_store %arg13[%swap3A_387, %swap3A_388], %mul3A_384 {strides = array<i32>} : memref<1024x16xf32, #tpu.memory_space<vmem>>, vector<16xf32>,
      %add3A_390 = arith.constant 2 : i32
      %add3A_391 = arith.addi %mul3A_362, %add3A_390 : i32
      %broadcast_in_dim3A_392 = vector.broadcast %add3A_391 : i32 to vector<16xi32>
      %gather3A_393 = tpu.vector_load_idx %arg10[%broadcast_in_dim3A_93, %broadcast_in_dim3A_392] : memref<10x1024xf32, #tpu.memory_space<vmem>>[vector<16xi32>, vector<16xi32>], vector<16xf32>,
      %add3A_394 = arith.constant 2 : i32
      %add3A_395 = arith.addi %mul3A_362, %add3A_394 : i32
      %get3A_396 = arith.index_cast %add3A_395 : i32 to index
      %get3A_397 = arith.constant 0 : index
      %get3A_398 = tpu.vector_load %arg13[%get3A_396, %get3A_397] {strides = array<i32>} : memref<1024x16xf32, #tpu.memory_space<vmem>>, vector<16xf32>,
      %mul3A_399 = arith.mulf %get3A_398, %gather3A_393 : vector<16xf32>
      %add3A_400 = arith.constant 2 : i32
      %add3A_401 = arith.addi %mul3A_362, %add3A_400 : i32
      %swap3A_402 = arith.index_cast %add3A_401 : i32 to index
      %swap3A_403 = arith.constant 0 : index
      %swap3A_404 = tpu.vector_load %arg13[%swap3A_402, %swap3A_403] {strides = array<i32>} : memref<1024x16xf32, #tpu.memory_space<vmem>>, vector<16xf32>,
      tpu.vector_store %arg13[%swap3A_402, %swap3A_403], %mul3A_399 {strides = array<i32>} : memref<1024x16xf32, #tpu.memory_space<vmem>>, vector<16xf32>,
      %add3A_405 = arith.constant 3 : i32
      %add3A_406 = arith.addi %mul3A_362, %add3A_405 : i32
      %broadcast_in_dim3A_407 = vector.broadcast %add3A_406 : i32 to vector<16xi32>
      %gather3A_408 = tpu.vector_load_idx %arg10[%broadcast_in_dim3A_93, %broadcast_in_dim3A_407] : memref<10x1024xf32, #tpu.memory_space<vmem>>[vector<16xi32>, vector<16xi32>], vector<16xf32>,
      %add3A_409 = arith.constant 3 : i32
      %add3A_410 = arith.addi %mul3A_362, %add3A_409 : i32
      %get3A_411 = arith.index_cast %add3A_410 : i32 to index
      %get3A_412 = arith.constant 0 : index
      %get3A_413 = tpu.vector_load %arg13[%get3A_411, %get3A_412] {strides = array<i32>} : memref<1024x16xf32, #tpu.memory_space<vmem>>, vector<16xf32>,
      %mul3A_414 = arith.mulf %get3A_413, %gather3A_408 : vector<16xf32>
      %add3A_415 = arith.constant 3 : i32
      %add3A_416 = arith.addi %mul3A_362, %add3A_415 : i32
      %swap3A_417 = arith.index_cast %add3A_416 : i32 to index
      %swap3A_418 = arith.constant 0 : index
      %swap3A_419 = tpu.vector_load %arg13[%swap3A_417, %swap3A_418] {strides = array<i32>} : memref<1024x16xf32, #tpu.memory_space<vmem>>, vector<16xf32>,
      tpu.vector_store %arg13[%swap3A_417, %swap3A_418], %mul3A_414 {strides = array<i32>} : memref<1024x16xf32, #tpu.memory_space<vmem>>, vector<16xf32>,
    }
    %scan3A_98 = arith.constant 256 : i32
    %dma_start3A_99 = arith.constant 2 : i32
    %dma_start3A_100 = arith.constant 0 : i32
    %dma_start3A_101 = tpu.memref_slice %arg9[%dma_start3A_99, %dma_start3A_100] : memref<10x1024xi32, #tpu.memory_space<vmem>> -> memref<1x1024xi32, #tpu.memory_space<vmem>>
    %dma_start3A_102 = tpu.memref_squeeze %dma_start3A_101 : memref<1x1024xi32, #tpu.memory_space<vmem>> -> memref<1024xi32, #tpu.memory_space<vmem>>
    %dma_start3A_103 = arith.constant 0 : i32
    %dma_start3A_104 = arith.constant 0 : i32
    %dma_start3A_105 = tpu.memref_slice %arg15[%dma_start3A_103, %dma_start3A_104] : memref<10240x16xf32, #tpu.memory_space<vmem_shared>> -> memref<10240x16xf32, #tpu.memory_space<vmem_shared>>
    tpu.enqueue_indirect_dma source(%arg13 : memref<1024x16xf32, #tpu.memory_space<vmem>>) target(%dma_start3A_105 : memref<10240x16xf32, #tpu.memory_space<vmem_shared>>) offsets(%dma_start3A_102 : memref<1024xi32, #tpu.memory_space<vmem>>) semaphore(%arg22 : memref<!tpu.dma_semaphore, #tpu.memory_space<semaphore_mem>>) {add = true}
    %dma_wait3A_106 = arith.constant 1 : i32
    %dma_wait3A_107 = arith.constant 0 : i32
    %dma_wait3A_108 = tpu.memref_slice %arg9[%dma_wait3A_106, %dma_wait3A_107] : memref<10x1024xi32, #tpu.memory_space<vmem>> -> memref<1x1024xi32, #tpu.memory_space<vmem>>
    %dma_wait3A_109 = tpu.memref_squeeze %dma_wait3A_108 : memref<1x1024xi32, #tpu.memory_space<vmem>> -> memref<1024xi32, #tpu.memory_space<vmem>>
    %dma_wait3A_110 = arith.constant 0 : i32
    %dma_wait3A_111 = arith.constant 0 : i32
    %dma_wait3A_112 = tpu.memref_slice %arg15[%dma_wait3A_110, %dma_wait3A_111] : memref<10240x16xf32, #tpu.memory_space<vmem_shared>> -> memref<10240x16xf32, #tpu.memory_space<vmem_shared>>
    tpu.wait_indirect_dma semaphore(%arg21 : memref<!tpu.dma_semaphore, #tpu.memory_space<semaphore_mem>>) src(%arg12 : memref<1024x16xf32, #tpu.memory_space<vmem>>) dst(%dma_wait3A_112 : memref<10240x16xf32, #tpu.memory_space<vmem_shared>>)
    %dma_start3A_113 = arith.constant 5 : i32
    %dma_start3A_114 = arith.constant 0 : i32
    %dma_start3A_115 = tpu.memref_slice %arg8[%dma_start3A_113, %dma_start3A_114] : memref<10x1024xi32, #tpu.memory_space<vmem>> -> memref<1x1024xi32, #tpu.memory_space<vmem>>
    %dma_start3A_116 = tpu.memref_squeeze %dma_start3A_115 : memref<1x1024xi32, #tpu.memory_space<vmem>> -> memref<1024xi32, #tpu.memory_space<vmem>>
    %dma_start3A_117 = arith.constant 0 : i32
    %dma_start3A_118 = arith.constant 0 : i32
    %dma_start3A_119 = tpu.memref_slice %arg5[%dma_start3A_117, %dma_start3A_118] : memref<10240x16xf32, #tpu.memory_space<hbm>> -> memref<10240x16xf32, #tpu.memory_space<hbm>>
    tpu.enqueue_indirect_dma source(%dma_start3A_119 : memref<10240x16xf32, #tpu.memory_space<hbm>>) target(%arg12 : memref<1024x16xf32, #tpu.memory_space<vmem>>) offsets(%dma_start3A_116 : memref<1024xi32, #tpu.memory_space<vmem>>) semaphore(%arg17 : memref<!tpu.dma_semaphore, #tpu.memory_space<semaphore_mem>>)
    %dma_wait3A_120 = arith.constant 3 : i32
    %dma_wait3A_121 = arith.constant 0 : i32
    %dma_wait3A_122 = tpu.memref_slice %arg8[%dma_wait3A_120, %dma_wait3A_121] : memref<10x1024xi32, #tpu.memory_space<vmem>> -> memref<1x1024xi32, #tpu.memory_space<vmem>>
    %dma_wait3A_123 = tpu.memref_squeeze %dma_wait3A_122 : memref<1x1024xi32, #tpu.memory_space<vmem>> -> memref<1024xi32, #tpu.memory_space<vmem>>
    %dma_wait3A_124 = arith.constant 0 : i32
    %dma_wait3A_125 = arith.constant 0 : i32
    %dma_wait3A_126 = tpu.memref_slice %arg5[%dma_wait3A_124, %dma_wait3A_125] : memref<10240x16xf32, #tpu.memory_space<hbm>> -> memref<10240x16xf32, #tpu.memory_space<hbm>>
    tpu.wait_indirect_dma semaphore(%arg19 : memref<!tpu.dma_semaphore, #tpu.memory_space<semaphore_mem>>) src(%dma_wait3A_126 : memref<10240x16xf32, #tpu.memory_space<hbm>>) dst(%arg14 : memref<1024x16xf32, #tpu.memory_space<vmem>>)
    %broadcast_in_dim3A_127 = arith.constant 3 : i32
    %broadcast_in_dim3A_128 = vector.broadcast %broadcast_in_dim3A_127 : i32 to vector<16xi32>
    %scan3A_129 = arith.constant 0 : i32
    %scan3A_130 = arith.constant 256 : i32
    %scan3A_131 = arith.addi %scan3A_129, %scan3A_130 : i32
    %scan3A_132 = arith.constant 1 : i32
    scf.for %scan3A_356 = %scan3A_129 to %scan3A_131 step %scan3A_132  : i32 {
      %mul3A_357 = arith.constant 1 : i32
      %mul3A_358 = arith.muli %scan3A_356, %mul3A_357 : i32
      %add3A_359 = arith.constant 0 : i32
      %add3A_360 = arith.addi %add3A_359, %mul3A_358 : i32
      %mul3A_361 = arith.constant 4 : i32
      %mul3A_362 = arith.muli %add3A_360, %mul3A_361 : i32
      %add3A_363 = arith.constant 0 : i32
      %add3A_364 = arith.addi %mul3A_362, %add3A_363 : i32
      %broadcast_in_dim3A_365 = vector.broadcast %add3A_364 : i32 to vector<16xi32>
      %gather3A = tpu.vector_load_idx %arg10[%broadcast_in_dim3A_128, %broadcast_in_dim3A_365] : memref<10x1024xf32, #tpu.memory_space<vmem>>[vector<16xi32>, vector<16xi32>], vector<16xf32>,
      %add3A_366 = arith.constant 0 : i32
      %add3A_367 = arith.addi %mul3A_362, %add3A_366 : i32
      %get3A = arith.index_cast %add3A_367 : i32 to index
      %get3A_368 = arith.constant 0 : index
      %get3A_369 = tpu.vector_load %arg14[%get3A, %get3A_368] {strides = array<i32>} : memref<1024x16xf32, #tpu.memory_space<vmem>>, vector<16xf32>,
      %mul3A_370 = arith.mulf %get3A_369, %gather3A : vector<16xf32>
      %add3A_371 = arith.constant 0 : i32
      %add3A_372 = arith.addi %mul3A_362, %add3A_371 : i32
      %swap3A = arith.index_cast %add3A_372 : i32 to index
      %swap3A_373 = arith.constant 0 : index
      %swap3A_374 = tpu.vector_load %arg14[%swap3A, %swap3A_373] {strides = array<i32>} : memref<1024x16xf32, #tpu.memory_space<vmem>>, vector<16xf32>,
      tpu.vector_store %arg14[%swap3A, %swap3A_373], %mul3A_370 {strides = array<i32>} : memref<1024x16xf32, #tpu.memory_space<vmem>>, vector<16xf32>,
      %add3A_375 = arith.constant 1 : i32
      %add3A_376 = arith.addi %mul3A_362, %add3A_375 : i32
      %broadcast_in_dim3A_377 = vector.broadcast %add3A_376 : i32 to vector<16xi32>
      %gather3A_378 = tpu.vector_load_idx %arg10[%broadcast_in_dim3A_128, %broadcast_in_dim3A_377] : memref<10x1024xf32, #tpu.memory_space<vmem>>[vector<16xi32>, vector<16xi32>], vector<16xf32>,
      %add3A_379 = arith.constant 1 : i32
      %add3A_380 = arith.addi %mul3A_362, %add3A_379 : i32
      %get3A_381 = arith.index_cast %add3A_380 : i32 to index
      %get3A_382 = arith.constant 0 : index
      %get3A_383 = tpu.vector_load %arg14[%get3A_381, %get3A_382] {strides = array<i32>} : memref<1024x16xf32, #tpu.memory_space<vmem>>, vector<16xf32>,
      %mul3A_384 = arith.mulf %get3A_383, %gather3A_378 : vector<16xf32>
      %add3A_385 = arith.constant 1 : i32
      %add3A_386 = arith.addi %mul3A_362, %add3A_385 : i32
      %swap3A_387 = arith.index_cast %add3A_386 : i32 to index
      %swap3A_388 = arith.constant 0 : index
      %swap3A_389 = tpu.vector_load %arg14[%swap3A_387, %swap3A_388] {strides = array<i32>} : memref<1024x16xf32, #tpu.memory_space<vmem>>, vector<16xf32>,
      tpu.vector_store %arg14[%swap3A_387, %swap3A_388], %mul3A_384 {strides = array<i32>} : memref<1024x16xf32, #tpu.memory_space<vmem>>, vector<16xf32>,
      %add3A_390 = arith.constant 2 : i32
      %add3A_391 = arith.addi %mul3A_362, %add3A_390 : i32
      %broadcast_in_dim3A_392 = vector.broadcast %add3A_391 : i32 to vector<16xi32>
      %gather3A_393 = tpu.vector_load_idx %arg10[%broadcast_in_dim3A_128, %broadcast_in_dim3A_392] : memref<10x1024xf32, #tpu.memory_space<vmem>>[vector<16xi32>, vector<16xi32>], vector<16xf32>,
      %add3A_394 = arith.constant 2 : i32
      %add3A_395 = arith.addi %mul3A_362, %add3A_394 : i32
      %get3A_396 = arith.index_cast %add3A_395 : i32 to index
      %get3A_397 = arith.constant 0 : index
      %get3A_398 = tpu.vector_load %arg14[%get3A_396, %get3A_397] {strides = array<i32>} : memref<1024x16xf32, #tpu.memory_space<vmem>>, vector<16xf32>,
      %mul3A_399 = arith.mulf %get3A_398, %gather3A_393 : vector<16xf32>
      %add3A_400 = arith.constant 2 : i32
      %add3A_401 = arith.addi %mul3A_362, %add3A_400 : i32
      %swap3A_402 = arith.index_cast %add3A_401 : i32 to index
      %swap3A_403 = arith.constant 0 : index
      %swap3A_404 = tpu.vector_load %arg14[%swap3A_402, %swap3A_403] {strides = array<i32>} : memref<1024x16xf32, #tpu.memory_space<vmem>>, vector<16xf32>,
      tpu.vector_store %arg14[%swap3A_402, %swap3A_403], %mul3A_399 {strides = array<i32>} : memref<1024x16xf32, #tpu.memory_space<vmem>>, vector<16xf32>,
      %add3A_405 = arith.constant 3 : i32
      %add3A_406 = arith.addi %mul3A_362, %add3A_405 : i32
      %broadcast_in_dim3A_407 = vector.broadcast %add3A_406 : i32 to vector<16xi32>
      %gather3A_408 = tpu.vector_load_idx %arg10[%broadcast_in_dim3A_128, %broadcast_in_dim3A_407] : memref<10x1024xf32, #tpu.memory_space<vmem>>[vector<16xi32>, vector<16xi32>], vector<16xf32>,
      %add3A_409 = arith.constant 3 : i32
      %add3A_410 = arith.addi %mul3A_362, %add3A_409 : i32
      %get3A_411 = arith.index_cast %add3A_410 : i32 to index
      %get3A_412 = arith.constant 0 : index
      %get3A_413 = tpu.vector_load %arg14[%get3A_411, %get3A_412] {strides = array<i32>} : memref<1024x16xf32, #tpu.memory_space<vmem>>, vector<16xf32>,
      %mul3A_414 = arith.mulf %get3A_413, %gather3A_408 : vector<16xf32>
      %add3A_415 = arith.constant 3 : i32
      %add3A_416 = arith.addi %mul3A_362, %add3A_415 : i32
      %swap3A_417 = arith.index_cast %add3A_416 : i32 to index
      %swap3A_418 = arith.constant 0 : index
      %swap3A_419 = tpu.vector_load %arg14[%swap3A_417, %swap3A_418] {strides = array<i32>} : memref<1024x16xf32, #tpu.memory_space<vmem>>, vector<16xf32>,
      tpu.vector_store %arg14[%swap3A_417, %swap3A_418], %mul3A_414 {strides = array<i32>} : memref<1024x16xf32, #tpu.memory_space<vmem>>, vector<16xf32>,
    }
    %scan3A_133 = arith.constant 256 : i32
    %dma_start3A_134 = arith.constant 3 : i32
    %dma_start3A_135 = arith.constant 0 : i32
    %dma_start3A_136 = tpu.memref_slice %arg9[%dma_start3A_134, %dma_start3A_135] : memref<10x1024xi32, #tpu.memory_space<vmem>> -> memref<1x1024xi32, #tpu.memory_space<vmem>>
    %dma_start3A_137 = tpu.memref_squeeze %dma_start3A_136 : memref<1x1024xi32, #tpu.memory_space<vmem>> -> memref<1024xi32, #tpu.memory_space<vmem>>
    %dma_start3A_138 = arith.constant 0 : i32
    %dma_start3A_139 = arith.constant 0 : i32
    %dma_start3A_140 = tpu.memref_slice %arg15[%dma_start3A_138, %dma_start3A_139] : memref<10240x16xf32, #tpu.memory_space<vmem_shared>> -> memref<10240x16xf32, #tpu.memory_space<vmem_shared>>
    tpu.enqueue_indirect_dma source(%arg14 : memref<1024x16xf32, #tpu.memory_space<vmem>>) target(%dma_start3A_140 : memref<10240x16xf32, #tpu.memory_space<vmem_shared>>) offsets(%dma_start3A_137 : memref<1024xi32, #tpu.memory_space<vmem>>) semaphore(%arg23 : memref<!tpu.dma_semaphore, #tpu.memory_space<semaphore_mem>>) {add = true}
    %dma_wait3A_141 = arith.constant 2 : i32
    %dma_wait3A_142 = arith.constant 0 : i32
    %dma_wait3A_143 = tpu.memref_slice %arg9[%dma_wait3A_141, %dma_wait3A_142] : memref<10x1024xi32, #tpu.memory_space<vmem>> -> memref<1x1024xi32, #tpu.memory_space<vmem>>
    %dma_wait3A_144 = tpu.memref_squeeze %dma_wait3A_143 : memref<1x1024xi32, #tpu.memory_space<vmem>> -> memref<1024xi32, #tpu.memory_space<vmem>>
    %dma_wait3A_145 = arith.constant 0 : i32
    %dma_wait3A_146 = arith.constant 0 : i32
    %dma_wait3A_147 = tpu.memref_slice %arg15[%dma_wait3A_145, %dma_wait3A_146] : memref<10240x16xf32, #tpu.memory_space<vmem_shared>> -> memref<10240x16xf32, #tpu.memory_space<vmem_shared>>
    tpu.wait_indirect_dma semaphore(%arg22 : memref<!tpu.dma_semaphore, #tpu.memory_space<semaphore_mem>>) src(%arg13 : memref<1024x16xf32, #tpu.memory_space<vmem>>) dst(%dma_wait3A_147 : memref<10240x16xf32, #tpu.memory_space<vmem_shared>>)
    %dma_start3A_148 = arith.constant 6 : i32
    %dma_start3A_149 = arith.constant 0 : i32
    %dma_start3A_150 = tpu.memref_slice %arg8[%dma_start3A_148, %dma_start3A_149] : memref<10x1024xi32, #tpu.memory_space<vmem>> -> memref<1x1024xi32, #tpu.memory_space<vmem>>
    %dma_start3A_151 = tpu.memref_squeeze %dma_start3A_150 : memref<1x1024xi32, #tpu.memory_space<vmem>> -> memref<1024xi32, #tpu.memory_space<vmem>>
    %dma_start3A_152 = arith.constant 0 : i32
    %dma_start3A_153 = arith.constant 0 : i32
    %dma_start3A_154 = tpu.memref_slice %arg5[%dma_start3A_152, %dma_start3A_153] : memref<10240x16xf32, #tpu.memory_space<hbm>> -> memref<10240x16xf32, #tpu.memory_space<hbm>>
    tpu.enqueue_indirect_dma source(%dma_start3A_154 : memref<10240x16xf32, #tpu.memory_space<hbm>>) target(%arg13 : memref<1024x16xf32, #tpu.memory_space<vmem>>) offsets(%dma_start3A_151 : memref<1024xi32, #tpu.memory_space<vmem>>) semaphore(%arg18 : memref<!tpu.dma_semaphore, #tpu.memory_space<semaphore_mem>>)
    %dma_wait3A_155 = arith.constant 4 : i32
    %dma_wait3A_156 = arith.constant 0 : i32
    %dma_wait3A_157 = tpu.memref_slice %arg8[%dma_wait3A_155, %dma_wait3A_156] : memref<10x1024xi32, #tpu.memory_space<vmem>> -> memref<1x1024xi32, #tpu.memory_space<vmem>>
    %dma_wait3A_158 = tpu.memref_squeeze %dma_wait3A_157 : memref<1x1024xi32, #tpu.memory_space<vmem>> -> memref<1024xi32, #tpu.memory_space<vmem>>
    %dma_wait3A_159 = arith.constant 0 : i32
    %dma_wait3A_160 = arith.constant 0 : i32
    %dma_wait3A_161 = tpu.memref_slice %arg5[%dma_wait3A_159, %dma_wait3A_160] : memref<10240x16xf32, #tpu.memory_space<hbm>> -> memref<10240x16xf32, #tpu.memory_space<hbm>>
    tpu.wait_indirect_dma semaphore(%arg16 : memref<!tpu.dma_semaphore, #tpu.memory_space<semaphore_mem>>) src(%dma_wait3A_161 : memref<10240x16xf32, #tpu.memory_space<hbm>>) dst(%arg11 : memref<1024x16xf32, #tpu.memory_space<vmem>>)
    %broadcast_in_dim3A_162 = arith.constant 4 : i32
    %broadcast_in_dim3A_163 = vector.broadcast %broadcast_in_dim3A_162 : i32 to vector<16xi32>
    %scan3A_164 = arith.constant 0 : i32
    %scan3A_165 = arith.constant 256 : i32
    %scan3A_166 = arith.addi %scan3A_164, %scan3A_165 : i32
    %scan3A_167 = arith.constant 1 : i32
    scf.for %scan3A_356 = %scan3A_164 to %scan3A_166 step %scan3A_167  : i32 {
      %mul3A_357 = arith.constant 1 : i32
      %mul3A_358 = arith.muli %scan3A_356, %mul3A_357 : i32
      %add3A_359 = arith.constant 0 : i32
      %add3A_360 = arith.addi %add3A_359, %mul3A_358 : i32
      %mul3A_361 = arith.constant 4 : i32
      %mul3A_362 = arith.muli %add3A_360, %mul3A_361 : i32
      %add3A_363 = arith.constant 0 : i32
      %add3A_364 = arith.addi %mul3A_362, %add3A_363 : i32
      %broadcast_in_dim3A_365 = vector.broadcast %add3A_364 : i32 to vector<16xi32>
      %gather3A = tpu.vector_load_idx %arg10[%broadcast_in_dim3A_163, %broadcast_in_dim3A_365] : memref<10x1024xf32, #tpu.memory_space<vmem>>[vector<16xi32>, vector<16xi32>], vector<16xf32>,
      %add3A_366 = arith.constant 0 : i32
      %add3A_367 = arith.addi %mul3A_362, %add3A_366 : i32
      %get3A = arith.index_cast %add3A_367 : i32 to index
      %get3A_368 = arith.constant 0 : index
      %get3A_369 = tpu.vector_load %arg11[%get3A, %get3A_368] {strides = array<i32>} : memref<1024x16xf32, #tpu.memory_space<vmem>>, vector<16xf32>,
      %mul3A_370 = arith.mulf %get3A_369, %gather3A : vector<16xf32>
      %add3A_371 = arith.constant 0 : i32
      %add3A_372 = arith.addi %mul3A_362, %add3A_371 : i32
      %swap3A = arith.index_cast %add3A_372 : i32 to index
      %swap3A_373 = arith.constant 0 : index
      %swap3A_374 = tpu.vector_load %arg11[%swap3A, %swap3A_373] {strides = array<i32>} : memref<1024x16xf32, #tpu.memory_space<vmem>>, vector<16xf32>,
      tpu.vector_store %arg11[%swap3A, %swap3A_373], %mul3A_370 {strides = array<i32>} : memref<1024x16xf32, #tpu.memory_space<vmem>>, vector<16xf32>,
      %add3A_375 = arith.constant 1 : i32
      %add3A_376 = arith.addi %mul3A_362, %add3A_375 : i32
      %broadcast_in_dim3A_377 = vector.broadcast %add3A_376 : i32 to vector<16xi32>
      %gather3A_378 = tpu.vector_load_idx %arg10[%broadcast_in_dim3A_163, %broadcast_in_dim3A_377] : memref<10x1024xf32, #tpu.memory_space<vmem>>[vector<16xi32>, vector<16xi32>], vector<16xf32>,
      %add3A_379 = arith.constant 1 : i32
      %add3A_380 = arith.addi %mul3A_362, %add3A_379 : i32
      %get3A_381 = arith.index_cast %add3A_380 : i32 to index
      %get3A_382 = arith.constant 0 : index
      %get3A_383 = tpu.vector_load %arg11[%get3A_381, %get3A_382] {strides = array<i32>} : memref<1024x16xf32, #tpu.memory_space<vmem>>, vector<16xf32>,
      %mul3A_384 = arith.mulf %get3A_383, %gather3A_378 : vector<16xf32>
      %add3A_385 = arith.constant 1 : i32
      %add3A_386 = arith.addi %mul3A_362, %add3A_385 : i32
      %swap3A_387 = arith.index_cast %add3A_386 : i32 to index
      %swap3A_388 = arith.constant 0 : index
      %swap3A_389 = tpu.vector_load %arg11[%swap3A_387, %swap3A_388] {strides = array<i32>} : memref<1024x16xf32, #tpu.memory_space<vmem>>, vector<16xf32>,
      tpu.vector_store %arg11[%swap3A_387, %swap3A_388], %mul3A_384 {strides = array<i32>} : memref<1024x16xf32, #tpu.memory_space<vmem>>, vector<16xf32>,
      %add3A_390 = arith.constant 2 : i32
      %add3A_391 = arith.addi %mul3A_362, %add3A_390 : i32
      %broadcast_in_dim3A_392 = vector.broadcast %add3A_391 : i32 to vector<16xi32>
      %gather3A_393 = tpu.vector_load_idx %arg10[%broadcast_in_dim3A_163, %broadcast_in_dim3A_392] : memref<10x1024xf32, #tpu.memory_space<vmem>>[vector<16xi32>, vector<16xi32>], vector<16xf32>,
      %add3A_394 = arith.constant 2 : i32
      %add3A_395 = arith.addi %mul3A_362, %add3A_394 : i32
      %get3A_396 = arith.index_cast %add3A_395 : i32 to index
      %get3A_397 = arith.constant 0 : index
      %get3A_398 = tpu.vector_load %arg11[%get3A_396, %get3A_397] {strides = array<i32>} : memref<1024x16xf32, #tpu.memory_space<vmem>>, vector<16xf32>,
      %mul3A_399 = arith.mulf %get3A_398, %gather3A_393 : vector<16xf32>
      %add3A_400 = arith.constant 2 : i32
      %add3A_401 = arith.addi %mul3A_362, %add3A_400 : i32
      %swap3A_402 = arith.index_cast %add3A_401 : i32 to index
      %swap3A_403 = arith.constant 0 : index
      %swap3A_404 = tpu.vector_load %arg11[%swap3A_402, %swap3A_403] {strides = array<i32>} : memref<1024x16xf32, #tpu.memory_space<vmem>>, vector<16xf32>,
      tpu.vector_store %arg11[%swap3A_402, %swap3A_403], %mul3A_399 {strides = array<i32>} : memref<1024x16xf32, #tpu.memory_space<vmem>>, vector<16xf32>,
      %add3A_405 = arith.constant 3 : i32
      %add3A_406 = arith.addi %mul3A_362, %add3A_405 : i32
      %broadcast_in_dim3A_407 = vector.broadcast %add3A_406 : i32 to vector<16xi32>
      %gather3A_408 = tpu.vector_load_idx %arg10[%broadcast_in_dim3A_163, %broadcast_in_dim3A_407] : memref<10x1024xf32, #tpu.memory_space<vmem>>[vector<16xi32>, vector<16xi32>], vector<16xf32>,
      %add3A_409 = arith.constant 3 : i32
      %add3A_410 = arith.addi %mul3A_362, %add3A_409 : i32
      %get3A_411 = arith.index_cast %add3A_410 : i32 to index
      %get3A_412 = arith.constant 0 : index
      %get3A_413 = tpu.vector_load %arg11[%get3A_411, %get3A_412] {strides = array<i32>} : memref<1024x16xf32, #tpu.memory_space<vmem>>, vector<16xf32>,
      %mul3A_414 = arith.mulf %get3A_413, %gather3A_408 : vector<16xf32>
      %add3A_415 = arith.constant 3 : i32
      %add3A_416 = arith.addi %mul3A_362, %add3A_415 : i32
      %swap3A_417 = arith.index_cast %add3A_416 : i32 to index
      %swap3A_418 = arith.constant 0 : index
      %swap3A_419 = tpu.vector_load %arg11[%swap3A_417, %swap3A_418] {strides = array<i32>} : memref<1024x16xf32, #tpu.memory_space<vmem>>, vector<16xf32>,
      tpu.vector_store %arg11[%swap3A_417, %swap3A_418], %mul3A_414 {strides = array<i32>} : memref<1024x16xf32, #tpu.memory_space<vmem>>, vector<16xf32>,
    }
    %scan3A_168 = arith.constant 256 : i32
    %dma_start3A_169 = arith.constant 4 : i32
    %dma_start3A_170 = arith.constant 0 : i32
    %dma_start3A_171 = tpu.memref_slice %arg9[%dma_start3A_169, %dma_start3A_170] : memref<10x1024xi32, #tpu.memory_space<vmem>> -> memref<1x1024xi32, #tpu.memory_space<vmem>>
    %dma_start3A_172 = tpu.memref_squeeze %dma_start3A_171 : memref<1x1024xi32, #tpu.memory_space<vmem>> -> memref<1024xi32, #tpu.memory_space<vmem>>
    %dma_start3A_173 = arith.constant 0 : i32
    %dma_start3A_174 = arith.constant 0 : i32
    %dma_start3A_175 = tpu.memref_slice %arg15[%dma_start3A_173, %dma_start3A_174] : memref<10240x16xf32, #tpu.memory_space<vmem_shared>> -> memref<10240x16xf32, #tpu.memory_space<vmem_shared>>
    tpu.enqueue_indirect_dma source(%arg11 : memref<1024x16xf32, #tpu.memory_space<vmem>>) target(%dma_start3A_175 : memref<10240x16xf32, #tpu.memory_space<vmem_shared>>) offsets(%dma_start3A_172 : memref<1024xi32, #tpu.memory_space<vmem>>) semaphore(%arg20 : memref<!tpu.dma_semaphore, #tpu.memory_space<semaphore_mem>>) {add = true}
    %dma_wait3A_176 = arith.constant 3 : i32
    %dma_wait3A_177 = arith.constant 0 : i32
    %dma_wait3A_178 = tpu.memref_slice %arg9[%dma_wait3A_176, %dma_wait3A_177] : memref<10x1024xi32, #tpu.memory_space<vmem>> -> memref<1x1024xi32, #tpu.memory_space<vmem>>
    %dma_wait3A_179 = tpu.memref_squeeze %dma_wait3A_178 : memref<1x1024xi32, #tpu.memory_space<vmem>> -> memref<1024xi32, #tpu.memory_space<vmem>>
    %dma_wait3A_180 = arith.constant 0 : i32
    %dma_wait3A_181 = arith.constant 0 : i32
    %dma_wait3A_182 = tpu.memref_slice %arg15[%dma_wait3A_180, %dma_wait3A_181] : memref<10240x16xf32, #tpu.memory_space<vmem_shared>> -> memref<10240x16xf32, #tpu.memory_space<vmem_shared>>
    tpu.wait_indirect_dma semaphore(%arg23 : memref<!tpu.dma_semaphore, #tpu.memory_space<semaphore_mem>>) src(%arg14 : memref<1024x16xf32, #tpu.memory_space<vmem>>) dst(%dma_wait3A_182 : memref<10240x16xf32, #tpu.memory_space<vmem_shared>>)
    %dma_start3A_183 = arith.constant 7 : i32
    %dma_start3A_184 = arith.constant 0 : i32
    %dma_start3A_185 = tpu.memref_slice %arg8[%dma_start3A_183, %dma_start3A_184] : memref<10x1024xi32, #tpu.memory_space<vmem>> -> memref<1x1024xi32, #tpu.memory_space<vmem>>
    %dma_start3A_186 = tpu.memref_squeeze %dma_start3A_185 : memref<1x1024xi32, #tpu.memory_space<vmem>> -> memref<1024xi32, #tpu.memory_space<vmem>>
    %dma_start3A_187 = arith.constant 0 : i32
    %dma_start3A_188 = arith.constant 0 : i32
    %dma_start3A_189 = tpu.memref_slice %arg5[%dma_start3A_187, %dma_start3A_188] : memref<10240x16xf32, #tpu.memory_space<hbm>> -> memref<10240x16xf32, #tpu.memory_space<hbm>>
    tpu.enqueue_indirect_dma source(%dma_start3A_189 : memref<10240x16xf32, #tpu.memory_space<hbm>>) target(%arg14 : memref<1024x16xf32, #tpu.memory_space<vmem>>) offsets(%dma_start3A_186 : memref<1024xi32, #tpu.memory_space<vmem>>) semaphore(%arg19 : memref<!tpu.dma_semaphore, #tpu.memory_space<semaphore_mem>>)
    %dma_wait3A_190 = arith.constant 5 : i32
    %dma_wait3A_191 = arith.constant 0 : i32
    %dma_wait3A_192 = tpu.memref_slice %arg8[%dma_wait3A_190, %dma_wait3A_191] : memref<10x1024xi32, #tpu.memory_space<vmem>> -> memref<1x1024xi32, #tpu.memory_space<vmem>>
    %dma_wait3A_193 = tpu.memref_squeeze %dma_wait3A_192 : memref<1x1024xi32, #tpu.memory_space<vmem>> -> memref<1024xi32, #tpu.memory_space<vmem>>
    %dma_wait3A_194 = arith.constant 0 : i32
    %dma_wait3A_195 = arith.constant 0 : i32
    %dma_wait3A_196 = tpu.memref_slice %arg5[%dma_wait3A_194, %dma_wait3A_195] : memref<10240x16xf32, #tpu.memory_space<hbm>> -> memref<10240x16xf32, #tpu.memory_space<hbm>>
    tpu.wait_indirect_dma semaphore(%arg17 : memref<!tpu.dma_semaphore, #tpu.memory_space<semaphore_mem>>) src(%dma_wait3A_196 : memref<10240x16xf32, #tpu.memory_space<hbm>>) dst(%arg12 : memref<1024x16xf32, #tpu.memory_space<vmem>>)
    %broadcast_in_dim3A_197 = arith.constant 5 : i32
    %broadcast_in_dim3A_198 = vector.broadcast %broadcast_in_dim3A_197 : i32 to vector<16xi32>
    %scan3A_199 = arith.constant 0 : i32
    %scan3A_200 = arith.constant 256 : i32
    %scan3A_201 = arith.addi %scan3A_199, %scan3A_200 : i32
    %scan3A_202 = arith.constant 1 : i32
    scf.for %scan3A_356 = %scan3A_199 to %scan3A_201 step %scan3A_202  : i32 {
      %mul3A_357 = arith.constant 1 : i32
      %mul3A_358 = arith.muli %scan3A_356, %mul3A_357 : i32
      %add3A_359 = arith.constant 0 : i32
      %add3A_360 = arith.addi %add3A_359, %mul3A_358 : i32
      %mul3A_361 = arith.constant 4 : i32
      %mul3A_362 = arith.muli %add3A_360, %mul3A_361 : i32
      %add3A_363 = arith.constant 0 : i32
      %add3A_364 = arith.addi %mul3A_362, %add3A_363 : i32
      %broadcast_in_dim3A_365 = vector.broadcast %add3A_364 : i32 to vector<16xi32>
      %gather3A = tpu.vector_load_idx %arg10[%broadcast_in_dim3A_198, %broadcast_in_dim3A_365] : memref<10x1024xf32, #tpu.memory_space<vmem>>[vector<16xi32>, vector<16xi32>], vector<16xf32>,
      %add3A_366 = arith.constant 0 : i32
      %add3A_367 = arith.addi %mul3A_362, %add3A_366 : i32
      %get3A = arith.index_cast %add3A_367 : i32 to index
      %get3A_368 = arith.constant 0 : index
      %get3A_369 = tpu.vector_load %arg12[%get3A, %get3A_368] {strides = array<i32>} : memref<1024x16xf32, #tpu.memory_space<vmem>>, vector<16xf32>,
      %mul3A_370 = arith.mulf %get3A_369, %gather3A : vector<16xf32>
      %add3A_371 = arith.constant 0 : i32
      %add3A_372 = arith.addi %mul3A_362, %add3A_371 : i32
      %swap3A = arith.index_cast %add3A_372 : i32 to index
      %swap3A_373 = arith.constant 0 : index
      %swap3A_374 = tpu.vector_load %arg12[%swap3A, %swap3A_373] {strides = array<i32>} : memref<1024x16xf32, #tpu.memory_space<vmem>>, vector<16xf32>,
      tpu.vector_store %arg12[%swap3A, %swap3A_373], %mul3A_370 {strides = array<i32>} : memref<1024x16xf32, #tpu.memory_space<vmem>>, vector<16xf32>,
      %add3A_375 = arith.constant 1 : i32
      %add3A_376 = arith.addi %mul3A_362, %add3A_375 : i32
      %broadcast_in_dim3A_377 = vector.broadcast %add3A_376 : i32 to vector<16xi32>
      %gather3A_378 = tpu.vector_load_idx %arg10[%broadcast_in_dim3A_198, %broadcast_in_dim3A_377] : memref<10x1024xf32, #tpu.memory_space<vmem>>[vector<16xi32>, vector<16xi32>], vector<16xf32>,
      %add3A_379 = arith.constant 1 : i32
      %add3A_380 = arith.addi %mul3A_362, %add3A_379 : i32
      %get3A_381 = arith.index_cast %add3A_380 : i32 to index
      %get3A_382 = arith.constant 0 : index
      %get3A_383 = tpu.vector_load %arg12[%get3A_381, %get3A_382] {strides = array<i32>} : memref<1024x16xf32, #tpu.memory_space<vmem>>, vector<16xf32>,
      %mul3A_384 = arith.mulf %get3A_383, %gather3A_378 : vector<16xf32>
      %add3A_385 = arith.constant 1 : i32
      %add3A_386 = arith.addi %mul3A_362, %add3A_385 : i32
      %swap3A_387 = arith.index_cast %add3A_386 : i32 to index
      %swap3A_388 = arith.constant 0 : index
      %swap3A_389 = tpu.vector_load %arg12[%swap3A_387, %swap3A_388] {strides = array<i32>} : memref<1024x16xf32, #tpu.memory_space<vmem>>, vector<16xf32>,
      tpu.vector_store %arg12[%swap3A_387, %swap3A_388], %mul3A_384 {strides = array<i32>} : memref<1024x16xf32, #tpu.memory_space<vmem>>, vector<16xf32>,
      %add3A_390 = arith.constant 2 : i32
      %add3A_391 = arith.addi %mul3A_362, %add3A_390 : i32
      %broadcast_in_dim3A_392 = vector.broadcast %add3A_391 : i32 to vector<16xi32>
      %gather3A_393 = tpu.vector_load_idx %arg10[%broadcast_in_dim3A_198, %broadcast_in_dim3A_392] : memref<10x1024xf32, #tpu.memory_space<vmem>>[vector<16xi32>, vector<16xi32>], vector<16xf32>,
      %add3A_394 = arith.constant 2 : i32
      %add3A_395 = arith.addi %mul3A_362, %add3A_394 : i32
      %get3A_396 = arith.index_cast %add3A_395 : i32 to index
      %get3A_397 = arith.constant 0 : index
      %get3A_398 = tpu.vector_load %arg12[%get3A_396, %get3A_397] {strides = array<i32>} : memref<1024x16xf32, #tpu.memory_space<vmem>>, vector<16xf32>,
      %mul3A_399 = arith.mulf %get3A_398, %gather3A_393 : vector<16xf32>
      %add3A_400 = arith.constant 2 : i32
      %add3A_401 = arith.addi %mul3A_362, %add3A_400 : i32
      %swap3A_402 = arith.index_cast %add3A_401 : i32 to index
      %swap3A_403 = arith.constant 0 : index
      %swap3A_404 = tpu.vector_load %arg12[%swap3A_402, %swap3A_403] {strides = array<i32>} : memref<1024x16xf32, #tpu.memory_space<vmem>>, vector<16xf32>,
      tpu.vector_store %arg12[%swap3A_402, %swap3A_403], %mul3A_399 {strides = array<i32>} : memref<1024x16xf32, #tpu.memory_space<vmem>>, vector<16xf32>,
      %add3A_405 = arith.constant 3 : i32
      %add3A_406 = arith.addi %mul3A_362, %add3A_405 : i32
      %broadcast_in_dim3A_407 = vector.broadcast %add3A_406 : i32 to vector<16xi32>
      %gather3A_408 = tpu.vector_load_idx %arg10[%broadcast_in_dim3A_198, %broadcast_in_dim3A_407] : memref<10x1024xf32, #tpu.memory_space<vmem>>[vector<16xi32>, vector<16xi32>], vector<16xf32>,
      %add3A_409 = arith.constant 3 : i32
      %add3A_410 = arith.addi %mul3A_362, %add3A_409 : i32
      %get3A_411 = arith.index_cast %add3A_410 : i32 to index
      %get3A_412 = arith.constant 0 : index
      %get3A_413 = tpu.vector_load %arg12[%get3A_411, %get3A_412] {strides = array<i32>} : memref<1024x16xf32, #tpu.memory_space<vmem>>, vector<16xf32>,
      %mul3A_414 = arith.mulf %get3A_413, %gather3A_408 : vector<16xf32>
      %add3A_415 = arith.constant 3 : i32
      %add3A_416 = arith.addi %mul3A_362, %add3A_415 : i32
      %swap3A_417 = arith.index_cast %add3A_416 : i32 to index
      %swap3A_418 = arith.constant 0 : index
      %swap3A_419 = tpu.vector_load %arg12[%swap3A_417, %swap3A_418] {strides = array<i32>} : memref<1024x16xf32, #tpu.memory_space<vmem>>, vector<16xf32>,
      tpu.vector_store %arg12[%swap3A_417, %swap3A_418], %mul3A_414 {strides = array<i32>} : memref<1024x16xf32, #tpu.memory_space<vmem>>, vector<16xf32>,
    }
    %scan3A_203 = arith.constant 256 : i32
    %dma_start3A_204 = arith.constant 5 : i32
    %dma_start3A_205 = arith.constant 0 : i32
    %dma_start3A_206 = tpu.memref_slice %arg9[%dma_start3A_204, %dma_start3A_205] : memref<10x1024xi32, #tpu.memory_space<vmem>> -> memref<1x1024xi32, #tpu.memory_space<vmem>>
    %dma_start3A_207 = tpu.memref_squeeze %dma_start3A_206 : memref<1x1024xi32, #tpu.memory_space<vmem>> -> memref<1024xi32, #tpu.memory_space<vmem>>
    %dma_start3A_208 = arith.constant 0 : i32
    %dma_start3A_209 = arith.constant 0 : i32
    %dma_start3A_210 = tpu.memref_slice %arg15[%dma_start3A_208, %dma_start3A_209] : memref<10240x16xf32, #tpu.memory_space<vmem_shared>> -> memref<10240x16xf32, #tpu.memory_space<vmem_shared>>
    tpu.enqueue_indirect_dma source(%arg12 : memref<1024x16xf32, #tpu.memory_space<vmem>>) target(%dma_start3A_210 : memref<10240x16xf32, #tpu.memory_space<vmem_shared>>) offsets(%dma_start3A_207 : memref<1024xi32, #tpu.memory_space<vmem>>) semaphore(%arg21 : memref<!tpu.dma_semaphore, #tpu.memory_space<semaphore_mem>>) {add = true}
    %dma_wait3A_211 = arith.constant 4 : i32
    %dma_wait3A_212 = arith.constant 0 : i32
    %dma_wait3A_213 = tpu.memref_slice %arg9[%dma_wait3A_211, %dma_wait3A_212] : memref<10x1024xi32, #tpu.memory_space<vmem>> -> memref<1x1024xi32, #tpu.memory_space<vmem>>
    %dma_wait3A_214 = tpu.memref_squeeze %dma_wait3A_213 : memref<1x1024xi32, #tpu.memory_space<vmem>> -> memref<1024xi32, #tpu.memory_space<vmem>>
    %dma_wait3A_215 = arith.constant 0 : i32
    %dma_wait3A_216 = arith.constant 0 : i32
    %dma_wait3A_217 = tpu.memref_slice %arg15[%dma_wait3A_215, %dma_wait3A_216] : memref<10240x16xf32, #tpu.memory_space<vmem_shared>> -> memref<10240x16xf32, #tpu.memory_space<vmem_shared>>
    tpu.wait_indirect_dma semaphore(%arg20 : memref<!tpu.dma_semaphore, #tpu.memory_space<semaphore_mem>>) src(%arg11 : memref<1024x16xf32, #tpu.memory_space<vmem>>) dst(%dma_wait3A_217 : memref<10240x16xf32, #tpu.memory_space<vmem_shared>>)
    %dma_start3A_218 = arith.constant 8 : i32
    %dma_start3A_219 = arith.constant 0 : i32
    %dma_start3A_220 = tpu.memref_slice %arg8[%dma_start3A_218, %dma_start3A_219] : memref<10x1024xi32, #tpu.memory_space<vmem>> -> memref<1x1024xi32, #tpu.memory_space<vmem>>
    %dma_start3A_221 = tpu.memref_squeeze %dma_start3A_220 : memref<1x1024xi32, #tpu.memory_space<vmem>> -> memref<1024xi32, #tpu.memory_space<vmem>>
    %dma_start3A_222 = arith.constant 0 : i32
    %dma_start3A_223 = arith.constant 0 : i32
    %dma_start3A_224 = tpu.memref_slice %arg5[%dma_start3A_222, %dma_start3A_223] : memref<10240x16xf32, #tpu.memory_space<hbm>> -> memref<10240x16xf32, #tpu.memory_space<hbm>>
    tpu.enqueue_indirect_dma source(%dma_start3A_224 : memref<10240x16xf32, #tpu.memory_space<hbm>>) target(%arg11 : memref<1024x16xf32, #tpu.memory_space<vmem>>) offsets(%dma_start3A_221 : memref<1024xi32, #tpu.memory_space<vmem>>) semaphore(%arg16 : memref<!tpu.dma_semaphore, #tpu.memory_space<semaphore_mem>>)
    %dma_wait3A_225 = arith.constant 6 : i32
    %dma_wait3A_226 = arith.constant 0 : i32
    %dma_wait3A_227 = tpu.memref_slice %arg8[%dma_wait3A_225, %dma_wait3A_226] : memref<10x1024xi32, #tpu.memory_space<vmem>> -> memref<1x1024xi32, #tpu.memory_space<vmem>>
    %dma_wait3A_228 = tpu.memref_squeeze %dma_wait3A_227 : memref<1x1024xi32, #tpu.memory_space<vmem>> -> memref<1024xi32, #tpu.memory_space<vmem>>
    %dma_wait3A_229 = arith.constant 0 : i32
    %dma_wait3A_230 = arith.constant 0 : i32
    %dma_wait3A_231 = tpu.memref_slice %arg5[%dma_wait3A_229, %dma_wait3A_230] : memref<10240x16xf32, #tpu.memory_space<hbm>> -> memref<10240x16xf32, #tpu.memory_space<hbm>>
    tpu.wait_indirect_dma semaphore(%arg18 : memref<!tpu.dma_semaphore, #tpu.memory_space<semaphore_mem>>) src(%dma_wait3A_231 : memref<10240x16xf32, #tpu.memory_space<hbm>>) dst(%arg13 : memref<1024x16xf32, #tpu.memory_space<vmem>>)
    %broadcast_in_dim3A_232 = arith.constant 6 : i32
    %broadcast_in_dim3A_233 = vector.broadcast %broadcast_in_dim3A_232 : i32 to vector<16xi32>
    %scan3A_234 = arith.constant 0 : i32
    %scan3A_235 = arith.constant 256 : i32
    %scan3A_236 = arith.addi %scan3A_234, %scan3A_235 : i32
    %scan3A_237 = arith.constant 1 : i32
    scf.for %scan3A_356 = %scan3A_234 to %scan3A_236 step %scan3A_237  : i32 {
      %mul3A_357 = arith.constant 1 : i32
      %mul3A_358 = arith.muli %scan3A_356, %mul3A_357 : i32
      %add3A_359 = arith.constant 0 : i32
      %add3A_360 = arith.addi %add3A_359, %mul3A_358 : i32
      %mul3A_361 = arith.constant 4 : i32
      %mul3A_362 = arith.muli %add3A_360, %mul3A_361 : i32
      %add3A_363 = arith.constant 0 : i32
      %add3A_364 = arith.addi %mul3A_362, %add3A_363 : i32
      %broadcast_in_dim3A_365 = vector.broadcast %add3A_364 : i32 to vector<16xi32>
      %gather3A = tpu.vector_load_idx %arg10[%broadcast_in_dim3A_233, %broadcast_in_dim3A_365] : memref<10x1024xf32, #tpu.memory_space<vmem>>[vector<16xi32>, vector<16xi32>], vector<16xf32>,
      %add3A_366 = arith.constant 0 : i32
      %add3A_367 = arith.addi %mul3A_362, %add3A_366 : i32
      %get3A = arith.index_cast %add3A_367 : i32 to index
      %get3A_368 = arith.constant 0 : index
      %get3A_369 = tpu.vector_load %arg13[%get3A, %get3A_368] {strides = array<i32>} : memref<1024x16xf32, #tpu.memory_space<vmem>>, vector<16xf32>,
      %mul3A_370 = arith.mulf %get3A_369, %gather3A : vector<16xf32>
      %add3A_371 = arith.constant 0 : i32
      %add3A_372 = arith.addi %mul3A_362, %add3A_371 : i32
      %swap3A = arith.index_cast %add3A_372 : i32 to index
      %swap3A_373 = arith.constant 0 : index
      %swap3A_374 = tpu.vector_load %arg13[%swap3A, %swap3A_373] {strides = array<i32>} : memref<1024x16xf32, #tpu.memory_space<vmem>>, vector<16xf32>,
      tpu.vector_store %arg13[%swap3A, %swap3A_373], %mul3A_370 {strides = array<i32>} : memref<1024x16xf32, #tpu.memory_space<vmem>>, vector<16xf32>,
      %add3A_375 = arith.constant 1 : i32
      %add3A_376 = arith.addi %mul3A_362, %add3A_375 : i32
      %broadcast_in_dim3A_377 = vector.broadcast %add3A_376 : i32 to vector<16xi32>
      %gather3A_378 = tpu.vector_load_idx %arg10[%broadcast_in_dim3A_233, %broadcast_in_dim3A_377] : memref<10x1024xf32, #tpu.memory_space<vmem>>[vector<16xi32>, vector<16xi32>], vector<16xf32>,
      %add3A_379 = arith.constant 1 : i32
      %add3A_380 = arith.addi %mul3A_362, %add3A_379 : i32
      %get3A_381 = arith.index_cast %add3A_380 : i32 to index
      %get3A_382 = arith.constant 0 : index
      %get3A_383 = tpu.vector_load %arg13[%get3A_381, %get3A_382] {strides = array<i32>} : memref<1024x16xf32, #tpu.memory_space<vmem>>, vector<16xf32>,
      %mul3A_384 = arith.mulf %get3A_383, %gather3A_378 : vector<16xf32>
      %add3A_385 = arith.constant 1 : i32
      %add3A_386 = arith.addi %mul3A_362, %add3A_385 : i32
      %swap3A_387 = arith.index_cast %add3A_386 : i32 to index
      %swap3A_388 = arith.constant 0 : index
      %swap3A_389 = tpu.vector_load %arg13[%swap3A_387, %swap3A_388] {strides = array<i32>} : memref<1024x16xf32, #tpu.memory_space<vmem>>, vector<16xf32>,
      tpu.vector_store %arg13[%swap3A_387, %swap3A_388], %mul3A_384 {strides = array<i32>} : memref<1024x16xf32, #tpu.memory_space<vmem>>, vector<16xf32>,
      %add3A_390 = arith.constant 2 : i32
      %add3A_391 = arith.addi %mul3A_362, %add3A_390 : i32
      %broadcast_in_dim3A_392 = vector.broadcast %add3A_391 : i32 to vector<16xi32>
      %gather3A_393 = tpu.vector_load_idx %arg10[%broadcast_in_dim3A_233, %broadcast_in_dim3A_392] : memref<10x1024xf32, #tpu.memory_space<vmem>>[vector<16xi32>, vector<16xi32>], vector<16xf32>,
      %add3A_394 = arith.constant 2 : i32
      %add3A_395 = arith.addi %mul3A_362, %add3A_394 : i32
      %get3A_396 = arith.index_cast %add3A_395 : i32 to index
      %get3A_397 = arith.constant 0 : index
      %get3A_398 = tpu.vector_load %arg13[%get3A_396, %get3A_397] {strides = array<i32>} : memref<1024x16xf32, #tpu.memory_space<vmem>>, vector<16xf32>,
      %mul3A_399 = arith.mulf %get3A_398, %gather3A_393 : vector<16xf32>
      %add3A_400 = arith.constant 2 : i32
      %add3A_401 = arith.addi %mul3A_362, %add3A_400 : i32
      %swap3A_402 = arith.index_cast %add3A_401 : i32 to index
      %swap3A_403 = arith.constant 0 : index
      %swap3A_404 = tpu.vector_load %arg13[%swap3A_402, %swap3A_403] {strides = array<i32>} : memref<1024x16xf32, #tpu.memory_space<vmem>>, vector<16xf32>,
      tpu.vector_store %arg13[%swap3A_402, %swap3A_403], %mul3A_399 {strides = array<i32>} : memref<1024x16xf32, #tpu.memory_space<vmem>>, vector<16xf32>,
      %add3A_405 = arith.constant 3 : i32
      %add3A_406 = arith.addi %mul3A_362, %add3A_405 : i32
      %broadcast_in_dim3A_407 = vector.broadcast %add3A_406 : i32 to vector<16xi32>
      %gather3A_408 = tpu.vector_load_idx %arg10[%broadcast_in_dim3A_233, %broadcast_in_dim3A_407] : memref<10x1024xf32, #tpu.memory_space<vmem>>[vector<16xi32>, vector<16xi32>], vector<16xf32>,
      %add3A_409 = arith.constant 3 : i32
      %add3A_410 = arith.addi %mul3A_362, %add3A_409 : i32
      %get3A_411 = arith.index_cast %add3A_410 : i32 to index
      %get3A_412 = arith.constant 0 : index
      %get3A_413 = tpu.vector_load %arg13[%get3A_411, %get3A_412] {strides = array<i32>} : memref<1024x16xf32, #tpu.memory_space<vmem>>, vector<16xf32>,
      %mul3A_414 = arith.mulf %get3A_413, %gather3A_408 : vector<16xf32>
      %add3A_415 = arith.constant 3 : i32
      %add3A_416 = arith.addi %mul3A_362, %add3A_415 : i32
      %swap3A_417 = arith.index_cast %add3A_416 : i32 to index
      %swap3A_418 = arith.constant 0 : index
      %swap3A_419 = tpu.vector_load %arg13[%swap3A_417, %swap3A_418] {strides = array<i32>} : memref<1024x16xf32, #tpu.memory_space<vmem>>, vector<16xf32>,
      tpu.vector_store %arg13[%swap3A_417, %swap3A_418], %mul3A_414 {strides = array<i32>} : memref<1024x16xf32, #tpu.memory_space<vmem>>, vector<16xf32>,
    }
    %scan3A_238 = arith.constant 256 : i32
    %dma_start3A_239 = arith.constant 6 : i32
    %dma_start3A_240 = arith.constant 0 : i32
    %dma_start3A_241 = tpu.memref_slice %arg9[%dma_start3A_239, %dma_start3A_240] : memref<10x1024xi32, #tpu.memory_space<vmem>> -> memref<1x1024xi32, #tpu.memory_space<vmem>>
    %dma_start3A_242 = tpu.memref_squeeze %dma_start3A_241 : memref<1x1024xi32, #tpu.memory_space<vmem>> -> memref<1024xi32, #tpu.memory_space<vmem>>
    %dma_start3A_243 = arith.constant 0 : i32
    %dma_start3A_244 = arith.constant 0 : i32
    %dma_start3A_245 = tpu.memref_slice %arg15[%dma_start3A_243, %dma_start3A_244] : memref<10240x16xf32, #tpu.memory_space<vmem_shared>> -> memref<10240x16xf32, #tpu.memory_space<vmem_shared>>
    tpu.enqueue_indirect_dma source(%arg13 : memref<1024x16xf32, #tpu.memory_space<vmem>>) target(%dma_start3A_245 : memref<10240x16xf32, #tpu.memory_space<vmem_shared>>) offsets(%dma_start3A_242 : memref<1024xi32, #tpu.memory_space<vmem>>) semaphore(%arg22 : memref<!tpu.dma_semaphore, #tpu.memory_space<semaphore_mem>>) {add = true}
    %dma_wait3A_246 = arith.constant 5 : i32
    %dma_wait3A_247 = arith.constant 0 : i32
    %dma_wait3A_248 = tpu.memref_slice %arg9[%dma_wait3A_246, %dma_wait3A_247] : memref<10x1024xi32, #tpu.memory_space<vmem>> -> memref<1x1024xi32, #tpu.memory_space<vmem>>
    %dma_wait3A_249 = tpu.memref_squeeze %dma_wait3A_248 : memref<1x1024xi32, #tpu.memory_space<vmem>> -> memref<1024xi32, #tpu.memory_space<vmem>>
    %dma_wait3A_250 = arith.constant 0 : i32
    %dma_wait3A_251 = arith.constant 0 : i32
    %dma_wait3A_252 = tpu.memref_slice %arg15[%dma_wait3A_250, %dma_wait3A_251] : memref<10240x16xf32, #tpu.memory_space<vmem_shared>> -> memref<10240x16xf32, #tpu.memory_space<vmem_shared>>
    tpu.wait_indirect_dma semaphore(%arg21 : memref<!tpu.dma_semaphore, #tpu.memory_space<semaphore_mem>>) src(%arg12 : memref<1024x16xf32, #tpu.memory_space<vmem>>) dst(%dma_wait3A_252 : memref<10240x16xf32, #tpu.memory_space<vmem_shared>>)
    %dma_start3A_253 = arith.constant 9 : i32
    %dma_start3A_254 = arith.constant 0 : i32
    %dma_start3A_255 = tpu.memref_slice %arg8[%dma_start3A_253, %dma_start3A_254] : memref<10x1024xi32, #tpu.memory_space<vmem>> -> memref<1x1024xi32, #tpu.memory_space<vmem>>
    %dma_start3A_256 = tpu.memref_squeeze %dma_start3A_255 : memref<1x1024xi32, #tpu.memory_space<vmem>> -> memref<1024xi32, #tpu.memory_space<vmem>>
    %dma_start3A_257 = arith.constant 0 : i32
    %dma_start3A_258 = arith.constant 0 : i32
    %dma_start3A_259 = tpu.memref_slice %arg5[%dma_start3A_257, %dma_start3A_258] : memref<10240x16xf32, #tpu.memory_space<hbm>> -> memref<10240x16xf32, #tpu.memory_space<hbm>>
    tpu.enqueue_indirect_dma source(%dma_start3A_259 : memref<10240x16xf32, #tpu.memory_space<hbm>>) target(%arg12 : memref<1024x16xf32, #tpu.memory_space<vmem>>) offsets(%dma_start3A_256 : memref<1024xi32, #tpu.memory_space<vmem>>) semaphore(%arg17 : memref<!tpu.dma_semaphore, #tpu.memory_space<semaphore_mem>>)
    %dma_wait3A_260 = arith.constant 7 : i32
    %dma_wait3A_261 = arith.constant 0 : i32
    %dma_wait3A_262 = tpu.memref_slice %arg8[%dma_wait3A_260, %dma_wait3A_261] : memref<10x1024xi32, #tpu.memory_space<vmem>> -> memref<1x1024xi32, #tpu.memory_space<vmem>>
    %dma_wait3A_263 = tpu.memref_squeeze %dma_wait3A_262 : memref<1x1024xi32, #tpu.memory_space<vmem>> -> memref<1024xi32, #tpu.memory_space<vmem>>
    %dma_wait3A_264 = arith.constant 0 : i32
    %dma_wait3A_265 = arith.constant 0 : i32
    %dma_wait3A_266 = tpu.memref_slice %arg5[%dma_wait3A_264, %dma_wait3A_265] : memref<10240x16xf32, #tpu.memory_space<hbm>> -> memref<10240x16xf32, #tpu.memory_space<hbm>>
    tpu.wait_indirect_dma semaphore(%arg19 : memref<!tpu.dma_semaphore, #tpu.memory_space<semaphore_mem>>) src(%dma_wait3A_266 : memref<10240x16xf32, #tpu.memory_space<hbm>>) dst(%arg14 : memref<1024x16xf32, #tpu.memory_space<vmem>>)
    %broadcast_in_dim3A_267 = arith.constant 7 : i32
    %broadcast_in_dim3A_268 = vector.broadcast %broadcast_in_dim3A_267 : i32 to vector<16xi32>
    %scan3A_269 = arith.constant 0 : i32
    %scan3A_270 = arith.constant 256 : i32
    %scan3A_271 = arith.addi %scan3A_269, %scan3A_270 : i32
    %scan3A_272 = arith.constant 1 : i32
    scf.for %scan3A_356 = %scan3A_269 to %scan3A_271 step %scan3A_272  : i32 {
      %mul3A_357 = arith.constant 1 : i32
      %mul3A_358 = arith.muli %scan3A_356, %mul3A_357 : i32
      %add3A_359 = arith.constant 0 : i32
      %add3A_360 = arith.addi %add3A_359, %mul3A_358 : i32
      %mul3A_361 = arith.constant 4 : i32
      %mul3A_362 = arith.muli %add3A_360, %mul3A_361 : i32
      %add3A_363 = arith.constant 0 : i32
      %add3A_364 = arith.addi %mul3A_362, %add3A_363 : i32
      %broadcast_in_dim3A_365 = vector.broadcast %add3A_364 : i32 to vector<16xi32>
      %gather3A = tpu.vector_load_idx %arg10[%broadcast_in_dim3A_268, %broadcast_in_dim3A_365] : memref<10x1024xf32, #tpu.memory_space<vmem>>[vector<16xi32>, vector<16xi32>], vector<16xf32>,
      %add3A_366 = arith.constant 0 : i32
      %add3A_367 = arith.addi %mul3A_362, %add3A_366 : i32
      %get3A = arith.index_cast %add3A_367 : i32 to index
      %get3A_368 = arith.constant 0 : index
      %get3A_369 = tpu.vector_load %arg14[%get3A, %get3A_368] {strides = array<i32>} : memref<1024x16xf32, #tpu.memory_space<vmem>>, vector<16xf32>,
      %mul3A_370 = arith.mulf %get3A_369, %gather3A : vector<16xf32>
      %add3A_371 = arith.constant 0 : i32
      %add3A_372 = arith.addi %mul3A_362, %add3A_371 : i32
      %swap3A = arith.index_cast %add3A_372 : i32 to index
      %swap3A_373 = arith.constant 0 : index
      %swap3A_374 = tpu.vector_load %arg14[%swap3A, %swap3A_373] {strides = array<i32>} : memref<1024x16xf32, #tpu.memory_space<vmem>>, vector<16xf32>,
      tpu.vector_store %arg14[%swap3A, %swap3A_373], %mul3A_370 {strides = array<i32>} : memref<1024x16xf32, #tpu.memory_space<vmem>>, vector<16xf32>,
      %add3A_375 = arith.constant 1 : i32
      %add3A_376 = arith.addi %mul3A_362, %add3A_375 : i32
      %broadcast_in_dim3A_377 = vector.broadcast %add3A_376 : i32 to vector<16xi32>
      %gather3A_378 = tpu.vector_load_idx %arg10[%broadcast_in_dim3A_268, %broadcast_in_dim3A_377] : memref<10x1024xf32, #tpu.memory_space<vmem>>[vector<16xi32>, vector<16xi32>], vector<16xf32>,
      %add3A_379 = arith.constant 1 : i32
      %add3A_380 = arith.addi %mul3A_362, %add3A_379 : i32
      %get3A_381 = arith.index_cast %add3A_380 : i32 to index
      %get3A_382 = arith.constant 0 : index
      %get3A_383 = tpu.vector_load %arg14[%get3A_381, %get3A_382] {strides = array<i32>} : memref<1024x16xf32, #tpu.memory_space<vmem>>, vector<16xf32>,
      %mul3A_384 = arith.mulf %get3A_383, %gather3A_378 : vector<16xf32>
      %add3A_385 = arith.constant 1 : i32
      %add3A_386 = arith.addi %mul3A_362, %add3A_385 : i32
      %swap3A_387 = arith.index_cast %add3A_386 : i32 to index
      %swap3A_388 = arith.constant 0 : index
      %swap3A_389 = tpu.vector_load %arg14[%swap3A_387, %swap3A_388] {strides = array<i32>} : memref<1024x16xf32, #tpu.memory_space<vmem>>, vector<16xf32>,
      tpu.vector_store %arg14[%swap3A_387, %swap3A_388], %mul3A_384 {strides = array<i32>} : memref<1024x16xf32, #tpu.memory_space<vmem>>, vector<16xf32>,
      %add3A_390 = arith.constant 2 : i32
      %add3A_391 = arith.addi %mul3A_362, %add3A_390 : i32
      %broadcast_in_dim3A_392 = vector.broadcast %add3A_391 : i32 to vector<16xi32>
      %gather3A_393 = tpu.vector_load_idx %arg10[%broadcast_in_dim3A_268, %broadcast_in_dim3A_392] : memref<10x1024xf32, #tpu.memory_space<vmem>>[vector<16xi32>, vector<16xi32>], vector<16xf32>,
      %add3A_394 = arith.constant 2 : i32
      %add3A_395 = arith.addi %mul3A_362, %add3A_394 : i32
      %get3A_396 = arith.index_cast %add3A_395 : i32 to index
      %get3A_397 = arith.constant 0 : index
      %get3A_398 = tpu.vector_load %arg14[%get3A_396, %get3A_397] {strides = array<i32>} : memref<1024x16xf32, #tpu.memory_space<vmem>>, vector<16xf32>,
      %mul3A_399 = arith.mulf %get3A_398, %gather3A_393 : vector<16xf32>
      %add3A_400 = arith.constant 2 : i32
      %add3A_401 = arith.addi %mul3A_362, %add3A_400 : i32
      %swap3A_402 = arith.index_cast %add3A_401 : i32 to index
      %swap3A_403 = arith.constant 0 : index
      %swap3A_404 = tpu.vector_load %arg14[%swap3A_402, %swap3A_403] {strides = array<i32>} : memref<1024x16xf32, #tpu.memory_space<vmem>>, vector<16xf32>,
      tpu.vector_store %arg14[%swap3A_402, %swap3A_403], %mul3A_399 {strides = array<i32>} : memref<1024x16xf32, #tpu.memory_space<vmem>>, vector<16xf32>,
      %add3A_405 = arith.constant 3 : i32
      %add3A_406 = arith.addi %mul3A_362, %add3A_405 : i32
      %broadcast_in_dim3A_407 = vector.broadcast %add3A_406 : i32 to vector<16xi32>
      %gather3A_408 = tpu.vector_load_idx %arg10[%broadcast_in_dim3A_268, %broadcast_in_dim3A_407] : memref<10x1024xf32, #tpu.memory_space<vmem>>[vector<16xi32>, vector<16xi32>], vector<16xf32>,
      %add3A_409 = arith.constant 3 : i32
      %add3A_410 = arith.addi %mul3A_362, %add3A_409 : i32
      %get3A_411 = arith.index_cast %add3A_410 : i32 to index
      %get3A_412 = arith.constant 0 : index
      %get3A_413 = tpu.vector_load %arg14[%get3A_411, %get3A_412] {strides = array<i32>} : memref<1024x16xf32, #tpu.memory_space<vmem>>, vector<16xf32>,
      %mul3A_414 = arith.mulf %get3A_413, %gather3A_408 : vector<16xf32>
      %add3A_415 = arith.constant 3 : i32
      %add3A_416 = arith.addi %mul3A_362, %add3A_415 : i32
      %swap3A_417 = arith.index_cast %add3A_416 : i32 to index
      %swap3A_418 = arith.constant 0 : index
      %swap3A_419 = tpu.vector_load %arg14[%swap3A_417, %swap3A_418] {strides = array<i32>} : memref<1024x16xf32, #tpu.memory_space<vmem>>, vector<16xf32>,
      tpu.vector_store %arg14[%swap3A_417, %swap3A_418], %mul3A_414 {strides = array<i32>} : memref<1024x16xf32, #tpu.memory_space<vmem>>, vector<16xf32>,
    }
    %scan3A_273 = arith.constant 256 : i32
    %dma_start3A_274 = arith.constant 7 : i32
    %dma_start3A_275 = arith.constant 0 : i32
    %dma_start3A_276 = tpu.memref_slice %arg9[%dma_start3A_274, %dma_start3A_275] : memref<10x1024xi32, #tpu.memory_space<vmem>> -> memref<1x1024xi32, #tpu.memory_space<vmem>>
    %dma_start3A_277 = tpu.memref_squeeze %dma_start3A_276 : memref<1x1024xi32, #tpu.memory_space<vmem>> -> memref<1024xi32, #tpu.memory_space<vmem>>
    %dma_start3A_278 = arith.constant 0 : i32
    %dma_start3A_279 = arith.constant 0 : i32
    %dma_start3A_280 = tpu.memref_slice %arg15[%dma_start3A_278, %dma_start3A_279] : memref<10240x16xf32, #tpu.memory_space<vmem_shared>> -> memref<10240x16xf32, #tpu.memory_space<vmem_shared>>
    tpu.enqueue_indirect_dma source(%arg14 : memref<1024x16xf32, #tpu.memory_space<vmem>>) target(%dma_start3A_280 : memref<10240x16xf32, #tpu.memory_space<vmem_shared>>) offsets(%dma_start3A_277 : memref<1024xi32, #tpu.memory_space<vmem>>) semaphore(%arg23 : memref<!tpu.dma_semaphore, #tpu.memory_space<semaphore_mem>>) {add = true}
    %dma_wait3A_281 = arith.constant 8 : i32
    %dma_wait3A_282 = arith.constant 0 : i32
    %dma_wait3A_283 = tpu.memref_slice %arg8[%dma_wait3A_281, %dma_wait3A_282] : memref<10x1024xi32, #tpu.memory_space<vmem>> -> memref<1x1024xi32, #tpu.memory_space<vmem>>
    %dma_wait3A_284 = tpu.memref_squeeze %dma_wait3A_283 : memref<1x1024xi32, #tpu.memory_space<vmem>> -> memref<1024xi32, #tpu.memory_space<vmem>>
    %dma_wait3A_285 = arith.constant 0 : i32
    %dma_wait3A_286 = arith.constant 0 : i32
    %dma_wait3A_287 = tpu.memref_slice %arg5[%dma_wait3A_285, %dma_wait3A_286] : memref<10240x16xf32, #tpu.memory_space<hbm>> -> memref<10240x16xf32, #tpu.memory_space<hbm>>
    tpu.wait_indirect_dma semaphore(%arg16 : memref<!tpu.dma_semaphore, #tpu.memory_space<semaphore_mem>>) src(%dma_wait3A_287 : memref<10240x16xf32, #tpu.memory_space<hbm>>) dst(%arg11 : memref<1024x16xf32, #tpu.memory_space<vmem>>)
    %broadcast_in_dim3A_288 = arith.constant 8 : i32
    %broadcast_in_dim3A_289 = vector.broadcast %broadcast_in_dim3A_288 : i32 to vector<16xi32>
    %scan3A_290 = arith.constant 0 : i32
    %scan3A_291 = arith.constant 256 : i32
    %scan3A_292 = arith.addi %scan3A_290, %scan3A_291 : i32
    %scan3A_293 = arith.constant 1 : i32
    scf.for %scan3A_356 = %scan3A_290 to %scan3A_292 step %scan3A_293  : i32 {
      %mul3A_357 = arith.constant 1 : i32
      %mul3A_358 = arith.muli %scan3A_356, %mul3A_357 : i32
      %add3A_359 = arith.constant 0 : i32
      %add3A_360 = arith.addi %add3A_359, %mul3A_358 : i32
      %mul3A_361 = arith.constant 4 : i32
      %mul3A_362 = arith.muli %add3A_360, %mul3A_361 : i32
      %add3A_363 = arith.constant 0 : i32
      %add3A_364 = arith.addi %mul3A_362, %add3A_363 : i32
      %broadcast_in_dim3A_365 = vector.broadcast %add3A_364 : i32 to vector<16xi32>
      %gather3A = tpu.vector_load_idx %arg10[%broadcast_in_dim3A_289, %broadcast_in_dim3A_365] : memref<10x1024xf32, #tpu.memory_space<vmem>>[vector<16xi32>, vector<16xi32>], vector<16xf32>,
      %add3A_366 = arith.constant 0 : i32
      %add3A_367 = arith.addi %mul3A_362, %add3A_366 : i32
      %get3A = arith.index_cast %add3A_367 : i32 to index
      %get3A_368 = arith.constant 0 : index
      %get3A_369 = tpu.vector_load %arg11[%get3A, %get3A_368] {strides = array<i32>} : memref<1024x16xf32, #tpu.memory_space<vmem>>, vector<16xf32>,
      %mul3A_370 = arith.mulf %get3A_369, %gather3A : vector<16xf32>
      %add3A_371 = arith.constant 0 : i32
      %add3A_372 = arith.addi %mul3A_362, %add3A_371 : i32
      %swap3A = arith.index_cast %add3A_372 : i32 to index
      %swap3A_373 = arith.constant 0 : index
      %swap3A_374 = tpu.vector_load %arg11[%swap3A, %swap3A_373] {strides = array<i32>} : memref<1024x16xf32, #tpu.memory_space<vmem>>, vector<16xf32>,
      tpu.vector_store %arg11[%swap3A, %swap3A_373], %mul3A_370 {strides = array<i32>} : memref<1024x16xf32, #tpu.memory_space<vmem>>, vector<16xf32>,
      %add3A_375 = arith.constant 1 : i32
      %add3A_376 = arith.addi %mul3A_362, %add3A_375 : i32
      %broadcast_in_dim3A_377 = vector.broadcast %add3A_376 : i32 to vector<16xi32>
      %gather3A_378 = tpu.vector_load_idx %arg10[%broadcast_in_dim3A_289, %broadcast_in_dim3A_377] : memref<10x1024xf32, #tpu.memory_space<vmem>>[vector<16xi32>, vector<16xi32>], vector<16xf32>,
      %add3A_379 = arith.constant 1 : i32
      %add3A_380 = arith.addi %mul3A_362, %add3A_379 : i32
      %get3A_381 = arith.index_cast %add3A_380 : i32 to index
      %get3A_382 = arith.constant 0 : index
      %get3A_383 = tpu.vector_load %arg11[%get3A_381, %get3A_382] {strides = array<i32>} : memref<1024x16xf32, #tpu.memory_space<vmem>>, vector<16xf32>,
      %mul3A_384 = arith.mulf %get3A_383, %gather3A_378 : vector<16xf32>
      %add3A_385 = arith.constant 1 : i32
      %add3A_386 = arith.addi %mul3A_362, %add3A_385 : i32
      %swap3A_387 = arith.index_cast %add3A_386 : i32 to index
      %swap3A_388 = arith.constant 0 : index
      %swap3A_389 = tpu.vector_load %arg11[%swap3A_387, %swap3A_388] {strides = array<i32>} : memref<1024x16xf32, #tpu.memory_space<vmem>>, vector<16xf32>,
      tpu.vector_store %arg11[%swap3A_387, %swap3A_388], %mul3A_384 {strides = array<i32>} : memref<1024x16xf32, #tpu.memory_space<vmem>>, vector<16xf32>,
      %add3A_390 = arith.constant 2 : i32
      %add3A_391 = arith.addi %mul3A_362, %add3A_390 : i32
      %broadcast_in_dim3A_392 = vector.broadcast %add3A_391 : i32 to vector<16xi32>
      %gather3A_393 = tpu.vector_load_idx %arg10[%broadcast_in_dim3A_289, %broadcast_in_dim3A_392] : memref<10x1024xf32, #tpu.memory_space<vmem>>[vector<16xi32>, vector<16xi32>], vector<16xf32>,
      %add3A_394 = arith.constant 2 : i32
      %add3A_395 = arith.addi %mul3A_362, %add3A_394 : i32
      %get3A_396 = arith.index_cast %add3A_395 : i32 to index
      %get3A_397 = arith.constant 0 : index
      %get3A_398 = tpu.vector_load %arg11[%get3A_396, %get3A_397] {strides = array<i32>} : memref<1024x16xf32, #tpu.memory_space<vmem>>, vector<16xf32>,
      %mul3A_399 = arith.mulf %get3A_398, %gather3A_393 : vector<16xf32>
      %add3A_400 = arith.constant 2 : i32
      %add3A_401 = arith.addi %mul3A_362, %add3A_400 : i32
      %swap3A_402 = arith.index_cast %add3A_401 : i32 to index
      %swap3A_403 = arith.constant 0 : index
      %swap3A_404 = tpu.vector_load %arg11[%swap3A_402, %swap3A_403] {strides = array<i32>} : memref<1024x16xf32, #tpu.memory_space<vmem>>, vector<16xf32>,
      tpu.vector_store %arg11[%swap3A_402, %swap3A_403], %mul3A_399 {strides = array<i32>} : memref<1024x16xf32, #tpu.memory_space<vmem>>, vector<16xf32>,
      %add3A_405 = arith.constant 3 : i32
      %add3A_406 = arith.addi %mul3A_362, %add3A_405 : i32
      %broadcast_in_dim3A_407 = vector.broadcast %add3A_406 : i32 to vector<16xi32>
      %gather3A_408 = tpu.vector_load_idx %arg10[%broadcast_in_dim3A_289, %broadcast_in_dim3A_407] : memref<10x1024xf32, #tpu.memory_space<vmem>>[vector<16xi32>, vector<16xi32>], vector<16xf32>,
      %add3A_409 = arith.constant 3 : i32
      %add3A_410 = arith.addi %mul3A_362, %add3A_409 : i32
      %get3A_411 = arith.index_cast %add3A_410 : i32 to index
      %get3A_412 = arith.constant 0 : index
      %get3A_413 = tpu.vector_load %arg11[%get3A_411, %get3A_412] {strides = array<i32>} : memref<1024x16xf32, #tpu.memory_space<vmem>>, vector<16xf32>,
      %mul3A_414 = arith.mulf %get3A_413, %gather3A_408 : vector<16xf32>
      %add3A_415 = arith.constant 3 : i32
      %add3A_416 = arith.addi %mul3A_362, %add3A_415 : i32
      %swap3A_417 = arith.index_cast %add3A_416 : i32 to index
      %swap3A_418 = arith.constant 0 : index
      %swap3A_419 = tpu.vector_load %arg11[%swap3A_417, %swap3A_418] {strides = array<i32>} : memref<1024x16xf32, #tpu.memory_space<vmem>>, vector<16xf32>,
      tpu.vector_store %arg11[%swap3A_417, %swap3A_418], %mul3A_414 {strides = array<i32>} : memref<1024x16xf32, #tpu.memory_space<vmem>>, vector<16xf32>,
    }
    %scan3A_294 = arith.constant 256 : i32
    %dma_start3A_295 = arith.constant 8 : i32
    %dma_start3A_296 = arith.constant 0 : i32
    %dma_start3A_297 = tpu.memref_slice %arg9[%dma_start3A_295, %dma_start3A_296] : memref<10x1024xi32, #tpu.memory_space<vmem>> -> memref<1x1024xi32, #tpu.memory_space<vmem>>
    %dma_start3A_298 = tpu.memref_squeeze %dma_start3A_297 : memref<1x1024xi32, #tpu.memory_space<vmem>> -> memref<1024xi32, #tpu.memory_space<vmem>>
    %dma_start3A_299 = arith.constant 0 : i32
    %dma_start3A_300 = arith.constant 0 : i32
    %dma_start3A_301 = tpu.memref_slice %arg15[%dma_start3A_299, %dma_start3A_300] : memref<10240x16xf32, #tpu.memory_space<vmem_shared>> -> memref<10240x16xf32, #tpu.memory_space<vmem_shared>>
    tpu.enqueue_indirect_dma source(%arg11 : memref<1024x16xf32, #tpu.memory_space<vmem>>) target(%dma_start3A_301 : memref<10240x16xf32, #tpu.memory_space<vmem_shared>>) offsets(%dma_start3A_298 : memref<1024xi32, #tpu.memory_space<vmem>>) semaphore(%arg20 : memref<!tpu.dma_semaphore, #tpu.memory_space<semaphore_mem>>) {add = true}
    %dma_wait3A_302 = arith.constant 9 : i32
    %dma_wait3A_303 = arith.constant 0 : i32
    %dma_wait3A_304 = tpu.memref_slice %arg8[%dma_wait3A_302, %dma_wait3A_303] : memref<10x1024xi32, #tpu.memory_space<vmem>> -> memref<1x1024xi32, #tpu.memory_space<vmem>>
    %dma_wait3A_305 = tpu.memref_squeeze %dma_wait3A_304 : memref<1x1024xi32, #tpu.memory_space<vmem>> -> memref<1024xi32, #tpu.memory_space<vmem>>
    %dma_wait3A_306 = arith.constant 0 : i32
    %dma_wait3A_307 = arith.constant 0 : i32
    %dma_wait3A_308 = tpu.memref_slice %arg5[%dma_wait3A_306, %dma_wait3A_307] : memref<10240x16xf32, #tpu.memory_space<hbm>> -> memref<10240x16xf32, #tpu.memory_space<hbm>>
    tpu.wait_indirect_dma semaphore(%arg17 : memref<!tpu.dma_semaphore, #tpu.memory_space<semaphore_mem>>) src(%dma_wait3A_308 : memref<10240x16xf32, #tpu.memory_space<hbm>>) dst(%arg12 : memref<1024x16xf32, #tpu.memory_space<vmem>>)
    %broadcast_in_dim3A_309 = arith.constant 9 : i32
    %broadcast_in_dim3A_310 = vector.broadcast %broadcast_in_dim3A_309 : i32 to vector<16xi32>
    %scan3A_311 = arith.constant 0 : i32
    %scan3A_312 = arith.constant 256 : i32
    %scan3A_313 = arith.addi %scan3A_311, %scan3A_312 : i32
    %scan3A_314 = arith.constant 1 : i32
    scf.for %scan3A_356 = %scan3A_311 to %scan3A_313 step %scan3A_314  : i32 {
      %mul3A_357 = arith.constant 1 : i32
      %mul3A_358 = arith.muli %scan3A_356, %mul3A_357 : i32
      %add3A_359 = arith.constant 0 : i32
      %add3A_360 = arith.addi %add3A_359, %mul3A_358 : i32
      %mul3A_361 = arith.constant 4 : i32
      %mul3A_362 = arith.muli %add3A_360, %mul3A_361 : i32
      %add3A_363 = arith.constant 0 : i32
      %add3A_364 = arith.addi %mul3A_362, %add3A_363 : i32
      %broadcast_in_dim3A_365 = vector.broadcast %add3A_364 : i32 to vector<16xi32>
      %gather3A = tpu.vector_load_idx %arg10[%broadcast_in_dim3A_310, %broadcast_in_dim3A_365] : memref<10x1024xf32, #tpu.memory_space<vmem>>[vector<16xi32>, vector<16xi32>], vector<16xf32>,
      %add3A_366 = arith.constant 0 : i32
      %add3A_367 = arith.addi %mul3A_362, %add3A_366 : i32
      %get3A = arith.index_cast %add3A_367 : i32 to index
      %get3A_368 = arith.constant 0 : index
      %get3A_369 = tpu.vector_load %arg12[%get3A, %get3A_368] {strides = array<i32>} : memref<1024x16xf32, #tpu.memory_space<vmem>>, vector<16xf32>,
      %mul3A_370 = arith.mulf %get3A_369, %gather3A : vector<16xf32>
      %add3A_371 = arith.constant 0 : i32
      %add3A_372 = arith.addi %mul3A_362, %add3A_371 : i32
      %swap3A = arith.index_cast %add3A_372 : i32 to index
      %swap3A_373 = arith.constant 0 : index
      %swap3A_374 = tpu.vector_load %arg12[%swap3A, %swap3A_373] {strides = array<i32>} : memref<1024x16xf32, #tpu.memory_space<vmem>>, vector<16xf32>,
      tpu.vector_store %arg12[%swap3A, %swap3A_373], %mul3A_370 {strides = array<i32>} : memref<1024x16xf32, #tpu.memory_space<vmem>>, vector<16xf32>,
      %add3A_375 = arith.constant 1 : i32
      %add3A_376 = arith.addi %mul3A_362, %add3A_375 : i32
      %broadcast_in_dim3A_377 = vector.broadcast %add3A_376 : i32 to vector<16xi32>
      %gather3A_378 = tpu.vector_load_idx %arg10[%broadcast_in_dim3A_310, %broadcast_in_dim3A_377] : memref<10x1024xf32, #tpu.memory_space<vmem>>[vector<16xi32>, vector<16xi32>], vector<16xf32>,
      %add3A_379 = arith.constant 1 : i32
      %add3A_380 = arith.addi %mul3A_362, %add3A_379 : i32
      %get3A_381 = arith.index_cast %add3A_380 : i32 to index
      %get3A_382 = arith.constant 0 : index
      %get3A_383 = tpu.vector_load %arg12[%get3A_381, %get3A_382] {strides = array<i32>} : memref<1024x16xf32, #tpu.memory_space<vmem>>, vector<16xf32>,
      %mul3A_384 = arith.mulf %get3A_383, %gather3A_378 : vector<16xf32>
      %add3A_385 = arith.constant 1 : i32
      %add3A_386 = arith.addi %mul3A_362, %add3A_385 : i32
      %swap3A_387 = arith.index_cast %add3A_386 : i32 to index
      %swap3A_388 = arith.constant 0 : index
      %swap3A_389 = tpu.vector_load %arg12[%swap3A_387, %swap3A_388] {strides = array<i32>} : memref<1024x16xf32, #tpu.memory_space<vmem>>, vector<16xf32>,
      tpu.vector_store %arg12[%swap3A_387, %swap3A_388], %mul3A_384 {strides = array<i32>} : memref<1024x16xf32, #tpu.memory_space<vmem>>, vector<16xf32>,
      %add3A_390 = arith.constant 2 : i32
      %add3A_391 = arith.addi %mul3A_362, %add3A_390 : i32
      %broadcast_in_dim3A_392 = vector.broadcast %add3A_391 : i32 to vector<16xi32>
      %gather3A_393 = tpu.vector_load_idx %arg10[%broadcast_in_dim3A_310, %broadcast_in_dim3A_392] : memref<10x1024xf32, #tpu.memory_space<vmem>>[vector<16xi32>, vector<16xi32>], vector<16xf32>,
      %add3A_394 = arith.constant 2 : i32
      %add3A_395 = arith.addi %mul3A_362, %add3A_394 : i32
      %get3A_396 = arith.index_cast %add3A_395 : i32 to index
      %get3A_397 = arith.constant 0 : index
      %get3A_398 = tpu.vector_load %arg12[%get3A_396, %get3A_397] {strides = array<i32>} : memref<1024x16xf32, #tpu.memory_space<vmem>>, vector<16xf32>,
      %mul3A_399 = arith.mulf %get3A_398, %gather3A_393 : vector<16xf32>
      %add3A_400 = arith.constant 2 : i32
      %add3A_401 = arith.addi %mul3A_362, %add3A_400 : i32
      %swap3A_402 = arith.index_cast %add3A_401 : i32 to index
      %swap3A_403 = arith.constant 0 : index
      %swap3A_404 = tpu.vector_load %arg12[%swap3A_402, %swap3A_403] {strides = array<i32>} : memref<1024x16xf32, #tpu.memory_space<vmem>>, vector<16xf32>,
      tpu.vector_store %arg12[%swap3A_402, %swap3A_403], %mul3A_399 {strides = array<i32>} : memref<1024x16xf32, #tpu.memory_space<vmem>>, vector<16xf32>,
      %add3A_405 = arith.constant 3 : i32
      %add3A_406 = arith.addi %mul3A_362, %add3A_405 : i32
      %broadcast_in_dim3A_407 = vector.broadcast %add3A_406 : i32 to vector<16xi32>
      %gather3A_408 = tpu.vector_load_idx %arg10[%broadcast_in_dim3A_310, %broadcast_in_dim3A_407] : memref<10x1024xf32, #tpu.memory_space<vmem>>[vector<16xi32>, vector<16xi32>], vector<16xf32>,
      %add3A_409 = arith.constant 3 : i32
      %add3A_410 = arith.addi %mul3A_362, %add3A_409 : i32
      %get3A_411 = arith.index_cast %add3A_410 : i32 to index
      %get3A_412 = arith.constant 0 : index
      %get3A_413 = tpu.vector_load %arg12[%get3A_411, %get3A_412] {strides = array<i32>} : memref<1024x16xf32, #tpu.memory_space<vmem>>, vector<16xf32>,
      %mul3A_414 = arith.mulf %get3A_413, %gather3A_408 : vector<16xf32>
      %add3A_415 = arith.constant 3 : i32
      %add3A_416 = arith.addi %mul3A_362, %add3A_415 : i32
      %swap3A_417 = arith.index_cast %add3A_416 : i32 to index
      %swap3A_418 = arith.constant 0 : index
      %swap3A_419 = tpu.vector_load %arg12[%swap3A_417, %swap3A_418] {strides = array<i32>} : memref<1024x16xf32, #tpu.memory_space<vmem>>, vector<16xf32>,
      tpu.vector_store %arg12[%swap3A_417, %swap3A_418], %mul3A_414 {strides = array<i32>} : memref<1024x16xf32, #tpu.memory_space<vmem>>, vector<16xf32>,
    }
    %scan3A_315 = arith.constant 256 : i32
    %dma_start3A_316 = arith.constant 9 : i32
    %dma_start3A_317 = arith.constant 0 : i32
    %dma_start3A_318 = tpu.memref_slice %arg9[%dma_start3A_316, %dma_start3A_317] : memref<10x1024xi32, #tpu.memory_space<vmem>> -> memref<1x1024xi32, #tpu.memory_space<vmem>>
    %dma_start3A_319 = tpu.memref_squeeze %dma_start3A_318 : memref<1x1024xi32, #tpu.memory_space<vmem>> -> memref<1024xi32, #tpu.memory_space<vmem>>
    %dma_start3A_320 = arith.constant 0 : i32
    %dma_start3A_321 = arith.constant 0 : i32
    %dma_start3A_322 = tpu.memref_slice %arg15[%dma_start3A_320, %dma_start3A_321] : memref<10240x16xf32, #tpu.memory_space<vmem_shared>> -> memref<10240x16xf32, #tpu.memory_space<vmem_shared>>
    tpu.enqueue_indirect_dma source(%arg12 : memref<1024x16xf32, #tpu.memory_space<vmem>>) target(%dma_start3A_322 : memref<10240x16xf32, #tpu.memory_space<vmem_shared>>) offsets(%dma_start3A_319 : memref<1024xi32, #tpu.memory_space<vmem>>) semaphore(%arg21 : memref<!tpu.dma_semaphore, #tpu.memory_space<semaphore_mem>>) {add = true}
    %dma_wait3A_323 = arith.constant 6 : i32
    %dma_wait3A_324 = arith.constant 0 : i32
    %dma_wait3A_325 = tpu.memref_slice %arg9[%dma_wait3A_323, %dma_wait3A_324] : memref<10x1024xi32, #tpu.memory_space<vmem>> -> memref<1x1024xi32, #tpu.memory_space<vmem>>
    %dma_wait3A_326 = tpu.memref_squeeze %dma_wait3A_325 : memref<1x1024xi32, #tpu.memory_space<vmem>> -> memref<1024xi32, #tpu.memory_space<vmem>>
    %dma_wait3A_327 = arith.constant 0 : i32
    %dma_wait3A_328 = arith.constant 0 : i32
    %dma_wait3A_329 = tpu.memref_slice %arg15[%dma_wait3A_327, %dma_wait3A_328] : memref<10240x16xf32, #tpu.memory_space<vmem_shared>> -> memref<10240x16xf32, #tpu.memory_space<vmem_shared>>
    tpu.wait_indirect_dma semaphore(%arg22 : memref<!tpu.dma_semaphore, #tpu.memory_space<semaphore_mem>>) src(%arg13 : memref<1024x16xf32, #tpu.memory_space<vmem>>) dst(%dma_wait3A_329 : memref<10240x16xf32, #tpu.memory_space<vmem_shared>>)
    %dma_wait3A_330 = arith.constant 7 : i32
    %dma_wait3A_331 = arith.constant 0 : i32
    %dma_wait3A_332 = tpu.memref_slice %arg9[%dma_wait3A_330, %dma_wait3A_331] : memref<10x1024xi32, #tpu.memory_space<vmem>> -> memref<1x1024xi32, #tpu.memory_space<vmem>>
    %dma_wait3A_333 = tpu.memref_squeeze %dma_wait3A_332 : memref<1x1024xi32, #tpu.memory_space<vmem>> -> memref<1024xi32, #tpu.memory_space<vmem>>
    %dma_wait3A_334 = arith.constant 0 : i32
    %dma_wait3A_335 = arith.constant 0 : i32
    %dma_wait3A_336 = tpu.memref_slice %arg15[%dma_wait3A_334, %dma_wait3A_335] : memref<10240x16xf32, #tpu.memory_space<vmem_shared>> -> memref<10240x16xf32, #tpu.memory_space<vmem_shared>>
    tpu.wait_indirect_dma semaphore(%arg23 : memref<!tpu.dma_semaphore, #tpu.memory_space<semaphore_mem>>) src(%arg14 : memref<1024x16xf32, #tpu.memory_space<vmem>>) dst(%dma_wait3A_336 : memref<10240x16xf32, #tpu.memory_space<vmem_shared>>)
    %dma_wait3A_337 = arith.constant 8 : i32
    %dma_wait3A_338 = arith.constant 0 : i32
    %dma_wait3A_339 = tpu.memref_slice %arg9[%dma_wait3A_337, %dma_wait3A_338] : memref<10x1024xi32, #tpu.memory_space<vmem>> -> memref<1x1024xi32, #tpu.memory_space<vmem>>
    %dma_wait3A_340 = tpu.memref_squeeze %dma_wait3A_339 : memref<1x1024xi32, #tpu.memory_space<vmem>> -> memref<1024xi32, #tpu.memory_space<vmem>>
    %dma_wait3A_341 = arith.constant 0 : i32
    %dma_wait3A_342 = arith.constant 0 : i32
    %dma_wait3A_343 = tpu.memref_slice %arg15[%dma_wait3A_341, %dma_wait3A_342] : memref<10240x16xf32, #tpu.memory_space<vmem_shared>> -> memref<10240x16xf32, #tpu.memory_space<vmem_shared>>
    tpu.wait_indirect_dma semaphore(%arg20 : memref<!tpu.dma_semaphore, #tpu.memory_space<semaphore_mem>>) src(%arg11 : memref<1024x16xf32, #tpu.memory_space<vmem>>) dst(%dma_wait3A_343 : memref<10240x16xf32, #tpu.memory_space<vmem_shared>>)
    %dma_wait3A_344 = arith.constant 9 : i32
    %dma_wait3A_345 = arith.constant 0 : i32
    %dma_wait3A_346 = tpu.memref_slice %arg9[%dma_wait3A_344, %dma_wait3A_345] : memref<10x1024xi32, #tpu.memory_space<vmem>> -> memref<1x1024xi32, #tpu.memory_space<vmem>>
    %dma_wait3A_347 = tpu.memref_squeeze %dma_wait3A_346 : memref<1x1024xi32, #tpu.memory_space<vmem>> -> memref<1024xi32, #tpu.memory_space<vmem>>
    %dma_wait3A_348 = arith.constant 0 : i32
    %dma_wait3A_349 = arith.constant 0 : i32
    %dma_wait3A_350 = tpu.memref_slice %arg15[%dma_wait3A_348, %dma_wait3A_349] : memref<10240x16xf32, #tpu.memory_space<vmem_shared>> -> memref<10240x16xf32, #tpu.memory_space<vmem_shared>>
    tpu.wait_indirect_dma semaphore(%arg21 : memref<!tpu.dma_semaphore, #tpu.memory_space<semaphore_mem>>) src(%arg12 : memref<1024x16xf32, #tpu.memory_space<vmem>>) dst(%dma_wait3A_350 : memref<10240x16xf32, #tpu.memory_space<vmem_shared>>)
    %barrier3A_351 = arith.constant 0 : index
    tpu.barrier barrier_id(%barrier3A_351)
    %mul3A_352 = arith.constant 640 : i32
    %mul3A_353 = arith.muli %arg1, %mul3A_352 : i32
    %mul3A_354 = arith.constant 640 : i32
    %mul3A_355 = arith.muli %arg1, %mul3A_354 : i32
    "tpu.region"() ({
      %run_scoped3A = tpu.sem_alloc : memref<!tpu.dma_semaphore, #tpu.memory_space<semaphore_mem>>
      %dma_start3A_356 = arith.constant 0 : i32
      %dma_start3A_357 = tpu.memref_slice %arg7[%arg0, %mul3A_355, %dma_start3A_356] : memref<2x10240x16xf32, #tpu.memory_space<hbm>> -> memref<1x640x16xf32, #tpu.memory_space<hbm>>
      %dma_start3A_358 = tpu.memref_squeeze %dma_start3A_357 : memref<1x640x16xf32, #tpu.memory_space<hbm>> -> memref<640x16xf32, #tpu.memory_space<hbm>>
      %dma_start3A_359 = arith.constant 0 : i32
      %dma_start3A_360 = tpu.memref_slice %arg15[%mul3A_353, %dma_start3A_359] : memref<10240x16xf32, #tpu.memory_space<vmem_shared>> -> memref<640x16xf32, #tpu.memory_space<vmem_shared>>
      tpu.enqueue_dma source(%dma_start3A_360 : memref<640x16xf32, #tpu.memory_space<vmem_shared>>) target(%dma_start3A_358 : memref<640x16xf32, #tpu.memory_space<hbm>>) target_semaphore(%run_scoped3A : memref<!tpu.dma_semaphore, #tpu.memory_space<semaphore_mem>>)
      %dma_wait3A_361 = arith.constant 0 : i32
      %dma_wait3A_362 = tpu.memref_slice %arg7[%arg0, %mul3A_355, %dma_wait3A_361] : memref<2x10240x16xf32, #tpu.memory_space<hbm>> -> memref<1x640x16xf32, #tpu.memory_space<hbm>>
      %dma_wait3A_363 = tpu.memref_squeeze %dma_wait3A_362 : memref<1x640x16xf32, #tpu.memory_space<hbm>> -> memref<640x16xf32, #tpu.memory_space<hbm>>
      %dma_wait3A_364 = arith.constant 0 : i32
      %dma_wait3A_365 = tpu.memref_slice %arg15[%mul3A_353, %dma_wait3A_364] : memref<10240x16xf32, #tpu.memory_space<vmem_shared>> -> memref<640x16xf32, #tpu.memory_space<vmem_shared>>
      tpu.wait_dma2 semaphore(%run_scoped3A : memref<!tpu.dma_semaphore, #tpu.memory_space<semaphore_mem>>) src(%dma_wait3A_365 : memref<640x16xf32, #tpu.memory_space<vmem_shared>>) dst(%dma_wait3A_363 : memref<640x16xf32, #tpu.memory_space<hbm>>)
      tpu.yield
    }) : () -> ()
    return
  }
}

#map = affine_map<(d0, d1) -> (0, 0, 0)>
#map1 = affine_map<(d0, d1) -> (0, 0)>
module attributes {stable_mosaic.version = 14 : i64} {
  func.func @k(%arg0: i32, %arg1: i32, %arg2: memref<32x10x1024xi32, #tpu.memory_space<hbm>>, %arg3: memref<32x10x1024xf32, #tpu.memory_space<hbm>>, %arg4: memref<10240x16xf32, #tpu.memory_space<hbm>>, %arg5: memref<2x10240x16xf32, #tpu.memory_space<hbm>>, %arg6: memref<10x1024xi32, #tpu.memory_space<vmem>>, %arg7: memref<10x1024xf32, #tpu.memory_space<vmem>>, %arg8: memref<1024x16xf32, #tpu.memory_space<vmem>>, %arg9: memref<1024x16xf32, #tpu.memory_space<vmem>>, %arg10: memref<10240x16xf32, #tpu.memory_space<vmem_shared>>, %arg11: memref<!tpu.dma_semaphore, #tpu.memory_space<semaphore_mem>>, %arg12: memref<!tpu.dma_semaphore, #tpu.memory_space<semaphore_mem>>) attributes {dimension_semantics = [#tpu.dimension_semantics<core_parallel>, #tpu.dimension_semantics<subcore_parallel>], iteration_bounds = array<i64: 2, 16>, scalar_prefetch = 0 : i64, scratch_operands = 7 : i64, tpu.core_type = #tpu.core_type<sc_vector_subcore>, window_params = [{transform_indices = #map}, {transform_indices = #map}, {transform_indices = #map1}, {transform_indices = #map}]} {
    %mul3A = arith.constant 16 : i32
    %mul3A_0 = arith.muli %arg0, %mul3A : i32
    %add3A = arith.addi %mul3A_0, %arg1 : i32
    %mul3A_1 = arith.constant 640 : i32
    %mul3A_2 = arith.muli %arg1, %mul3A_1 : i32
    %mul3A_3 = arith.constant 640 : i32
    %mul3A_4 = arith.muli %arg1, %mul3A_3 : i32
    "tpu.region"() ({
      %run_scoped3A = tpu.sem_alloc : memref<!tpu.dma_semaphore, #tpu.memory_space<semaphore_mem>>
      %dma_start3A_230 = arith.constant 0 : i32
      %dma_start3A_231 = tpu.memref_slice %arg10[%mul3A_4, %dma_start3A_230] : memref<10240x16xf32, #tpu.memory_space<vmem_shared>> -> memref<640x16xf32, #tpu.memory_space<vmem_shared>>
      %dma_start3A_232 = arith.constant 0 : i32
      %dma_start3A_233 = tpu.memref_slice %arg4[%mul3A_2, %dma_start3A_232] : memref<10240x16xf32, #tpu.memory_space<hbm>> -> memref<640x16xf32, #tpu.memory_space<hbm>>
      tpu.enqueue_dma source(%dma_start3A_233 : memref<640x16xf32, #tpu.memory_space<hbm>>) target(%dma_start3A_231 : memref<640x16xf32, #tpu.memory_space<vmem_shared>>) target_semaphore(%run_scoped3A : memref<!tpu.dma_semaphore, #tpu.memory_space<semaphore_mem>>)
      %dma_wait3A_234 = arith.constant 0 : i32
      %dma_wait3A_235 = tpu.memref_slice %arg10[%mul3A_4, %dma_wait3A_234] : memref<10240x16xf32, #tpu.memory_space<vmem_shared>> -> memref<640x16xf32, #tpu.memory_space<vmem_shared>>
      %dma_wait3A_236 = arith.constant 0 : i32
      %dma_wait3A_237 = tpu.memref_slice %arg4[%mul3A_2, %dma_wait3A_236] : memref<10240x16xf32, #tpu.memory_space<hbm>> -> memref<640x16xf32, #tpu.memory_space<hbm>>
      tpu.wait_dma2 semaphore(%run_scoped3A : memref<!tpu.dma_semaphore, #tpu.memory_space<semaphore_mem>>) src(%dma_wait3A_237 : memref<640x16xf32, #tpu.memory_space<hbm>>) dst(%dma_wait3A_235 : memref<640x16xf32, #tpu.memory_space<vmem_shared>>)
      tpu.yield
    }) : () -> ()
    "tpu.region"() ({
      %run_scoped3A = tpu.sem_alloc : memref<!tpu.dma_semaphore, #tpu.memory_space<semaphore_mem>>
      %dma_start3A_230 = arith.constant 0 : i32
      %dma_start3A_231 = arith.constant 0 : i32
      %dma_start3A_232 = tpu.memref_slice %arg2[%add3A, %dma_start3A_230, %dma_start3A_231] : memref<32x10x1024xi32, #tpu.memory_space<hbm>> -> memref<1x10x1024xi32, #tpu.memory_space<hbm>>
      %dma_start3A_233 = tpu.memref_squeeze %dma_start3A_232 : memref<1x10x1024xi32, #tpu.memory_space<hbm>> -> memref<10x1024xi32, #tpu.memory_space<hbm>>
      %dma_start3A_234 = arith.constant 0 : i32
      %dma_start3A_235 = arith.constant 0 : i32
      %dma_start3A_236 = tpu.memref_slice %arg2[%add3A, %dma_start3A_234, %dma_start3A_235] : memref<32x10x1024xi32, #tpu.memory_space<hbm>> -> memref<1x10x1024xi32, #tpu.memory_space<hbm>>
      %dma_start3A_237 = tpu.memref_squeeze %dma_start3A_236 : memref<1x10x1024xi32, #tpu.memory_space<hbm>> -> memref<10x1024xi32, #tpu.memory_space<hbm>>
      tpu.enqueue_dma source(%dma_start3A_237 : memref<10x1024xi32, #tpu.memory_space<hbm>>) target(%arg6 : memref<10x1024xi32, #tpu.memory_space<vmem>>) target_semaphore(%run_scoped3A : memref<!tpu.dma_semaphore, #tpu.memory_space<semaphore_mem>>)
      %dma_wait3A_238 = arith.constant 0 : i32
      %dma_wait3A_239 = arith.constant 0 : i32
      %dma_wait3A_240 = tpu.memref_slice %arg2[%add3A, %dma_wait3A_238, %dma_wait3A_239] : memref<32x10x1024xi32, #tpu.memory_space<hbm>> -> memref<1x10x1024xi32, #tpu.memory_space<hbm>>
      %dma_wait3A_241 = tpu.memref_squeeze %dma_wait3A_240 : memref<1x10x1024xi32, #tpu.memory_space<hbm>> -> memref<10x1024xi32, #tpu.memory_space<hbm>>
      %dma_wait3A_242 = arith.constant 0 : i32
      %dma_wait3A_243 = arith.constant 0 : i32
      %dma_wait3A_244 = tpu.memref_slice %arg2[%add3A, %dma_wait3A_242, %dma_wait3A_243] : memref<32x10x1024xi32, #tpu.memory_space<hbm>> -> memref<1x10x1024xi32, #tpu.memory_space<hbm>>
      %dma_wait3A_245 = tpu.memref_squeeze %dma_wait3A_244 : memref<1x10x1024xi32, #tpu.memory_space<hbm>> -> memref<10x1024xi32, #tpu.memory_space<hbm>>
      tpu.wait_dma2 semaphore(%run_scoped3A : memref<!tpu.dma_semaphore, #tpu.memory_space<semaphore_mem>>) src(%dma_wait3A_245 : memref<10x1024xi32, #tpu.memory_space<hbm>>) dst(%arg6 : memref<10x1024xi32, #tpu.memory_space<vmem>>)
      tpu.yield
    }) : () -> ()
    "tpu.region"() ({
      %run_scoped3A = tpu.sem_alloc : memref<!tpu.dma_semaphore, #tpu.memory_space<semaphore_mem>>
      %dma_start3A_230 = arith.constant 0 : i32
      %dma_start3A_231 = arith.constant 0 : i32
      %dma_start3A_232 = tpu.memref_slice %arg3[%add3A, %dma_start3A_230, %dma_start3A_231] : memref<32x10x1024xf32, #tpu.memory_space<hbm>> -> memref<1x10x1024xf32, #tpu.memory_space<hbm>>
      %dma_start3A_233 = tpu.memref_squeeze %dma_start3A_232 : memref<1x10x1024xf32, #tpu.memory_space<hbm>> -> memref<10x1024xf32, #tpu.memory_space<hbm>>
      %dma_start3A_234 = arith.constant 0 : i32
      %dma_start3A_235 = arith.constant 0 : i32
      %dma_start3A_236 = tpu.memref_slice %arg3[%add3A, %dma_start3A_234, %dma_start3A_235] : memref<32x10x1024xf32, #tpu.memory_space<hbm>> -> memref<1x10x1024xf32, #tpu.memory_space<hbm>>
      %dma_start3A_237 = tpu.memref_squeeze %dma_start3A_236 : memref<1x10x1024xf32, #tpu.memory_space<hbm>> -> memref<10x1024xf32, #tpu.memory_space<hbm>>
      tpu.enqueue_dma source(%dma_start3A_237 : memref<10x1024xf32, #tpu.memory_space<hbm>>) target(%arg7 : memref<10x1024xf32, #tpu.memory_space<vmem>>) target_semaphore(%run_scoped3A : memref<!tpu.dma_semaphore, #tpu.memory_space<semaphore_mem>>)
      %dma_wait3A_238 = arith.constant 0 : i32
      %dma_wait3A_239 = arith.constant 0 : i32
      %dma_wait3A_240 = tpu.memref_slice %arg3[%add3A, %dma_wait3A_238, %dma_wait3A_239] : memref<32x10x1024xf32, #tpu.memory_space<hbm>> -> memref<1x10x1024xf32, #tpu.memory_space<hbm>>
      %dma_wait3A_241 = tpu.memref_squeeze %dma_wait3A_240 : memref<1x10x1024xf32, #tpu.memory_space<hbm>> -> memref<10x1024xf32, #tpu.memory_space<hbm>>
      %dma_wait3A_242 = arith.constant 0 : i32
      %dma_wait3A_243 = arith.constant 0 : i32
      %dma_wait3A_244 = tpu.memref_slice %arg3[%add3A, %dma_wait3A_242, %dma_wait3A_243] : memref<32x10x1024xf32, #tpu.memory_space<hbm>> -> memref<1x10x1024xf32, #tpu.memory_space<hbm>>
      %dma_wait3A_245 = tpu.memref_squeeze %dma_wait3A_244 : memref<1x10x1024xf32, #tpu.memory_space<hbm>> -> memref<10x1024xf32, #tpu.memory_space<hbm>>
      tpu.wait_dma2 semaphore(%run_scoped3A : memref<!tpu.dma_semaphore, #tpu.memory_space<semaphore_mem>>) src(%dma_wait3A_245 : memref<10x1024xf32, #tpu.memory_space<hbm>>) dst(%arg7 : memref<10x1024xf32, #tpu.memory_space<vmem>>)
      tpu.yield
    }) : () -> ()
    %broadcast_in_dim3A = arith.constant 0.000000e+00 : f32
    %broadcast_in_dim3A_5 = vector.broadcast %broadcast_in_dim3A : f32 to vector<16xf32>
    %scan3A = arith.constant 0 : i32
    %scan3A_6 = arith.constant 1024 : i32
    %scan3A_7 = arith.addi %scan3A, %scan3A_6 : i32
    %scan3A_8 = arith.constant 1 : i32
    scf.for %scan3A_230 = %scan3A to %scan3A_7 step %scan3A_8  : i32 {
      %mul3A_231 = arith.constant 1 : i32
      %mul3A_232 = arith.muli %scan3A_230, %mul3A_231 : i32
      %add3A_233 = arith.constant 0 : i32
      %add3A_234 = arith.addi %add3A_233, %mul3A_232 : i32
      %swap3A = arith.index_cast %add3A_234 : i32 to index
      %swap3A_235 = arith.constant 0 : index
      %swap3A_236 = tpu.vector_load %arg8[%swap3A, %swap3A_235] {strides = array<i32>} : memref<1024x16xf32, #tpu.memory_space<vmem>>, vector<16xf32>,
      tpu.vector_store %arg8[%swap3A, %swap3A_235], %broadcast_in_dim3A_5 {strides = array<i32>} : memref<1024x16xf32, #tpu.memory_space<vmem>>, vector<16xf32>,
    }
    %scan3A_9 = arith.constant 1024 : i32
    %scan3A_10 = arith.constant 0 : i32
    %scan3A_11 = arith.constant 1024 : i32
    %scan3A_12 = arith.addi %scan3A_10, %scan3A_11 : i32
    %scan3A_13 = arith.constant 1 : i32
    scf.for %scan3A_230 = %scan3A_10 to %scan3A_12 step %scan3A_13  : i32 {
      %mul3A_231 = arith.constant 1 : i32
      %mul3A_232 = arith.muli %scan3A_230, %mul3A_231 : i32
      %add3A_233 = arith.constant 0 : i32
      %add3A_234 = arith.addi %add3A_233, %mul3A_232 : i32
      %swap3A = arith.index_cast %add3A_234 : i32 to index
      %swap3A_235 = arith.constant 0 : index
      %swap3A_236 = tpu.vector_load %arg9[%swap3A, %swap3A_235] {strides = array<i32>} : memref<1024x16xf32, #tpu.memory_space<vmem>>, vector<16xf32>,
      tpu.vector_store %arg9[%swap3A, %swap3A_235], %broadcast_in_dim3A_5 {strides = array<i32>} : memref<1024x16xf32, #tpu.memory_space<vmem>>, vector<16xf32>,
    }
    %scan3A_14 = arith.constant 1024 : i32
    %barrier3A = arith.constant 0 : index
    tpu.barrier barrier_id(%barrier3A)
    %iota3A = tpu.iota {dimensions = array<i32: 0>} : vector<16xi32>
    %broadcast_in_dim3A_15 = arith.constant 0 : i32
    %broadcast_in_dim3A_16 = vector.broadcast %broadcast_in_dim3A_15 : i32 to vector<16xi32>
    %broadcast_in_dim3A_17 = arith.constant 0 : i32
    %broadcast_in_dim3A_18 = vector.broadcast %broadcast_in_dim3A_17 : i32 to vector<16xi32>
    %scan3A_19 = arith.constant 0 : i32
    %scan3A_20 = arith.constant 64 : i32
    %scan3A_21 = arith.addi %scan3A_19, %scan3A_20 : i32
    %scan3A_22 = arith.constant 1 : i32
    scf.for %scan3A_230 = %scan3A_19 to %scan3A_21 step %scan3A_22  : i32 {
      %mul3A_231 = arith.constant 1 : i32
      %mul3A_232 = arith.muli %scan3A_230, %mul3A_231 : i32
      %add3A_233 = arith.constant 0 : i32
      %add3A_234 = arith.addi %add3A_233, %mul3A_232 : i32
      %mul3A_235 = arith.constant 16 : i32
      %mul3A_236 = arith.muli %add3A_234, %mul3A_235 : i32
      %add3A_237 = vector.broadcast %mul3A_236 : i32 to vector<16xi32>
      %add3A_238 = arith.addi %iota3A, %add3A_237 : vector<16xi32>
      %gather3A = tpu.vector_load_idx %arg7[%broadcast_in_dim3A_18, %add3A_238] : memref<10x1024xf32, #tpu.memory_space<vmem>>[vector<16xi32>, vector<16xi32>], vector<16xf32>,
      %mul3A_239 = arith.constant 16 : i32
      %mul3A_240 = arith.muli %add3A_234, %mul3A_239 : i32
      %add3A_241 = vector.broadcast %mul3A_240 : i32 to vector<16xi32>
      %add3A_242 = arith.addi %iota3A, %add3A_241 : vector<16xi32>
      tpu.vector_store_idx %arg8[%add3A_242, %broadcast_in_dim3A_16], %gather3A : memref<1024x16xf32, #tpu.memory_space<vmem>>[vector<16xi32>, vector<16xi32>], vector<16xf32>,
    }
    %scan3A_23 = arith.constant 64 : i32
    %dma_start3A = arith.constant 0 : i32
    %dma_start3A_24 = arith.constant 0 : i32
    %dma_start3A_25 = tpu.memref_slice %arg6[%dma_start3A, %dma_start3A_24] : memref<10x1024xi32, #tpu.memory_space<vmem>> -> memref<1x1024xi32, #tpu.memory_space<vmem>>
    %dma_start3A_26 = tpu.memref_squeeze %dma_start3A_25 : memref<1x1024xi32, #tpu.memory_space<vmem>> -> memref<1024xi32, #tpu.memory_space<vmem>>
    %dma_start3A_27 = arith.constant 0 : i32
    %dma_start3A_28 = arith.constant 0 : i32
    %dma_start3A_29 = tpu.memref_slice %arg10[%dma_start3A_27, %dma_start3A_28] : memref<10240x16xf32, #tpu.memory_space<vmem_shared>> -> memref<10240x16xf32, #tpu.memory_space<vmem_shared>>
    tpu.enqueue_indirect_dma source(%arg8 : memref<1024x16xf32, #tpu.memory_space<vmem>>) target(%dma_start3A_29 : memref<10240x16xf32, #tpu.memory_space<vmem_shared>>) offsets(%dma_start3A_26 : memref<1024xi32, #tpu.memory_space<vmem>>) semaphore(%arg11 : memref<!tpu.dma_semaphore, #tpu.memory_space<semaphore_mem>>) {add = true}
    %broadcast_in_dim3A_30 = arith.constant 1 : i32
    %broadcast_in_dim3A_31 = vector.broadcast %broadcast_in_dim3A_30 : i32 to vector<16xi32>
    %scan3A_32 = arith.constant 0 : i32
    %scan3A_33 = arith.constant 64 : i32
    %scan3A_34 = arith.addi %scan3A_32, %scan3A_33 : i32
    %scan3A_35 = arith.constant 1 : i32
    scf.for %scan3A_230 = %scan3A_32 to %scan3A_34 step %scan3A_35  : i32 {
      %mul3A_231 = arith.constant 1 : i32
      %mul3A_232 = arith.muli %scan3A_230, %mul3A_231 : i32
      %add3A_233 = arith.constant 0 : i32
      %add3A_234 = arith.addi %add3A_233, %mul3A_232 : i32
      %mul3A_235 = arith.constant 16 : i32
      %mul3A_236 = arith.muli %add3A_234, %mul3A_235 : i32
      %add3A_237 = vector.broadcast %mul3A_236 : i32 to vector<16xi32>
      %add3A_238 = arith.addi %iota3A, %add3A_237 : vector<16xi32>
      %gather3A = tpu.vector_load_idx %arg7[%broadcast_in_dim3A_31, %add3A_238] : memref<10x1024xf32, #tpu.memory_space<vmem>>[vector<16xi32>, vector<16xi32>], vector<16xf32>,
      %mul3A_239 = arith.constant 16 : i32
      %mul3A_240 = arith.muli %add3A_234, %mul3A_239 : i32
      %add3A_241 = vector.broadcast %mul3A_240 : i32 to vector<16xi32>
      %add3A_242 = arith.addi %iota3A, %add3A_241 : vector<16xi32>
      tpu.vector_store_idx %arg9[%add3A_242, %broadcast_in_dim3A_16], %gather3A : memref<1024x16xf32, #tpu.memory_space<vmem>>[vector<16xi32>, vector<16xi32>], vector<16xf32>,
    }
    %scan3A_36 = arith.constant 64 : i32
    %dma_start3A_37 = arith.constant 1 : i32
    %dma_start3A_38 = arith.constant 0 : i32
    %dma_start3A_39 = tpu.memref_slice %arg6[%dma_start3A_37, %dma_start3A_38] : memref<10x1024xi32, #tpu.memory_space<vmem>> -> memref<1x1024xi32, #tpu.memory_space<vmem>>
    %dma_start3A_40 = tpu.memref_squeeze %dma_start3A_39 : memref<1x1024xi32, #tpu.memory_space<vmem>> -> memref<1024xi32, #tpu.memory_space<vmem>>
    %dma_start3A_41 = arith.constant 0 : i32
    %dma_start3A_42 = arith.constant 0 : i32
    %dma_start3A_43 = tpu.memref_slice %arg10[%dma_start3A_41, %dma_start3A_42] : memref<10240x16xf32, #tpu.memory_space<vmem_shared>> -> memref<10240x16xf32, #tpu.memory_space<vmem_shared>>
    tpu.enqueue_indirect_dma source(%arg9 : memref<1024x16xf32, #tpu.memory_space<vmem>>) target(%dma_start3A_43 : memref<10240x16xf32, #tpu.memory_space<vmem_shared>>) offsets(%dma_start3A_40 : memref<1024xi32, #tpu.memory_space<vmem>>) semaphore(%arg12 : memref<!tpu.dma_semaphore, #tpu.memory_space<semaphore_mem>>) {add = true}
    %dma_wait3A = arith.constant 0 : i32
    %dma_wait3A_44 = arith.constant 0 : i32
    %dma_wait3A_45 = tpu.memref_slice %arg6[%dma_wait3A, %dma_wait3A_44] : memref<10x1024xi32, #tpu.memory_space<vmem>> -> memref<1x1024xi32, #tpu.memory_space<vmem>>
    %dma_wait3A_46 = tpu.memref_squeeze %dma_wait3A_45 : memref<1x1024xi32, #tpu.memory_space<vmem>> -> memref<1024xi32, #tpu.memory_space<vmem>>
    %dma_wait3A_47 = arith.constant 0 : i32
    %dma_wait3A_48 = arith.constant 0 : i32
    %dma_wait3A_49 = tpu.memref_slice %arg10[%dma_wait3A_47, %dma_wait3A_48] : memref<10240x16xf32, #tpu.memory_space<vmem_shared>> -> memref<10240x16xf32, #tpu.memory_space<vmem_shared>>
    tpu.wait_indirect_dma semaphore(%arg11 : memref<!tpu.dma_semaphore, #tpu.memory_space<semaphore_mem>>) src(%arg8 : memref<1024x16xf32, #tpu.memory_space<vmem>>) dst(%dma_wait3A_49 : memref<10240x16xf32, #tpu.memory_space<vmem_shared>>)
    %broadcast_in_dim3A_50 = arith.constant 2 : i32
    %broadcast_in_dim3A_51 = vector.broadcast %broadcast_in_dim3A_50 : i32 to vector<16xi32>
    %scan3A_52 = arith.constant 0 : i32
    %scan3A_53 = arith.constant 64 : i32
    %scan3A_54 = arith.addi %scan3A_52, %scan3A_53 : i32
    %scan3A_55 = arith.constant 1 : i32
    scf.for %scan3A_230 = %scan3A_52 to %scan3A_54 step %scan3A_55  : i32 {
      %mul3A_231 = arith.constant 1 : i32
      %mul3A_232 = arith.muli %scan3A_230, %mul3A_231 : i32
      %add3A_233 = arith.constant 0 : i32
      %add3A_234 = arith.addi %add3A_233, %mul3A_232 : i32
      %mul3A_235 = arith.constant 16 : i32
      %mul3A_236 = arith.muli %add3A_234, %mul3A_235 : i32
      %add3A_237 = vector.broadcast %mul3A_236 : i32 to vector<16xi32>
      %add3A_238 = arith.addi %iota3A, %add3A_237 : vector<16xi32>
      %gather3A = tpu.vector_load_idx %arg7[%broadcast_in_dim3A_51, %add3A_238] : memref<10x1024xf32, #tpu.memory_space<vmem>>[vector<16xi32>, vector<16xi32>], vector<16xf32>,
      %mul3A_239 = arith.constant 16 : i32
      %mul3A_240 = arith.muli %add3A_234, %mul3A_239 : i32
      %add3A_241 = vector.broadcast %mul3A_240 : i32 to vector<16xi32>
      %add3A_242 = arith.addi %iota3A, %add3A_241 : vector<16xi32>
      tpu.vector_store_idx %arg8[%add3A_242, %broadcast_in_dim3A_16], %gather3A : memref<1024x16xf32, #tpu.memory_space<vmem>>[vector<16xi32>, vector<16xi32>], vector<16xf32>,
    }
    %scan3A_56 = arith.constant 64 : i32
    %dma_start3A_57 = arith.constant 2 : i32
    %dma_start3A_58 = arith.constant 0 : i32
    %dma_start3A_59 = tpu.memref_slice %arg6[%dma_start3A_57, %dma_start3A_58] : memref<10x1024xi32, #tpu.memory_space<vmem>> -> memref<1x1024xi32, #tpu.memory_space<vmem>>
    %dma_start3A_60 = tpu.memref_squeeze %dma_start3A_59 : memref<1x1024xi32, #tpu.memory_space<vmem>> -> memref<1024xi32, #tpu.memory_space<vmem>>
    %dma_start3A_61 = arith.constant 0 : i32
    %dma_start3A_62 = arith.constant 0 : i32
    %dma_start3A_63 = tpu.memref_slice %arg10[%dma_start3A_61, %dma_start3A_62] : memref<10240x16xf32, #tpu.memory_space<vmem_shared>> -> memref<10240x16xf32, #tpu.memory_space<vmem_shared>>
    tpu.enqueue_indirect_dma source(%arg8 : memref<1024x16xf32, #tpu.memory_space<vmem>>) target(%dma_start3A_63 : memref<10240x16xf32, #tpu.memory_space<vmem_shared>>) offsets(%dma_start3A_60 : memref<1024xi32, #tpu.memory_space<vmem>>) semaphore(%arg11 : memref<!tpu.dma_semaphore, #tpu.memory_space<semaphore_mem>>) {add = true}
    %dma_wait3A_64 = arith.constant 1 : i32
    %dma_wait3A_65 = arith.constant 0 : i32
    %dma_wait3A_66 = tpu.memref_slice %arg6[%dma_wait3A_64, %dma_wait3A_65] : memref<10x1024xi32, #tpu.memory_space<vmem>> -> memref<1x1024xi32, #tpu.memory_space<vmem>>
    %dma_wait3A_67 = tpu.memref_squeeze %dma_wait3A_66 : memref<1x1024xi32, #tpu.memory_space<vmem>> -> memref<1024xi32, #tpu.memory_space<vmem>>
    %dma_wait3A_68 = arith.constant 0 : i32
    %dma_wait3A_69 = arith.constant 0 : i32
    %dma_wait3A_70 = tpu.memref_slice %arg10[%dma_wait3A_68, %dma_wait3A_69] : memref<10240x16xf32, #tpu.memory_space<vmem_shared>> -> memref<10240x16xf32, #tpu.memory_space<vmem_shared>>
    tpu.wait_indirect_dma semaphore(%arg12 : memref<!tpu.dma_semaphore, #tpu.memory_space<semaphore_mem>>) src(%arg9 : memref<1024x16xf32, #tpu.memory_space<vmem>>) dst(%dma_wait3A_70 : memref<10240x16xf32, #tpu.memory_space<vmem_shared>>)
    %broadcast_in_dim3A_71 = arith.constant 3 : i32
    %broadcast_in_dim3A_72 = vector.broadcast %broadcast_in_dim3A_71 : i32 to vector<16xi32>
    %scan3A_73 = arith.constant 0 : i32
    %scan3A_74 = arith.constant 64 : i32
    %scan3A_75 = arith.addi %scan3A_73, %scan3A_74 : i32
    %scan3A_76 = arith.constant 1 : i32
    scf.for %scan3A_230 = %scan3A_73 to %scan3A_75 step %scan3A_76  : i32 {
      %mul3A_231 = arith.constant 1 : i32
      %mul3A_232 = arith.muli %scan3A_230, %mul3A_231 : i32
      %add3A_233 = arith.constant 0 : i32
      %add3A_234 = arith.addi %add3A_233, %mul3A_232 : i32
      %mul3A_235 = arith.constant 16 : i32
      %mul3A_236 = arith.muli %add3A_234, %mul3A_235 : i32
      %add3A_237 = vector.broadcast %mul3A_236 : i32 to vector<16xi32>
      %add3A_238 = arith.addi %iota3A, %add3A_237 : vector<16xi32>
      %gather3A = tpu.vector_load_idx %arg7[%broadcast_in_dim3A_72, %add3A_238] : memref<10x1024xf32, #tpu.memory_space<vmem>>[vector<16xi32>, vector<16xi32>], vector<16xf32>,
      %mul3A_239 = arith.constant 16 : i32
      %mul3A_240 = arith.muli %add3A_234, %mul3A_239 : i32
      %add3A_241 = vector.broadcast %mul3A_240 : i32 to vector<16xi32>
      %add3A_242 = arith.addi %iota3A, %add3A_241 : vector<16xi32>
      tpu.vector_store_idx %arg9[%add3A_242, %broadcast_in_dim3A_16], %gather3A : memref<1024x16xf32, #tpu.memory_space<vmem>>[vector<16xi32>, vector<16xi32>], vector<16xf32>,
    }
    %scan3A_77 = arith.constant 64 : i32
    %dma_start3A_78 = arith.constant 3 : i32
    %dma_start3A_79 = arith.constant 0 : i32
    %dma_start3A_80 = tpu.memref_slice %arg6[%dma_start3A_78, %dma_start3A_79] : memref<10x1024xi32, #tpu.memory_space<vmem>> -> memref<1x1024xi32, #tpu.memory_space<vmem>>
    %dma_start3A_81 = tpu.memref_squeeze %dma_start3A_80 : memref<1x1024xi32, #tpu.memory_space<vmem>> -> memref<1024xi32, #tpu.memory_space<vmem>>
    %dma_start3A_82 = arith.constant 0 : i32
    %dma_start3A_83 = arith.constant 0 : i32
    %dma_start3A_84 = tpu.memref_slice %arg10[%dma_start3A_82, %dma_start3A_83] : memref<10240x16xf32, #tpu.memory_space<vmem_shared>> -> memref<10240x16xf32, #tpu.memory_space<vmem_shared>>
    tpu.enqueue_indirect_dma source(%arg9 : memref<1024x16xf32, #tpu.memory_space<vmem>>) target(%dma_start3A_84 : memref<10240x16xf32, #tpu.memory_space<vmem_shared>>) offsets(%dma_start3A_81 : memref<1024xi32, #tpu.memory_space<vmem>>) semaphore(%arg12 : memref<!tpu.dma_semaphore, #tpu.memory_space<semaphore_mem>>) {add = true}
    %dma_wait3A_85 = arith.constant 2 : i32
    %dma_wait3A_86 = arith.constant 0 : i32
    %dma_wait3A_87 = tpu.memref_slice %arg6[%dma_wait3A_85, %dma_wait3A_86] : memref<10x1024xi32, #tpu.memory_space<vmem>> -> memref<1x1024xi32, #tpu.memory_space<vmem>>
    %dma_wait3A_88 = tpu.memref_squeeze %dma_wait3A_87 : memref<1x1024xi32, #tpu.memory_space<vmem>> -> memref<1024xi32, #tpu.memory_space<vmem>>
    %dma_wait3A_89 = arith.constant 0 : i32
    %dma_wait3A_90 = arith.constant 0 : i32
    %dma_wait3A_91 = tpu.memref_slice %arg10[%dma_wait3A_89, %dma_wait3A_90] : memref<10240x16xf32, #tpu.memory_space<vmem_shared>> -> memref<10240x16xf32, #tpu.memory_space<vmem_shared>>
    tpu.wait_indirect_dma semaphore(%arg11 : memref<!tpu.dma_semaphore, #tpu.memory_space<semaphore_mem>>) src(%arg8 : memref<1024x16xf32, #tpu.memory_space<vmem>>) dst(%dma_wait3A_91 : memref<10240x16xf32, #tpu.memory_space<vmem_shared>>)
    %broadcast_in_dim3A_92 = arith.constant 4 : i32
    %broadcast_in_dim3A_93 = vector.broadcast %broadcast_in_dim3A_92 : i32 to vector<16xi32>
    %scan3A_94 = arith.constant 0 : i32
    %scan3A_95 = arith.constant 64 : i32
    %scan3A_96 = arith.addi %scan3A_94, %scan3A_95 : i32
    %scan3A_97 = arith.constant 1 : i32
    scf.for %scan3A_230 = %scan3A_94 to %scan3A_96 step %scan3A_97  : i32 {
      %mul3A_231 = arith.constant 1 : i32
      %mul3A_232 = arith.muli %scan3A_230, %mul3A_231 : i32
      %add3A_233 = arith.constant 0 : i32
      %add3A_234 = arith.addi %add3A_233, %mul3A_232 : i32
      %mul3A_235 = arith.constant 16 : i32
      %mul3A_236 = arith.muli %add3A_234, %mul3A_235 : i32
      %add3A_237 = vector.broadcast %mul3A_236 : i32 to vector<16xi32>
      %add3A_238 = arith.addi %iota3A, %add3A_237 : vector<16xi32>
      %gather3A = tpu.vector_load_idx %arg7[%broadcast_in_dim3A_93, %add3A_238] : memref<10x1024xf32, #tpu.memory_space<vmem>>[vector<16xi32>, vector<16xi32>], vector<16xf32>,
      %mul3A_239 = arith.constant 16 : i32
      %mul3A_240 = arith.muli %add3A_234, %mul3A_239 : i32
      %add3A_241 = vector.broadcast %mul3A_240 : i32 to vector<16xi32>
      %add3A_242 = arith.addi %iota3A, %add3A_241 : vector<16xi32>
      tpu.vector_store_idx %arg8[%add3A_242, %broadcast_in_dim3A_16], %gather3A : memref<1024x16xf32, #tpu.memory_space<vmem>>[vector<16xi32>, vector<16xi32>], vector<16xf32>,
    }
    %scan3A_98 = arith.constant 64 : i32
    %dma_start3A_99 = arith.constant 4 : i32
    %dma_start3A_100 = arith.constant 0 : i32
    %dma_start3A_101 = tpu.memref_slice %arg6[%dma_start3A_99, %dma_start3A_100] : memref<10x1024xi32, #tpu.memory_space<vmem>> -> memref<1x1024xi32, #tpu.memory_space<vmem>>
    %dma_start3A_102 = tpu.memref_squeeze %dma_start3A_101 : memref<1x1024xi32, #tpu.memory_space<vmem>> -> memref<1024xi32, #tpu.memory_space<vmem>>
    %dma_start3A_103 = arith.constant 0 : i32
    %dma_start3A_104 = arith.constant 0 : i32
    %dma_start3A_105 = tpu.memref_slice %arg10[%dma_start3A_103, %dma_start3A_104] : memref<10240x16xf32, #tpu.memory_space<vmem_shared>> -> memref<10240x16xf32, #tpu.memory_space<vmem_shared>>
    tpu.enqueue_indirect_dma source(%arg8 : memref<1024x16xf32, #tpu.memory_space<vmem>>) target(%dma_start3A_105 : memref<10240x16xf32, #tpu.memory_space<vmem_shared>>) offsets(%dma_start3A_102 : memref<1024xi32, #tpu.memory_space<vmem>>) semaphore(%arg11 : memref<!tpu.dma_semaphore, #tpu.memory_space<semaphore_mem>>) {add = true}
    %dma_wait3A_106 = arith.constant 3 : i32
    %dma_wait3A_107 = arith.constant 0 : i32
    %dma_wait3A_108 = tpu.memref_slice %arg6[%dma_wait3A_106, %dma_wait3A_107] : memref<10x1024xi32, #tpu.memory_space<vmem>> -> memref<1x1024xi32, #tpu.memory_space<vmem>>
    %dma_wait3A_109 = tpu.memref_squeeze %dma_wait3A_108 : memref<1x1024xi32, #tpu.memory_space<vmem>> -> memref<1024xi32, #tpu.memory_space<vmem>>
    %dma_wait3A_110 = arith.constant 0 : i32
    %dma_wait3A_111 = arith.constant 0 : i32
    %dma_wait3A_112 = tpu.memref_slice %arg10[%dma_wait3A_110, %dma_wait3A_111] : memref<10240x16xf32, #tpu.memory_space<vmem_shared>> -> memref<10240x16xf32, #tpu.memory_space<vmem_shared>>
    tpu.wait_indirect_dma semaphore(%arg12 : memref<!tpu.dma_semaphore, #tpu.memory_space<semaphore_mem>>) src(%arg9 : memref<1024x16xf32, #tpu.memory_space<vmem>>) dst(%dma_wait3A_112 : memref<10240x16xf32, #tpu.memory_space<vmem_shared>>)
    %broadcast_in_dim3A_113 = arith.constant 5 : i32
    %broadcast_in_dim3A_114 = vector.broadcast %broadcast_in_dim3A_113 : i32 to vector<16xi32>
    %scan3A_115 = arith.constant 0 : i32
    %scan3A_116 = arith.constant 64 : i32
    %scan3A_117 = arith.addi %scan3A_115, %scan3A_116 : i32
    %scan3A_118 = arith.constant 1 : i32
    scf.for %scan3A_230 = %scan3A_115 to %scan3A_117 step %scan3A_118  : i32 {
      %mul3A_231 = arith.constant 1 : i32
      %mul3A_232 = arith.muli %scan3A_230, %mul3A_231 : i32
      %add3A_233 = arith.constant 0 : i32
      %add3A_234 = arith.addi %add3A_233, %mul3A_232 : i32
      %mul3A_235 = arith.constant 16 : i32
      %mul3A_236 = arith.muli %add3A_234, %mul3A_235 : i32
      %add3A_237 = vector.broadcast %mul3A_236 : i32 to vector<16xi32>
      %add3A_238 = arith.addi %iota3A, %add3A_237 : vector<16xi32>
      %gather3A = tpu.vector_load_idx %arg7[%broadcast_in_dim3A_114, %add3A_238] : memref<10x1024xf32, #tpu.memory_space<vmem>>[vector<16xi32>, vector<16xi32>], vector<16xf32>,
      %mul3A_239 = arith.constant 16 : i32
      %mul3A_240 = arith.muli %add3A_234, %mul3A_239 : i32
      %add3A_241 = vector.broadcast %mul3A_240 : i32 to vector<16xi32>
      %add3A_242 = arith.addi %iota3A, %add3A_241 : vector<16xi32>
      tpu.vector_store_idx %arg9[%add3A_242, %broadcast_in_dim3A_16], %gather3A : memref<1024x16xf32, #tpu.memory_space<vmem>>[vector<16xi32>, vector<16xi32>], vector<16xf32>,
    }
    %scan3A_119 = arith.constant 64 : i32
    %dma_start3A_120 = arith.constant 5 : i32
    %dma_start3A_121 = arith.constant 0 : i32
    %dma_start3A_122 = tpu.memref_slice %arg6[%dma_start3A_120, %dma_start3A_121] : memref<10x1024xi32, #tpu.memory_space<vmem>> -> memref<1x1024xi32, #tpu.memory_space<vmem>>
    %dma_start3A_123 = tpu.memref_squeeze %dma_start3A_122 : memref<1x1024xi32, #tpu.memory_space<vmem>> -> memref<1024xi32, #tpu.memory_space<vmem>>
    %dma_start3A_124 = arith.constant 0 : i32
    %dma_start3A_125 = arith.constant 0 : i32
    %dma_start3A_126 = tpu.memref_slice %arg10[%dma_start3A_124, %dma_start3A_125] : memref<10240x16xf32, #tpu.memory_space<vmem_shared>> -> memref<10240x16xf32, #tpu.memory_space<vmem_shared>>
    tpu.enqueue_indirect_dma source(%arg9 : memref<1024x16xf32, #tpu.memory_space<vmem>>) target(%dma_start3A_126 : memref<10240x16xf32, #tpu.memory_space<vmem_shared>>) offsets(%dma_start3A_123 : memref<1024xi32, #tpu.memory_space<vmem>>) semaphore(%arg12 : memref<!tpu.dma_semaphore, #tpu.memory_space<semaphore_mem>>) {add = true}
    %dma_wait3A_127 = arith.constant 4 : i32
    %dma_wait3A_128 = arith.constant 0 : i32
    %dma_wait3A_129 = tpu.memref_slice %arg6[%dma_wait3A_127, %dma_wait3A_128] : memref<10x1024xi32, #tpu.memory_space<vmem>> -> memref<1x1024xi32, #tpu.memory_space<vmem>>
    %dma_wait3A_130 = tpu.memref_squeeze %dma_wait3A_129 : memref<1x1024xi32, #tpu.memory_space<vmem>> -> memref<1024xi32, #tpu.memory_space<vmem>>
    %dma_wait3A_131 = arith.constant 0 : i32
    %dma_wait3A_132 = arith.constant 0 : i32
    %dma_wait3A_133 = tpu.memref_slice %arg10[%dma_wait3A_131, %dma_wait3A_132] : memref<10240x16xf32, #tpu.memory_space<vmem_shared>> -> memref<10240x16xf32, #tpu.memory_space<vmem_shared>>
    tpu.wait_indirect_dma semaphore(%arg11 : memref<!tpu.dma_semaphore, #tpu.memory_space<semaphore_mem>>) src(%arg8 : memref<1024x16xf32, #tpu.memory_space<vmem>>) dst(%dma_wait3A_133 : memref<10240x16xf32, #tpu.memory_space<vmem_shared>>)
    %broadcast_in_dim3A_134 = arith.constant 6 : i32
    %broadcast_in_dim3A_135 = vector.broadcast %broadcast_in_dim3A_134 : i32 to vector<16xi32>
    %scan3A_136 = arith.constant 0 : i32
    %scan3A_137 = arith.constant 64 : i32
    %scan3A_138 = arith.addi %scan3A_136, %scan3A_137 : i32
    %scan3A_139 = arith.constant 1 : i32
    scf.for %scan3A_230 = %scan3A_136 to %scan3A_138 step %scan3A_139  : i32 {
      %mul3A_231 = arith.constant 1 : i32
      %mul3A_232 = arith.muli %scan3A_230, %mul3A_231 : i32
      %add3A_233 = arith.constant 0 : i32
      %add3A_234 = arith.addi %add3A_233, %mul3A_232 : i32
      %mul3A_235 = arith.constant 16 : i32
      %mul3A_236 = arith.muli %add3A_234, %mul3A_235 : i32
      %add3A_237 = vector.broadcast %mul3A_236 : i32 to vector<16xi32>
      %add3A_238 = arith.addi %iota3A, %add3A_237 : vector<16xi32>
      %gather3A = tpu.vector_load_idx %arg7[%broadcast_in_dim3A_135, %add3A_238] : memref<10x1024xf32, #tpu.memory_space<vmem>>[vector<16xi32>, vector<16xi32>], vector<16xf32>,
      %mul3A_239 = arith.constant 16 : i32
      %mul3A_240 = arith.muli %add3A_234, %mul3A_239 : i32
      %add3A_241 = vector.broadcast %mul3A_240 : i32 to vector<16xi32>
      %add3A_242 = arith.addi %iota3A, %add3A_241 : vector<16xi32>
      tpu.vector_store_idx %arg8[%add3A_242, %broadcast_in_dim3A_16], %gather3A : memref<1024x16xf32, #tpu.memory_space<vmem>>[vector<16xi32>, vector<16xi32>], vector<16xf32>,
    }
    %scan3A_140 = arith.constant 64 : i32
    %dma_start3A_141 = arith.constant 6 : i32
    %dma_start3A_142 = arith.constant 0 : i32
    %dma_start3A_143 = tpu.memref_slice %arg6[%dma_start3A_141, %dma_start3A_142] : memref<10x1024xi32, #tpu.memory_space<vmem>> -> memref<1x1024xi32, #tpu.memory_space<vmem>>
    %dma_start3A_144 = tpu.memref_squeeze %dma_start3A_143 : memref<1x1024xi32, #tpu.memory_space<vmem>> -> memref<1024xi32, #tpu.memory_space<vmem>>
    %dma_start3A_145 = arith.constant 0 : i32
    %dma_start3A_146 = arith.constant 0 : i32
    %dma_start3A_147 = tpu.memref_slice %arg10[%dma_start3A_145, %dma_start3A_146] : memref<10240x16xf32, #tpu.memory_space<vmem_shared>> -> memref<10240x16xf32, #tpu.memory_space<vmem_shared>>
    tpu.enqueue_indirect_dma source(%arg8 : memref<1024x16xf32, #tpu.memory_space<vmem>>) target(%dma_start3A_147 : memref<10240x16xf32, #tpu.memory_space<vmem_shared>>) offsets(%dma_start3A_144 : memref<1024xi32, #tpu.memory_space<vmem>>) semaphore(%arg11 : memref<!tpu.dma_semaphore, #tpu.memory_space<semaphore_mem>>) {add = true}
    %dma_wait3A_148 = arith.constant 5 : i32
    %dma_wait3A_149 = arith.constant 0 : i32
    %dma_wait3A_150 = tpu.memref_slice %arg6[%dma_wait3A_148, %dma_wait3A_149] : memref<10x1024xi32, #tpu.memory_space<vmem>> -> memref<1x1024xi32, #tpu.memory_space<vmem>>
    %dma_wait3A_151 = tpu.memref_squeeze %dma_wait3A_150 : memref<1x1024xi32, #tpu.memory_space<vmem>> -> memref<1024xi32, #tpu.memory_space<vmem>>
    %dma_wait3A_152 = arith.constant 0 : i32
    %dma_wait3A_153 = arith.constant 0 : i32
    %dma_wait3A_154 = tpu.memref_slice %arg10[%dma_wait3A_152, %dma_wait3A_153] : memref<10240x16xf32, #tpu.memory_space<vmem_shared>> -> memref<10240x16xf32, #tpu.memory_space<vmem_shared>>
    tpu.wait_indirect_dma semaphore(%arg12 : memref<!tpu.dma_semaphore, #tpu.memory_space<semaphore_mem>>) src(%arg9 : memref<1024x16xf32, #tpu.memory_space<vmem>>) dst(%dma_wait3A_154 : memref<10240x16xf32, #tpu.memory_space<vmem_shared>>)
    %broadcast_in_dim3A_155 = arith.constant 7 : i32
    %broadcast_in_dim3A_156 = vector.broadcast %broadcast_in_dim3A_155 : i32 to vector<16xi32>
    %scan3A_157 = arith.constant 0 : i32
    %scan3A_158 = arith.constant 64 : i32
    %scan3A_159 = arith.addi %scan3A_157, %scan3A_158 : i32
    %scan3A_160 = arith.constant 1 : i32
    scf.for %scan3A_230 = %scan3A_157 to %scan3A_159 step %scan3A_160  : i32 {
      %mul3A_231 = arith.constant 1 : i32
      %mul3A_232 = arith.muli %scan3A_230, %mul3A_231 : i32
      %add3A_233 = arith.constant 0 : i32
      %add3A_234 = arith.addi %add3A_233, %mul3A_232 : i32
      %mul3A_235 = arith.constant 16 : i32
      %mul3A_236 = arith.muli %add3A_234, %mul3A_235 : i32
      %add3A_237 = vector.broadcast %mul3A_236 : i32 to vector<16xi32>
      %add3A_238 = arith.addi %iota3A, %add3A_237 : vector<16xi32>
      %gather3A = tpu.vector_load_idx %arg7[%broadcast_in_dim3A_156, %add3A_238] : memref<10x1024xf32, #tpu.memory_space<vmem>>[vector<16xi32>, vector<16xi32>], vector<16xf32>,
      %mul3A_239 = arith.constant 16 : i32
      %mul3A_240 = arith.muli %add3A_234, %mul3A_239 : i32
      %add3A_241 = vector.broadcast %mul3A_240 : i32 to vector<16xi32>
      %add3A_242 = arith.addi %iota3A, %add3A_241 : vector<16xi32>
      tpu.vector_store_idx %arg9[%add3A_242, %broadcast_in_dim3A_16], %gather3A : memref<1024x16xf32, #tpu.memory_space<vmem>>[vector<16xi32>, vector<16xi32>], vector<16xf32>,
    }
    %scan3A_161 = arith.constant 64 : i32
    %dma_start3A_162 = arith.constant 7 : i32
    %dma_start3A_163 = arith.constant 0 : i32
    %dma_start3A_164 = tpu.memref_slice %arg6[%dma_start3A_162, %dma_start3A_163] : memref<10x1024xi32, #tpu.memory_space<vmem>> -> memref<1x1024xi32, #tpu.memory_space<vmem>>
    %dma_start3A_165 = tpu.memref_squeeze %dma_start3A_164 : memref<1x1024xi32, #tpu.memory_space<vmem>> -> memref<1024xi32, #tpu.memory_space<vmem>>
    %dma_start3A_166 = arith.constant 0 : i32
    %dma_start3A_167 = arith.constant 0 : i32
    %dma_start3A_168 = tpu.memref_slice %arg10[%dma_start3A_166, %dma_start3A_167] : memref<10240x16xf32, #tpu.memory_space<vmem_shared>> -> memref<10240x16xf32, #tpu.memory_space<vmem_shared>>
    tpu.enqueue_indirect_dma source(%arg9 : memref<1024x16xf32, #tpu.memory_space<vmem>>) target(%dma_start3A_168 : memref<10240x16xf32, #tpu.memory_space<vmem_shared>>) offsets(%dma_start3A_165 : memref<1024xi32, #tpu.memory_space<vmem>>) semaphore(%arg12 : memref<!tpu.dma_semaphore, #tpu.memory_space<semaphore_mem>>) {add = true}
    %dma_wait3A_169 = arith.constant 6 : i32
    %dma_wait3A_170 = arith.constant 0 : i32
    %dma_wait3A_171 = tpu.memref_slice %arg6[%dma_wait3A_169, %dma_wait3A_170] : memref<10x1024xi32, #tpu.memory_space<vmem>> -> memref<1x1024xi32, #tpu.memory_space<vmem>>
    %dma_wait3A_172 = tpu.memref_squeeze %dma_wait3A_171 : memref<1x1024xi32, #tpu.memory_space<vmem>> -> memref<1024xi32, #tpu.memory_space<vmem>>
    %dma_wait3A_173 = arith.constant 0 : i32
    %dma_wait3A_174 = arith.constant 0 : i32
    %dma_wait3A_175 = tpu.memref_slice %arg10[%dma_wait3A_173, %dma_wait3A_174] : memref<10240x16xf32, #tpu.memory_space<vmem_shared>> -> memref<10240x16xf32, #tpu.memory_space<vmem_shared>>
    tpu.wait_indirect_dma semaphore(%arg11 : memref<!tpu.dma_semaphore, #tpu.memory_space<semaphore_mem>>) src(%arg8 : memref<1024x16xf32, #tpu.memory_space<vmem>>) dst(%dma_wait3A_175 : memref<10240x16xf32, #tpu.memory_space<vmem_shared>>)
    %broadcast_in_dim3A_176 = arith.constant 8 : i32
    %broadcast_in_dim3A_177 = vector.broadcast %broadcast_in_dim3A_176 : i32 to vector<16xi32>
    %scan3A_178 = arith.constant 0 : i32
    %scan3A_179 = arith.constant 64 : i32
    %scan3A_180 = arith.addi %scan3A_178, %scan3A_179 : i32
    %scan3A_181 = arith.constant 1 : i32
    scf.for %scan3A_230 = %scan3A_178 to %scan3A_180 step %scan3A_181  : i32 {
      %mul3A_231 = arith.constant 1 : i32
      %mul3A_232 = arith.muli %scan3A_230, %mul3A_231 : i32
      %add3A_233 = arith.constant 0 : i32
      %add3A_234 = arith.addi %add3A_233, %mul3A_232 : i32
      %mul3A_235 = arith.constant 16 : i32
      %mul3A_236 = arith.muli %add3A_234, %mul3A_235 : i32
      %add3A_237 = vector.broadcast %mul3A_236 : i32 to vector<16xi32>
      %add3A_238 = arith.addi %iota3A, %add3A_237 : vector<16xi32>
      %gather3A = tpu.vector_load_idx %arg7[%broadcast_in_dim3A_177, %add3A_238] : memref<10x1024xf32, #tpu.memory_space<vmem>>[vector<16xi32>, vector<16xi32>], vector<16xf32>,
      %mul3A_239 = arith.constant 16 : i32
      %mul3A_240 = arith.muli %add3A_234, %mul3A_239 : i32
      %add3A_241 = vector.broadcast %mul3A_240 : i32 to vector<16xi32>
      %add3A_242 = arith.addi %iota3A, %add3A_241 : vector<16xi32>
      tpu.vector_store_idx %arg8[%add3A_242, %broadcast_in_dim3A_16], %gather3A : memref<1024x16xf32, #tpu.memory_space<vmem>>[vector<16xi32>, vector<16xi32>], vector<16xf32>,
    }
    %scan3A_182 = arith.constant 64 : i32
    %dma_start3A_183 = arith.constant 8 : i32
    %dma_start3A_184 = arith.constant 0 : i32
    %dma_start3A_185 = tpu.memref_slice %arg6[%dma_start3A_183, %dma_start3A_184] : memref<10x1024xi32, #tpu.memory_space<vmem>> -> memref<1x1024xi32, #tpu.memory_space<vmem>>
    %dma_start3A_186 = tpu.memref_squeeze %dma_start3A_185 : memref<1x1024xi32, #tpu.memory_space<vmem>> -> memref<1024xi32, #tpu.memory_space<vmem>>
    %dma_start3A_187 = arith.constant 0 : i32
    %dma_start3A_188 = arith.constant 0 : i32
    %dma_start3A_189 = tpu.memref_slice %arg10[%dma_start3A_187, %dma_start3A_188] : memref<10240x16xf32, #tpu.memory_space<vmem_shared>> -> memref<10240x16xf32, #tpu.memory_space<vmem_shared>>
    tpu.enqueue_indirect_dma source(%arg8 : memref<1024x16xf32, #tpu.memory_space<vmem>>) target(%dma_start3A_189 : memref<10240x16xf32, #tpu.memory_space<vmem_shared>>) offsets(%dma_start3A_186 : memref<1024xi32, #tpu.memory_space<vmem>>) semaphore(%arg11 : memref<!tpu.dma_semaphore, #tpu.memory_space<semaphore_mem>>) {add = true}
    %dma_wait3A_190 = arith.constant 7 : i32
    %dma_wait3A_191 = arith.constant 0 : i32
    %dma_wait3A_192 = tpu.memref_slice %arg6[%dma_wait3A_190, %dma_wait3A_191] : memref<10x1024xi32, #tpu.memory_space<vmem>> -> memref<1x1024xi32, #tpu.memory_space<vmem>>
    %dma_wait3A_193 = tpu.memref_squeeze %dma_wait3A_192 : memref<1x1024xi32, #tpu.memory_space<vmem>> -> memref<1024xi32, #tpu.memory_space<vmem>>
    %dma_wait3A_194 = arith.constant 0 : i32
    %dma_wait3A_195 = arith.constant 0 : i32
    %dma_wait3A_196 = tpu.memref_slice %arg10[%dma_wait3A_194, %dma_wait3A_195] : memref<10240x16xf32, #tpu.memory_space<vmem_shared>> -> memref<10240x16xf32, #tpu.memory_space<vmem_shared>>
    tpu.wait_indirect_dma semaphore(%arg12 : memref<!tpu.dma_semaphore, #tpu.memory_space<semaphore_mem>>) src(%arg9 : memref<1024x16xf32, #tpu.memory_space<vmem>>) dst(%dma_wait3A_196 : memref<10240x16xf32, #tpu.memory_space<vmem_shared>>)
    %broadcast_in_dim3A_197 = arith.constant 9 : i32
    %broadcast_in_dim3A_198 = vector.broadcast %broadcast_in_dim3A_197 : i32 to vector<16xi32>
    %scan3A_199 = arith.constant 0 : i32
    %scan3A_200 = arith.constant 64 : i32
    %scan3A_201 = arith.addi %scan3A_199, %scan3A_200 : i32
    %scan3A_202 = arith.constant 1 : i32
    scf.for %scan3A_230 = %scan3A_199 to %scan3A_201 step %scan3A_202  : i32 {
      %mul3A_231 = arith.constant 1 : i32
      %mul3A_232 = arith.muli %scan3A_230, %mul3A_231 : i32
      %add3A_233 = arith.constant 0 : i32
      %add3A_234 = arith.addi %add3A_233, %mul3A_232 : i32
      %mul3A_235 = arith.constant 16 : i32
      %mul3A_236 = arith.muli %add3A_234, %mul3A_235 : i32
      %add3A_237 = vector.broadcast %mul3A_236 : i32 to vector<16xi32>
      %add3A_238 = arith.addi %iota3A, %add3A_237 : vector<16xi32>
      %gather3A = tpu.vector_load_idx %arg7[%broadcast_in_dim3A_198, %add3A_238] : memref<10x1024xf32, #tpu.memory_space<vmem>>[vector<16xi32>, vector<16xi32>], vector<16xf32>,
      %mul3A_239 = arith.constant 16 : i32
      %mul3A_240 = arith.muli %add3A_234, %mul3A_239 : i32
      %add3A_241 = vector.broadcast %mul3A_240 : i32 to vector<16xi32>
      %add3A_242 = arith.addi %iota3A, %add3A_241 : vector<16xi32>
      tpu.vector_store_idx %arg9[%add3A_242, %broadcast_in_dim3A_16], %gather3A : memref<1024x16xf32, #tpu.memory_space<vmem>>[vector<16xi32>, vector<16xi32>], vector<16xf32>,
    }
    %scan3A_203 = arith.constant 64 : i32
    %dma_start3A_204 = arith.constant 9 : i32
    %dma_start3A_205 = arith.constant 0 : i32
    %dma_start3A_206 = tpu.memref_slice %arg6[%dma_start3A_204, %dma_start3A_205] : memref<10x1024xi32, #tpu.memory_space<vmem>> -> memref<1x1024xi32, #tpu.memory_space<vmem>>
    %dma_start3A_207 = tpu.memref_squeeze %dma_start3A_206 : memref<1x1024xi32, #tpu.memory_space<vmem>> -> memref<1024xi32, #tpu.memory_space<vmem>>
    %dma_start3A_208 = arith.constant 0 : i32
    %dma_start3A_209 = arith.constant 0 : i32
    %dma_start3A_210 = tpu.memref_slice %arg10[%dma_start3A_208, %dma_start3A_209] : memref<10240x16xf32, #tpu.memory_space<vmem_shared>> -> memref<10240x16xf32, #tpu.memory_space<vmem_shared>>
    tpu.enqueue_indirect_dma source(%arg9 : memref<1024x16xf32, #tpu.memory_space<vmem>>) target(%dma_start3A_210 : memref<10240x16xf32, #tpu.memory_space<vmem_shared>>) offsets(%dma_start3A_207 : memref<1024xi32, #tpu.memory_space<vmem>>) semaphore(%arg12 : memref<!tpu.dma_semaphore, #tpu.memory_space<semaphore_mem>>) {add = true}
    %dma_wait3A_211 = arith.constant 8 : i32
    %dma_wait3A_212 = arith.constant 0 : i32
    %dma_wait3A_213 = tpu.memref_slice %arg6[%dma_wait3A_211, %dma_wait3A_212] : memref<10x1024xi32, #tpu.memory_space<vmem>> -> memref<1x1024xi32, #tpu.memory_space<vmem>>
    %dma_wait3A_214 = tpu.memref_squeeze %dma_wait3A_213 : memref<1x1024xi32, #tpu.memory_space<vmem>> -> memref<1024xi32, #tpu.memory_space<vmem>>
    %dma_wait3A_215 = arith.constant 0 : i32
    %dma_wait3A_216 = arith.constant 0 : i32
    %dma_wait3A_217 = tpu.memref_slice %arg10[%dma_wait3A_215, %dma_wait3A_216] : memref<10240x16xf32, #tpu.memory_space<vmem_shared>> -> memref<10240x16xf32, #tpu.memory_space<vmem_shared>>
    tpu.wait_indirect_dma semaphore(%arg11 : memref<!tpu.dma_semaphore, #tpu.memory_space<semaphore_mem>>) src(%arg8 : memref<1024x16xf32, #tpu.memory_space<vmem>>) dst(%dma_wait3A_217 : memref<10240x16xf32, #tpu.memory_space<vmem_shared>>)
    %dma_wait3A_218 = arith.constant 9 : i32
    %dma_wait3A_219 = arith.constant 0 : i32
    %dma_wait3A_220 = tpu.memref_slice %arg6[%dma_wait3A_218, %dma_wait3A_219] : memref<10x1024xi32, #tpu.memory_space<vmem>> -> memref<1x1024xi32, #tpu.memory_space<vmem>>
    %dma_wait3A_221 = tpu.memref_squeeze %dma_wait3A_220 : memref<1x1024xi32, #tpu.memory_space<vmem>> -> memref<1024xi32, #tpu.memory_space<vmem>>
    %dma_wait3A_222 = arith.constant 0 : i32
    %dma_wait3A_223 = arith.constant 0 : i32
    %dma_wait3A_224 = tpu.memref_slice %arg10[%dma_wait3A_222, %dma_wait3A_223] : memref<10240x16xf32, #tpu.memory_space<vmem_shared>> -> memref<10240x16xf32, #tpu.memory_space<vmem_shared>>
    tpu.wait_indirect_dma semaphore(%arg12 : memref<!tpu.dma_semaphore, #tpu.memory_space<semaphore_mem>>) src(%arg9 : memref<1024x16xf32, #tpu.memory_space<vmem>>) dst(%dma_wait3A_224 : memref<10240x16xf32, #tpu.memory_space<vmem_shared>>)
    %barrier3A_225 = arith.constant 0 : index
    tpu.barrier barrier_id(%barrier3A_225)
    %mul3A_226 = arith.constant 640 : i32
    %mul3A_227 = arith.muli %arg1, %mul3A_226 : i32
    %mul3A_228 = arith.constant 640 : i32
    %mul3A_229 = arith.muli %arg1, %mul3A_228 : i32
    "tpu.region"() ({
      %run_scoped3A = tpu.sem_alloc : memref<!tpu.dma_semaphore, #tpu.memory_space<semaphore_mem>>
      %dma_start3A_230 = arith.constant 0 : i32
      %dma_start3A_231 = tpu.memref_slice %arg5[%arg0, %mul3A_229, %dma_start3A_230] : memref<2x10240x16xf32, #tpu.memory_space<hbm>> -> memref<1x640x16xf32, #tpu.memory_space<hbm>>
      %dma_start3A_232 = tpu.memref_squeeze %dma_start3A_231 : memref<1x640x16xf32, #tpu.memory_space<hbm>> -> memref<640x16xf32, #tpu.memory_space<hbm>>
      %dma_start3A_233 = arith.constant 0 : i32
      %dma_start3A_234 = tpu.memref_slice %arg10[%mul3A_227, %dma_start3A_233] : memref<10240x16xf32, #tpu.memory_space<vmem_shared>> -> memref<640x16xf32, #tpu.memory_space<vmem_shared>>
      tpu.enqueue_dma source(%dma_start3A_234 : memref<640x16xf32, #tpu.memory_space<vmem_shared>>) target(%dma_start3A_232 : memref<640x16xf32, #tpu.memory_space<hbm>>) target_semaphore(%run_scoped3A : memref<!tpu.dma_semaphore, #tpu.memory_space<semaphore_mem>>)
      %dma_wait3A_235 = arith.constant 0 : i32
      %dma_wait3A_236 = tpu.memref_slice %arg5[%arg0, %mul3A_229, %dma_wait3A_235] : memref<2x10240x16xf32, #tpu.memory_space<hbm>> -> memref<1x640x16xf32, #tpu.memory_space<hbm>>
      %dma_wait3A_237 = tpu.memref_squeeze %dma_wait3A_236 : memref<1x640x16xf32, #tpu.memory_space<hbm>> -> memref<640x16xf32, #tpu.memory_space<hbm>>
      %dma_wait3A_238 = arith.constant 0 : i32
      %dma_wait3A_239 = tpu.memref_slice %arg10[%mul3A_227, %dma_wait3A_238] : memref<10240x16xf32, #tpu.memory_space<vmem_shared>> -> memref<640x16xf32, #tpu.memory_space<vmem_shared>>
      tpu.wait_dma2 semaphore(%run_scoped3A : memref<!tpu.dma_semaphore, #tpu.memory_space<semaphore_mem>>) src(%dma_wait3A_239 : memref<640x16xf32, #tpu.memory_space<vmem_shared>>) dst(%dma_wait3A_237 : memref<640x16xf32, #tpu.memory_space<hbm>>)
      tpu.yield
    }) : () -> ()
    return
  }
}

#map = affine_map<(d0, d1) -> (0, 0, 0)>
#map1 = affine_map<(d0, d1) -> (0, 0)>
module attributes {stable_mosaic.version = 14 : i64} {
  func.func @k(%arg0: i32, %arg1: i32, %arg2: memref<32x10x1024xi32, #tpu.memory_space<hbm>>, %arg3: memref<32x10x1024xi32, #tpu.memory_space<hbm>>, %arg4: memref<32x10x1024xf32, #tpu.memory_space<hbm>>, %arg5: memref<10240x16xf32, #tpu.memory_space<hbm>>, %arg6: memref<10240x16xf32, #tpu.memory_space<hbm>>, %arg7: memref<2x10240x16xf32, #tpu.memory_space<hbm>>, %arg8: memref<10x1024xi32, #tpu.memory_space<vmem>>, %arg9: memref<10x1024xi32, #tpu.memory_space<vmem>>, %arg10: memref<10x1024xf32, #tpu.memory_space<vmem>>, %arg11: memref<1024x16xf32, #tpu.memory_space<vmem>>, %arg12: memref<1024x16xf32, #tpu.memory_space<vmem>>, %arg13: memref<1024x16xf32, #tpu.memory_space<vmem>>, %arg14: memref<1024x16xf32, #tpu.memory_space<vmem>>, %arg15: memref<10240x16xf32, #tpu.memory_space<vmem_shared>>, %arg16: memref<!tpu.dma_semaphore, #tpu.memory_space<semaphore_mem>>, %arg17: memref<!tpu.dma_semaphore, #tpu.memory_space<semaphore_mem>>, %arg18: memref<!tpu.dma_semaphore, #tpu.memory_space<semaphore_mem>>, %arg19: memref<!tpu.dma_semaphore, #tpu.memory_space<semaphore_mem>>, %arg20: memref<!tpu.dma_semaphore, #tpu.memory_space<semaphore_mem>>, %arg21: memref<!tpu.dma_semaphore, #tpu.memory_space<semaphore_mem>>, %arg22: memref<!tpu.dma_semaphore, #tpu.memory_space<semaphore_mem>>, %arg23: memref<!tpu.dma_semaphore, #tpu.memory_space<semaphore_mem>>) attributes {dimension_semantics = [#tpu.dimension_semantics<core_parallel>, #tpu.dimension_semantics<subcore_parallel>], iteration_bounds = array<i64: 2, 16>, scalar_prefetch = 0 : i64, scratch_operands = 16 : i64, tpu.core_type = #tpu.core_type<sc_vector_subcore>, window_params = [{transform_indices = #map}, {transform_indices = #map}, {transform_indices = #map}, {transform_indices = #map1}, {transform_indices = #map1}, {transform_indices = #map}]} {
    %mul3A = arith.constant 16 : i32
    %mul3A_0 = arith.muli %arg0, %mul3A : i32
    %add3A = arith.addi %mul3A_0, %arg1 : i32
    %mul3A_1 = arith.constant 640 : i32
    %mul3A_2 = arith.muli %arg1, %mul3A_1 : i32
    %mul3A_3 = arith.constant 640 : i32
    %mul3A_4 = arith.muli %arg1, %mul3A_3 : i32
    "tpu.region"() ({
      %run_scoped3A = tpu.sem_alloc : memref<!tpu.dma_semaphore, #tpu.memory_space<semaphore_mem>>
      %dma_start3A_356 = arith.constant 0 : i32
      %dma_start3A_357 = tpu.memref_slice %arg15[%mul3A_4, %dma_start3A_356] : memref<10240x16xf32, #tpu.memory_space<vmem_shared>> -> memref<640x16xf32, #tpu.memory_space<vmem_shared>>
      %dma_start3A_358 = arith.constant 0 : i32
      %dma_start3A_359 = tpu.memref_slice %arg6[%mul3A_2, %dma_start3A_358] : memref<10240x16xf32, #tpu.memory_space<hbm>> -> memref<640x16xf32, #tpu.memory_space<hbm>>
      tpu.enqueue_dma source(%dma_start3A_359 : memref<640x16xf32, #tpu.memory_space<hbm>>) target(%dma_start3A_357 : memref<640x16xf32, #tpu.memory_space<vmem_shared>>) target_semaphore(%run_scoped3A : memref<!tpu.dma_semaphore, #tpu.memory_space<semaphore_mem>>)
      %dma_wait3A_360 = arith.constant 0 : i32
      %dma_wait3A_361 = tpu.memref_slice %arg15[%mul3A_4, %dma_wait3A_360] : memref<10240x16xf32, #tpu.memory_space<vmem_shared>> -> memref<640x16xf32, #tpu.memory_space<vmem_shared>>
      %dma_wait3A_362 = arith.constant 0 : i32
      %dma_wait3A_363 = tpu.memref_slice %arg6[%mul3A_2, %dma_wait3A_362] : memref<10240x16xf32, #tpu.memory_space<hbm>> -> memref<640x16xf32, #tpu.memory_space<hbm>>
      tpu.wait_dma2 semaphore(%run_scoped3A : memref<!tpu.dma_semaphore, #tpu.memory_space<semaphore_mem>>) src(%dma_wait3A_363 : memref<640x16xf32, #tpu.memory_space<hbm>>) dst(%dma_wait3A_361 : memref<640x16xf32, #tpu.memory_space<vmem_shared>>)
      tpu.yield
    }) : () -> ()
    "tpu.region"() ({
      %run_scoped3A = tpu.sem_alloc : memref<!tpu.dma_semaphore, #tpu.memory_space<semaphore_mem>>
      %dma_start3A_356 = arith.constant 0 : i32
      %dma_start3A_357 = arith.constant 0 : i32
      %dma_start3A_358 = tpu.memref_slice %arg2[%add3A, %dma_start3A_356, %dma_start3A_357] : memref<32x10x1024xi32, #tpu.memory_space<hbm>> -> memref<1x10x1024xi32, #tpu.memory_space<hbm>>
      %dma_start3A_359 = tpu.memref_squeeze %dma_start3A_358 : memref<1x10x1024xi32, #tpu.memory_space<hbm>> -> memref<10x1024xi32, #tpu.memory_space<hbm>>
      %dma_start3A_360 = arith.constant 0 : i32
      %dma_start3A_361 = arith.constant 0 : i32
      %dma_start3A_362 = tpu.memref_slice %arg2[%add3A, %dma_start3A_360, %dma_start3A_361] : memref<32x10x1024xi32, #tpu.memory_space<hbm>> -> memref<1x10x1024xi32, #tpu.memory_space<hbm>>
      %dma_start3A_363 = tpu.memref_squeeze %dma_start3A_362 : memref<1x10x1024xi32, #tpu.memory_space<hbm>> -> memref<10x1024xi32, #tpu.memory_space<hbm>>
      tpu.enqueue_dma source(%dma_start3A_363 : memref<10x1024xi32, #tpu.memory_space<hbm>>) target(%arg8 : memref<10x1024xi32, #tpu.memory_space<vmem>>) target_semaphore(%run_scoped3A : memref<!tpu.dma_semaphore, #tpu.memory_space<semaphore_mem>>)
      %dma_wait3A_364 = arith.constant 0 : i32
      %dma_wait3A_365 = arith.constant 0 : i32
      %dma_wait3A_366 = tpu.memref_slice %arg2[%add3A, %dma_wait3A_364, %dma_wait3A_365] : memref<32x10x1024xi32, #tpu.memory_space<hbm>> -> memref<1x10x1024xi32, #tpu.memory_space<hbm>>
      %dma_wait3A_367 = tpu.memref_squeeze %dma_wait3A_366 : memref<1x10x1024xi32, #tpu.memory_space<hbm>> -> memref<10x1024xi32, #tpu.memory_space<hbm>>
      %dma_wait3A_368 = arith.constant 0 : i32
      %dma_wait3A_369 = arith.constant 0 : i32
      %dma_wait3A_370 = tpu.memref_slice %arg2[%add3A, %dma_wait3A_368, %dma_wait3A_369] : memref<32x10x1024xi32, #tpu.memory_space<hbm>> -> memref<1x10x1024xi32, #tpu.memory_space<hbm>>
      %dma_wait3A_371 = tpu.memref_squeeze %dma_wait3A_370 : memref<1x10x1024xi32, #tpu.memory_space<hbm>> -> memref<10x1024xi32, #tpu.memory_space<hbm>>
      tpu.wait_dma2 semaphore(%run_scoped3A : memref<!tpu.dma_semaphore, #tpu.memory_space<semaphore_mem>>) src(%dma_wait3A_371 : memref<10x1024xi32, #tpu.memory_space<hbm>>) dst(%arg8 : memref<10x1024xi32, #tpu.memory_space<vmem>>)
      tpu.yield
    }) : () -> ()
    "tpu.region"() ({
      %run_scoped3A = tpu.sem_alloc : memref<!tpu.dma_semaphore, #tpu.memory_space<semaphore_mem>>
      %dma_start3A_356 = arith.constant 0 : i32
      %dma_start3A_357 = arith.constant 0 : i32
      %dma_start3A_358 = tpu.memref_slice %arg3[%add3A, %dma_start3A_356, %dma_start3A_357] : memref<32x10x1024xi32, #tpu.memory_space<hbm>> -> memref<1x10x1024xi32, #tpu.memory_space<hbm>>
      %dma_start3A_359 = tpu.memref_squeeze %dma_start3A_358 : memref<1x10x1024xi32, #tpu.memory_space<hbm>> -> memref<10x1024xi32, #tpu.memory_space<hbm>>
      %dma_start3A_360 = arith.constant 0 : i32
      %dma_start3A_361 = arith.constant 0 : i32
      %dma_start3A_362 = tpu.memref_slice %arg3[%add3A, %dma_start3A_360, %dma_start3A_361] : memref<32x10x1024xi32, #tpu.memory_space<hbm>> -> memref<1x10x1024xi32, #tpu.memory_space<hbm>>
      %dma_start3A_363 = tpu.memref_squeeze %dma_start3A_362 : memref<1x10x1024xi32, #tpu.memory_space<hbm>> -> memref<10x1024xi32, #tpu.memory_space<hbm>>
      tpu.enqueue_dma source(%dma_start3A_363 : memref<10x1024xi32, #tpu.memory_space<hbm>>) target(%arg9 : memref<10x1024xi32, #tpu.memory_space<vmem>>) target_semaphore(%run_scoped3A : memref<!tpu.dma_semaphore, #tpu.memory_space<semaphore_mem>>)
      %dma_wait3A_364 = arith.constant 0 : i32
      %dma_wait3A_365 = arith.constant 0 : i32
      %dma_wait3A_366 = tpu.memref_slice %arg3[%add3A, %dma_wait3A_364, %dma_wait3A_365] : memref<32x10x1024xi32, #tpu.memory_space<hbm>> -> memref<1x10x1024xi32, #tpu.memory_space<hbm>>
      %dma_wait3A_367 = tpu.memref_squeeze %dma_wait3A_366 : memref<1x10x1024xi32, #tpu.memory_space<hbm>> -> memref<10x1024xi32, #tpu.memory_space<hbm>>
      %dma_wait3A_368 = arith.constant 0 : i32
      %dma_wait3A_369 = arith.constant 0 : i32
      %dma_wait3A_370 = tpu.memref_slice %arg3[%add3A, %dma_wait3A_368, %dma_wait3A_369] : memref<32x10x1024xi32, #tpu.memory_space<hbm>> -> memref<1x10x1024xi32, #tpu.memory_space<hbm>>
      %dma_wait3A_371 = tpu.memref_squeeze %dma_wait3A_370 : memref<1x10x1024xi32, #tpu.memory_space<hbm>> -> memref<10x1024xi32, #tpu.memory_space<hbm>>
      tpu.wait_dma2 semaphore(%run_scoped3A : memref<!tpu.dma_semaphore, #tpu.memory_space<semaphore_mem>>) src(%dma_wait3A_371 : memref<10x1024xi32, #tpu.memory_space<hbm>>) dst(%arg9 : memref<10x1024xi32, #tpu.memory_space<vmem>>)
      tpu.yield
    }) : () -> ()
    "tpu.region"() ({
      %run_scoped3A = tpu.sem_alloc : memref<!tpu.dma_semaphore, #tpu.memory_space<semaphore_mem>>
      %dma_start3A_356 = arith.constant 0 : i32
      %dma_start3A_357 = arith.constant 0 : i32
      %dma_start3A_358 = tpu.memref_slice %arg4[%add3A, %dma_start3A_356, %dma_start3A_357] : memref<32x10x1024xf32, #tpu.memory_space<hbm>> -> memref<1x10x1024xf32, #tpu.memory_space<hbm>>
      %dma_start3A_359 = tpu.memref_squeeze %dma_start3A_358 : memref<1x10x1024xf32, #tpu.memory_space<hbm>> -> memref<10x1024xf32, #tpu.memory_space<hbm>>
      %dma_start3A_360 = arith.constant 0 : i32
      %dma_start3A_361 = arith.constant 0 : i32
      %dma_start3A_362 = tpu.memref_slice %arg4[%add3A, %dma_start3A_360, %dma_start3A_361] : memref<32x10x1024xf32, #tpu.memory_space<hbm>> -> memref<1x10x1024xf32, #tpu.memory_space<hbm>>
      %dma_start3A_363 = tpu.memref_squeeze %dma_start3A_362 : memref<1x10x1024xf32, #tpu.memory_space<hbm>> -> memref<10x1024xf32, #tpu.memory_space<hbm>>
      tpu.enqueue_dma source(%dma_start3A_363 : memref<10x1024xf32, #tpu.memory_space<hbm>>) target(%arg10 : memref<10x1024xf32, #tpu.memory_space<vmem>>) target_semaphore(%run_scoped3A : memref<!tpu.dma_semaphore, #tpu.memory_space<semaphore_mem>>)
      %dma_wait3A_364 = arith.constant 0 : i32
      %dma_wait3A_365 = arith.constant 0 : i32
      %dma_wait3A_366 = tpu.memref_slice %arg4[%add3A, %dma_wait3A_364, %dma_wait3A_365] : memref<32x10x1024xf32, #tpu.memory_space<hbm>> -> memref<1x10x1024xf32, #tpu.memory_space<hbm>>
      %dma_wait3A_367 = tpu.memref_squeeze %dma_wait3A_366 : memref<1x10x1024xf32, #tpu.memory_space<hbm>> -> memref<10x1024xf32, #tpu.memory_space<hbm>>
      %dma_wait3A_368 = arith.constant 0 : i32
      %dma_wait3A_369 = arith.constant 0 : i32
      %dma_wait3A_370 = tpu.memref_slice %arg4[%add3A, %dma_wait3A_368, %dma_wait3A_369] : memref<32x10x1024xf32, #tpu.memory_space<hbm>> -> memref<1x10x1024xf32, #tpu.memory_space<hbm>>
      %dma_wait3A_371 = tpu.memref_squeeze %dma_wait3A_370 : memref<1x10x1024xf32, #tpu.memory_space<hbm>> -> memref<10x1024xf32, #tpu.memory_space<hbm>>
      tpu.wait_dma2 semaphore(%run_scoped3A : memref<!tpu.dma_semaphore, #tpu.memory_space<semaphore_mem>>) src(%dma_wait3A_371 : memref<10x1024xf32, #tpu.memory_space<hbm>>) dst(%arg10 : memref<10x1024xf32, #tpu.memory_space<vmem>>)
      tpu.yield
    }) : () -> ()
    %barrier3A = arith.constant 0 : index
    tpu.barrier barrier_id(%barrier3A)
    %dma_start3A = arith.constant 0 : i32
    %dma_start3A_5 = arith.constant 0 : i32
    %dma_start3A_6 = tpu.memref_slice %arg8[%dma_start3A, %dma_start3A_5] : memref<10x1024xi32, #tpu.memory_space<vmem>> -> memref<1x1024xi32, #tpu.memory_space<vmem>>
    %dma_start3A_7 = tpu.memref_squeeze %dma_start3A_6 : memref<1x1024xi32, #tpu.memory_space<vmem>> -> memref<1024xi32, #tpu.memory_space<vmem>>
    %dma_start3A_8 = arith.constant 0 : i32
    %dma_start3A_9 = arith.constant 0 : i32
    %dma_start3A_10 = tpu.memref_slice %arg5[%dma_start3A_8, %dma_start3A_9] : memref<10240x16xf32, #tpu.memory_space<hbm>> -> memref<10240x16xf32, #tpu.memory_space<hbm>>
    tpu.enqueue_indirect_dma source(%dma_start3A_10 : memref<10240x16xf32, #tpu.memory_space<hbm>>) target(%arg11 : memref<1024x16xf32, #tpu.memory_space<vmem>>) offsets(%dma_start3A_7 : memref<1024xi32, #tpu.memory_space<vmem>>) semaphore(%arg16 : memref<!tpu.dma_semaphore, #tpu.memory_space<semaphore_mem>>)
    %dma_start3A_11 = arith.constant 1 : i32
    %dma_start3A_12 = arith.constant 0 : i32
    %dma_start3A_13 = tpu.memref_slice %arg8[%dma_start3A_11, %dma_start3A_12] : memref<10x1024xi32, #tpu.memory_space<vmem>> -> memref<1x1024xi32, #tpu.memory_space<vmem>>
    %dma_start3A_14 = tpu.memref_squeeze %dma_start3A_13 : memref<1x1024xi32, #tpu.memory_space<vmem>> -> memref<1024xi32, #tpu.memory_space<vmem>>
    %dma_start3A_15 = arith.constant 0 : i32
    %dma_start3A_16 = arith.constant 0 : i32
    %dma_start3A_17 = tpu.memref_slice %arg5[%dma_start3A_15, %dma_start3A_16] : memref<10240x16xf32, #tpu.memory_space<hbm>> -> memref<10240x16xf32, #tpu.memory_space<hbm>>
    tpu.enqueue_indirect_dma source(%dma_start3A_17 : memref<10240x16xf32, #tpu.memory_space<hbm>>) target(%arg12 : memref<1024x16xf32, #tpu.memory_space<vmem>>) offsets(%dma_start3A_14 : memref<1024xi32, #tpu.memory_space<vmem>>) semaphore(%arg17 : memref<!tpu.dma_semaphore, #tpu.memory_space<semaphore_mem>>)
    %dma_start3A_18 = arith.constant 2 : i32
    %dma_start3A_19 = arith.constant 0 : i32
    %dma_start3A_20 = tpu.memref_slice %arg8[%dma_start3A_18, %dma_start3A_19] : memref<10x1024xi32, #tpu.memory_space<vmem>> -> memref<1x1024xi32, #tpu.memory_space<vmem>>
    %dma_start3A_21 = tpu.memref_squeeze %dma_start3A_20 : memref<1x1024xi32, #tpu.memory_space<vmem>> -> memref<1024xi32, #tpu.memory_space<vmem>>
    %dma_start3A_22 = arith.constant 0 : i32
    %dma_start3A_23 = arith.constant 0 : i32
    %dma_start3A_24 = tpu.memref_slice %arg5[%dma_start3A_22, %dma_start3A_23] : memref<10240x16xf32, #tpu.memory_space<hbm>> -> memref<10240x16xf32, #tpu.memory_space<hbm>>
    tpu.enqueue_indirect_dma source(%dma_start3A_24 : memref<10240x16xf32, #tpu.memory_space<hbm>>) target(%arg13 : memref<1024x16xf32, #tpu.memory_space<vmem>>) offsets(%dma_start3A_21 : memref<1024xi32, #tpu.memory_space<vmem>>) semaphore(%arg18 : memref<!tpu.dma_semaphore, #tpu.memory_space<semaphore_mem>>)
    %dma_wait3A = arith.constant 0 : i32
    %dma_wait3A_25 = arith.constant 0 : i32
    %dma_wait3A_26 = tpu.memref_slice %arg8[%dma_wait3A, %dma_wait3A_25] : memref<10x1024xi32, #tpu.memory_space<vmem>> -> memref<1x1024xi32, #tpu.memory_space<vmem>>
    %dma_wait3A_27 = tpu.memref_squeeze %dma_wait3A_26 : memref<1x1024xi32, #tpu.memory_space<vmem>> -> memref<1024xi32, #tpu.memory_space<vmem>>
    %dma_wait3A_28 = arith.constant 0 : i32
    %dma_wait3A_29 = arith.constant 0 : i32
    %dma_wait3A_30 = tpu.memref_slice %arg5[%dma_wait3A_28, %dma_wait3A_29] : memref<10240x16xf32, #tpu.memory_space<hbm>> -> memref<10240x16xf32, #tpu.memory_space<hbm>>
    tpu.wait_indirect_dma semaphore(%arg16 : memref<!tpu.dma_semaphore, #tpu.memory_space<semaphore_mem>>) src(%dma_wait3A_30 : memref<10240x16xf32, #tpu.memory_space<hbm>>) dst(%arg11 : memref<1024x16xf32, #tpu.memory_space<vmem>>)
    %broadcast_in_dim3A = arith.constant 0 : i32
    %broadcast_in_dim3A_31 = vector.broadcast %broadcast_in_dim3A : i32 to vector<16xi32>
    %scan3A = arith.constant 0 : i32
    %scan3A_32 = arith.constant 256 : i32
    %scan3A_33 = arith.addi %scan3A, %scan3A_32 : i32
    %scan3A_34 = arith.constant 1 : i32
    scf.for %scan3A_356 = %scan3A to %scan3A_33 step %scan3A_34  : i32 {
      %mul3A_357 = arith.constant 1 : i32
      %mul3A_358 = arith.muli %scan3A_356, %mul3A_357 : i32
      %add3A_359 = arith.constant 0 : i32
      %add3A_360 = arith.addi %add3A_359, %mul3A_358 : i32
      %mul3A_361 = arith.constant 4 : i32
      %mul3A_362 = arith.muli %add3A_360, %mul3A_361 : i32
      %add3A_363 = arith.constant 0 : i32
      %add3A_364 = arith.addi %mul3A_362, %add3A_363 : i32
      %broadcast_in_dim3A_365 = vector.broadcast %add3A_364 : i32 to vector<16xi32>
      %gather3A = tpu.vector_load_idx %arg10[%broadcast_in_dim3A_31, %broadcast_in_dim3A_365] : memref<10x1024xf32, #tpu.memory_space<vmem>>[vector<16xi32>, vector<16xi32>], vector<16xf32>,
      %add3A_366 = arith.constant 0 : i32
      %add3A_367 = arith.addi %mul3A_362, %add3A_366 : i32
      %get3A = arith.index_cast %add3A_367 : i32 to index
      %get3A_368 = arith.constant 0 : index
      %get3A_369 = tpu.vector_load %arg11[%get3A, %get3A_368] {strides = array<i32>} : memref<1024x16xf32, #tpu.memory_space<vmem>>, vector<16xf32>,
      %mul3A_370 = arith.mulf %get3A_369, %gather3A : vector<16xf32>
      %add3A_371 = arith.constant 0 : i32
      %add3A_372 = arith.addi %mul3A_362, %add3A_371 : i32
      %swap3A = arith.index_cast %add3A_372 : i32 to index
      %swap3A_373 = arith.constant 0 : index
      %swap3A_374 = tpu.vector_load %arg11[%swap3A, %swap3A_373] {strides = array<i32>} : memref<1024x16xf32, #tpu.memory_space<vmem>>, vector<16xf32>,
      tpu.vector_store %arg11[%swap3A, %swap3A_373], %mul3A_370 {strides = array<i32>} : memref<1024x16xf32, #tpu.memory_space<vmem>>, vector<16xf32>,
      %add3A_375 = arith.constant 1 : i32
      %add3A_376 = arith.addi %mul3A_362, %add3A_375 : i32
      %broadcast_in_dim3A_377 = vector.broadcast %add3A_376 : i32 to vector<16xi32>
      %gather3A_378 = tpu.vector_load_idx %arg10[%broadcast_in_dim3A_31, %broadcast_in_dim3A_377] : memref<10x1024xf32, #tpu.memory_space<vmem>>[vector<16xi32>, vector<16xi32>], vector<16xf32>,
      %add3A_379 = arith.constant 1 : i32
      %add3A_380 = arith.addi %mul3A_362, %add3A_379 : i32
      %get3A_381 = arith.index_cast %add3A_380 : i32 to index
      %get3A_382 = arith.constant 0 : index
      %get3A_383 = tpu.vector_load %arg11[%get3A_381, %get3A_382] {strides = array<i32>} : memref<1024x16xf32, #tpu.memory_space<vmem>>, vector<16xf32>,
      %mul3A_384 = arith.mulf %get3A_383, %gather3A_378 : vector<16xf32>
      %add3A_385 = arith.constant 1 : i32
      %add3A_386 = arith.addi %mul3A_362, %add3A_385 : i32
      %swap3A_387 = arith.index_cast %add3A_386 : i32 to index
      %swap3A_388 = arith.constant 0 : index
      %swap3A_389 = tpu.vector_load %arg11[%swap3A_387, %swap3A_388] {strides = array<i32>} : memref<1024x16xf32, #tpu.memory_space<vmem>>, vector<16xf32>,
      tpu.vector_store %arg11[%swap3A_387, %swap3A_388], %mul3A_384 {strides = array<i32>} : memref<1024x16xf32, #tpu.memory_space<vmem>>, vector<16xf32>,
      %add3A_390 = arith.constant 2 : i32
      %add3A_391 = arith.addi %mul3A_362, %add3A_390 : i32
      %broadcast_in_dim3A_392 = vector.broadcast %add3A_391 : i32 to vector<16xi32>
      %gather3A_393 = tpu.vector_load_idx %arg10[%broadcast_in_dim3A_31, %broadcast_in_dim3A_392] : memref<10x1024xf32, #tpu.memory_space<vmem>>[vector<16xi32>, vector<16xi32>], vector<16xf32>,
      %add3A_394 = arith.constant 2 : i32
      %add3A_395 = arith.addi %mul3A_362, %add3A_394 : i32
      %get3A_396 = arith.index_cast %add3A_395 : i32 to index
      %get3A_397 = arith.constant 0 : index
      %get3A_398 = tpu.vector_load %arg11[%get3A_396, %get3A_397] {strides = array<i32>} : memref<1024x16xf32, #tpu.memory_space<vmem>>, vector<16xf32>,
      %mul3A_399 = arith.mulf %get3A_398, %gather3A_393 : vector<16xf32>
      %add3A_400 = arith.constant 2 : i32
      %add3A_401 = arith.addi %mul3A_362, %add3A_400 : i32
      %swap3A_402 = arith.index_cast %add3A_401 : i32 to index
      %swap3A_403 = arith.constant 0 : index
      %swap3A_404 = tpu.vector_load %arg11[%swap3A_402, %swap3A_403] {strides = array<i32>} : memref<1024x16xf32, #tpu.memory_space<vmem>>, vector<16xf32>,
      tpu.vector_store %arg11[%swap3A_402, %swap3A_403], %mul3A_399 {strides = array<i32>} : memref<1024x16xf32, #tpu.memory_space<vmem>>, vector<16xf32>,
      %add3A_405 = arith.constant 3 : i32
      %add3A_406 = arith.addi %mul3A_362, %add3A_405 : i32
      %broadcast_in_dim3A_407 = vector.broadcast %add3A_406 : i32 to vector<16xi32>
      %gather3A_408 = tpu.vector_load_idx %arg10[%broadcast_in_dim3A_31, %broadcast_in_dim3A_407] : memref<10x1024xf32, #tpu.memory_space<vmem>>[vector<16xi32>, vector<16xi32>], vector<16xf32>,
      %add3A_409 = arith.constant 3 : i32
      %add3A_410 = arith.addi %mul3A_362, %add3A_409 : i32
      %get3A_411 = arith.index_cast %add3A_410 : i32 to index
      %get3A_412 = arith.constant 0 : index
      %get3A_413 = tpu.vector_load %arg11[%get3A_411, %get3A_412] {strides = array<i32>} : memref<1024x16xf32, #tpu.memory_space<vmem>>, vector<16xf32>,
      %mul3A_414 = arith.mulf %get3A_413, %gather3A_408 : vector<16xf32>
      %add3A_415 = arith.constant 3 : i32
      %add3A_416 = arith.addi %mul3A_362, %add3A_415 : i32
      %swap3A_417 = arith.index_cast %add3A_416 : i32 to index
      %swap3A_418 = arith.constant 0 : index
      %swap3A_419 = tpu.vector_load %arg11[%swap3A_417, %swap3A_418] {strides = array<i32>} : memref<1024x16xf32, #tpu.memory_space<vmem>>, vector<16xf32>,
      tpu.vector_store %arg11[%swap3A_417, %swap3A_418], %mul3A_414 {strides = array<i32>} : memref<1024x16xf32, #tpu.memory_space<vmem>>, vector<16xf32>,
    }
    %scan3A_35 = arith.constant 256 : i32
    %dma_start3A_36 = arith.constant 0 : i32
    %dma_start3A_37 = arith.constant 0 : i32
    %dma_start3A_38 = tpu.memref_slice %arg9[%dma_start3A_36, %dma_start3A_37] : memref<10x1024xi32, #tpu.memory_space<vmem>> -> memref<1x1024xi32, #tpu.memory_space<vmem>>
    %dma_start3A_39 = tpu.memref_squeeze %dma_start3A_38 : memref<1x1024xi32, #tpu.memory_space<vmem>> -> memref<1024xi32, #tpu.memory_space<vmem>>
    %dma_start3A_40 = arith.constant 0 : i32
    %dma_start3A_41 = arith.constant 0 : i32
    %dma_start3A_42 = tpu.memref_slice %arg15[%dma_start3A_40, %dma_start3A_41] : memref<10240x16xf32, #tpu.memory_space<vmem_shared>> -> memref<10240x16xf32, #tpu.memory_space<vmem_shared>>
    tpu.enqueue_indirect_dma source(%arg11 : memref<1024x16xf32, #tpu.memory_space<vmem>>) target(%dma_start3A_42 : memref<10240x16xf32, #tpu.memory_space<vmem_shared>>) offsets(%dma_start3A_39 : memref<1024xi32, #tpu.memory_space<vmem>>) semaphore(%arg20 : memref<!tpu.dma_semaphore, #tpu.memory_space<semaphore_mem>>) {add = true}
    %dma_start3A_43 = arith.constant 3 : i32
    %dma_start3A_44 = arith.constant 0 : i32
    %dma_start3A_45 = tpu.memref_slice %arg8[%dma_start3A_43, %dma_start3A_44] : memref<10x1024xi32, #tpu.memory_space<vmem>> -> memref<1x1024xi32, #tpu.memory_space<vmem>>
    %dma_start3A_46 = tpu.memref_squeeze %dma_start3A_45 : memref<1x1024xi32, #tpu.memory_space<vmem>> -> memref<1024xi32, #tpu.memory_space<vmem>>
    %dma_start3A_47 = arith.constant 0 : i32
    %dma_start3A_48 = arith.constant 0 : i32
    %dma_start3A_49 = tpu.memref_slice %arg5[%dma_start3A_47, %dma_start3A_48] : memref<10240x16xf32, #tpu.memory_space<hbm>> -> memref<10240x16xf32, #tpu.memory_space<hbm>>
    tpu.enqueue_indirect_dma source(%dma_start3A_49 : memref<10240x16xf32, #tpu.memory_space<hbm>>) target(%arg14 : memref<1024x16xf32, #tpu.memory_space<vmem>>) offsets(%dma_start3A_46 : memref<1024xi32, #tpu.memory_space<vmem>>) semaphore(%arg19 : memref<!tpu.dma_semaphore, #tpu.memory_space<semaphore_mem>>)
    %dma_wait3A_50 = arith.constant 1 : i32
    %dma_wait3A_51 = arith.constant 0 : i32
    %dma_wait3A_52 = tpu.memref_slice %arg8[%dma_wait3A_50, %dma_wait3A_51] : memref<10x1024xi32, #tpu.memory_space<vmem>> -> memref<1x1024xi32, #tpu.memory_space<vmem>>
    %dma_wait3A_53 = tpu.memref_squeeze %dma_wait3A_52 : memref<1x1024xi32, #tpu.memory_space<vmem>> -> memref<1024xi32, #tpu.memory_space<vmem>>
    %dma_wait3A_54 = arith.constant 0 : i32
    %dma_wait3A_55 = arith.constant 0 : i32
    %dma_wait3A_56 = tpu.memref_slice %arg5[%dma_wait3A_54, %dma_wait3A_55] : memref<10240x16xf32, #tpu.memory_space<hbm>> -> memref<10240x16xf32, #tpu.memory_space<hbm>>
    tpu.wait_indirect_dma semaphore(%arg17 : memref<!tpu.dma_semaphore, #tpu.memory_space<semaphore_mem>>) src(%dma_wait3A_56 : memref<10240x16xf32, #tpu.memory_space<hbm>>) dst(%arg12 : memref<1024x16xf32, #tpu.memory_space<vmem>>)
    %broadcast_in_dim3A_57 = arith.constant 1 : i32
    %broadcast_in_dim3A_58 = vector.broadcast %broadcast_in_dim3A_57 : i32 to vector<16xi32>
    %scan3A_59 = arith.constant 0 : i32
    %scan3A_60 = arith.constant 256 : i32
    %scan3A_61 = arith.addi %scan3A_59, %scan3A_60 : i32
    %scan3A_62 = arith.constant 1 : i32
    scf.for %scan3A_356 = %scan3A_59 to %scan3A_61 step %scan3A_62  : i32 {
      %mul3A_357 = arith.constant 1 : i32
      %mul3A_358 = arith.muli %scan3A_356, %mul3A_357 : i32
      %add3A_359 = arith.constant 0 : i32
      %add3A_360 = arith.addi %add3A_359, %mul3A_358 : i32
      %mul3A_361 = arith.constant 4 : i32
      %mul3A_362 = arith.muli %add3A_360, %mul3A_361 : i32
      %add3A_363 = arith.constant 0 : i32
      %add3A_364 = arith.addi %mul3A_362, %add3A_363 : i32
      %broadcast_in_dim3A_365 = vector.broadcast %add3A_364 : i32 to vector<16xi32>
      %gather3A = tpu.vector_load_idx %arg10[%broadcast_in_dim3A_58, %broadcast_in_dim3A_365] : memref<10x1024xf32, #tpu.memory_space<vmem>>[vector<16xi32>, vector<16xi32>], vector<16xf32>,
      %add3A_366 = arith.constant 0 : i32
      %add3A_367 = arith.addi %mul3A_362, %add3A_366 : i32
      %get3A = arith.index_cast %add3A_367 : i32 to index
      %get3A_368 = arith.constant 0 : index
      %get3A_369 = tpu.vector_load %arg12[%get3A, %get3A_368] {strides = array<i32>} : memref<1024x16xf32, #tpu.memory_space<vmem>>, vector<16xf32>,
      %mul3A_370 = arith.mulf %get3A_369, %gather3A : vector<16xf32>
      %add3A_371 = arith.constant 0 : i32
      %add3A_372 = arith.addi %mul3A_362, %add3A_371 : i32
      %swap3A = arith.index_cast %add3A_372 : i32 to index
      %swap3A_373 = arith.constant 0 : index
      %swap3A_374 = tpu.vector_load %arg12[%swap3A, %swap3A_373] {strides = array<i32>} : memref<1024x16xf32, #tpu.memory_space<vmem>>, vector<16xf32>,
      tpu.vector_store %arg12[%swap3A, %swap3A_373], %mul3A_370 {strides = array<i32>} : memref<1024x16xf32, #tpu.memory_space<vmem>>, vector<16xf32>,
      %add3A_375 = arith.constant 1 : i32
      %add3A_376 = arith.addi %mul3A_362, %add3A_375 : i32
      %broadcast_in_dim3A_377 = vector.broadcast %add3A_376 : i32 to vector<16xi32>
      %gather3A_378 = tpu.vector_load_idx %arg10[%broadcast_in_dim3A_58, %broadcast_in_dim3A_377] : memref<10x1024xf32, #tpu.memory_space<vmem>>[vector<16xi32>, vector<16xi32>], vector<16xf32>,
      %add3A_379 = arith.constant 1 : i32
      %add3A_380 = arith.addi %mul3A_362, %add3A_379 : i32
      %get3A_381 = arith.index_cast %add3A_380 : i32 to index
      %get3A_382 = arith.constant 0 : index
      %get3A_383 = tpu.vector_load %arg12[%get3A_381, %get3A_382] {strides = array<i32>} : memref<1024x16xf32, #tpu.memory_space<vmem>>, vector<16xf32>,
      %mul3A_384 = arith.mulf %get3A_383, %gather3A_378 : vector<16xf32>
      %add3A_385 = arith.constant 1 : i32
      %add3A_386 = arith.addi %mul3A_362, %add3A_385 : i32
      %swap3A_387 = arith.index_cast %add3A_386 : i32 to index
      %swap3A_388 = arith.constant 0 : index
      %swap3A_389 = tpu.vector_load %arg12[%swap3A_387, %swap3A_388] {strides = array<i32>} : memref<1024x16xf32, #tpu.memory_space<vmem>>, vector<16xf32>,
      tpu.vector_store %arg12[%swap3A_387, %swap3A_388], %mul3A_384 {strides = array<i32>} : memref<1024x16xf32, #tpu.memory_space<vmem>>, vector<16xf32>,
      %add3A_390 = arith.constant 2 : i32
      %add3A_391 = arith.addi %mul3A_362, %add3A_390 : i32
      %broadcast_in_dim3A_392 = vector.broadcast %add3A_391 : i32 to vector<16xi32>
      %gather3A_393 = tpu.vector_load_idx %arg10[%broadcast_in_dim3A_58, %broadcast_in_dim3A_392] : memref<10x1024xf32, #tpu.memory_space<vmem>>[vector<16xi32>, vector<16xi32>], vector<16xf32>,
      %add3A_394 = arith.constant 2 : i32
      %add3A_395 = arith.addi %mul3A_362, %add3A_394 : i32
      %get3A_396 = arith.index_cast %add3A_395 : i32 to index
      %get3A_397 = arith.constant 0 : index
      %get3A_398 = tpu.vector_load %arg12[%get3A_396, %get3A_397] {strides = array<i32>} : memref<1024x16xf32, #tpu.memory_space<vmem>>, vector<16xf32>,
      %mul3A_399 = arith.mulf %get3A_398, %gather3A_393 : vector<16xf32>
      %add3A_400 = arith.constant 2 : i32
      %add3A_401 = arith.addi %mul3A_362, %add3A_400 : i32
      %swap3A_402 = arith.index_cast %add3A_401 : i32 to index
      %swap3A_403 = arith.constant 0 : index
      %swap3A_404 = tpu.vector_load %arg12[%swap3A_402, %swap3A_403] {strides = array<i32>} : memref<1024x16xf32, #tpu.memory_space<vmem>>, vector<16xf32>,
      tpu.vector_store %arg12[%swap3A_402, %swap3A_403], %mul3A_399 {strides = array<i32>} : memref<1024x16xf32, #tpu.memory_space<vmem>>, vector<16xf32>,
      %add3A_405 = arith.constant 3 : i32
      %add3A_406 = arith.addi %mul3A_362, %add3A_405 : i32
      %broadcast_in_dim3A_407 = vector.broadcast %add3A_406 : i32 to vector<16xi32>
      %gather3A_408 = tpu.vector_load_idx %arg10[%broadcast_in_dim3A_58, %broadcast_in_dim3A_407] : memref<10x1024xf32, #tpu.memory_space<vmem>>[vector<16xi32>, vector<16xi32>], vector<16xf32>,
      %add3A_409 = arith.constant 3 : i32
      %add3A_410 = arith.addi %mul3A_362, %add3A_409 : i32
      %get3A_411 = arith.index_cast %add3A_410 : i32 to index
      %get3A_412 = arith.constant 0 : index
      %get3A_413 = tpu.vector_load %arg12[%get3A_411, %get3A_412] {strides = array<i32>} : memref<1024x16xf32, #tpu.memory_space<vmem>>, vector<16xf32>,
      %mul3A_414 = arith.mulf %get3A_413, %gather3A_408 : vector<16xf32>
      %add3A_415 = arith.constant 3 : i32
      %add3A_416 = arith.addi %mul3A_362, %add3A_415 : i32
      %swap3A_417 = arith.index_cast %add3A_416 : i32 to index
      %swap3A_418 = arith.constant 0 : index
      %swap3A_419 = tpu.vector_load %arg12[%swap3A_417, %swap3A_418] {strides = array<i32>} : memref<1024x16xf32, #tpu.memory_space<vmem>>, vector<16xf32>,
      tpu.vector_store %arg12[%swap3A_417, %swap3A_418], %mul3A_414 {strides = array<i32>} : memref<1024x16xf32, #tpu.memory_space<vmem>>, vector<16xf32>,
    }
    %scan3A_63 = arith.constant 256 : i32
    %dma_start3A_64 = arith.constant 1 : i32
    %dma_start3A_65 = arith.constant 0 : i32
    %dma_start3A_66 = tpu.memref_slice %arg9[%dma_start3A_64, %dma_start3A_65] : memref<10x1024xi32, #tpu.memory_space<vmem>> -> memref<1x1024xi32, #tpu.memory_space<vmem>>
    %dma_start3A_67 = tpu.memref_squeeze %dma_start3A_66 : memref<1x1024xi32, #tpu.memory_space<vmem>> -> memref<1024xi32, #tpu.memory_space<vmem>>
    %dma_start3A_68 = arith.constant 0 : i32
    %dma_start3A_69 = arith.constant 0 : i32
    %dma_start3A_70 = tpu.memref_slice %arg15[%dma_start3A_68, %dma_start3A_69] : memref<10240x16xf32, #tpu.memory_space<vmem_shared>> -> memref<10240x16xf32, #tpu.memory_space<vmem_shared>>
    tpu.enqueue_indirect_dma source(%arg12 : memref<1024x16xf32, #tpu.memory_space<vmem>>) target(%dma_start3A_70 : memref<10240x16xf32, #tpu.memory_space<vmem_shared>>) offsets(%dma_start3A_67 : memref<1024xi32, #tpu.memory_space<vmem>>) semaphore(%arg21 : memref<!tpu.dma_semaphore, #tpu.memory_space<semaphore_mem>>) {add = true}
    %dma_wait3A_71 = arith.constant 0 : i32
    %dma_wait3A_72 = arith.constant 0 : i32
    %dma_wait3A_73 = tpu.memref_slice %arg9[%dma_wait3A_71, %dma_wait3A_72] : memref<10x1024xi32, #tpu.memory_space<vmem>> -> memref<1x1024xi32, #tpu.memory_space<vmem>>
    %dma_wait3A_74 = tpu.memref_squeeze %dma_wait3A_73 : memref<1x1024xi32, #tpu.memory_space<vmem>> -> memref<1024xi32, #tpu.memory_space<vmem>>
    %dma_wait3A_75 = arith.constant 0 : i32
    %dma_wait3A_76 = arith.constant 0 : i32
    %dma_wait3A_77 = tpu.memref_slice %arg15[%dma_wait3A_75, %dma_wait3A_76] : memref<10240x16xf32, #tpu.memory_space<vmem_shared>> -> memref<10240x16xf32, #tpu.memory_space<vmem_shared>>
    tpu.wait_indirect_dma semaphore(%arg20 : memref<!tpu.dma_semaphore, #tpu.memory_space<semaphore_mem>>) src(%arg11 : memref<1024x16xf32, #tpu.memory_space<vmem>>) dst(%dma_wait3A_77 : memref<10240x16xf32, #tpu.memory_space<vmem_shared>>)
    %dma_start3A_78 = arith.constant 4 : i32
    %dma_start3A_79 = arith.constant 0 : i32
    %dma_start3A_80 = tpu.memref_slice %arg8[%dma_start3A_78, %dma_start3A_79] : memref<10x1024xi32, #tpu.memory_space<vmem>> -> memref<1x1024xi32, #tpu.memory_space<vmem>>
    %dma_start3A_81 = tpu.memref_squeeze %dma_start3A_80 : memref<1x1024xi32, #tpu.memory_space<vmem>> -> memref<1024xi32, #tpu.memory_space<vmem>>
    %dma_start3A_82 = arith.constant 0 : i32
    %dma_start3A_83 = arith.constant 0 : i32
    %dma_start3A_84 = tpu.memref_slice %arg5[%dma_start3A_82, %dma_start3A_83] : memref<10240x16xf32, #tpu.memory_space<hbm>> -> memref<10240x16xf32, #tpu.memory_space<hbm>>
    tpu.enqueue_indirect_dma source(%dma_start3A_84 : memref<10240x16xf32, #tpu.memory_space<hbm>>) target(%arg11 : memref<1024x16xf32, #tpu.memory_space<vmem>>) offsets(%dma_start3A_81 : memref<1024xi32, #tpu.memory_space<vmem>>) semaphore(%arg16 : memref<!tpu.dma_semaphore, #tpu.memory_space<semaphore_mem>>)
    %dma_wait3A_85 = arith.constant 2 : i32
    %dma_wait3A_86 = arith.constant 0 : i32
    %dma_wait3A_87 = tpu.memref_slice %arg8[%dma_wait3A_85, %dma_wait3A_86] : memref<10x1024xi32, #tpu.memory_space<vmem>> -> memref<1x1024xi32, #tpu.memory_space<vmem>>
    %dma_wait3A_88 = tpu.memref_squeeze %dma_wait3A_87 : memref<1x1024xi32, #tpu.memory_space<vmem>> -> memref<1024xi32, #tpu.memory_space<vmem>>
    %dma_wait3A_89 = arith.constant 0 : i32
    %dma_wait3A_90 = arith.constant 0 : i32
    %dma_wait3A_91 = tpu.memref_slice %arg5[%dma_wait3A_89, %dma_wait3A_90] : memref<10240x16xf32, #tpu.memory_space<hbm>> -> memref<10240x16xf32, #tpu.memory_space<hbm>>
    tpu.wait_indirect_dma semaphore(%arg18 : memref<!tpu.dma_semaphore, #tpu.memory_space<semaphore_mem>>) src(%dma_wait3A_91 : memref<10240x16xf32, #tpu.memory_space<hbm>>) dst(%arg13 : memref<1024x16xf32, #tpu.memory_space<vmem>>)
    %broadcast_in_dim3A_92 = arith.constant 2 : i32
    %broadcast_in_dim3A_93 = vector.broadcast %broadcast_in_dim3A_92 : i32 to vector<16xi32>
    %scan3A_94 = arith.constant 0 : i32
    %scan3A_95 = arith.constant 256 : i32
    %scan3A_96 = arith.addi %scan3A_94, %scan3A_95 : i32
    %scan3A_97 = arith.constant 1 : i32
    scf.for %scan3A_356 = %scan3A_94 to %scan3A_96 step %scan3A_97  : i32 {
      %mul3A_357 = arith.constant 1 : i32
      %mul3A_358 = arith.muli %scan3A_356, %mul3A_357 : i32
      %add3A_359 = arith.constant 0 : i32
      %add3A_360 = arith.addi %add3A_359, %mul3A_358 : i32
      %mul3A_361 = arith.constant 4 : i32
      %mul3A_362 = arith.muli %add3A_360, %mul3A_361 : i32
      %add3A_363 = arith.constant 0 : i32
      %add3A_364 = arith.addi %mul3A_362, %add3A_363 : i32
      %broadcast_in_dim3A_365 = vector.broadcast %add3A_364 : i32 to vector<16xi32>
      %gather3A = tpu.vector_load_idx %arg10[%broadcast_in_dim3A_93, %broadcast_in_dim3A_365] : memref<10x1024xf32, #tpu.memory_space<vmem>>[vector<16xi32>, vector<16xi32>], vector<16xf32>,
      %add3A_366 = arith.constant 0 : i32
      %add3A_367 = arith.addi %mul3A_362, %add3A_366 : i32
      %get3A = arith.index_cast %add3A_367 : i32 to index
      %get3A_368 = arith.constant 0 : index
      %get3A_369 = tpu.vector_load %arg13[%get3A, %get3A_368] {strides = array<i32>} : memref<1024x16xf32, #tpu.memory_space<vmem>>, vector<16xf32>,
      %mul3A_370 = arith.mulf %get3A_369, %gather3A : vector<16xf32>
      %add3A_371 = arith.constant 0 : i32
      %add3A_372 = arith.addi %mul3A_362, %add3A_371 : i32
      %swap3A = arith.index_cast %add3A_372 : i32 to index
      %swap3A_373 = arith.constant 0 : index
      %swap3A_374 = tpu.vector_load %arg13[%swap3A, %swap3A_373] {strides = array<i32>} : memref<1024x16xf32, #tpu.memory_space<vmem>>, vector<16xf32>,
      tpu.vector_store %arg13[%swap3A, %swap3A_373], %mul3A_370 {strides = array<i32>} : memref<1024x16xf32, #tpu.memory_space<vmem>>, vector<16xf32>,
      %add3A_375 = arith.constant 1 : i32
      %add3A_376 = arith.addi %mul3A_362, %add3A_375 : i32
      %broadcast_in_dim3A_377 = vector.broadcast %add3A_376 : i32 to vector<16xi32>
      %gather3A_378 = tpu.vector_load_idx %arg10[%broadcast_in_dim3A_93, %broadcast_in_dim3A_377] : memref<10x1024xf32, #tpu.memory_space<vmem>>[vector<16xi32>, vector<16xi32>], vector<16xf32>,
      %add3A_379 = arith.constant 1 : i32
      %add3A_380 = arith.addi %mul3A_362, %add3A_379 : i32
      %get3A_381 = arith.index_cast %add3A_380 : i32 to index
      %get3A_382 = arith.constant 0 : index
      %get3A_383 = tpu.vector_load %arg13[%get3A_381, %get3A_382] {strides = array<i32>} : memref<1024x16xf32, #tpu.memory_space<vmem>>, vector<16xf32>,
      %mul3A_384 = arith.mulf %get3A_383, %gather3A_378 : vector<16xf32>
      %add3A_385 = arith.constant 1 : i32
      %add3A_386 = arith.addi %mul3A_362, %add3A_385 : i32
      %swap3A_387 = arith.index_cast %add3A_386 : i32 to index
      %swap3A_388 = arith.constant 0 : index
      %swap3A_389 = tpu.vector_load %arg13[%swap3A_387, %swap3A_388] {strides = array<i32>} : memref<1024x16xf32, #tpu.memory_space<vmem>>, vector<16xf32>,
      tpu.vector_store %arg13[%swap3A_387, %swap3A_388], %mul3A_384 {strides = array<i32>} : memref<1024x16xf32, #tpu.memory_space<vmem>>, vector<16xf32>,
      %add3A_390 = arith.constant 2 : i32
      %add3A_391 = arith.addi %mul3A_362, %add3A_390 : i32
      %broadcast_in_dim3A_392 = vector.broadcast %add3A_391 : i32 to vector<16xi32>
      %gather3A_393 = tpu.vector_load_idx %arg10[%broadcast_in_dim3A_93, %broadcast_in_dim3A_392] : memref<10x1024xf32, #tpu.memory_space<vmem>>[vector<16xi32>, vector<16xi32>], vector<16xf32>,
      %add3A_394 = arith.constant 2 : i32
      %add3A_395 = arith.addi %mul3A_362, %add3A_394 : i32
      %get3A_396 = arith.index_cast %add3A_395 : i32 to index
      %get3A_397 = arith.constant 0 : index
      %get3A_398 = tpu.vector_load %arg13[%get3A_396, %get3A_397] {strides = array<i32>} : memref<1024x16xf32, #tpu.memory_space<vmem>>, vector<16xf32>,
      %mul3A_399 = arith.mulf %get3A_398, %gather3A_393 : vector<16xf32>
      %add3A_400 = arith.constant 2 : i32
      %add3A_401 = arith.addi %mul3A_362, %add3A_400 : i32
      %swap3A_402 = arith.index_cast %add3A_401 : i32 to index
      %swap3A_403 = arith.constant 0 : index
      %swap3A_404 = tpu.vector_load %arg13[%swap3A_402, %swap3A_403] {strides = array<i32>} : memref<1024x16xf32, #tpu.memory_space<vmem>>, vector<16xf32>,
      tpu.vector_store %arg13[%swap3A_402, %swap3A_403], %mul3A_399 {strides = array<i32>} : memref<1024x16xf32, #tpu.memory_space<vmem>>, vector<16xf32>,
      %add3A_405 = arith.constant 3 : i32
      %add3A_406 = arith.addi %mul3A_362, %add3A_405 : i32
      %broadcast_in_dim3A_407 = vector.broadcast %add3A_406 : i32 to vector<16xi32>
      %gather3A_408 = tpu.vector_load_idx %arg10[%broadcast_in_dim3A_93, %broadcast_in_dim3A_407] : memref<10x1024xf32, #tpu.memory_space<vmem>>[vector<16xi32>, vector<16xi32>], vector<16xf32>,
      %add3A_409 = arith.constant 3 : i32
      %add3A_410 = arith.addi %mul3A_362, %add3A_409 : i32
      %get3A_411 = arith.index_cast %add3A_410 : i32 to index
      %get3A_412 = arith.constant 0 : index
      %get3A_413 = tpu.vector_load %arg13[%get3A_411, %get3A_412] {strides = array<i32>} : memref<1024x16xf32, #tpu.memory_space<vmem>>, vector<16xf32>,
      %mul3A_414 = arith.mulf %get3A_413, %gather3A_408 : vector<16xf32>
      %add3A_415 = arith.constant 3 : i32
      %add3A_416 = arith.addi %mul3A_362, %add3A_415 : i32
      %swap3A_417 = arith.index_cast %add3A_416 : i32 to index
      %swap3A_418 = arith.constant 0 : index
      %swap3A_419 = tpu.vector_load %arg13[%swap3A_417, %swap3A_418] {strides = array<i32>} : memref<1024x16xf32, #tpu.memory_space<vmem>>, vector<16xf32>,
      tpu.vector_store %arg13[%swap3A_417, %swap3A_418], %mul3A_414 {strides = array<i32>} : memref<1024x16xf32, #tpu.memory_space<vmem>>, vector<16xf32>,
    }
    %scan3A_98 = arith.constant 256 : i32
    %dma_start3A_99 = arith.constant 2 : i32
    %dma_start3A_100 = arith.constant 0 : i32
    %dma_start3A_101 = tpu.memref_slice %arg9[%dma_start3A_99, %dma_start3A_100] : memref<10x1024xi32, #tpu.memory_space<vmem>> -> memref<1x1024xi32, #tpu.memory_space<vmem>>
    %dma_start3A_102 = tpu.memref_squeeze %dma_start3A_101 : memref<1x1024xi32, #tpu.memory_space<vmem>> -> memref<1024xi32, #tpu.memory_space<vmem>>
    %dma_start3A_103 = arith.constant 0 : i32
    %dma_start3A_104 = arith.constant 0 : i32
    %dma_start3A_105 = tpu.memref_slice %arg15[%dma_start3A_103, %dma_start3A_104] : memref<10240x16xf32, #tpu.memory_space<vmem_shared>> -> memref<10240x16xf32, #tpu.memory_space<vmem_shared>>
    tpu.enqueue_indirect_dma source(%arg13 : memref<1024x16xf32, #tpu.memory_space<vmem>>) target(%dma_start3A_105 : memref<10240x16xf32, #tpu.memory_space<vmem_shared>>) offsets(%dma_start3A_102 : memref<1024xi32, #tpu.memory_space<vmem>>) semaphore(%arg22 : memref<!tpu.dma_semaphore, #tpu.memory_space<semaphore_mem>>) {add = true}
    %dma_wait3A_106 = arith.constant 1 : i32
    %dma_wait3A_107 = arith.constant 0 : i32
    %dma_wait3A_108 = tpu.memref_slice %arg9[%dma_wait3A_106, %dma_wait3A_107] : memref<10x1024xi32, #tpu.memory_space<vmem>> -> memref<1x1024xi32, #tpu.memory_space<vmem>>
    %dma_wait3A_109 = tpu.memref_squeeze %dma_wait3A_108 : memref<1x1024xi32, #tpu.memory_space<vmem>> -> memref<1024xi32, #tpu.memory_space<vmem>>
    %dma_wait3A_110 = arith.constant 0 : i32
    %dma_wait3A_111 = arith.constant 0 : i32
    %dma_wait3A_112 = tpu.memref_slice %arg15[%dma_wait3A_110, %dma_wait3A_111] : memref<10240x16xf32, #tpu.memory_space<vmem_shared>> -> memref<10240x16xf32, #tpu.memory_space<vmem_shared>>
    tpu.wait_indirect_dma semaphore(%arg21 : memref<!tpu.dma_semaphore, #tpu.memory_space<semaphore_mem>>) src(%arg12 : memref<1024x16xf32, #tpu.memory_space<vmem>>) dst(%dma_wait3A_112 : memref<10240x16xf32, #tpu.memory_space<vmem_shared>>)
    %dma_start3A_113 = arith.constant 5 : i32
    %dma_start3A_114 = arith.constant 0 : i32
    %dma_start3A_115 = tpu.memref_slice %arg8[%dma_start3A_113, %dma_start3A_114] : memref<10x1024xi32, #tpu.memory_space<vmem>> -> memref<1x1024xi32, #tpu.memory_space<vmem>>
    %dma_start3A_116 = tpu.memref_squeeze %dma_start3A_115 : memref<1x1024xi32, #tpu.memory_space<vmem>> -> memref<1024xi32, #tpu.memory_space<vmem>>
    %dma_start3A_117 = arith.constant 0 : i32
    %dma_start3A_118 = arith.constant 0 : i32
    %dma_start3A_119 = tpu.memref_slice %arg5[%dma_start3A_117, %dma_start3A_118] : memref<10240x16xf32, #tpu.memory_space<hbm>> -> memref<10240x16xf32, #tpu.memory_space<hbm>>
    tpu.enqueue_indirect_dma source(%dma_start3A_119 : memref<10240x16xf32, #tpu.memory_space<hbm>>) target(%arg12 : memref<1024x16xf32, #tpu.memory_space<vmem>>) offsets(%dma_start3A_116 : memref<1024xi32, #tpu.memory_space<vmem>>) semaphore(%arg17 : memref<!tpu.dma_semaphore, #tpu.memory_space<semaphore_mem>>)
    %dma_wait3A_120 = arith.constant 3 : i32
    %dma_wait3A_121 = arith.constant 0 : i32
    %dma_wait3A_122 = tpu.memref_slice %arg8[%dma_wait3A_120, %dma_wait3A_121] : memref<10x1024xi32, #tpu.memory_space<vmem>> -> memref<1x1024xi32, #tpu.memory_space<vmem>>
    %dma_wait3A_123 = tpu.memref_squeeze %dma_wait3A_122 : memref<1x1024xi32, #tpu.memory_space<vmem>> -> memref<1024xi32, #tpu.memory_space<vmem>>
    %dma_wait3A_124 = arith.constant 0 : i32
    %dma_wait3A_125 = arith.constant 0 : i32
    %dma_wait3A_126 = tpu.memref_slice %arg5[%dma_wait3A_124, %dma_wait3A_125] : memref<10240x16xf32, #tpu.memory_space<hbm>> -> memref<10240x16xf32, #tpu.memory_space<hbm>>
    tpu.wait_indirect_dma semaphore(%arg19 : memref<!tpu.dma_semaphore, #tpu.memory_space<semaphore_mem>>) src(%dma_wait3A_126 : memref<10240x16xf32, #tpu.memory_space<hbm>>) dst(%arg14 : memref<1024x16xf32, #tpu.memory_space<vmem>>)
    %broadcast_in_dim3A_127 = arith.constant 3 : i32
    %broadcast_in_dim3A_128 = vector.broadcast %broadcast_in_dim3A_127 : i32 to vector<16xi32>
    %scan3A_129 = arith.constant 0 : i32
    %scan3A_130 = arith.constant 256 : i32
    %scan3A_131 = arith.addi %scan3A_129, %scan3A_130 : i32
    %scan3A_132 = arith.constant 1 : i32
    scf.for %scan3A_356 = %scan3A_129 to %scan3A_131 step %scan3A_132  : i32 {
      %mul3A_357 = arith.constant 1 : i32
      %mul3A_358 = arith.muli %scan3A_356, %mul3A_357 : i32
      %add3A_359 = arith.constant 0 : i32
      %add3A_360 = arith.addi %add3A_359, %mul3A_358 : i32
      %mul3A_361 = arith.constant 4 : i32
      %mul3A_362 = arith.muli %add3A_360, %mul3A_361 : i32
      %add3A_363 = arith.constant 0 : i32
      %add3A_364 = arith.addi %mul3A_362, %add3A_363 : i32
      %broadcast_in_dim3A_365 = vector.broadcast %add3A_364 : i32 to vector<16xi32>
      %gather3A = tpu.vector_load_idx %arg10[%broadcast_in_dim3A_128, %broadcast_in_dim3A_365] : memref<10x1024xf32, #tpu.memory_space<vmem>>[vector<16xi32>, vector<16xi32>], vector<16xf32>,
      %add3A_366 = arith.constant 0 : i32
      %add3A_367 = arith.addi %mul3A_362, %add3A_366 : i32
      %get3A = arith.index_cast %add3A_367 : i32 to index
      %get3A_368 = arith.constant 0 : index
      %get3A_369 = tpu.vector_load %arg14[%get3A, %get3A_368] {strides = array<i32>} : memref<1024x16xf32, #tpu.memory_space<vmem>>, vector<16xf32>,
      %mul3A_370 = arith.mulf %get3A_369, %gather3A : vector<16xf32>
      %add3A_371 = arith.constant 0 : i32
      %add3A_372 = arith.addi %mul3A_362, %add3A_371 : i32
      %swap3A = arith.index_cast %add3A_372 : i32 to index
      %swap3A_373 = arith.constant 0 : index
      %swap3A_374 = tpu.vector_load %arg14[%swap3A, %swap3A_373] {strides = array<i32>} : memref<1024x16xf32, #tpu.memory_space<vmem>>, vector<16xf32>,
      tpu.vector_store %arg14[%swap3A, %swap3A_373], %mul3A_370 {strides = array<i32>} : memref<1024x16xf32, #tpu.memory_space<vmem>>, vector<16xf32>,
      %add3A_375 = arith.constant 1 : i32
      %add3A_376 = arith.addi %mul3A_362, %add3A_375 : i32
      %broadcast_in_dim3A_377 = vector.broadcast %add3A_376 : i32 to vector<16xi32>
      %gather3A_378 = tpu.vector_load_idx %arg10[%broadcast_in_dim3A_128, %broadcast_in_dim3A_377] : memref<10x1024xf32, #tpu.memory_space<vmem>>[vector<16xi32>, vector<16xi32>], vector<16xf32>,
      %add3A_379 = arith.constant 1 : i32
      %add3A_380 = arith.addi %mul3A_362, %add3A_379 : i32
      %get3A_381 = arith.index_cast %add3A_380 : i32 to index
      %get3A_382 = arith.constant 0 : index
      %get3A_383 = tpu.vector_load %arg14[%get3A_381, %get3A_382] {strides = array<i32>} : memref<1024x16xf32, #tpu.memory_space<vmem>>, vector<16xf32>,
      %mul3A_384 = arith.mulf %get3A_383, %gather3A_378 : vector<16xf32>
      %add3A_385 = arith.constant 1 : i32
      %add3A_386 = arith.addi %mul3A_362, %add3A_385 : i32
      %swap3A_387 = arith.index_cast %add3A_386 : i32 to index
      %swap3A_388 = arith.constant 0 : index
      %swap3A_389 = tpu.vector_load %arg14[%swap3A_387, %swap3A_388] {strides = array<i32>} : memref<1024x16xf32, #tpu.memory_space<vmem>>, vector<16xf32>,
      tpu.vector_store %arg14[%swap3A_387, %swap3A_388], %mul3A_384 {strides = array<i32>} : memref<1024x16xf32, #tpu.memory_space<vmem>>, vector<16xf32>,
      %add3A_390 = arith.constant 2 : i32
      %add3A_391 = arith.addi %mul3A_362, %add3A_390 : i32
      %broadcast_in_dim3A_392 = vector.broadcast %add3A_391 : i32 to vector<16xi32>
      %gather3A_393 = tpu.vector_load_idx %arg10[%broadcast_in_dim3A_128, %broadcast_in_dim3A_392] : memref<10x1024xf32, #tpu.memory_space<vmem>>[vector<16xi32>, vector<16xi32>], vector<16xf32>,
      %add3A_394 = arith.constant 2 : i32
      %add3A_395 = arith.addi %mul3A_362, %add3A_394 : i32
      %get3A_396 = arith.index_cast %add3A_395 : i32 to index
      %get3A_397 = arith.constant 0 : index
      %get3A_398 = tpu.vector_load %arg14[%get3A_396, %get3A_397] {strides = array<i32>} : memref<1024x16xf32, #tpu.memory_space<vmem>>, vector<16xf32>,
      %mul3A_399 = arith.mulf %get3A_398, %gather3A_393 : vector<16xf32>
      %add3A_400 = arith.constant 2 : i32
      %add3A_401 = arith.addi %mul3A_362, %add3A_400 : i32
      %swap3A_402 = arith.index_cast %add3A_401 : i32 to index
      %swap3A_403 = arith.constant 0 : index
      %swap3A_404 = tpu.vector_load %arg14[%swap3A_402, %swap3A_403] {strides = array<i32>} : memref<1024x16xf32, #tpu.memory_space<vmem>>, vector<16xf32>,
      tpu.vector_store %arg14[%swap3A_402, %swap3A_403], %mul3A_399 {strides = array<i32>} : memref<1024x16xf32, #tpu.memory_space<vmem>>, vector<16xf32>,
      %add3A_405 = arith.constant 3 : i32
      %add3A_406 = arith.addi %mul3A_362, %add3A_405 : i32
      %broadcast_in_dim3A_407 = vector.broadcast %add3A_406 : i32 to vector<16xi32>
      %gather3A_408 = tpu.vector_load_idx %arg10[%broadcast_in_dim3A_128, %broadcast_in_dim3A_407] : memref<10x1024xf32, #tpu.memory_space<vmem>>[vector<16xi32>, vector<16xi32>], vector<16xf32>,
      %add3A_409 = arith.constant 3 : i32
      %add3A_410 = arith.addi %mul3A_362, %add3A_409 : i32
      %get3A_411 = arith.index_cast %add3A_410 : i32 to index
      %get3A_412 = arith.constant 0 : index
      %get3A_413 = tpu.vector_load %arg14[%get3A_411, %get3A_412] {strides = array<i32>} : memref<1024x16xf32, #tpu.memory_space<vmem>>, vector<16xf32>,
      %mul3A_414 = arith.mulf %get3A_413, %gather3A_408 : vector<16xf32>
      %add3A_415 = arith.constant 3 : i32
      %add3A_416 = arith.addi %mul3A_362, %add3A_415 : i32
      %swap3A_417 = arith.index_cast %add3A_416 : i32 to index
      %swap3A_418 = arith.constant 0 : index
      %swap3A_419 = tpu.vector_load %arg14[%swap3A_417, %swap3A_418] {strides = array<i32>} : memref<1024x16xf32, #tpu.memory_space<vmem>>, vector<16xf32>,
      tpu.vector_store %arg14[%swap3A_417, %swap3A_418], %mul3A_414 {strides = array<i32>} : memref<1024x16xf32, #tpu.memory_space<vmem>>, vector<16xf32>,
    }
    %scan3A_133 = arith.constant 256 : i32
    %dma_start3A_134 = arith.constant 3 : i32
    %dma_start3A_135 = arith.constant 0 : i32
    %dma_start3A_136 = tpu.memref_slice %arg9[%dma_start3A_134, %dma_start3A_135] : memref<10x1024xi32, #tpu.memory_space<vmem>> -> memref<1x1024xi32, #tpu.memory_space<vmem>>
    %dma_start3A_137 = tpu.memref_squeeze %dma_start3A_136 : memref<1x1024xi32, #tpu.memory_space<vmem>> -> memref<1024xi32, #tpu.memory_space<vmem>>
    %dma_start3A_138 = arith.constant 0 : i32
    %dma_start3A_139 = arith.constant 0 : i32
    %dma_start3A_140 = tpu.memref_slice %arg15[%dma_start3A_138, %dma_start3A_139] : memref<10240x16xf32, #tpu.memory_space<vmem_shared>> -> memref<10240x16xf32, #tpu.memory_space<vmem_shared>>
    tpu.enqueue_indirect_dma source(%arg14 : memref<1024x16xf32, #tpu.memory_space<vmem>>) target(%dma_start3A_140 : memref<10240x16xf32, #tpu.memory_space<vmem_shared>>) offsets(%dma_start3A_137 : memref<1024xi32, #tpu.memory_space<vmem>>) semaphore(%arg23 : memref<!tpu.dma_semaphore, #tpu.memory_space<semaphore_mem>>) {add = true}
    %dma_wait3A_141 = arith.constant 2 : i32
    %dma_wait3A_142 = arith.constant 0 : i32
    %dma_wait3A_143 = tpu.memref_slice %arg9[%dma_wait3A_141, %dma_wait3A_142] : memref<10x1024xi32, #tpu.memory_space<vmem>> -> memref<1x1024xi32, #tpu.memory_space<vmem>>
    %dma_wait3A_144 = tpu.memref_squeeze %dma_wait3A_143 : memref<1x1024xi32, #tpu.memory_space<vmem>> -> memref<1024xi32, #tpu.memory_space<vmem>>
    %dma_wait3A_145 = arith.constant 0 : i32
    %dma_wait3A_146 = arith.constant 0 : i32
    %dma_wait3A_147 = tpu.memref_slice %arg15[%dma_wait3A_145, %dma_wait3A_146] : memref<10240x16xf32, #tpu.memory_space<vmem_shared>> -> memref<10240x16xf32, #tpu.memory_space<vmem_shared>>
    tpu.wait_indirect_dma semaphore(%arg22 : memref<!tpu.dma_semaphore, #tpu.memory_space<semaphore_mem>>) src(%arg13 : memref<1024x16xf32, #tpu.memory_space<vmem>>) dst(%dma_wait3A_147 : memref<10240x16xf32, #tpu.memory_space<vmem_shared>>)
    %dma_start3A_148 = arith.constant 6 : i32
    %dma_start3A_149 = arith.constant 0 : i32
    %dma_start3A_150 = tpu.memref_slice %arg8[%dma_start3A_148, %dma_start3A_149] : memref<10x1024xi32, #tpu.memory_space<vmem>> -> memref<1x1024xi32, #tpu.memory_space<vmem>>
    %dma_start3A_151 = tpu.memref_squeeze %dma_start3A_150 : memref<1x1024xi32, #tpu.memory_space<vmem>> -> memref<1024xi32, #tpu.memory_space<vmem>>
    %dma_start3A_152 = arith.constant 0 : i32
    %dma_start3A_153 = arith.constant 0 : i32
    %dma_start3A_154 = tpu.memref_slice %arg5[%dma_start3A_152, %dma_start3A_153] : memref<10240x16xf32, #tpu.memory_space<hbm>> -> memref<10240x16xf32, #tpu.memory_space<hbm>>
    tpu.enqueue_indirect_dma source(%dma_start3A_154 : memref<10240x16xf32, #tpu.memory_space<hbm>>) target(%arg13 : memref<1024x16xf32, #tpu.memory_space<vmem>>) offsets(%dma_start3A_151 : memref<1024xi32, #tpu.memory_space<vmem>>) semaphore(%arg18 : memref<!tpu.dma_semaphore, #tpu.memory_space<semaphore_mem>>)
    %dma_wait3A_155 = arith.constant 4 : i32
    %dma_wait3A_156 = arith.constant 0 : i32
    %dma_wait3A_157 = tpu.memref_slice %arg8[%dma_wait3A_155, %dma_wait3A_156] : memref<10x1024xi32, #tpu.memory_space<vmem>> -> memref<1x1024xi32, #tpu.memory_space<vmem>>
    %dma_wait3A_158 = tpu.memref_squeeze %dma_wait3A_157 : memref<1x1024xi32, #tpu.memory_space<vmem>> -> memref<1024xi32, #tpu.memory_space<vmem>>
    %dma_wait3A_159 = arith.constant 0 : i32
    %dma_wait3A_160 = arith.constant 0 : i32
    %dma_wait3A_161 = tpu.memref_slice %arg5[%dma_wait3A_159, %dma_wait3A_160] : memref<10240x16xf32, #tpu.memory_space<hbm>> -> memref<10240x16xf32, #tpu.memory_space<hbm>>
    tpu.wait_indirect_dma semaphore(%arg16 : memref<!tpu.dma_semaphore, #tpu.memory_space<semaphore_mem>>) src(%dma_wait3A_161 : memref<10240x16xf32, #tpu.memory_space<hbm>>) dst(%arg11 : memref<1024x16xf32, #tpu.memory_space<vmem>>)
    %broadcast_in_dim3A_162 = arith.constant 4 : i32
    %broadcast_in_dim3A_163 = vector.broadcast %broadcast_in_dim3A_162 : i32 to vector<16xi32>
    %scan3A_164 = arith.constant 0 : i32
    %scan3A_165 = arith.constant 256 : i32
    %scan3A_166 = arith.addi %scan3A_164, %scan3A_165 : i32
    %scan3A_167 = arith.constant 1 : i32
    scf.for %scan3A_356 = %scan3A_164 to %scan3A_166 step %scan3A_167  : i32 {
      %mul3A_357 = arith.constant 1 : i32
      %mul3A_358 = arith.muli %scan3A_356, %mul3A_357 : i32
      %add3A_359 = arith.constant 0 : i32
      %add3A_360 = arith.addi %add3A_359, %mul3A_358 : i32
      %mul3A_361 = arith.constant 4 : i32
      %mul3A_362 = arith.muli %add3A_360, %mul3A_361 : i32
      %add3A_363 = arith.constant 0 : i32
      %add3A_364 = arith.addi %mul3A_362, %add3A_363 : i32
      %broadcast_in_dim3A_365 = vector.broadcast %add3A_364 : i32 to vector<16xi32>
      %gather3A = tpu.vector_load_idx %arg10[%broadcast_in_dim3A_163, %broadcast_in_dim3A_365] : memref<10x1024xf32, #tpu.memory_space<vmem>>[vector<16xi32>, vector<16xi32>], vector<16xf32>,
      %add3A_366 = arith.constant 0 : i32
      %add3A_367 = arith.addi %mul3A_362, %add3A_366 : i32
      %get3A = arith.index_cast %add3A_367 : i32 to index
      %get3A_368 = arith.constant 0 : index
      %get3A_369 = tpu.vector_load %arg11[%get3A, %get3A_368] {strides = array<i32>} : memref<1024x16xf32, #tpu.memory_space<vmem>>, vector<16xf32>,
      %mul3A_370 = arith.mulf %get3A_369, %gather3A : vector<16xf32>
      %add3A_371 = arith.constant 0 : i32
      %add3A_372 = arith.addi %mul3A_362, %add3A_371 : i32
      %swap3A = arith.index_cast %add3A_372 : i32 to index
      %swap3A_373 = arith.constant 0 : index
      %swap3A_374 = tpu.vector_load %arg11[%swap3A, %swap3A_373] {strides = array<i32>} : memref<1024x16xf32, #tpu.memory_space<vmem>>, vector<16xf32>,
      tpu.vector_store %arg11[%swap3A, %swap3A_373], %mul3A_370 {strides = array<i32>} : memref<1024x16xf32, #tpu.memory_space<vmem>>, vector<16xf32>,
      %add3A_375 = arith.constant 1 : i32
      %add3A_376 = arith.addi %mul3A_362, %add3A_375 : i32
      %broadcast_in_dim3A_377 = vector.broadcast %add3A_376 : i32 to vector<16xi32>
      %gather3A_378 = tpu.vector_load_idx %arg10[%broadcast_in_dim3A_163, %broadcast_in_dim3A_377] : memref<10x1024xf32, #tpu.memory_space<vmem>>[vector<16xi32>, vector<16xi32>], vector<16xf32>,
      %add3A_379 = arith.constant 1 : i32
      %add3A_380 = arith.addi %mul3A_362, %add3A_379 : i32
      %get3A_381 = arith.index_cast %add3A_380 : i32 to index
      %get3A_382 = arith.constant 0 : index
      %get3A_383 = tpu.vector_load %arg11[%get3A_381, %get3A_382] {strides = array<i32>} : memref<1024x16xf32, #tpu.memory_space<vmem>>, vector<16xf32>,
      %mul3A_384 = arith.mulf %get3A_383, %gather3A_378 : vector<16xf32>
      %add3A_385 = arith.constant 1 : i32
      %add3A_386 = arith.addi %mul3A_362, %add3A_385 : i32
      %swap3A_387 = arith.index_cast %add3A_386 : i32 to index
      %swap3A_388 = arith.constant 0 : index
      %swap3A_389 = tpu.vector_load %arg11[%swap3A_387, %swap3A_388] {strides = array<i32>} : memref<1024x16xf32, #tpu.memory_space<vmem>>, vector<16xf32>,
      tpu.vector_store %arg11[%swap3A_387, %swap3A_388], %mul3A_384 {strides = array<i32>} : memref<1024x16xf32, #tpu.memory_space<vmem>>, vector<16xf32>,
      %add3A_390 = arith.constant 2 : i32
      %add3A_391 = arith.addi %mul3A_362, %add3A_390 : i32
      %broadcast_in_dim3A_392 = vector.broadcast %add3A_391 : i32 to vector<16xi32>
      %gather3A_393 = tpu.vector_load_idx %arg10[%broadcast_in_dim3A_163, %broadcast_in_dim3A_392] : memref<10x1024xf32, #tpu.memory_space<vmem>>[vector<16xi32>, vector<16xi32>], vector<16xf32>,
      %add3A_394 = arith.constant 2 : i32
      %add3A_395 = arith.addi %mul3A_362, %add3A_394 : i32
      %get3A_396 = arith.index_cast %add3A_395 : i32 to index
      %get3A_397 = arith.constant 0 : index
      %get3A_398 = tpu.vector_load %arg11[%get3A_396, %get3A_397] {strides = array<i32>} : memref<1024x16xf32, #tpu.memory_space<vmem>>, vector<16xf32>,
      %mul3A_399 = arith.mulf %get3A_398, %gather3A_393 : vector<16xf32>
      %add3A_400 = arith.constant 2 : i32
      %add3A_401 = arith.addi %mul3A_362, %add3A_400 : i32
      %swap3A_402 = arith.index_cast %add3A_401 : i32 to index
      %swap3A_403 = arith.constant 0 : index
      %swap3A_404 = tpu.vector_load %arg11[%swap3A_402, %swap3A_403] {strides = array<i32>} : memref<1024x16xf32, #tpu.memory_space<vmem>>, vector<16xf32>,
      tpu.vector_store %arg11[%swap3A_402, %swap3A_403], %mul3A_399 {strides = array<i32>} : memref<1024x16xf32, #tpu.memory_space<vmem>>, vector<16xf32>,
      %add3A_405 = arith.constant 3 : i32
      %add3A_406 = arith.addi %mul3A_362, %add3A_405 : i32
      %broadcast_in_dim3A_407 = vector.broadcast %add3A_406 : i32 to vector<16xi32>
      %gather3A_408 = tpu.vector_load_idx %arg10[%broadcast_in_dim3A_163, %broadcast_in_dim3A_407] : memref<10x1024xf32, #tpu.memory_space<vmem>>[vector<16xi32>, vector<16xi32>], vector<16xf32>,
      %add3A_409 = arith.constant 3 : i32
      %add3A_410 = arith.addi %mul3A_362, %add3A_409 : i32
      %get3A_411 = arith.index_cast %add3A_410 : i32 to index
      %get3A_412 = arith.constant 0 : index
      %get3A_413 = tpu.vector_load %arg11[%get3A_411, %get3A_412] {strides = array<i32>} : memref<1024x16xf32, #tpu.memory_space<vmem>>, vector<16xf32>,
      %mul3A_414 = arith.mulf %get3A_413, %gather3A_408 : vector<16xf32>
      %add3A_415 = arith.constant 3 : i32
      %add3A_416 = arith.addi %mul3A_362, %add3A_415 : i32
      %swap3A_417 = arith.index_cast %add3A_416 : i32 to index
      %swap3A_418 = arith.constant 0 : index
      %swap3A_419 = tpu.vector_load %arg11[%swap3A_417, %swap3A_418] {strides = array<i32>} : memref<1024x16xf32, #tpu.memory_space<vmem>>, vector<16xf32>,
      tpu.vector_store %arg11[%swap3A_417, %swap3A_418], %mul3A_414 {strides = array<i32>} : memref<1024x16xf32, #tpu.memory_space<vmem>>, vector<16xf32>,
    }
    %scan3A_168 = arith.constant 256 : i32
    %dma_start3A_169 = arith.constant 4 : i32
    %dma_start3A_170 = arith.constant 0 : i32
    %dma_start3A_171 = tpu.memref_slice %arg9[%dma_start3A_169, %dma_start3A_170] : memref<10x1024xi32, #tpu.memory_space<vmem>> -> memref<1x1024xi32, #tpu.memory_space<vmem>>
    %dma_start3A_172 = tpu.memref_squeeze %dma_start3A_171 : memref<1x1024xi32, #tpu.memory_space<vmem>> -> memref<1024xi32, #tpu.memory_space<vmem>>
    %dma_start3A_173 = arith.constant 0 : i32
    %dma_start3A_174 = arith.constant 0 : i32
    %dma_start3A_175 = tpu.memref_slice %arg15[%dma_start3A_173, %dma_start3A_174] : memref<10240x16xf32, #tpu.memory_space<vmem_shared>> -> memref<10240x16xf32, #tpu.memory_space<vmem_shared>>
    tpu.enqueue_indirect_dma source(%arg11 : memref<1024x16xf32, #tpu.memory_space<vmem>>) target(%dma_start3A_175 : memref<10240x16xf32, #tpu.memory_space<vmem_shared>>) offsets(%dma_start3A_172 : memref<1024xi32, #tpu.memory_space<vmem>>) semaphore(%arg20 : memref<!tpu.dma_semaphore, #tpu.memory_space<semaphore_mem>>) {add = true}
    %dma_wait3A_176 = arith.constant 3 : i32
    %dma_wait3A_177 = arith.constant 0 : i32
    %dma_wait3A_178 = tpu.memref_slice %arg9[%dma_wait3A_176, %dma_wait3A_177] : memref<10x1024xi32, #tpu.memory_space<vmem>> -> memref<1x1024xi32, #tpu.memory_space<vmem>>
    %dma_wait3A_179 = tpu.memref_squeeze %dma_wait3A_178 : memref<1x1024xi32, #tpu.memory_space<vmem>> -> memref<1024xi32, #tpu.memory_space<vmem>>
    %dma_wait3A_180 = arith.constant 0 : i32
    %dma_wait3A_181 = arith.constant 0 : i32
    %dma_wait3A_182 = tpu.memref_slice %arg15[%dma_wait3A_180, %dma_wait3A_181] : memref<10240x16xf32, #tpu.memory_space<vmem_shared>> -> memref<10240x16xf32, #tpu.memory_space<vmem_shared>>
    tpu.wait_indirect_dma semaphore(%arg23 : memref<!tpu.dma_semaphore, #tpu.memory_space<semaphore_mem>>) src(%arg14 : memref<1024x16xf32, #tpu.memory_space<vmem>>) dst(%dma_wait3A_182 : memref<10240x16xf32, #tpu.memory_space<vmem_shared>>)
    %dma_start3A_183 = arith.constant 7 : i32
    %dma_start3A_184 = arith.constant 0 : i32
    %dma_start3A_185 = tpu.memref_slice %arg8[%dma_start3A_183, %dma_start3A_184] : memref<10x1024xi32, #tpu.memory_space<vmem>> -> memref<1x1024xi32, #tpu.memory_space<vmem>>
    %dma_start3A_186 = tpu.memref_squeeze %dma_start3A_185 : memref<1x1024xi32, #tpu.memory_space<vmem>> -> memref<1024xi32, #tpu.memory_space<vmem>>
    %dma_start3A_187 = arith.constant 0 : i32
    %dma_start3A_188 = arith.constant 0 : i32
    %dma_start3A_189 = tpu.memref_slice %arg5[%dma_start3A_187, %dma_start3A_188] : memref<10240x16xf32, #tpu.memory_space<hbm>> -> memref<10240x16xf32, #tpu.memory_space<hbm>>
    tpu.enqueue_indirect_dma source(%dma_start3A_189 : memref<10240x16xf32, #tpu.memory_space<hbm>>) target(%arg14 : memref<1024x16xf32, #tpu.memory_space<vmem>>) offsets(%dma_start3A_186 : memref<1024xi32, #tpu.memory_space<vmem>>) semaphore(%arg19 : memref<!tpu.dma_semaphore, #tpu.memory_space<semaphore_mem>>)
    %dma_wait3A_190 = arith.constant 5 : i32
    %dma_wait3A_191 = arith.constant 0 : i32
    %dma_wait3A_192 = tpu.memref_slice %arg8[%dma_wait3A_190, %dma_wait3A_191] : memref<10x1024xi32, #tpu.memory_space<vmem>> -> memref<1x1024xi32, #tpu.memory_space<vmem>>
    %dma_wait3A_193 = tpu.memref_squeeze %dma_wait3A_192 : memref<1x1024xi32, #tpu.memory_space<vmem>> -> memref<1024xi32, #tpu.memory_space<vmem>>
    %dma_wait3A_194 = arith.constant 0 : i32
    %dma_wait3A_195 = arith.constant 0 : i32
    %dma_wait3A_196 = tpu.memref_slice %arg5[%dma_wait3A_194, %dma_wait3A_195] : memref<10240x16xf32, #tpu.memory_space<hbm>> -> memref<10240x16xf32, #tpu.memory_space<hbm>>
    tpu.wait_indirect_dma semaphore(%arg17 : memref<!tpu.dma_semaphore, #tpu.memory_space<semaphore_mem>>) src(%dma_wait3A_196 : memref<10240x16xf32, #tpu.memory_space<hbm>>) dst(%arg12 : memref<1024x16xf32, #tpu.memory_space<vmem>>)
    %broadcast_in_dim3A_197 = arith.constant 5 : i32
    %broadcast_in_dim3A_198 = vector.broadcast %broadcast_in_dim3A_197 : i32 to vector<16xi32>
    %scan3A_199 = arith.constant 0 : i32
    %scan3A_200 = arith.constant 256 : i32
    %scan3A_201 = arith.addi %scan3A_199, %scan3A_200 : i32
    %scan3A_202 = arith.constant 1 : i32
    scf.for %scan3A_356 = %scan3A_199 to %scan3A_201 step %scan3A_202  : i32 {
      %mul3A_357 = arith.constant 1 : i32
      %mul3A_358 = arith.muli %scan3A_356, %mul3A_357 : i32
      %add3A_359 = arith.constant 0 : i32
      %add3A_360 = arith.addi %add3A_359, %mul3A_358 : i32
      %mul3A_361 = arith.constant 4 : i32
      %mul3A_362 = arith.muli %add3A_360, %mul3A_361 : i32
      %add3A_363 = arith.constant 0 : i32
      %add3A_364 = arith.addi %mul3A_362, %add3A_363 : i32
      %broadcast_in_dim3A_365 = vector.broadcast %add3A_364 : i32 to vector<16xi32>
      %gather3A = tpu.vector_load_idx %arg10[%broadcast_in_dim3A_198, %broadcast_in_dim3A_365] : memref<10x1024xf32, #tpu.memory_space<vmem>>[vector<16xi32>, vector<16xi32>], vector<16xf32>,
      %add3A_366 = arith.constant 0 : i32
      %add3A_367 = arith.addi %mul3A_362, %add3A_366 : i32
      %get3A = arith.index_cast %add3A_367 : i32 to index
      %get3A_368 = arith.constant 0 : index
      %get3A_369 = tpu.vector_load %arg12[%get3A, %get3A_368] {strides = array<i32>} : memref<1024x16xf32, #tpu.memory_space<vmem>>, vector<16xf32>,
      %mul3A_370 = arith.mulf %get3A_369, %gather3A : vector<16xf32>
      %add3A_371 = arith.constant 0 : i32
      %add3A_372 = arith.addi %mul3A_362, %add3A_371 : i32
      %swap3A = arith.index_cast %add3A_372 : i32 to index
      %swap3A_373 = arith.constant 0 : index
      %swap3A_374 = tpu.vector_load %arg12[%swap3A, %swap3A_373] {strides = array<i32>} : memref<1024x16xf32, #tpu.memory_space<vmem>>, vector<16xf32>,
      tpu.vector_store %arg12[%swap3A, %swap3A_373], %mul3A_370 {strides = array<i32>} : memref<1024x16xf32, #tpu.memory_space<vmem>>, vector<16xf32>,
      %add3A_375 = arith.constant 1 : i32
      %add3A_376 = arith.addi %mul3A_362, %add3A_375 : i32
      %broadcast_in_dim3A_377 = vector.broadcast %add3A_376 : i32 to vector<16xi32>
      %gather3A_378 = tpu.vector_load_idx %arg10[%broadcast_in_dim3A_198, %broadcast_in_dim3A_377] : memref<10x1024xf32, #tpu.memory_space<vmem>>[vector<16xi32>, vector<16xi32>], vector<16xf32>,
      %add3A_379 = arith.constant 1 : i32
      %add3A_380 = arith.addi %mul3A_362, %add3A_379 : i32
      %get3A_381 = arith.index_cast %add3A_380 : i32 to index
      %get3A_382 = arith.constant 0 : index
      %get3A_383 = tpu.vector_load %arg12[%get3A_381, %get3A_382] {strides = array<i32>} : memref<1024x16xf32, #tpu.memory_space<vmem>>, vector<16xf32>,
      %mul3A_384 = arith.mulf %get3A_383, %gather3A_378 : vector<16xf32>
      %add3A_385 = arith.constant 1 : i32
      %add3A_386 = arith.addi %mul3A_362, %add3A_385 : i32
      %swap3A_387 = arith.index_cast %add3A_386 : i32 to index
      %swap3A_388 = arith.constant 0 : index
      %swap3A_389 = tpu.vector_load %arg12[%swap3A_387, %swap3A_388] {strides = array<i32>} : memref<1024x16xf32, #tpu.memory_space<vmem>>, vector<16xf32>,
      tpu.vector_store %arg12[%swap3A_387, %swap3A_388], %mul3A_384 {strides = array<i32>} : memref<1024x16xf32, #tpu.memory_space<vmem>>, vector<16xf32>,
      %add3A_390 = arith.constant 2 : i32
      %add3A_391 = arith.addi %mul3A_362, %add3A_390 : i32
      %broadcast_in_dim3A_392 = vector.broadcast %add3A_391 : i32 to vector<16xi32>
      %gather3A_393 = tpu.vector_load_idx %arg10[%broadcast_in_dim3A_198, %broadcast_in_dim3A_392] : memref<10x1024xf32, #tpu.memory_space<vmem>>[vector<16xi32>, vector<16xi32>], vector<16xf32>,
      %add3A_394 = arith.constant 2 : i32
      %add3A_395 = arith.addi %mul3A_362, %add3A_394 : i32
      %get3A_396 = arith.index_cast %add3A_395 : i32 to index
      %get3A_397 = arith.constant 0 : index
      %get3A_398 = tpu.vector_load %arg12[%get3A_396, %get3A_397] {strides = array<i32>} : memref<1024x16xf32, #tpu.memory_space<vmem>>, vector<16xf32>,
      %mul3A_399 = arith.mulf %get3A_398, %gather3A_393 : vector<16xf32>
      %add3A_400 = arith.constant 2 : i32
      %add3A_401 = arith.addi %mul3A_362, %add3A_400 : i32
      %swap3A_402 = arith.index_cast %add3A_401 : i32 to index
      %swap3A_403 = arith.constant 0 : index
      %swap3A_404 = tpu.vector_load %arg12[%swap3A_402, %swap3A_403] {strides = array<i32>} : memref<1024x16xf32, #tpu.memory_space<vmem>>, vector<16xf32>,
      tpu.vector_store %arg12[%swap3A_402, %swap3A_403], %mul3A_399 {strides = array<i32>} : memref<1024x16xf32, #tpu.memory_space<vmem>>, vector<16xf32>,
      %add3A_405 = arith.constant 3 : i32
      %add3A_406 = arith.addi %mul3A_362, %add3A_405 : i32
      %broadcast_in_dim3A_407 = vector.broadcast %add3A_406 : i32 to vector<16xi32>
      %gather3A_408 = tpu.vector_load_idx %arg10[%broadcast_in_dim3A_198, %broadcast_in_dim3A_407] : memref<10x1024xf32, #tpu.memory_space<vmem>>[vector<16xi32>, vector<16xi32>], vector<16xf32>,
      %add3A_409 = arith.constant 3 : i32
      %add3A_410 = arith.addi %mul3A_362, %add3A_409 : i32
      %get3A_411 = arith.index_cast %add3A_410 : i32 to index
      %get3A_412 = arith.constant 0 : index
      %get3A_413 = tpu.vector_load %arg12[%get3A_411, %get3A_412] {strides = array<i32>} : memref<1024x16xf32, #tpu.memory_space<vmem>>, vector<16xf32>,
      %mul3A_414 = arith.mulf %get3A_413, %gather3A_408 : vector<16xf32>
      %add3A_415 = arith.constant 3 : i32
      %add3A_416 = arith.addi %mul3A_362, %add3A_415 : i32
      %swap3A_417 = arith.index_cast %add3A_416 : i32 to index
      %swap3A_418 = arith.constant 0 : index
      %swap3A_419 = tpu.vector_load %arg12[%swap3A_417, %swap3A_418] {strides = array<i32>} : memref<1024x16xf32, #tpu.memory_space<vmem>>, vector<16xf32>,
      tpu.vector_store %arg12[%swap3A_417, %swap3A_418], %mul3A_414 {strides = array<i32>} : memref<1024x16xf32, #tpu.memory_space<vmem>>, vector<16xf32>,
    }
    %scan3A_203 = arith.constant 256 : i32
    %dma_start3A_204 = arith.constant 5 : i32
    %dma_start3A_205 = arith.constant 0 : i32
    %dma_start3A_206 = tpu.memref_slice %arg9[%dma_start3A_204, %dma_start3A_205] : memref<10x1024xi32, #tpu.memory_space<vmem>> -> memref<1x1024xi32, #tpu.memory_space<vmem>>
    %dma_start3A_207 = tpu.memref_squeeze %dma_start3A_206 : memref<1x1024xi32, #tpu.memory_space<vmem>> -> memref<1024xi32, #tpu.memory_space<vmem>>
    %dma_start3A_208 = arith.constant 0 : i32
    %dma_start3A_209 = arith.constant 0 : i32
    %dma_start3A_210 = tpu.memref_slice %arg15[%dma_start3A_208, %dma_start3A_209] : memref<10240x16xf32, #tpu.memory_space<vmem_shared>> -> memref<10240x16xf32, #tpu.memory_space<vmem_shared>>
    tpu.enqueue_indirect_dma source(%arg12 : memref<1024x16xf32, #tpu.memory_space<vmem>>) target(%dma_start3A_210 : memref<10240x16xf32, #tpu.memory_space<vmem_shared>>) offsets(%dma_start3A_207 : memref<1024xi32, #tpu.memory_space<vmem>>) semaphore(%arg21 : memref<!tpu.dma_semaphore, #tpu.memory_space<semaphore_mem>>) {add = true}
    %dma_wait3A_211 = arith.constant 4 : i32
    %dma_wait3A_212 = arith.constant 0 : i32
    %dma_wait3A_213 = tpu.memref_slice %arg9[%dma_wait3A_211, %dma_wait3A_212] : memref<10x1024xi32, #tpu.memory_space<vmem>> -> memref<1x1024xi32, #tpu.memory_space<vmem>>
    %dma_wait3A_214 = tpu.memref_squeeze %dma_wait3A_213 : memref<1x1024xi32, #tpu.memory_space<vmem>> -> memref<1024xi32, #tpu.memory_space<vmem>>
    %dma_wait3A_215 = arith.constant 0 : i32
    %dma_wait3A_216 = arith.constant 0 : i32
    %dma_wait3A_217 = tpu.memref_slice %arg15[%dma_wait3A_215, %dma_wait3A_216] : memref<10240x16xf32, #tpu.memory_space<vmem_shared>> -> memref<10240x16xf32, #tpu.memory_space<vmem_shared>>
    tpu.wait_indirect_dma semaphore(%arg20 : memref<!tpu.dma_semaphore, #tpu.memory_space<semaphore_mem>>) src(%arg11 : memref<1024x16xf32, #tpu.memory_space<vmem>>) dst(%dma_wait3A_217 : memref<10240x16xf32, #tpu.memory_space<vmem_shared>>)
    %dma_start3A_218 = arith.constant 8 : i32
    %dma_start3A_219 = arith.constant 0 : i32
    %dma_start3A_220 = tpu.memref_slice %arg8[%dma_start3A_218, %dma_start3A_219] : memref<10x1024xi32, #tpu.memory_space<vmem>> -> memref<1x1024xi32, #tpu.memory_space<vmem>>
    %dma_start3A_221 = tpu.memref_squeeze %dma_start3A_220 : memref<1x1024xi32, #tpu.memory_space<vmem>> -> memref<1024xi32, #tpu.memory_space<vmem>>
    %dma_start3A_222 = arith.constant 0 : i32
    %dma_start3A_223 = arith.constant 0 : i32
    %dma_start3A_224 = tpu.memref_slice %arg5[%dma_start3A_222, %dma_start3A_223] : memref<10240x16xf32, #tpu.memory_space<hbm>> -> memref<10240x16xf32, #tpu.memory_space<hbm>>
    tpu.enqueue_indirect_dma source(%dma_start3A_224 : memref<10240x16xf32, #tpu.memory_space<hbm>>) target(%arg11 : memref<1024x16xf32, #tpu.memory_space<vmem>>) offsets(%dma_start3A_221 : memref<1024xi32, #tpu.memory_space<vmem>>) semaphore(%arg16 : memref<!tpu.dma_semaphore, #tpu.memory_space<semaphore_mem>>)
    %dma_wait3A_225 = arith.constant 6 : i32
    %dma_wait3A_226 = arith.constant 0 : i32
    %dma_wait3A_227 = tpu.memref_slice %arg8[%dma_wait3A_225, %dma_wait3A_226] : memref<10x1024xi32, #tpu.memory_space<vmem>> -> memref<1x1024xi32, #tpu.memory_space<vmem>>
    %dma_wait3A_228 = tpu.memref_squeeze %dma_wait3A_227 : memref<1x1024xi32, #tpu.memory_space<vmem>> -> memref<1024xi32, #tpu.memory_space<vmem>>
    %dma_wait3A_229 = arith.constant 0 : i32
    %dma_wait3A_230 = arith.constant 0 : i32
    %dma_wait3A_231 = tpu.memref_slice %arg5[%dma_wait3A_229, %dma_wait3A_230] : memref<10240x16xf32, #tpu.memory_space<hbm>> -> memref<10240x16xf32, #tpu.memory_space<hbm>>
    tpu.wait_indirect_dma semaphore(%arg18 : memref<!tpu.dma_semaphore, #tpu.memory_space<semaphore_mem>>) src(%dma_wait3A_231 : memref<10240x16xf32, #tpu.memory_space<hbm>>) dst(%arg13 : memref<1024x16xf32, #tpu.memory_space<vmem>>)
    %broadcast_in_dim3A_232 = arith.constant 6 : i32
    %broadcast_in_dim3A_233 = vector.broadcast %broadcast_in_dim3A_232 : i32 to vector<16xi32>
    %scan3A_234 = arith.constant 0 : i32
    %scan3A_235 = arith.constant 256 : i32
    %scan3A_236 = arith.addi %scan3A_234, %scan3A_235 : i32
    %scan3A_237 = arith.constant 1 : i32
    scf.for %scan3A_356 = %scan3A_234 to %scan3A_236 step %scan3A_237  : i32 {
      %mul3A_357 = arith.constant 1 : i32
      %mul3A_358 = arith.muli %scan3A_356, %mul3A_357 : i32
      %add3A_359 = arith.constant 0 : i32
      %add3A_360 = arith.addi %add3A_359, %mul3A_358 : i32
      %mul3A_361 = arith.constant 4 : i32
      %mul3A_362 = arith.muli %add3A_360, %mul3A_361 : i32
      %add3A_363 = arith.constant 0 : i32
      %add3A_364 = arith.addi %mul3A_362, %add3A_363 : i32
      %broadcast_in_dim3A_365 = vector.broadcast %add3A_364 : i32 to vector<16xi32>
      %gather3A = tpu.vector_load_idx %arg10[%broadcast_in_dim3A_233, %broadcast_in_dim3A_365] : memref<10x1024xf32, #tpu.memory_space<vmem>>[vector<16xi32>, vector<16xi32>], vector<16xf32>,
      %add3A_366 = arith.constant 0 : i32
      %add3A_367 = arith.addi %mul3A_362, %add3A_366 : i32
      %get3A = arith.index_cast %add3A_367 : i32 to index
      %get3A_368 = arith.constant 0 : index
      %get3A_369 = tpu.vector_load %arg13[%get3A, %get3A_368] {strides = array<i32>} : memref<1024x16xf32, #tpu.memory_space<vmem>>, vector<16xf32>,
      %mul3A_370 = arith.mulf %get3A_369, %gather3A : vector<16xf32>
      %add3A_371 = arith.constant 0 : i32
      %add3A_372 = arith.addi %mul3A_362, %add3A_371 : i32
      %swap3A = arith.index_cast %add3A_372 : i32 to index
      %swap3A_373 = arith.constant 0 : index
      %swap3A_374 = tpu.vector_load %arg13[%swap3A, %swap3A_373] {strides = array<i32>} : memref<1024x16xf32, #tpu.memory_space<vmem>>, vector<16xf32>,
      tpu.vector_store %arg13[%swap3A, %swap3A_373], %mul3A_370 {strides = array<i32>} : memref<1024x16xf32, #tpu.memory_space<vmem>>, vector<16xf32>,
      %add3A_375 = arith.constant 1 : i32
      %add3A_376 = arith.addi %mul3A_362, %add3A_375 : i32
      %broadcast_in_dim3A_377 = vector.broadcast %add3A_376 : i32 to vector<16xi32>
      %gather3A_378 = tpu.vector_load_idx %arg10[%broadcast_in_dim3A_233, %broadcast_in_dim3A_377] : memref<10x1024xf32, #tpu.memory_space<vmem>>[vector<16xi32>, vector<16xi32>], vector<16xf32>,
      %add3A_379 = arith.constant 1 : i32
      %add3A_380 = arith.addi %mul3A_362, %add3A_379 : i32
      %get3A_381 = arith.index_cast %add3A_380 : i32 to index
      %get3A_382 = arith.constant 0 : index
      %get3A_383 = tpu.vector_load %arg13[%get3A_381, %get3A_382] {strides = array<i32>} : memref<1024x16xf32, #tpu.memory_space<vmem>>, vector<16xf32>,
      %mul3A_384 = arith.mulf %get3A_383, %gather3A_378 : vector<16xf32>
      %add3A_385 = arith.constant 1 : i32
      %add3A_386 = arith.addi %mul3A_362, %add3A_385 : i32
      %swap3A_387 = arith.index_cast %add3A_386 : i32 to index
      %swap3A_388 = arith.constant 0 : index
      %swap3A_389 = tpu.vector_load %arg13[%swap3A_387, %swap3A_388] {strides = array<i32>} : memref<1024x16xf32, #tpu.memory_space<vmem>>, vector<16xf32>,
      tpu.vector_store %arg13[%swap3A_387, %swap3A_388], %mul3A_384 {strides = array<i32>} : memref<1024x16xf32, #tpu.memory_space<vmem>>, vector<16xf32>,
      %add3A_390 = arith.constant 2 : i32
      %add3A_391 = arith.addi %mul3A_362, %add3A_390 : i32
      %broadcast_in_dim3A_392 = vector.broadcast %add3A_391 : i32 to vector<16xi32>
      %gather3A_393 = tpu.vector_load_idx %arg10[%broadcast_in_dim3A_233, %broadcast_in_dim3A_392] : memref<10x1024xf32, #tpu.memory_space<vmem>>[vector<16xi32>, vector<16xi32>], vector<16xf32>,
      %add3A_394 = arith.constant 2 : i32
      %add3A_395 = arith.addi %mul3A_362, %add3A_394 : i32
      %get3A_396 = arith.index_cast %add3A_395 : i32 to index
      %get3A_397 = arith.constant 0 : index
      %get3A_398 = tpu.vector_load %arg13[%get3A_396, %get3A_397] {strides = array<i32>} : memref<1024x16xf32, #tpu.memory_space<vmem>>, vector<16xf32>,
      %mul3A_399 = arith.mulf %get3A_398, %gather3A_393 : vector<16xf32>
      %add3A_400 = arith.constant 2 : i32
      %add3A_401 = arith.addi %mul3A_362, %add3A_400 : i32
      %swap3A_402 = arith.index_cast %add3A_401 : i32 to index
      %swap3A_403 = arith.constant 0 : index
      %swap3A_404 = tpu.vector_load %arg13[%swap3A_402, %swap3A_403] {strides = array<i32>} : memref<1024x16xf32, #tpu.memory_space<vmem>>, vector<16xf32>,
      tpu.vector_store %arg13[%swap3A_402, %swap3A_403], %mul3A_399 {strides = array<i32>} : memref<1024x16xf32, #tpu.memory_space<vmem>>, vector<16xf32>,
      %add3A_405 = arith.constant 3 : i32
      %add3A_406 = arith.addi %mul3A_362, %add3A_405 : i32
      %broadcast_in_dim3A_407 = vector.broadcast %add3A_406 : i32 to vector<16xi32>
      %gather3A_408 = tpu.vector_load_idx %arg10[%broadcast_in_dim3A_233, %broadcast_in_dim3A_407] : memref<10x1024xf32, #tpu.memory_space<vmem>>[vector<16xi32>, vector<16xi32>], vector<16xf32>,
      %add3A_409 = arith.constant 3 : i32
      %add3A_410 = arith.addi %mul3A_362, %add3A_409 : i32
      %get3A_411 = arith.index_cast %add3A_410 : i32 to index
      %get3A_412 = arith.constant 0 : index
      %get3A_413 = tpu.vector_load %arg13[%get3A_411, %get3A_412] {strides = array<i32>} : memref<1024x16xf32, #tpu.memory_space<vmem>>, vector<16xf32>,
      %mul3A_414 = arith.mulf %get3A_413, %gather3A_408 : vector<16xf32>
      %add3A_415 = arith.constant 3 : i32
      %add3A_416 = arith.addi %mul3A_362, %add3A_415 : i32
      %swap3A_417 = arith.index_cast %add3A_416 : i32 to index
      %swap3A_418 = arith.constant 0 : index
      %swap3A_419 = tpu.vector_load %arg13[%swap3A_417, %swap3A_418] {strides = array<i32>} : memref<1024x16xf32, #tpu.memory_space<vmem>>, vector<16xf32>,
      tpu.vector_store %arg13[%swap3A_417, %swap3A_418], %mul3A_414 {strides = array<i32>} : memref<1024x16xf32, #tpu.memory_space<vmem>>, vector<16xf32>,
    }
    %scan3A_238 = arith.constant 256 : i32
    %dma_start3A_239 = arith.constant 6 : i32
    %dma_start3A_240 = arith.constant 0 : i32
    %dma_start3A_241 = tpu.memref_slice %arg9[%dma_start3A_239, %dma_start3A_240] : memref<10x1024xi32, #tpu.memory_space<vmem>> -> memref<1x1024xi32, #tpu.memory_space<vmem>>
    %dma_start3A_242 = tpu.memref_squeeze %dma_start3A_241 : memref<1x1024xi32, #tpu.memory_space<vmem>> -> memref<1024xi32, #tpu.memory_space<vmem>>
    %dma_start3A_243 = arith.constant 0 : i32
    %dma_start3A_244 = arith.constant 0 : i32
    %dma_start3A_245 = tpu.memref_slice %arg15[%dma_start3A_243, %dma_start3A_244] : memref<10240x16xf32, #tpu.memory_space<vmem_shared>> -> memref<10240x16xf32, #tpu.memory_space<vmem_shared>>
    tpu.enqueue_indirect_dma source(%arg13 : memref<1024x16xf32, #tpu.memory_space<vmem>>) target(%dma_start3A_245 : memref<10240x16xf32, #tpu.memory_space<vmem_shared>>) offsets(%dma_start3A_242 : memref<1024xi32, #tpu.memory_space<vmem>>) semaphore(%arg22 : memref<!tpu.dma_semaphore, #tpu.memory_space<semaphore_mem>>) {add = true}
    %dma_wait3A_246 = arith.constant 5 : i32
    %dma_wait3A_247 = arith.constant 0 : i32
    %dma_wait3A_248 = tpu.memref_slice %arg9[%dma_wait3A_246, %dma_wait3A_247] : memref<10x1024xi32, #tpu.memory_space<vmem>> -> memref<1x1024xi32, #tpu.memory_space<vmem>>
    %dma_wait3A_249 = tpu.memref_squeeze %dma_wait3A_248 : memref<1x1024xi32, #tpu.memory_space<vmem>> -> memref<1024xi32, #tpu.memory_space<vmem>>
    %dma_wait3A_250 = arith.constant 0 : i32
    %dma_wait3A_251 = arith.constant 0 : i32
    %dma_wait3A_252 = tpu.memref_slice %arg15[%dma_wait3A_250, %dma_wait3A_251] : memref<10240x16xf32, #tpu.memory_space<vmem_shared>> -> memref<10240x16xf32, #tpu.memory_space<vmem_shared>>
    tpu.wait_indirect_dma semaphore(%arg21 : memref<!tpu.dma_semaphore, #tpu.memory_space<semaphore_mem>>) src(%arg12 : memref<1024x16xf32, #tpu.memory_space<vmem>>) dst(%dma_wait3A_252 : memref<10240x16xf32, #tpu.memory_space<vmem_shared>>)
    %dma_start3A_253 = arith.constant 9 : i32
    %dma_start3A_254 = arith.constant 0 : i32
    %dma_start3A_255 = tpu.memref_slice %arg8[%dma_start3A_253, %dma_start3A_254] : memref<10x1024xi32, #tpu.memory_space<vmem>> -> memref<1x1024xi32, #tpu.memory_space<vmem>>
    %dma_start3A_256 = tpu.memref_squeeze %dma_start3A_255 : memref<1x1024xi32, #tpu.memory_space<vmem>> -> memref<1024xi32, #tpu.memory_space<vmem>>
    %dma_start3A_257 = arith.constant 0 : i32
    %dma_start3A_258 = arith.constant 0 : i32
    %dma_start3A_259 = tpu.memref_slice %arg5[%dma_start3A_257, %dma_start3A_258] : memref<10240x16xf32, #tpu.memory_space<hbm>> -> memref<10240x16xf32, #tpu.memory_space<hbm>>
    tpu.enqueue_indirect_dma source(%dma_start3A_259 : memref<10240x16xf32, #tpu.memory_space<hbm>>) target(%arg12 : memref<1024x16xf32, #tpu.memory_space<vmem>>) offsets(%dma_start3A_256 : memref<1024xi32, #tpu.memory_space<vmem>>) semaphore(%arg17 : memref<!tpu.dma_semaphore, #tpu.memory_space<semaphore_mem>>)
    %dma_wait3A_260 = arith.constant 7 : i32
    %dma_wait3A_261 = arith.constant 0 : i32
    %dma_wait3A_262 = tpu.memref_slice %arg8[%dma_wait3A_260, %dma_wait3A_261] : memref<10x1024xi32, #tpu.memory_space<vmem>> -> memref<1x1024xi32, #tpu.memory_space<vmem>>
    %dma_wait3A_263 = tpu.memref_squeeze %dma_wait3A_262 : memref<1x1024xi32, #tpu.memory_space<vmem>> -> memref<1024xi32, #tpu.memory_space<vmem>>
    %dma_wait3A_264 = arith.constant 0 : i32
    %dma_wait3A_265 = arith.constant 0 : i32
    %dma_wait3A_266 = tpu.memref_slice %arg5[%dma_wait3A_264, %dma_wait3A_265] : memref<10240x16xf32, #tpu.memory_space<hbm>> -> memref<10240x16xf32, #tpu.memory_space<hbm>>
    tpu.wait_indirect_dma semaphore(%arg19 : memref<!tpu.dma_semaphore, #tpu.memory_space<semaphore_mem>>) src(%dma_wait3A_266 : memref<10240x16xf32, #tpu.memory_space<hbm>>) dst(%arg14 : memref<1024x16xf32, #tpu.memory_space<vmem>>)
    %broadcast_in_dim3A_267 = arith.constant 7 : i32
    %broadcast_in_dim3A_268 = vector.broadcast %broadcast_in_dim3A_267 : i32 to vector<16xi32>
    %scan3A_269 = arith.constant 0 : i32
    %scan3A_270 = arith.constant 256 : i32
    %scan3A_271 = arith.addi %scan3A_269, %scan3A_270 : i32
    %scan3A_272 = arith.constant 1 : i32
    scf.for %scan3A_356 = %scan3A_269 to %scan3A_271 step %scan3A_272  : i32 {
      %mul3A_357 = arith.constant 1 : i32
      %mul3A_358 = arith.muli %scan3A_356, %mul3A_357 : i32
      %add3A_359 = arith.constant 0 : i32
      %add3A_360 = arith.addi %add3A_359, %mul3A_358 : i32
      %mul3A_361 = arith.constant 4 : i32
      %mul3A_362 = arith.muli %add3A_360, %mul3A_361 : i32
      %add3A_363 = arith.constant 0 : i32
      %add3A_364 = arith.addi %mul3A_362, %add3A_363 : i32
      %broadcast_in_dim3A_365 = vector.broadcast %add3A_364 : i32 to vector<16xi32>
      %gather3A = tpu.vector_load_idx %arg10[%broadcast_in_dim3A_268, %broadcast_in_dim3A_365] : memref<10x1024xf32, #tpu.memory_space<vmem>>[vector<16xi32>, vector<16xi32>], vector<16xf32>,
      %add3A_366 = arith.constant 0 : i32
      %add3A_367 = arith.addi %mul3A_362, %add3A_366 : i32
      %get3A = arith.index_cast %add3A_367 : i32 to index
      %get3A_368 = arith.constant 0 : index
      %get3A_369 = tpu.vector_load %arg14[%get3A, %get3A_368] {strides = array<i32>} : memref<1024x16xf32, #tpu.memory_space<vmem>>, vector<16xf32>,
      %mul3A_370 = arith.mulf %get3A_369, %gather3A : vector<16xf32>
      %add3A_371 = arith.constant 0 : i32
      %add3A_372 = arith.addi %mul3A_362, %add3A_371 : i32
      %swap3A = arith.index_cast %add3A_372 : i32 to index
      %swap3A_373 = arith.constant 0 : index
      %swap3A_374 = tpu.vector_load %arg14[%swap3A, %swap3A_373] {strides = array<i32>} : memref<1024x16xf32, #tpu.memory_space<vmem>>, vector<16xf32>,
      tpu.vector_store %arg14[%swap3A, %swap3A_373], %mul3A_370 {strides = array<i32>} : memref<1024x16xf32, #tpu.memory_space<vmem>>, vector<16xf32>,
      %add3A_375 = arith.constant 1 : i32
      %add3A_376 = arith.addi %mul3A_362, %add3A_375 : i32
      %broadcast_in_dim3A_377 = vector.broadcast %add3A_376 : i32 to vector<16xi32>
      %gather3A_378 = tpu.vector_load_idx %arg10[%broadcast_in_dim3A_268, %broadcast_in_dim3A_377] : memref<10x1024xf32, #tpu.memory_space<vmem>>[vector<16xi32>, vector<16xi32>], vector<16xf32>,
      %add3A_379 = arith.constant 1 : i32
      %add3A_380 = arith.addi %mul3A_362, %add3A_379 : i32
      %get3A_381 = arith.index_cast %add3A_380 : i32 to index
      %get3A_382 = arith.constant 0 : index
      %get3A_383 = tpu.vector_load %arg14[%get3A_381, %get3A_382] {strides = array<i32>} : memref<1024x16xf32, #tpu.memory_space<vmem>>, vector<16xf32>,
      %mul3A_384 = arith.mulf %get3A_383, %gather3A_378 : vector<16xf32>
      %add3A_385 = arith.constant 1 : i32
      %add3A_386 = arith.addi %mul3A_362, %add3A_385 : i32
      %swap3A_387 = arith.index_cast %add3A_386 : i32 to index
      %swap3A_388 = arith.constant 0 : index
      %swap3A_389 = tpu.vector_load %arg14[%swap3A_387, %swap3A_388] {strides = array<i32>} : memref<1024x16xf32, #tpu.memory_space<vmem>>, vector<16xf32>,
      tpu.vector_store %arg14[%swap3A_387, %swap3A_388], %mul3A_384 {strides = array<i32>} : memref<1024x16xf32, #tpu.memory_space<vmem>>, vector<16xf32>,
      %add3A_390 = arith.constant 2 : i32
      %add3A_391 = arith.addi %mul3A_362, %add3A_390 : i32
      %broadcast_in_dim3A_392 = vector.broadcast %add3A_391 : i32 to vector<16xi32>
      %gather3A_393 = tpu.vector_load_idx %arg10[%broadcast_in_dim3A_268, %broadcast_in_dim3A_392] : memref<10x1024xf32, #tpu.memory_space<vmem>>[vector<16xi32>, vector<16xi32>], vector<16xf32>,
      %add3A_394 = arith.constant 2 : i32
      %add3A_395 = arith.addi %mul3A_362, %add3A_394 : i32
      %get3A_396 = arith.index_cast %add3A_395 : i32 to index
      %get3A_397 = arith.constant 0 : index
      %get3A_398 = tpu.vector_load %arg14[%get3A_396, %get3A_397] {strides = array<i32>} : memref<1024x16xf32, #tpu.memory_space<vmem>>, vector<16xf32>,
      %mul3A_399 = arith.mulf %get3A_398, %gather3A_393 : vector<16xf32>
      %add3A_400 = arith.constant 2 : i32
      %add3A_401 = arith.addi %mul3A_362, %add3A_400 : i32
      %swap3A_402 = arith.index_cast %add3A_401 : i32 to index
      %swap3A_403 = arith.constant 0 : index
      %swap3A_404 = tpu.vector_load %arg14[%swap3A_402, %swap3A_403] {strides = array<i32>} : memref<1024x16xf32, #tpu.memory_space<vmem>>, vector<16xf32>,
      tpu.vector_store %arg14[%swap3A_402, %swap3A_403], %mul3A_399 {strides = array<i32>} : memref<1024x16xf32, #tpu.memory_space<vmem>>, vector<16xf32>,
      %add3A_405 = arith.constant 3 : i32
      %add3A_406 = arith.addi %mul3A_362, %add3A_405 : i32
      %broadcast_in_dim3A_407 = vector.broadcast %add3A_406 : i32 to vector<16xi32>
      %gather3A_408 = tpu.vector_load_idx %arg10[%broadcast_in_dim3A_268, %broadcast_in_dim3A_407] : memref<10x1024xf32, #tpu.memory_space<vmem>>[vector<16xi32>, vector<16xi32>], vector<16xf32>,
      %add3A_409 = arith.constant 3 : i32
      %add3A_410 = arith.addi %mul3A_362, %add3A_409 : i32
      %get3A_411 = arith.index_cast %add3A_410 : i32 to index
      %get3A_412 = arith.constant 0 : index
      %get3A_413 = tpu.vector_load %arg14[%get3A_411, %get3A_412] {strides = array<i32>} : memref<1024x16xf32, #tpu.memory_space<vmem>>, vector<16xf32>,
      %mul3A_414 = arith.mulf %get3A_413, %gather3A_408 : vector<16xf32>
      %add3A_415 = arith.constant 3 : i32
      %add3A_416 = arith.addi %mul3A_362, %add3A_415 : i32
      %swap3A_417 = arith.index_cast %add3A_416 : i32 to index
      %swap3A_418 = arith.constant 0 : index
      %swap3A_419 = tpu.vector_load %arg14[%swap3A_417, %swap3A_418] {strides = array<i32>} : memref<1024x16xf32, #tpu.memory_space<vmem>>, vector<16xf32>,
      tpu.vector_store %arg14[%swap3A_417, %swap3A_418], %mul3A_414 {strides = array<i32>} : memref<1024x16xf32, #tpu.memory_space<vmem>>, vector<16xf32>,
    }
    %scan3A_273 = arith.constant 256 : i32
    %dma_start3A_274 = arith.constant 7 : i32
    %dma_start3A_275 = arith.constant 0 : i32
    %dma_start3A_276 = tpu.memref_slice %arg9[%dma_start3A_274, %dma_start3A_275] : memref<10x1024xi32, #tpu.memory_space<vmem>> -> memref<1x1024xi32, #tpu.memory_space<vmem>>
    %dma_start3A_277 = tpu.memref_squeeze %dma_start3A_276 : memref<1x1024xi32, #tpu.memory_space<vmem>> -> memref<1024xi32, #tpu.memory_space<vmem>>
    %dma_start3A_278 = arith.constant 0 : i32
    %dma_start3A_279 = arith.constant 0 : i32
    %dma_start3A_280 = tpu.memref_slice %arg15[%dma_start3A_278, %dma_start3A_279] : memref<10240x16xf32, #tpu.memory_space<vmem_shared>> -> memref<10240x16xf32, #tpu.memory_space<vmem_shared>>
    tpu.enqueue_indirect_dma source(%arg14 : memref<1024x16xf32, #tpu.memory_space<vmem>>) target(%dma_start3A_280 : memref<10240x16xf32, #tpu.memory_space<vmem_shared>>) offsets(%dma_start3A_277 : memref<1024xi32, #tpu.memory_space<vmem>>) semaphore(%arg23 : memref<!tpu.dma_semaphore, #tpu.memory_space<semaphore_mem>>) {add = true}
    %dma_wait3A_281 = arith.constant 8 : i32
    %dma_wait3A_282 = arith.constant 0 : i32
    %dma_wait3A_283 = tpu.memref_slice %arg8[%dma_wait3A_281, %dma_wait3A_282] : memref<10x1024xi32, #tpu.memory_space<vmem>> -> memref<1x1024xi32, #tpu.memory_space<vmem>>
    %dma_wait3A_284 = tpu.memref_squeeze %dma_wait3A_283 : memref<1x1024xi32, #tpu.memory_space<vmem>> -> memref<1024xi32, #tpu.memory_space<vmem>>
    %dma_wait3A_285 = arith.constant 0 : i32
    %dma_wait3A_286 = arith.constant 0 : i32
    %dma_wait3A_287 = tpu.memref_slice %arg5[%dma_wait3A_285, %dma_wait3A_286] : memref<10240x16xf32, #tpu.memory_space<hbm>> -> memref<10240x16xf32, #tpu.memory_space<hbm>>
    tpu.wait_indirect_dma semaphore(%arg16 : memref<!tpu.dma_semaphore, #tpu.memory_space<semaphore_mem>>) src(%dma_wait3A_287 : memref<10240x16xf32, #tpu.memory_space<hbm>>) dst(%arg11 : memref<1024x16xf32, #tpu.memory_space<vmem>>)
    %broadcast_in_dim3A_288 = arith.constant 8 : i32
    %broadcast_in_dim3A_289 = vector.broadcast %broadcast_in_dim3A_288 : i32 to vector<16xi32>
    %scan3A_290 = arith.constant 0 : i32
    %scan3A_291 = arith.constant 256 : i32
    %scan3A_292 = arith.addi %scan3A_290, %scan3A_291 : i32
    %scan3A_293 = arith.constant 1 : i32
    scf.for %scan3A_356 = %scan3A_290 to %scan3A_292 step %scan3A_293  : i32 {
      %mul3A_357 = arith.constant 1 : i32
      %mul3A_358 = arith.muli %scan3A_356, %mul3A_357 : i32
      %add3A_359 = arith.constant 0 : i32
      %add3A_360 = arith.addi %add3A_359, %mul3A_358 : i32
      %mul3A_361 = arith.constant 4 : i32
      %mul3A_362 = arith.muli %add3A_360, %mul3A_361 : i32
      %add3A_363 = arith.constant 0 : i32
      %add3A_364 = arith.addi %mul3A_362, %add3A_363 : i32
      %broadcast_in_dim3A_365 = vector.broadcast %add3A_364 : i32 to vector<16xi32>
      %gather3A = tpu.vector_load_idx %arg10[%broadcast_in_dim3A_289, %broadcast_in_dim3A_365] : memref<10x1024xf32, #tpu.memory_space<vmem>>[vector<16xi32>, vector<16xi32>], vector<16xf32>,
      %add3A_366 = arith.constant 0 : i32
      %add3A_367 = arith.addi %mul3A_362, %add3A_366 : i32
      %get3A = arith.index_cast %add3A_367 : i32 to index
      %get3A_368 = arith.constant 0 : index
      %get3A_369 = tpu.vector_load %arg11[%get3A, %get3A_368] {strides = array<i32>} : memref<1024x16xf32, #tpu.memory_space<vmem>>, vector<16xf32>,
      %mul3A_370 = arith.mulf %get3A_369, %gather3A : vector<16xf32>
      %add3A_371 = arith.constant 0 : i32
      %add3A_372 = arith.addi %mul3A_362, %add3A_371 : i32
      %swap3A = arith.index_cast %add3A_372 : i32 to index
      %swap3A_373 = arith.constant 0 : index
      %swap3A_374 = tpu.vector_load %arg11[%swap3A, %swap3A_373] {strides = array<i32>} : memref<1024x16xf32, #tpu.memory_space<vmem>>, vector<16xf32>,
      tpu.vector_store %arg11[%swap3A, %swap3A_373], %mul3A_370 {strides = array<i32>} : memref<1024x16xf32, #tpu.memory_space<vmem>>, vector<16xf32>,
      %add3A_375 = arith.constant 1 : i32
      %add3A_376 = arith.addi %mul3A_362, %add3A_375 : i32
      %broadcast_in_dim3A_377 = vector.broadcast %add3A_376 : i32 to vector<16xi32>
      %gather3A_378 = tpu.vector_load_idx %arg10[%broadcast_in_dim3A_289, %broadcast_in_dim3A_377] : memref<10x1024xf32, #tpu.memory_space<vmem>>[vector<16xi32>, vector<16xi32>], vector<16xf32>,
      %add3A_379 = arith.constant 1 : i32
      %add3A_380 = arith.addi %mul3A_362, %add3A_379 : i32
      %get3A_381 = arith.index_cast %add3A_380 : i32 to index
      %get3A_382 = arith.constant 0 : index
      %get3A_383 = tpu.vector_load %arg11[%get3A_381, %get3A_382] {strides = array<i32>} : memref<1024x16xf32, #tpu.memory_space<vmem>>, vector<16xf32>,
      %mul3A_384 = arith.mulf %get3A_383, %gather3A_378 : vector<16xf32>
      %add3A_385 = arith.constant 1 : i32
      %add3A_386 = arith.addi %mul3A_362, %add3A_385 : i32
      %swap3A_387 = arith.index_cast %add3A_386 : i32 to index
      %swap3A_388 = arith.constant 0 : index
      %swap3A_389 = tpu.vector_load %arg11[%swap3A_387, %swap3A_388] {strides = array<i32>} : memref<1024x16xf32, #tpu.memory_space<vmem>>, vector<16xf32>,
      tpu.vector_store %arg11[%swap3A_387, %swap3A_388], %mul3A_384 {strides = array<i32>} : memref<1024x16xf32, #tpu.memory_space<vmem>>, vector<16xf32>,
      %add3A_390 = arith.constant 2 : i32
      %add3A_391 = arith.addi %mul3A_362, %add3A_390 : i32
      %broadcast_in_dim3A_392 = vector.broadcast %add3A_391 : i32 to vector<16xi32>
      %gather3A_393 = tpu.vector_load_idx %arg10[%broadcast_in_dim3A_289, %broadcast_in_dim3A_392] : memref<10x1024xf32, #tpu.memory_space<vmem>>[vector<16xi32>, vector<16xi32>], vector<16xf32>,
      %add3A_394 = arith.constant 2 : i32
      %add3A_395 = arith.addi %mul3A_362, %add3A_394 : i32
      %get3A_396 = arith.index_cast %add3A_395 : i32 to index
      %get3A_397 = arith.constant 0 : index
      %get3A_398 = tpu.vector_load %arg11[%get3A_396, %get3A_397] {strides = array<i32>} : memref<1024x16xf32, #tpu.memory_space<vmem>>, vector<16xf32>,
      %mul3A_399 = arith.mulf %get3A_398, %gather3A_393 : vector<16xf32>
      %add3A_400 = arith.constant 2 : i32
      %add3A_401 = arith.addi %mul3A_362, %add3A_400 : i32
      %swap3A_402 = arith.index_cast %add3A_401 : i32 to index
      %swap3A_403 = arith.constant 0 : index
      %swap3A_404 = tpu.vector_load %arg11[%swap3A_402, %swap3A_403] {strides = array<i32>} : memref<1024x16xf32, #tpu.memory_space<vmem>>, vector<16xf32>,
      tpu.vector_store %arg11[%swap3A_402, %swap3A_403], %mul3A_399 {strides = array<i32>} : memref<1024x16xf32, #tpu.memory_space<vmem>>, vector<16xf32>,
      %add3A_405 = arith.constant 3 : i32
      %add3A_406 = arith.addi %mul3A_362, %add3A_405 : i32
      %broadcast_in_dim3A_407 = vector.broadcast %add3A_406 : i32 to vector<16xi32>
      %gather3A_408 = tpu.vector_load_idx %arg10[%broadcast_in_dim3A_289, %broadcast_in_dim3A_407] : memref<10x1024xf32, #tpu.memory_space<vmem>>[vector<16xi32>, vector<16xi32>], vector<16xf32>,
      %add3A_409 = arith.constant 3 : i32
      %add3A_410 = arith.addi %mul3A_362, %add3A_409 : i32
      %get3A_411 = arith.index_cast %add3A_410 : i32 to index
      %get3A_412 = arith.constant 0 : index
      %get3A_413 = tpu.vector_load %arg11[%get3A_411, %get3A_412] {strides = array<i32>} : memref<1024x16xf32, #tpu.memory_space<vmem>>, vector<16xf32>,
      %mul3A_414 = arith.mulf %get3A_413, %gather3A_408 : vector<16xf32>
      %add3A_415 = arith.constant 3 : i32
      %add3A_416 = arith.addi %mul3A_362, %add3A_415 : i32
      %swap3A_417 = arith.index_cast %add3A_416 : i32 to index
      %swap3A_418 = arith.constant 0 : index
      %swap3A_419 = tpu.vector_load %arg11[%swap3A_417, %swap3A_418] {strides = array<i32>} : memref<1024x16xf32, #tpu.memory_space<vmem>>, vector<16xf32>,
      tpu.vector_store %arg11[%swap3A_417, %swap3A_418], %mul3A_414 {strides = array<i32>} : memref<1024x16xf32, #tpu.memory_space<vmem>>, vector<16xf32>,
    }
    %scan3A_294 = arith.constant 256 : i32
    %dma_start3A_295 = arith.constant 8 : i32
    %dma_start3A_296 = arith.constant 0 : i32
    %dma_start3A_297 = tpu.memref_slice %arg9[%dma_start3A_295, %dma_start3A_296] : memref<10x1024xi32, #tpu.memory_space<vmem>> -> memref<1x1024xi32, #tpu.memory_space<vmem>>
    %dma_start3A_298 = tpu.memref_squeeze %dma_start3A_297 : memref<1x1024xi32, #tpu.memory_space<vmem>> -> memref<1024xi32, #tpu.memory_space<vmem>>
    %dma_start3A_299 = arith.constant 0 : i32
    %dma_start3A_300 = arith.constant 0 : i32
    %dma_start3A_301 = tpu.memref_slice %arg15[%dma_start3A_299, %dma_start3A_300] : memref<10240x16xf32, #tpu.memory_space<vmem_shared>> -> memref<10240x16xf32, #tpu.memory_space<vmem_shared>>
    tpu.enqueue_indirect_dma source(%arg11 : memref<1024x16xf32, #tpu.memory_space<vmem>>) target(%dma_start3A_301 : memref<10240x16xf32, #tpu.memory_space<vmem_shared>>) offsets(%dma_start3A_298 : memref<1024xi32, #tpu.memory_space<vmem>>) semaphore(%arg20 : memref<!tpu.dma_semaphore, #tpu.memory_space<semaphore_mem>>) {add = true}
    %dma_wait3A_302 = arith.constant 9 : i32
    %dma_wait3A_303 = arith.constant 0 : i32
    %dma_wait3A_304 = tpu.memref_slice %arg8[%dma_wait3A_302, %dma_wait3A_303] : memref<10x1024xi32, #tpu.memory_space<vmem>> -> memref<1x1024xi32, #tpu.memory_space<vmem>>
    %dma_wait3A_305 = tpu.memref_squeeze %dma_wait3A_304 : memref<1x1024xi32, #tpu.memory_space<vmem>> -> memref<1024xi32, #tpu.memory_space<vmem>>
    %dma_wait3A_306 = arith.constant 0 : i32
    %dma_wait3A_307 = arith.constant 0 : i32
    %dma_wait3A_308 = tpu.memref_slice %arg5[%dma_wait3A_306, %dma_wait3A_307] : memref<10240x16xf32, #tpu.memory_space<hbm>> -> memref<10240x16xf32, #tpu.memory_space<hbm>>
    tpu.wait_indirect_dma semaphore(%arg17 : memref<!tpu.dma_semaphore, #tpu.memory_space<semaphore_mem>>) src(%dma_wait3A_308 : memref<10240x16xf32, #tpu.memory_space<hbm>>) dst(%arg12 : memref<1024x16xf32, #tpu.memory_space<vmem>>)
    %broadcast_in_dim3A_309 = arith.constant 9 : i32
    %broadcast_in_dim3A_310 = vector.broadcast %broadcast_in_dim3A_309 : i32 to vector<16xi32>
    %scan3A_311 = arith.constant 0 : i32
    %scan3A_312 = arith.constant 256 : i32
    %scan3A_313 = arith.addi %scan3A_311, %scan3A_312 : i32
    %scan3A_314 = arith.constant 1 : i32
    scf.for %scan3A_356 = %scan3A_311 to %scan3A_313 step %scan3A_314  : i32 {
      %mul3A_357 = arith.constant 1 : i32
      %mul3A_358 = arith.muli %scan3A_356, %mul3A_357 : i32
      %add3A_359 = arith.constant 0 : i32
      %add3A_360 = arith.addi %add3A_359, %mul3A_358 : i32
      %mul3A_361 = arith.constant 4 : i32
      %mul3A_362 = arith.muli %add3A_360, %mul3A_361 : i32
      %add3A_363 = arith.constant 0 : i32
      %add3A_364 = arith.addi %mul3A_362, %add3A_363 : i32
      %broadcast_in_dim3A_365 = vector.broadcast %add3A_364 : i32 to vector<16xi32>
      %gather3A = tpu.vector_load_idx %arg10[%broadcast_in_dim3A_310, %broadcast_in_dim3A_365] : memref<10x1024xf32, #tpu.memory_space<vmem>>[vector<16xi32>, vector<16xi32>], vector<16xf32>,
      %add3A_366 = arith.constant 0 : i32
      %add3A_367 = arith.addi %mul3A_362, %add3A_366 : i32
      %get3A = arith.index_cast %add3A_367 : i32 to index
      %get3A_368 = arith.constant 0 : index
      %get3A_369 = tpu.vector_load %arg12[%get3A, %get3A_368] {strides = array<i32>} : memref<1024x16xf32, #tpu.memory_space<vmem>>, vector<16xf32>,
      %mul3A_370 = arith.mulf %get3A_369, %gather3A : vector<16xf32>
      %add3A_371 = arith.constant 0 : i32
      %add3A_372 = arith.addi %mul3A_362, %add3A_371 : i32
      %swap3A = arith.index_cast %add3A_372 : i32 to index
      %swap3A_373 = arith.constant 0 : index
      %swap3A_374 = tpu.vector_load %arg12[%swap3A, %swap3A_373] {strides = array<i32>} : memref<1024x16xf32, #tpu.memory_space<vmem>>, vector<16xf32>,
      tpu.vector_store %arg12[%swap3A, %swap3A_373], %mul3A_370 {strides = array<i32>} : memref<1024x16xf32, #tpu.memory_space<vmem>>, vector<16xf32>,
      %add3A_375 = arith.constant 1 : i32
      %add3A_376 = arith.addi %mul3A_362, %add3A_375 : i32
      %broadcast_in_dim3A_377 = vector.broadcast %add3A_376 : i32 to vector<16xi32>
      %gather3A_378 = tpu.vector_load_idx %arg10[%broadcast_in_dim3A_310, %broadcast_in_dim3A_377] : memref<10x1024xf32, #tpu.memory_space<vmem>>[vector<16xi32>, vector<16xi32>], vector<16xf32>,
      %add3A_379 = arith.constant 1 : i32
      %add3A_380 = arith.addi %mul3A_362, %add3A_379 : i32
      %get3A_381 = arith.index_cast %add3A_380 : i32 to index
      %get3A_382 = arith.constant 0 : index
      %get3A_383 = tpu.vector_load %arg12[%get3A_381, %get3A_382] {strides = array<i32>} : memref<1024x16xf32, #tpu.memory_space<vmem>>, vector<16xf32>,
      %mul3A_384 = arith.mulf %get3A_383, %gather3A_378 : vector<16xf32>
      %add3A_385 = arith.constant 1 : i32
      %add3A_386 = arith.addi %mul3A_362, %add3A_385 : i32
      %swap3A_387 = arith.index_cast %add3A_386 : i32 to index
      %swap3A_388 = arith.constant 0 : index
      %swap3A_389 = tpu.vector_load %arg12[%swap3A_387, %swap3A_388] {strides = array<i32>} : memref<1024x16xf32, #tpu.memory_space<vmem>>, vector<16xf32>,
      tpu.vector_store %arg12[%swap3A_387, %swap3A_388], %mul3A_384 {strides = array<i32>} : memref<1024x16xf32, #tpu.memory_space<vmem>>, vector<16xf32>,
      %add3A_390 = arith.constant 2 : i32
      %add3A_391 = arith.addi %mul3A_362, %add3A_390 : i32
      %broadcast_in_dim3A_392 = vector.broadcast %add3A_391 : i32 to vector<16xi32>
      %gather3A_393 = tpu.vector_load_idx %arg10[%broadcast_in_dim3A_310, %broadcast_in_dim3A_392] : memref<10x1024xf32, #tpu.memory_space<vmem>>[vector<16xi32>, vector<16xi32>], vector<16xf32>,
      %add3A_394 = arith.constant 2 : i32
      %add3A_395 = arith.addi %mul3A_362, %add3A_394 : i32
      %get3A_396 = arith.index_cast %add3A_395 : i32 to index
      %get3A_397 = arith.constant 0 : index
      %get3A_398 = tpu.vector_load %arg12[%get3A_396, %get3A_397] {strides = array<i32>} : memref<1024x16xf32, #tpu.memory_space<vmem>>, vector<16xf32>,
      %mul3A_399 = arith.mulf %get3A_398, %gather3A_393 : vector<16xf32>
      %add3A_400 = arith.constant 2 : i32
      %add3A_401 = arith.addi %mul3A_362, %add3A_400 : i32
      %swap3A_402 = arith.index_cast %add3A_401 : i32 to index
      %swap3A_403 = arith.constant 0 : index
      %swap3A_404 = tpu.vector_load %arg12[%swap3A_402, %swap3A_403] {strides = array<i32>} : memref<1024x16xf32, #tpu.memory_space<vmem>>, vector<16xf32>,
      tpu.vector_store %arg12[%swap3A_402, %swap3A_403], %mul3A_399 {strides = array<i32>} : memref<1024x16xf32, #tpu.memory_space<vmem>>, vector<16xf32>,
      %add3A_405 = arith.constant 3 : i32
      %add3A_406 = arith.addi %mul3A_362, %add3A_405 : i32
      %broadcast_in_dim3A_407 = vector.broadcast %add3A_406 : i32 to vector<16xi32>
      %gather3A_408 = tpu.vector_load_idx %arg10[%broadcast_in_dim3A_310, %broadcast_in_dim3A_407] : memref<10x1024xf32, #tpu.memory_space<vmem>>[vector<16xi32>, vector<16xi32>], vector<16xf32>,
      %add3A_409 = arith.constant 3 : i32
      %add3A_410 = arith.addi %mul3A_362, %add3A_409 : i32
      %get3A_411 = arith.index_cast %add3A_410 : i32 to index
      %get3A_412 = arith.constant 0 : index
      %get3A_413 = tpu.vector_load %arg12[%get3A_411, %get3A_412] {strides = array<i32>} : memref<1024x16xf32, #tpu.memory_space<vmem>>, vector<16xf32>,
      %mul3A_414 = arith.mulf %get3A_413, %gather3A_408 : vector<16xf32>
      %add3A_415 = arith.constant 3 : i32
      %add3A_416 = arith.addi %mul3A_362, %add3A_415 : i32
      %swap3A_417 = arith.index_cast %add3A_416 : i32 to index
      %swap3A_418 = arith.constant 0 : index
      %swap3A_419 = tpu.vector_load %arg12[%swap3A_417, %swap3A_418] {strides = array<i32>} : memref<1024x16xf32, #tpu.memory_space<vmem>>, vector<16xf32>,
      tpu.vector_store %arg12[%swap3A_417, %swap3A_418], %mul3A_414 {strides = array<i32>} : memref<1024x16xf32, #tpu.memory_space<vmem>>, vector<16xf32>,
    }
    %scan3A_315 = arith.constant 256 : i32
    %dma_start3A_316 = arith.constant 9 : i32
    %dma_start3A_317 = arith.constant 0 : i32
    %dma_start3A_318 = tpu.memref_slice %arg9[%dma_start3A_316, %dma_start3A_317] : memref<10x1024xi32, #tpu.memory_space<vmem>> -> memref<1x1024xi32, #tpu.memory_space<vmem>>
    %dma_start3A_319 = tpu.memref_squeeze %dma_start3A_318 : memref<1x1024xi32, #tpu.memory_space<vmem>> -> memref<1024xi32, #tpu.memory_space<vmem>>
    %dma_start3A_320 = arith.constant 0 : i32
    %dma_start3A_321 = arith.constant 0 : i32
    %dma_start3A_322 = tpu.memref_slice %arg15[%dma_start3A_320, %dma_start3A_321] : memref<10240x16xf32, #tpu.memory_space<vmem_shared>> -> memref<10240x16xf32, #tpu.memory_space<vmem_shared>>
    tpu.enqueue_indirect_dma source(%arg12 : memref<1024x16xf32, #tpu.memory_space<vmem>>) target(%dma_start3A_322 : memref<10240x16xf32, #tpu.memory_space<vmem_shared>>) offsets(%dma_start3A_319 : memref<1024xi32, #tpu.memory_space<vmem>>) semaphore(%arg21 : memref<!tpu.dma_semaphore, #tpu.memory_space<semaphore_mem>>) {add = true}
    %dma_wait3A_323 = arith.constant 6 : i32
    %dma_wait3A_324 = arith.constant 0 : i32
    %dma_wait3A_325 = tpu.memref_slice %arg9[%dma_wait3A_323, %dma_wait3A_324] : memref<10x1024xi32, #tpu.memory_space<vmem>> -> memref<1x1024xi32, #tpu.memory_space<vmem>>
    %dma_wait3A_326 = tpu.memref_squeeze %dma_wait3A_325 : memref<1x1024xi32, #tpu.memory_space<vmem>> -> memref<1024xi32, #tpu.memory_space<vmem>>
    %dma_wait3A_327 = arith.constant 0 : i32
    %dma_wait3A_328 = arith.constant 0 : i32
    %dma_wait3A_329 = tpu.memref_slice %arg15[%dma_wait3A_327, %dma_wait3A_328] : memref<10240x16xf32, #tpu.memory_space<vmem_shared>> -> memref<10240x16xf32, #tpu.memory_space<vmem_shared>>
    tpu.wait_indirect_dma semaphore(%arg22 : memref<!tpu.dma_semaphore, #tpu.memory_space<semaphore_mem>>) src(%arg13 : memref<1024x16xf32, #tpu.memory_space<vmem>>) dst(%dma_wait3A_329 : memref<10240x16xf32, #tpu.memory_space<vmem_shared>>)
    %dma_wait3A_330 = arith.constant 7 : i32
    %dma_wait3A_331 = arith.constant 0 : i32
    %dma_wait3A_332 = tpu.memref_slice %arg9[%dma_wait3A_330, %dma_wait3A_331] : memref<10x1024xi32, #tpu.memory_space<vmem>> -> memref<1x1024xi32, #tpu.memory_space<vmem>>
    %dma_wait3A_333 = tpu.memref_squeeze %dma_wait3A_332 : memref<1x1024xi32, #tpu.memory_space<vmem>> -> memref<1024xi32, #tpu.memory_space<vmem>>
    %dma_wait3A_334 = arith.constant 0 : i32
    %dma_wait3A_335 = arith.constant 0 : i32
    %dma_wait3A_336 = tpu.memref_slice %arg15[%dma_wait3A_334, %dma_wait3A_335] : memref<10240x16xf32, #tpu.memory_space<vmem_shared>> -> memref<10240x16xf32, #tpu.memory_space<vmem_shared>>
    tpu.wait_indirect_dma semaphore(%arg23 : memref<!tpu.dma_semaphore, #tpu.memory_space<semaphore_mem>>) src(%arg14 : memref<1024x16xf32, #tpu.memory_space<vmem>>) dst(%dma_wait3A_336 : memref<10240x16xf32, #tpu.memory_space<vmem_shared>>)
    %dma_wait3A_337 = arith.constant 8 : i32
    %dma_wait3A_338 = arith.constant 0 : i32
    %dma_wait3A_339 = tpu.memref_slice %arg9[%dma_wait3A_337, %dma_wait3A_338] : memref<10x1024xi32, #tpu.memory_space<vmem>> -> memref<1x1024xi32, #tpu.memory_space<vmem>>
    %dma_wait3A_340 = tpu.memref_squeeze %dma_wait3A_339 : memref<1x1024xi32, #tpu.memory_space<vmem>> -> memref<1024xi32, #tpu.memory_space<vmem>>
    %dma_wait3A_341 = arith.constant 0 : i32
    %dma_wait3A_342 = arith.constant 0 : i32
    %dma_wait3A_343 = tpu.memref_slice %arg15[%dma_wait3A_341, %dma_wait3A_342] : memref<10240x16xf32, #tpu.memory_space<vmem_shared>> -> memref<10240x16xf32, #tpu.memory_space<vmem_shared>>
    tpu.wait_indirect_dma semaphore(%arg20 : memref<!tpu.dma_semaphore, #tpu.memory_space<semaphore_mem>>) src(%arg11 : memref<1024x16xf32, #tpu.memory_space<vmem>>) dst(%dma_wait3A_343 : memref<10240x16xf32, #tpu.memory_space<vmem_shared>>)
    %dma_wait3A_344 = arith.constant 9 : i32
    %dma_wait3A_345 = arith.constant 0 : i32
    %dma_wait3A_346 = tpu.memref_slice %arg9[%dma_wait3A_344, %dma_wait3A_345] : memref<10x1024xi32, #tpu.memory_space<vmem>> -> memref<1x1024xi32, #tpu.memory_space<vmem>>
    %dma_wait3A_347 = tpu.memref_squeeze %dma_wait3A_346 : memref<1x1024xi32, #tpu.memory_space<vmem>> -> memref<1024xi32, #tpu.memory_space<vmem>>
    %dma_wait3A_348 = arith.constant 0 : i32
    %dma_wait3A_349 = arith.constant 0 : i32
    %dma_wait3A_350 = tpu.memref_slice %arg15[%dma_wait3A_348, %dma_wait3A_349] : memref<10240x16xf32, #tpu.memory_space<vmem_shared>> -> memref<10240x16xf32, #tpu.memory_space<vmem_shared>>
    tpu.wait_indirect_dma semaphore(%arg21 : memref<!tpu.dma_semaphore, #tpu.memory_space<semaphore_mem>>) src(%arg12 : memref<1024x16xf32, #tpu.memory_space<vmem>>) dst(%dma_wait3A_350 : memref<10240x16xf32, #tpu.memory_space<vmem_shared>>)
    %barrier3A_351 = arith.constant 0 : index
    tpu.barrier barrier_id(%barrier3A_351)
    %mul3A_352 = arith.constant 640 : i32
    %mul3A_353 = arith.muli %arg1, %mul3A_352 : i32
    %mul3A_354 = arith.constant 640 : i32
    %mul3A_355 = arith.muli %arg1, %mul3A_354 : i32
    "tpu.region"() ({
      %run_scoped3A = tpu.sem_alloc : memref<!tpu.dma_semaphore, #tpu.memory_space<semaphore_mem>>
      %dma_start3A_356 = arith.constant 0 : i32
      %dma_start3A_357 = tpu.memref_slice %arg7[%arg0, %mul3A_355, %dma_start3A_356] : memref<2x10240x16xf32, #tpu.memory_space<hbm>> -> memref<1x640x16xf32, #tpu.memory_space<hbm>>
      %dma_start3A_358 = tpu.memref_squeeze %dma_start3A_357 : memref<1x640x16xf32, #tpu.memory_space<hbm>> -> memref<640x16xf32, #tpu.memory_space<hbm>>
      %dma_start3A_359 = arith.constant 0 : i32
      %dma_start3A_360 = tpu.memref_slice %arg15[%mul3A_353, %dma_start3A_359] : memref<10240x16xf32, #tpu.memory_space<vmem_shared>> -> memref<640x16xf32, #tpu.memory_space<vmem_shared>>
      tpu.enqueue_dma source(%dma_start3A_360 : memref<640x16xf32, #tpu.memory_space<vmem_shared>>) target(%dma_start3A_358 : memref<640x16xf32, #tpu.memory_space<hbm>>) target_semaphore(%run_scoped3A : memref<!tpu.dma_semaphore, #tpu.memory_space<semaphore_mem>>)
      %dma_wait3A_361 = arith.constant 0 : i32
      %dma_wait3A_362 = tpu.memref_slice %arg7[%arg0, %mul3A_355, %dma_wait3A_361] : memref<2x10240x16xf32, #tpu.memory_space<hbm>> -> memref<1x640x16xf32, #tpu.memory_space<hbm>>
      %dma_wait3A_363 = tpu.memref_squeeze %dma_wait3A_362 : memref<1x640x16xf32, #tpu.memory_space<hbm>> -> memref<640x16xf32, #tpu.memory_space<hbm>>
      %dma_wait3A_364 = arith.constant 0 : i32
      %dma_wait3A_365 = tpu.memref_slice %arg15[%mul3A_353, %dma_wait3A_364] : memref<10240x16xf32, #tpu.memory_space<vmem_shared>> -> memref<640x16xf32, #tpu.memory_space<vmem_shared>>
      tpu.wait_dma2 semaphore(%run_scoped3A : memref<!tpu.dma_semaphore, #tpu.memory_space<semaphore_mem>>) src(%dma_wait3A_365 : memref<640x16xf32, #tpu.memory_space<vmem_shared>>) dst(%dma_wait3A_363 : memref<640x16xf32, #tpu.memory_space<hbm>>)
      tpu.yield
    }) : () -> ()
    return
  }
}

module attributes {stable_mosaic.version = 14 : i64} {
  func.func @body(%arg0: memref<1280x8x128xf32, #tpu.memory_space<vmem>>, %arg1: memref<128x128xf32, #tpu.memory_space<vmem>>, %arg2: memref<1280x128xf32, #tpu.memory_space<vmem>>) attributes {dimension_semantics = [], scalar_prefetch = 0 : i64, scratch_operands = 0 : i64, tpu.core_type = #tpu.core_type<tc>} {
    %broadcast_in_dim3A = arith.constant 0.000000e+00 : f32
    %broadcast_in_dim3A_0 = vector.broadcast %broadcast_in_dim3A : f32 to vector<1280x128xf32>
    %get3A = arith.constant 0 : index
    %get3A_1 = arith.constant 0 : index
    %get3A_2 = arith.constant 0 : index
    %get3A_3 = vector.load %arg0[%get3A, %get3A_1, %get3A_2] : memref<1280x8x128xf32, #tpu.memory_space<vmem>>, vector<1280x1x128xf32>
    %get3A_4 = vector.shape_cast %get3A_3 : vector<1280x1x128xf32> to vector<1280x128xf32>
    %get3A_5 = arith.constant 0 : index
    %get3A_6 = arith.constant 0 : index
    %get3A_7 = vector.load %arg1[%get3A_5, %get3A_6] : memref<128x128xf32, #tpu.memory_space<vmem>>, vector<128x128xf32>
    %dot_general3A = arith.constant dense<0.000000e+00> : vector<1280x128xf32>
    %dot_general3A_8 = tpu.matmul %get3A_4, %get3A_7, %dot_general3A {dimension_numbers = #tpu.dot_dimension_numbers<[1], [0], [0], [1], [0, 0, 1, 1], [], []>, transpose_lhs_hint = false} : vector<1280x128xf32>, vector<128x128xf32>, vector<1280x128xf32> -> vector<1280x128xf32>
    %add3A = arith.addf %broadcast_in_dim3A_0, %dot_general3A_8 : vector<1280x128xf32>
    %get3A_9 = arith.constant 0 : index
    %get3A_10 = arith.constant 1 : index
    %get3A_11 = arith.constant 0 : index
    %get3A_12 = vector.load %arg0[%get3A_9, %get3A_10, %get3A_11] : memref<1280x8x128xf32, #tpu.memory_space<vmem>>, vector<1280x1x128xf32>
    %get3A_13 = vector.shape_cast %get3A_12 : vector<1280x1x128xf32> to vector<1280x128xf32>
    %get3A_14 = arith.constant 0 : index
    %get3A_15 = arith.constant 0 : index
    %get3A_16 = vector.load %arg1[%get3A_14, %get3A_15] : memref<128x128xf32, #tpu.memory_space<vmem>>, vector<128x128xf32>
    %dot_general3A_17 = arith.constant dense<0.000000e+00> : vector<1280x128xf32>
    %dot_general3A_18 = tpu.matmul %get3A_13, %get3A_16, %dot_general3A_17 {dimension_numbers = #tpu.dot_dimension_numbers<[1], [0], [0], [1], [0, 0, 1, 1], [], []>, transpose_lhs_hint = false} : vector<1280x128xf32>, vector<128x128xf32>, vector<1280x128xf32> -> vector<1280x128xf32>
    %slice3A = vector.extract_strided_slice %dot_general3A_18 {offsets = [0, 112], sizes = [1280, 16], strides = [1, 1]} : vector<1280x128xf32> to vector<1280x16xf32>
    %slice3A_19 = vector.extract_strided_slice %dot_general3A_18 {offsets = [0, 0], sizes = [1280, 112], strides = [1, 1]} : vector<1280x128xf32> to vector<1280x112xf32>
    %concatenate3A = tpu.concatenate %slice3A, %slice3A_19 in 1 : vector<1280x16xf32>, vector<1280x112xf32> -> vector<1280x128xf32>
    %add3A_20 = arith.addf %add3A, %concatenate3A : vector<1280x128xf32>
    %get3A_21 = arith.constant 0 : index
    %get3A_22 = arith.constant 2 : index
    %get3A_23 = arith.constant 0 : index
    %get3A_24 = vector.load %arg0[%get3A_21, %get3A_22, %get3A_23] : memref<1280x8x128xf32, #tpu.memory_space<vmem>>, vector<1280x1x128xf32>
    %get3A_25 = vector.shape_cast %get3A_24 : vector<1280x1x128xf32> to vector<1280x128xf32>
    %get3A_26 = arith.constant 0 : index
    %get3A_27 = arith.constant 0 : index
    %get3A_28 = vector.load %arg1[%get3A_26, %get3A_27] : memref<128x128xf32, #tpu.memory_space<vmem>>, vector<128x128xf32>
    %dot_general3A_29 = arith.constant dense<0.000000e+00> : vector<1280x128xf32>
    %dot_general3A_30 = tpu.matmul %get3A_25, %get3A_28, %dot_general3A_29 {dimension_numbers = #tpu.dot_dimension_numbers<[1], [0], [0], [1], [0, 0, 1, 1], [], []>, transpose_lhs_hint = false} : vector<1280x128xf32>, vector<128x128xf32>, vector<1280x128xf32> -> vector<1280x128xf32>
    %slice3A_31 = vector.extract_strided_slice %dot_general3A_30 {offsets = [0, 96], sizes = [1280, 32], strides = [1, 1]} : vector<1280x128xf32> to vector<1280x32xf32>
    %slice3A_32 = vector.extract_strided_slice %dot_general3A_30 {offsets = [0, 0], sizes = [1280, 96], strides = [1, 1]} : vector<1280x128xf32> to vector<1280x96xf32>
    %concatenate3A_33 = tpu.concatenate %slice3A_31, %slice3A_32 in 1 : vector<1280x32xf32>, vector<1280x96xf32> -> vector<1280x128xf32>
    %add3A_34 = arith.addf %add3A_20, %concatenate3A_33 : vector<1280x128xf32>
    %get3A_35 = arith.constant 0 : index
    %get3A_36 = arith.constant 3 : index
    %get3A_37 = arith.constant 0 : index
    %get3A_38 = vector.load %arg0[%get3A_35, %get3A_36, %get3A_37] : memref<1280x8x128xf32, #tpu.memory_space<vmem>>, vector<1280x1x128xf32>
    %get3A_39 = vector.shape_cast %get3A_38 : vector<1280x1x128xf32> to vector<1280x128xf32>
    %get3A_40 = arith.constant 0 : index
    %get3A_41 = arith.constant 0 : index
    %get3A_42 = vector.load %arg1[%get3A_40, %get3A_41] : memref<128x128xf32, #tpu.memory_space<vmem>>, vector<128x128xf32>
    %dot_general3A_43 = arith.constant dense<0.000000e+00> : vector<1280x128xf32>
    %dot_general3A_44 = tpu.matmul %get3A_39, %get3A_42, %dot_general3A_43 {dimension_numbers = #tpu.dot_dimension_numbers<[1], [0], [0], [1], [0, 0, 1, 1], [], []>, transpose_lhs_hint = false} : vector<1280x128xf32>, vector<128x128xf32>, vector<1280x128xf32> -> vector<1280x128xf32>
    %slice3A_45 = vector.extract_strided_slice %dot_general3A_44 {offsets = [0, 80], sizes = [1280, 48], strides = [1, 1]} : vector<1280x128xf32> to vector<1280x48xf32>
    %slice3A_46 = vector.extract_strided_slice %dot_general3A_44 {offsets = [0, 0], sizes = [1280, 80], strides = [1, 1]} : vector<1280x128xf32> to vector<1280x80xf32>
    %concatenate3A_47 = tpu.concatenate %slice3A_45, %slice3A_46 in 1 : vector<1280x48xf32>, vector<1280x80xf32> -> vector<1280x128xf32>
    %add3A_48 = arith.addf %add3A_34, %concatenate3A_47 : vector<1280x128xf32>
    %get3A_49 = arith.constant 0 : index
    %get3A_50 = arith.constant 4 : index
    %get3A_51 = arith.constant 0 : index
    %get3A_52 = vector.load %arg0[%get3A_49, %get3A_50, %get3A_51] : memref<1280x8x128xf32, #tpu.memory_space<vmem>>, vector<1280x1x128xf32>
    %get3A_53 = vector.shape_cast %get3A_52 : vector<1280x1x128xf32> to vector<1280x128xf32>
    %get3A_54 = arith.constant 0 : index
    %get3A_55 = arith.constant 0 : index
    %get3A_56 = vector.load %arg1[%get3A_54, %get3A_55] : memref<128x128xf32, #tpu.memory_space<vmem>>, vector<128x128xf32>
    %dot_general3A_57 = arith.constant dense<0.000000e+00> : vector<1280x128xf32>
    %dot_general3A_58 = tpu.matmul %get3A_53, %get3A_56, %dot_general3A_57 {dimension_numbers = #tpu.dot_dimension_numbers<[1], [0], [0], [1], [0, 0, 1, 1], [], []>, transpose_lhs_hint = false} : vector<1280x128xf32>, vector<128x128xf32>, vector<1280x128xf32> -> vector<1280x128xf32>
    %slice3A_59 = vector.extract_strided_slice %dot_general3A_58 {offsets = [0, 64], sizes = [1280, 64], strides = [1, 1]} : vector<1280x128xf32> to vector<1280x64xf32>
    %slice3A_60 = vector.extract_strided_slice %dot_general3A_58 {offsets = [0, 0], sizes = [1280, 64], strides = [1, 1]} : vector<1280x128xf32> to vector<1280x64xf32>
    %concatenate3A_61 = tpu.concatenate %slice3A_59, %slice3A_60 in 1 : vector<1280x64xf32>, vector<1280x64xf32> -> vector<1280x128xf32>
    %add3A_62 = arith.addf %add3A_48, %concatenate3A_61 : vector<1280x128xf32>
    %get3A_63 = arith.constant 0 : index
    %get3A_64 = arith.constant 5 : index
    %get3A_65 = arith.constant 0 : index
    %get3A_66 = vector.load %arg0[%get3A_63, %get3A_64, %get3A_65] : memref<1280x8x128xf32, #tpu.memory_space<vmem>>, vector<1280x1x128xf32>
    %get3A_67 = vector.shape_cast %get3A_66 : vector<1280x1x128xf32> to vector<1280x128xf32>
    %get3A_68 = arith.constant 0 : index
    %get3A_69 = arith.constant 0 : index
    %get3A_70 = vector.load %arg1[%get3A_68, %get3A_69] : memref<128x128xf32, #tpu.memory_space<vmem>>, vector<128x128xf32>
    %dot_general3A_71 = arith.constant dense<0.000000e+00> : vector<1280x128xf32>
    %dot_general3A_72 = tpu.matmul %get3A_67, %get3A_70, %dot_general3A_71 {dimension_numbers = #tpu.dot_dimension_numbers<[1], [0], [0], [1], [0, 0, 1, 1], [], []>, transpose_lhs_hint = false} : vector<1280x128xf32>, vector<128x128xf32>, vector<1280x128xf32> -> vector<1280x128xf32>
    %slice3A_73 = vector.extract_strided_slice %dot_general3A_72 {offsets = [0, 48], sizes = [1280, 80], strides = [1, 1]} : vector<1280x128xf32> to vector<1280x80xf32>
    %slice3A_74 = vector.extract_strided_slice %dot_general3A_72 {offsets = [0, 0], sizes = [1280, 48], strides = [1, 1]} : vector<1280x128xf32> to vector<1280x48xf32>
    %concatenate3A_75 = tpu.concatenate %slice3A_73, %slice3A_74 in 1 : vector<1280x80xf32>, vector<1280x48xf32> -> vector<1280x128xf32>
    %add3A_76 = arith.addf %add3A_62, %concatenate3A_75 : vector<1280x128xf32>
    %get3A_77 = arith.constant 0 : index
    %get3A_78 = arith.constant 6 : index
    %get3A_79 = arith.constant 0 : index
    %get3A_80 = vector.load %arg0[%get3A_77, %get3A_78, %get3A_79] : memref<1280x8x128xf32, #tpu.memory_space<vmem>>, vector<1280x1x128xf32>
    %get3A_81 = vector.shape_cast %get3A_80 : vector<1280x1x128xf32> to vector<1280x128xf32>
    %get3A_82 = arith.constant 0 : index
    %get3A_83 = arith.constant 0 : index
    %get3A_84 = vector.load %arg1[%get3A_82, %get3A_83] : memref<128x128xf32, #tpu.memory_space<vmem>>, vector<128x128xf32>
    %dot_general3A_85 = arith.constant dense<0.000000e+00> : vector<1280x128xf32>
    %dot_general3A_86 = tpu.matmul %get3A_81, %get3A_84, %dot_general3A_85 {dimension_numbers = #tpu.dot_dimension_numbers<[1], [0], [0], [1], [0, 0, 1, 1], [], []>, transpose_lhs_hint = false} : vector<1280x128xf32>, vector<128x128xf32>, vector<1280x128xf32> -> vector<1280x128xf32>
    %slice3A_87 = vector.extract_strided_slice %dot_general3A_86 {offsets = [0, 32], sizes = [1280, 96], strides = [1, 1]} : vector<1280x128xf32> to vector<1280x96xf32>
    %slice3A_88 = vector.extract_strided_slice %dot_general3A_86 {offsets = [0, 0], sizes = [1280, 32], strides = [1, 1]} : vector<1280x128xf32> to vector<1280x32xf32>
    %concatenate3A_89 = tpu.concatenate %slice3A_87, %slice3A_88 in 1 : vector<1280x96xf32>, vector<1280x32xf32> -> vector<1280x128xf32>
    %add3A_90 = arith.addf %add3A_76, %concatenate3A_89 : vector<1280x128xf32>
    %get3A_91 = arith.constant 0 : index
    %get3A_92 = arith.constant 7 : index
    %get3A_93 = arith.constant 0 : index
    %get3A_94 = vector.load %arg0[%get3A_91, %get3A_92, %get3A_93] : memref<1280x8x128xf32, #tpu.memory_space<vmem>>, vector<1280x1x128xf32>
    %get3A_95 = vector.shape_cast %get3A_94 : vector<1280x1x128xf32> to vector<1280x128xf32>
    %get3A_96 = arith.constant 0 : index
    %get3A_97 = arith.constant 0 : index
    %get3A_98 = vector.load %arg1[%get3A_96, %get3A_97] : memref<128x128xf32, #tpu.memory_space<vmem>>, vector<128x128xf32>
    %dot_general3A_99 = arith.constant dense<0.000000e+00> : vector<1280x128xf32>
    %dot_general3A_100 = tpu.matmul %get3A_95, %get3A_98, %dot_general3A_99 {dimension_numbers = #tpu.dot_dimension_numbers<[1], [0], [0], [1], [0, 0, 1, 1], [], []>, transpose_lhs_hint = false} : vector<1280x128xf32>, vector<128x128xf32>, vector<1280x128xf32> -> vector<1280x128xf32>
    %slice3A_101 = vector.extract_strided_slice %dot_general3A_100 {offsets = [0, 16], sizes = [1280, 112], strides = [1, 1]} : vector<1280x128xf32> to vector<1280x112xf32>
    %slice3A_102 = vector.extract_strided_slice %dot_general3A_100 {offsets = [0, 0], sizes = [1280, 16], strides = [1, 1]} : vector<1280x128xf32> to vector<1280x16xf32>
    %concatenate3A_103 = tpu.concatenate %slice3A_101, %slice3A_102 in 1 : vector<1280x112xf32>, vector<1280x16xf32> -> vector<1280x128xf32>
    %add3A_104 = arith.addf %add3A_90, %concatenate3A_103 : vector<1280x128xf32>
    %swap3A = arith.constant 0 : index
    %swap3A_105 = arith.constant 0 : index
    %swap3A_106 = vector.load %arg2[%swap3A, %swap3A_105] : memref<1280x128xf32, #tpu.memory_space<vmem>>, vector<1280x128xf32>
    tpu.vector_store %arg2[%swap3A, %swap3A_105], %add3A_104 {strides = array<i32>} : memref<1280x128xf32, #tpu.memory_space<vmem>>, vector<1280x128xf32>,
    return
  }
}

module attributes {stable_mosaic.version = 14 : i64} {
  func.func @body(%arg0: memref<2x1280x128xf32, #tpu.memory_space<vmem>>, %arg1: memref<1280x128xf32, #tpu.memory_space<vmem>>, %arg2: memref<8x128xf32, #tpu.memory_space<vmem>>, %arg3: memref<128x8xf32, #tpu.memory_space<vmem>>, %arg4: memref<1280x128xf32, #tpu.memory_space<vmem>>, %arg5: memref<1280x128xf32, #tpu.memory_space<vmem>>) attributes {dimension_semantics = [], scalar_prefetch = 0 : i64, scratch_operands = 0 : i64, tpu.core_type = #tpu.core_type<tc>} {
    %get3A = arith.constant 0 : index
    %get3A_0 = arith.constant 0 : index
    %get3A_1 = arith.constant 0 : index
    %get3A_2 = vector.load %arg0[%get3A, %get3A_0, %get3A_1] : memref<2x1280x128xf32, #tpu.memory_space<vmem>>, vector<1x1280x128xf32>
    %get3A_3 = vector.shape_cast %get3A_2 : vector<1x1280x128xf32> to vector<1280x128xf32>
    %get3A_4 = arith.constant 1 : index
    %get3A_5 = arith.constant 0 : index
    %get3A_6 = arith.constant 0 : index
    %get3A_7 = vector.load %arg0[%get3A_4, %get3A_5, %get3A_6] : memref<2x1280x128xf32, #tpu.memory_space<vmem>>, vector<1x1280x128xf32>
    %get3A_8 = vector.shape_cast %get3A_7 : vector<1x1280x128xf32> to vector<1280x128xf32>
    %add3A = arith.addf %get3A_3, %get3A_8 : vector<1280x128xf32>
    %get3A_9 = arith.constant 0 : index
    %get3A_10 = arith.constant 0 : index
    %get3A_11 = vector.load %arg3[%get3A_9, %get3A_10] : memref<128x8xf32, #tpu.memory_space<vmem>>, vector<128x8xf32>
    %dot_general3A = arith.constant dense<0.000000e+00> : vector<1280x8xf32>
    %dot_general3A_12 = tpu.matmul %add3A, %get3A_11, %dot_general3A {dimension_numbers = #tpu.dot_dimension_numbers<[1], [0], [0], [1], [0, 0, 1, 1], [], []>, precision = #tpu.contract_precision<fp32>, transpose_lhs_hint = false} : vector<1280x128xf32>, vector<128x8xf32>, vector<1280x8xf32> -> vector<1280x8xf32>
    %add3A_13 = arith.constant 1.000000e+00 : f32
    %add3A_14 = vector.broadcast %add3A_13 : f32 to vector<1280x8xf32>
    %add3A_15 = arith.addf %dot_general3A_12, %add3A_14 : vector<1280x8xf32>
    %rsqrt3A = math.rsqrt %add3A_15 : vector<1280x8xf32>
    %get3A_16 = arith.constant 0 : index
    %get3A_17 = arith.constant 0 : index
    %get3A_18 = vector.load %arg2[%get3A_16, %get3A_17] : memref<8x128xf32, #tpu.memory_space<vmem>>, vector<8x128xf32>
    %dot_general3A_19 = arith.constant dense<0.000000e+00> : vector<1280x128xf32>
    %dot_general3A_20 = tpu.matmul %rsqrt3A, %get3A_18, %dot_general3A_19 {dimension_numbers = #tpu.dot_dimension_numbers<[1], [0], [0], [1], [0, 0, 1, 1], [], []>, precision = #tpu.contract_precision<fp32>, transpose_lhs_hint = false} : vector<1280x8xf32>, vector<8x128xf32>, vector<1280x128xf32> -> vector<1280x128xf32>
    %swap3A = arith.constant 0 : index
    %swap3A_21 = arith.constant 0 : index
    %swap3A_22 = vector.load %arg5[%swap3A, %swap3A_21] : memref<1280x128xf32, #tpu.memory_space<vmem>>, vector<1280x128xf32>
    tpu.vector_store %arg5[%swap3A, %swap3A_21], %dot_general3A_20 {strides = array<i32>} : memref<1280x128xf32, #tpu.memory_space<vmem>>, vector<1280x128xf32>,
    %get3A_23 = arith.constant 0 : index
    %get3A_24 = arith.constant 0 : index
    %get3A_25 = vector.load %arg1[%get3A_23, %get3A_24] : memref<1280x128xf32, #tpu.memory_space<vmem>>, vector<1280x128xf32>
    %mul3A = arith.mulf %get3A_25, %dot_general3A_20 : vector<1280x128xf32>
    %swap3A_26 = arith.constant 0 : index
    %swap3A_27 = arith.constant 0 : index
    %swap3A_28 = vector.load %arg4[%swap3A_26, %swap3A_27] : memref<1280x128xf32, #tpu.memory_space<vmem>>, vector<1280x128xf32>
    tpu.vector_store %arg4[%swap3A_26, %swap3A_27], %mul3A {strides = array<i32>} : memref<1280x128xf32, #tpu.memory_space<vmem>>, vector<1280x128xf32>,
    return
  }
}

module attributes {stable_mosaic.version = 14 : i64} {
  func.func @body(%arg0: memref<2x1280x128xf32, #tpu.memory_space<vmem>>, %arg1: memref<1280x128xf32, #tpu.memory_space<vmem>>, %arg2: memref<1280x128xf32, #tpu.memory_space<vmem>>, %arg3: memref<1x128xf32, #tpu.memory_space<vmem>>, %arg4: memref<1280x128xf32, #tpu.memory_space<vmem>>, %arg5: memref<1280x128xf32, #tpu.memory_space<vmem>>) attributes {dimension_semantics = [], scalar_prefetch = 0 : i64, scratch_operands = 0 : i64, tpu.core_type = #tpu.core_type<tc>} {
    %get3A = arith.constant 0 : index
    %get3A_0 = arith.constant 0 : index
    %get3A_1 = vector.load %arg1[%get3A, %get3A_0] : memref<1280x128xf32, #tpu.memory_space<vmem>>, vector<1280x128xf32>
    %get3A_2 = arith.constant 0 : index
    %get3A_3 = arith.constant 0 : index
    %get3A_4 = arith.constant 0 : index
    %get3A_5 = vector.load %arg0[%get3A_2, %get3A_3, %get3A_4] : memref<2x1280x128xf32, #tpu.memory_space<vmem>>, vector<1x1280x128xf32>
    %get3A_6 = vector.shape_cast %get3A_5 : vector<1x1280x128xf32> to vector<1280x128xf32>
    %get3A_7 = arith.constant 1 : index
    %get3A_8 = arith.constant 0 : index
    %get3A_9 = arith.constant 0 : index
    %get3A_10 = vector.load %arg0[%get3A_7, %get3A_8, %get3A_9] : memref<2x1280x128xf32, #tpu.memory_space<vmem>>, vector<1x1280x128xf32>
    %get3A_11 = vector.shape_cast %get3A_10 : vector<1x1280x128xf32> to vector<1280x128xf32>
    %add3A = arith.addf %get3A_6, %get3A_11 : vector<1280x128xf32>
    %mul3A = arith.mulf %get3A_1, %add3A : vector<1280x128xf32>
    %mul3A_12 = arith.mulf %get3A_1, %get3A_1 : vector<1280x128xf32>
    %get3A_13 = arith.constant 0 : index
    %get3A_14 = arith.constant 0 : index
    %get3A_15 = vector.load %arg2[%get3A_13, %get3A_14] : memref<1280x128xf32, #tpu.memory_space<vmem>>, vector<1280x128xf32>
    %mul3A_16 = arith.mulf %mul3A_12, %get3A_15 : vector<1280x128xf32>
    %add3A_17 = arith.addf %mul3A, %mul3A_16 : vector<1280x128xf32>
    %get3A_18 = arith.constant 0 : index
    %get3A_19 = arith.constant 0 : index
    %get3A_20 = vector.load %arg3[%get3A_18, %get3A_19] : memref<1x128xf32, #tpu.memory_space<vmem>>, vector<1x128xf32>
    %add3A_21 = vector.broadcast %get3A_20 : vector<1x128xf32> to vector<1280x128xf32>
    %add3A_22 = arith.addf %add3A_17, %add3A_21 : vector<1280x128xf32>
    %max3A = arith.constant 0.000000e+00 : f32
    %max3A_23 = vector.broadcast %max3A : f32 to vector<1280x128xf32>
    %max3A_24 = arith.maximumf %add3A_22, %max3A_23 : vector<1280x128xf32>
    %swap3A = arith.constant 0 : index
    %swap3A_25 = arith.constant 0 : index
    %swap3A_26 = vector.load %arg5[%swap3A, %swap3A_25] : memref<1280x128xf32, #tpu.memory_space<vmem>>, vector<1280x128xf32>
    tpu.vector_store %arg5[%swap3A, %swap3A_25], %max3A_24 {strides = array<i32>} : memref<1280x128xf32, #tpu.memory_space<vmem>>, vector<1280x128xf32>,
    %mul3A_27 = arith.mulf %get3A_1, %max3A_24 : vector<1280x128xf32>
    %swap3A_28 = arith.constant 0 : index
    %swap3A_29 = arith.constant 0 : index
    %swap3A_30 = vector.load %arg4[%swap3A_28, %swap3A_29] : memref<1280x128xf32, #tpu.memory_space<vmem>>, vector<1280x128xf32>
    tpu.vector_store %arg4[%swap3A_28, %swap3A_29], %mul3A_27 {strides = array<i32>} : memref<1280x128xf32, #tpu.memory_space<vmem>>, vector<1280x128xf32>,
    return
  }
}

module attributes {stable_mosaic.version = 14 : i64} {
  func.func @body(%arg0: memref<2x1280x128xf32, #tpu.memory_space<vmem>>, %arg1: memref<1280x128xf32, #tpu.memory_space<vmem>>, %arg2: memref<1280x128xf32, #tpu.memory_space<vmem>>, %arg3: memref<2x128xf32, #tpu.memory_space<vmem>>, %arg4: memref<128x8xf32, #tpu.memory_space<vmem>>, %arg5: memref<2x8x16xf32, #tpu.memory_space<vmem>>, %arg6: memref<1x2xf32, #tpu.memory_space<vmem>>, %arg7: memref<1280x16xf32, #tpu.memory_space<vmem>>) attributes {dimension_semantics = [], scalar_prefetch = 0 : i64, scratch_operands = 0 : i64, tpu.core_type = #tpu.core_type<tc>} {
    %get3A = arith.constant 0 : index
    %get3A_0 = arith.constant 0 : index
    %get3A_1 = vector.load %arg1[%get3A, %get3A_0] : memref<1280x128xf32, #tpu.memory_space<vmem>>, vector<1280x128xf32>
    %get3A_2 = arith.constant 0 : index
    %get3A_3 = arith.constant 0 : index
    %get3A_4 = arith.constant 0 : index
    %get3A_5 = vector.load %arg0[%get3A_2, %get3A_3, %get3A_4] : memref<2x1280x128xf32, #tpu.memory_space<vmem>>, vector<1x1280x128xf32>
    %get3A_6 = vector.shape_cast %get3A_5 : vector<1x1280x128xf32> to vector<1280x128xf32>
    %get3A_7 = arith.constant 1 : index
    %get3A_8 = arith.constant 0 : index
    %get3A_9 = arith.constant 0 : index
    %get3A_10 = vector.load %arg0[%get3A_7, %get3A_8, %get3A_9] : memref<2x1280x128xf32, #tpu.memory_space<vmem>>, vector<1x1280x128xf32>
    %get3A_11 = vector.shape_cast %get3A_10 : vector<1x1280x128xf32> to vector<1280x128xf32>
    %add3A = arith.addf %get3A_6, %get3A_11 : vector<1280x128xf32>
    %mul3A = arith.mulf %get3A_1, %add3A : vector<1280x128xf32>
    %mul3A_12 = arith.mulf %get3A_1, %get3A_1 : vector<1280x128xf32>
    %get3A_13 = arith.constant 0 : index
    %get3A_14 = arith.constant 0 : index
    %get3A_15 = vector.load %arg2[%get3A_13, %get3A_14] : memref<1280x128xf32, #tpu.memory_space<vmem>>, vector<1280x128xf32>
    %mul3A_16 = arith.mulf %mul3A_12, %get3A_15 : vector<1280x128xf32>
    %add3A_17 = arith.addf %mul3A, %mul3A_16 : vector<1280x128xf32>
    %get3A_18 = arith.constant 0 : index
    %get3A_19 = arith.constant 0 : index
    %get3A_20 = vector.load %arg4[%get3A_18, %get3A_19] : memref<128x8xf32, #tpu.memory_space<vmem>>, vector<128x8xf32>
    %get3A_21 = arith.constant 0 : index
    %get3A_22 = arith.constant 0 : index
    %get3A_23 = vector.load %arg3[%get3A_21, %get3A_22] : memref<2x128xf32, #tpu.memory_space<vmem>>, vector<1x128xf32>
    %get3A_24 = vector.shape_cast %get3A_23 : vector<1x128xf32> to vector<128xf32>
    %broadcast_in_dim3A = vector.shape_cast %get3A_24 : vector<128xf32> to vector<1x128xf32>
    %mul3A_25 = vector.broadcast %broadcast_in_dim3A : vector<1x128xf32> to vector<1280x128xf32>
    %mul3A_26 = arith.mulf %add3A_17, %mul3A_25 : vector<1280x128xf32>
    %dot_general3A = arith.constant dense<0.000000e+00> : vector<1280x8xf32>
    %dot_general3A_27 = tpu.matmul %mul3A_26, %get3A_20, %dot_general3A {dimension_numbers = #tpu.dot_dimension_numbers<[1], [0], [0], [1], [0, 0, 1, 1], [], []>, precision = #tpu.contract_precision<fp32>, transpose_lhs_hint = false} : vector<1280x128xf32>, vector<128x8xf32>, vector<1280x8xf32> -> vector<1280x8xf32>
    %get3A_28 = arith.constant 0 : index
    %get3A_29 = arith.constant 0 : index
    %get3A_30 = vector.load %arg6[%get3A_28, %get3A_29] : memref<1x2xf32, #tpu.memory_space<vmem>>, vector<1x1xf32>
    %get3A_31 = vector.extract %get3A_30[0, 0] : f32 from vector<1x1xf32>
    %add3A_32 = vector.broadcast %get3A_31 : f32 to vector<1280x8xf32>
    %add3A_33 = arith.addf %dot_general3A_27, %add3A_32 : vector<1280x8xf32>
    %get3A_34 = arith.constant 1 : index
    %get3A_35 = arith.constant 0 : index
    %get3A_36 = vector.load %arg3[%get3A_34, %get3A_35] : memref<2x128xf32, #tpu.memory_space<vmem>>, vector<1x128xf32>
    %get3A_37 = vector.shape_cast %get3A_36 : vector<1x128xf32> to vector<128xf32>
    %broadcast_in_dim3A_38 = vector.shape_cast %get3A_37 : vector<128xf32> to vector<1x128xf32>
    %mul3A_39 = vector.broadcast %broadcast_in_dim3A_38 : vector<1x128xf32> to vector<1280x128xf32>
    %mul3A_40 = arith.mulf %add3A_17, %mul3A_39 : vector<1280x128xf32>
    %dot_general3A_41 = arith.constant dense<0.000000e+00> : vector<1280x8xf32>
    %dot_general3A_42 = tpu.matmul %mul3A_40, %get3A_20, %dot_general3A_41 {dimension_numbers = #tpu.dot_dimension_numbers<[1], [0], [0], [1], [0, 0, 1, 1], [], []>, precision = #tpu.contract_precision<fp32>, transpose_lhs_hint = false} : vector<1280x128xf32>, vector<128x8xf32>, vector<1280x8xf32> -> vector<1280x8xf32>
    %get3A_43 = arith.constant 0 : index
    %get3A_44 = arith.constant 1 : index
    %get3A_45 = vector.load %arg6[%get3A_43, %get3A_44] : memref<1x2xf32, #tpu.memory_space<vmem>>, vector<1x1xf32>
    %get3A_46 = vector.extract %get3A_45[0, 0] : f32 from vector<1x1xf32>
    %add3A_47 = vector.broadcast %get3A_46 : f32 to vector<1280x8xf32>
    %add3A_48 = arith.addf %dot_general3A_42, %add3A_47 : vector<1280x8xf32>
    %max3A = arith.maximumf %add3A_33, %add3A_48 : vector<1280x8xf32>
    %sub3A = arith.subf %add3A_33, %max3A : vector<1280x8xf32>
    %exp3A = math.exp %sub3A : vector<1280x8xf32>
    %sub3A_49 = arith.subf %add3A_48, %max3A : vector<1280x8xf32>
    %exp3A_50 = math.exp %sub3A_49 : vector<1280x8xf32>
    %add3A_51 = arith.addf %exp3A, %exp3A_50 : vector<1280x8xf32>
    %log3A = math.log %add3A_51 : vector<1280x8xf32>
    %add3A_52 = arith.addf %max3A, %log3A : vector<1280x8xf32>
    %sub3A_53 = arith.subf %add3A_33, %add3A_52 : vector<1280x8xf32>
    %get3A_54 = arith.constant 0 : index
    %get3A_55 = arith.constant 0 : index
    %get3A_56 = arith.constant 0 : index
    %get3A_57 = vector.load %arg5[%get3A_54, %get3A_55, %get3A_56] : memref<2x8x16xf32, #tpu.memory_space<vmem>>, vector<1x8x16xf32>
    %get3A_58 = vector.shape_cast %get3A_57 : vector<1x8x16xf32> to vector<8x16xf32>
    %dot_general3A_59 = arith.constant dense<0.000000e+00> : vector<1280x16xf32>
    %dot_general3A_60 = tpu.matmul %sub3A_53, %get3A_58, %dot_general3A_59 {dimension_numbers = #tpu.dot_dimension_numbers<[1], [0], [0], [1], [0, 0, 1, 1], [], []>, precision = #tpu.contract_precision<fp32>, transpose_lhs_hint = false} : vector<1280x8xf32>, vector<8x16xf32>, vector<1280x16xf32> -> vector<1280x16xf32>
    %sub3A_61 = arith.subf %add3A_48, %add3A_52 : vector<1280x8xf32>
    %get3A_62 = arith.constant 1 : index
    %get3A_63 = arith.constant 0 : index
    %get3A_64 = arith.constant 0 : index
    %get3A_65 = vector.load %arg5[%get3A_62, %get3A_63, %get3A_64] : memref<2x8x16xf32, #tpu.memory_space<vmem>>, vector<1x8x16xf32>
    %get3A_66 = vector.shape_cast %get3A_65 : vector<1x8x16xf32> to vector<8x16xf32>
    %dot_general3A_67 = arith.constant dense<0.000000e+00> : vector<1280x16xf32>
    %dot_general3A_68 = tpu.matmul %sub3A_61, %get3A_66, %dot_general3A_67 {dimension_numbers = #tpu.dot_dimension_numbers<[1], [0], [0], [1], [0, 0, 1, 1], [], []>, precision = #tpu.contract_precision<fp32>, transpose_lhs_hint = false} : vector<1280x8xf32>, vector<8x16xf32>, vector<1280x16xf32> -> vector<1280x16xf32>
    %add3A_69 = arith.addf %dot_general3A_60, %dot_general3A_68 : vector<1280x16xf32>
    %swap3A = arith.constant 0 : index
    %swap3A_70 = arith.constant 0 : index
    %swap3A_71 = vector.load %arg7[%swap3A, %swap3A_70] : memref<1280x16xf32, #tpu.memory_space<vmem>>, vector<1280x16xf32>
    tpu.vector_store %arg7[%swap3A, %swap3A_70], %add3A_69 {strides = array<i32>} : memref<1280x16xf32, #tpu.memory_space<vmem>>, vector<1280x16xf32>,
    return
  }
}

</mosaic_0001>

<sc_bundles>
// kernel: kernel.12.cloned.1.call-start
scs
__scs_entry_jumppad:
0x0: {  	(pc) =	sbr.rel $0x88, $3  }
0x1: {  	(tag) =	ssettag $0x0;
	lr =	simm.s32 $0x1  }
0x2: {  	[smem:$0x3F9A] =	sst lr;
	_ =	strace $0xD0000000  }
0x3: {  	_ = 	snop  }
0x4: {  	_ = 	snop  }
0x5: {  	_ = 	snop  }
0x6: {  	_ = 	snop  }
0x7: {  	_ = 	snop  }
__scs_overlays_trampoline_lowered:
0x8: {  	[smem:$0x3FA9] =	sst s0  }
0x9: {  	[smem:$0x3FAA] =	sst s1  }
0xa: {  	[smem:$0x3FAB] =	sst s2  }
0xb: {  	[smem:$0x3FAC] =	sst s3  }
0xc: {  	[smem:$0x3FAD] =	sst s4  }
0xd: {  	[smem:$0x3FAE] =	sst s5  }
0xe: {  	[smem:$0x3FAF] =	sst s6  }
0xf: {  	[smem:$0x3FB0] =	sst s7  }
0x10: {  	[smem:$0x3FB1] =	sst s8  }
0x11: {  	[smem:$0x3FB2] =	sst s9;
	s0 =	simm.s32 @!p0 $0x0  }
0x12: {  	s1 =	sld [smem:$0x3F98];
	s0 =	simm.s32 @p0 $0x1  }
0x13: {  	[smem:$0x3FB3] =	sst s0;
	s0 =	simm.s32 @!p1 $0x0  }
0x14: {  	s2 =	sld [smem:$0x3F97];
	s0 =	simm.s32 @p1 $0x1  }
0x15: {  	[smem:$0x3FB4] =	sst s0;
	s0 =	simm.s32 @!p2 $0x0  }
0x16: {  	s3 =	sld [smem:$0x3FDB];
	s0 =	simm.s32 @p2 $0x1  }
0x17: {  	s4 =	simm.s32 $0x1BF5;
	[smem:$0x3FB6] =	sst s0  }
0x18: {  	s0 =	sld [smem:$0x3F99];
	_ =	swait.ge [sflag:s4], $0x0  }
0x19: {  	s7 =	sld [smem:$0x3F9A]  }
0x1a: {  	s8 =	sadd.s32 $0xFFFFE003, lr  }
0x1b: {  	s9 =	sadd.s32 $0xFFFFFEF7, lr;
	s5 =	simm.s32 $0xFFFFFFFF;
	p2 =	slt.u32 s8, $0xFFFFF086  }
0x1c: {  	p1 =	slt.u32 s9, $0xF7A;
	s5 =	simm.s32 @!p2 $0x0  }
0x1d: {  	s5 =	simm.s32 @p1 $0x1;
	p0 =	seq.s32 s7, s2  }
0x1e: {  	s7 =	smul.u32 @!p0 $0xF7A, s2;
	p2 =	seq.s32 @!p0 s5, $0x0  }
0x1f: {  	s9 =	smul.u32 $0xF7A, s1;
	s8 =	simm.s32 @!p0 $0x1BF5;
	p2 =	por !p2, p0  }
0x20: {  	[sflag:s8] =	ssyncset.s32 @!p0 $0xFFFFF086;
	s6 =	sadd.s32 @!p0 s3, s7;
	s7 =	simm.s32 @!p0 $0x108  }
0x21: {  	s3 =	sadd.s32 s3, s9;
	s6 =	sadd.s32 @!p0 $0x88, s6;
	s7 =	simm.s32 @p2 $0x1082  }
0x22: {  	[simem:s7], [sflag:s8] =	dma.local @!p0 [hbm:s6], $0xF7A  }
0x23: {  	s9 =	sor.u32 $0xD0000000, s2;
	s6 =	simm.s32 $0x108;
	_ =	swait.ge @!p0 [sflag:s8], $0x0  }
0x24: {  	s3 =	sadd.s32 $0x88, s3;
	s6 =	simm.s32 @!p1 $0x1082;
	[sflag:s4] =	ssyncset.s32 $0xFFFFF086  }
0x25: {  	[simem:s6], [sflag:s4] =	dma.local [hbm:s3], $0xF7A  }
0x26: {  	[smem:$0x3F9A] =	sst s1;
	(tag) =	ssettag s2;
	_ =	strace s9  }
0x27: {  	s1 =	sld [smem:$0x3FAA]  }
0x28: {  	s2 =	sld [smem:$0x3FAB]  }
0x29: {  	s4 =	sld [smem:$0x3FAD]  }
0x2a: {  	p0 =	seq.s32 s5, $0x0;
	s5 =	sld [smem:$0x3FAE]  }
0x2b: {  	s6 =	sld [smem:$0x3FAF]  }
0x2c: {  	s7 =	sld [smem:$0x3FB0]  }
0x2d: {  	s3 =	simm.s32 $0x108;
	s8 =	sld [smem:$0x3FB1]  }
0x2e: {  	s3 =	simm.s32 @!p0 $0x1082;
	s9 =	sld [smem:$0x3FB2]  }
0x2f: {  	lr =	sadd.s32 s0, s3;
	s0 =	sld [smem:$0x3FA9]  }
0x30: {  	s3 =	sld [smem:$0x3FAC]  }
0x31: {  	[smem:$0x3FB5] =	sst s10  }
0x32: {  	s10 =	sld [smem:$0x3FB3];
	_ =	sdelay $0x3  }
0x33: {  	p0 =	seq.s32 s10, $0x1;
	s10 =	sld [smem:$0x3FB5];
	_ =	sdelay $0x3  }
0x34: {  	[smem:$0x3FB5] =	sst s10  }
0x35: {  	s10 =	sld [smem:$0x3FB4];
	_ =	sdelay $0x3  }
0x36: {  	p1 =	seq.s32 s10, $0x1;
	s10 =	sld [smem:$0x3FB5];
	_ =	sdelay $0x3  }
0x37: {  	[smem:$0x3FB5] =	sst s10  }
0x38: {  	s10 =	sld [smem:$0x3FB6]  }
0x39: {  	_ = 	snop;
	(pc) =	sbr.ind lr, $3  }
0x3a: {  	_ = 	snop  }
0x3b: {  	_ = 	snop  }
0x3c: {  	p2 =	seq.s32 s10, $0x1;
	s10 =	sld [smem:$0x3FB5]  }
0x3d: {  	_ =	shalt  }
0x3e: {  	_ =	shalt  }
0x3f: {  	_ =	shalt  }
0x40: {  	_ =	shalt  }
0x41: {  	_ =	shalt  }
0x42: {  	_ =	shalt  }
0x43: {  	_ =	shalt  }
0x44: {  	_ =	shalt  }
0x45: {  	_ =	shalt  }
0x46: {  	_ =	shalt  }
0x47: {  	_ =	shalt  }
0x48: {  	_ =	shalt  }
0x49: {  	_ =	shalt  }
0x4a: {  	_ =	shalt  }
0x4b: {  	_ =	shalt  }
0x4c: {  	_ =	shalt  }
0x4d: {  	_ =	shalt  }
0x4e: {  	_ =	shalt  }
0x4f: {  	_ =	shalt  }
0x50: {  	_ =	shalt  }
0x51: {  	_ =	shalt  }
0x52: {  	_ =	shalt  }
0x53: {  	_ =	shalt  }
0x54: {  	_ =	shalt  }
0x55: {  	_ =	shalt  }
0x56: {  	_ =	shalt  }
0x57: {  	_ =	shalt  }
0x58: {  	_ =	shalt  }
0x59: {  	_ =	shalt  }
0x5a: {  	_ =	shalt  }
0x5b: {  	_ =	shalt  }
0x5c: {  	_ =	shalt  }
0x5d: {  	_ =	shalt  }
0x5e: {  	_ =	shalt  }
0x5f: {  	_ =	shalt  }
0x60: {  	_ =	shalt  }
0x61: {  	_ =	shalt  }
0x62: {  	_ =	shalt  }
0x63: {  	_ =	shalt  }
0x64: {  	_ =	shalt  }
0x65: {  	_ =	shalt  }
0x66: {  	_ =	shalt  }
0x67: {  	_ =	shalt  }
0x68: {  	_ =	shalt  }
0x69: {  	_ =	shalt  }
0x6a: {  	_ =	shalt  }
0x6b: {  	_ =	shalt  }
0x6c: {  	_ =	shalt  }
0x6d: {  	_ =	shalt  }
0x6e: {  	_ =	shalt  }
0x6f: {  	_ =	shalt  }
0x70: {  	_ =	shalt  }
0x71: {  	_ =	shalt  }
0x72: {  	_ =	shalt  }
0x73: {  	_ =	shalt  }
0x74: {  	_ =	shalt  }
0x75: {  	_ =	shalt  }
0x76: {  	_ =	shalt  }
0x77: {  	_ =	shalt  }
0x78: {  	_ =	shalt  }
0x79: {  	_ =	shalt  }
0x7a: {  	_ =	shalt  }
0x7b: {  	_ =	shalt  }
0x7c: {  	_ =	shalt  }
0x7d: {  	_ =	shalt  }
0x7e: {  	_ =	shalt  }
0x7f: {  	_ =	shalt  }
0x80: {  	_ =	shalt  }
0x81: {  	_ =	shalt  }
0x82: {  	_ =	shalt  }
0x83: {  	_ =	shalt  }
0x84: {  	_ =	shalt  }
0x85: {  	_ =	shalt  }
0x86: {  	_ =	shalt  }
0x87: {  	_ =	shalt  }
.Lfunc_end0:
.L_simem_size_0:
called_computation.1_lowered:
.L_overlay_start_0:
0x88: {  	s2 =	sld [smem:$0x3FD9]  }
0x89: {  	s3 =	sld [smem:$0x3FFE];
	_ =	sdelay $0x1  }
0x8a: {  	s1 =	srdreg.scid  }
0x8b: {  	s0 =	sand.u32 $0x1, s1  }
0x8c: {  	s16 =	sshll.u32 s0, $0xA;
	s2 =	sadd.s32 s3, s2  }
0x8d: {  	s2 =	sadd.s32 s2, s16  }
0x8e: {  	[smem:$0x3FC1] =	sst s2  }
0x8f: {  	_ = 	snop  }
0x90: {  	(tm) =	ssettm $0x1  }
0x91: {  	s17 =	sld [smem:$0x3FFB];
	_ =	sdelay $0x3  }
0x92: {  	_ =	strace s17  }
0x93: {  	s2 =	sld [smem:$0x3FFC];
	_ =	sdelay $0x3  }
0x94: {  	_ =	strace s2  }
0x95: {  	s2 =	sld [smem:$0x3FFD];
	_ =	sdelay $0x3  }
0x96: {  	_ =	strace s2  }
0x97: {  	_ =	strace $0x8FFFFFFF  }
0x98: {  	s18 =	sld [smem:$0x3FDB];
	_ =	sdelay $0x1  }
0x99: {  	s19 =	simm.s32 $_scs_section_size  }
0x9a: {  	s4 =	simm.s32 $_size__tile_overlayer_lowered;
	s5 =	simm.s32 $_tile_overlayer_lowered  }
0x9b: {  	s22 =	simm.s32 $0x1BFF;
	s21 =	sshll.u32 s5, $0x1;
	s2 =	sadd.s32 s19, s18  }
0x9c: {  	s6 =	simm.s32 $0x0;
	s20 =	sshll.u32 s4, $0x1;
	s4 =	sadd.s32 s21, s2  }
0x9d: {  	[timem:s6], [sflag:s22] =	dma.local [hbm:s4], s20  }
0x9e: {  	_ =	swait.ge [sflag:s22], s20  }
0x9f: {  	s3 =	ssub.s32 $0x0, s20;
	[sflag:s22] =	ssyncset.done $0x0  }
0xa0: {  	[sflag:s22] =	ssyncadd.s32 s3;
	_ =	sdelay $0x1  }
0xa1: {  	s23 =	simm.s32 $0x1B8B  }
0xa2: {  	_ =	swait.ge [sflag:s23], $0x1  }
0xa3: {  	[sflag:s23] =	ssyncset.done $0x0  }
0xa4: {  	s25 =	simm.s32 $0x1B8E;
	s24 =	sld [smem:$0x3FFE];
	[sflag:s23] =	ssyncadd.s32 $0xFFFFFFFF  }
0xa5: {  	s26 =	simm.s32 $execute0_lowered;
	[smem:$0x3FD2] =	sst s25  }
0xa6: {  	s4 =	sshll.u32 s26, $0x1;
	_ =	strace $0x80000049;
	[dreg:$0x1] =	wrdreg $0xFFFFFFFF  }
0xa7: {  	s28 =	simm.s32 $_size_execute0_lowered;
	s2 =	sadd.s32 s2, s4;
	[dreg:$0x0] =	wrdreg $0x0  }
0xa8: {  	s4 =	sshll.u32 s28, $0x1;
	[dreg:$0x2] =	wrdreg s2  }
0xa9: {  	[dreg:$0x3] =	wrdreg s4  }
0xaa: {  	[dreg:$0x4] =	wrdreg $0xC0  }
0xab: {  	_ =	task [dreg:s6], $0x5FFFF  }
0xac: {  	[dreg:$0x1] =	wrdreg $0xFFFFFFFF  }
0xad: {  	[dreg:$0x0] =	wrdreg $0x60  }
0xae: {  	[dreg:$0x2] =	wrdreg s24  }
0xaf: {  	[dreg:$0x3] =	wrdreg $0x178000  }
0xb0: {  	[dreg:$0x4] =	wrdreg $0x9  }
0xb1: {  	_ =	task.clear_ibuf [dreg:s6], $0x5FFFF;
	_ =	strace $0x90000049  }
0xb2: {  	s29 =	simm.s32 $0x9;
	_ =	strace $0x8000004B  }
0xb3: {  	_ =	swait.ge [sflag:s29], $0x1  }
0xb4: {  	[sflag:s29] =	ssyncadd.s32 $0xFFFFFFFF  }
0xb5: {  	_ =	strace $0x9000004B  }
0xb6: {  	_ =	sfence  }
0xb7: {  	s30 =	sld [smem:$0x0];
	_ =	sdelay $0x2  }
0xb8: {  	s31 =	sshll.u32 s1, $0xD;
	s1 =	sshrl.u32 s1, $0x2  }
0xb9: {  	s3 =	sand.u32 $0x4000, s31;
	s1 =	sadd.s32 s1, s30  }
0xba: {  	s0 =	sor.u32 s3, s0;
	s1 =	sshll.u32 s1, $0x11  }
0xbb: {  	s0 =	sor.u32 s1, s0  }
0xbc: {  	s0 =	sadd.s32 $0x8F2B, s0  }
0xbd: {  	[sflag:s0] =	ssyncadd.remote.s32 $0x1  }
0xbe: {  	_ =	sfence.sel $0xFFFF  }
0xbf: {  	[dreg:$0x0] =	wrdreg $0xFFFFFFFF;
	(pc) =	sbr.abs _section_cstart, $3  }
0xc0: {  	[dreg:$0x1] =	wrdreg $0xFFFFFFFF  }
0xc1: {  	_ =	task.clear_ibuf [dreg:s6], $0x2FFFF;
	_ =	strace $0x9FFFFFFF  }
0xc2: {  	(tm) =	ssettm $0x7FFFFFFF  }
0xc3: {  	_ =	shalt  }
tec
execute0_lowered:
.L_overlay_start_1:
0x0: {  	(tag) =	ssettag $0x1  }
0x1: {  	s0 =	srdreg.scid;
	s5 =	rddreg [dreg:$0x0]  }
0x2: {  	s9 =	stileid.u32;
	s2 =	rddreg [dreg:$0x1]  }
0x3: {  	s3 =	simm.s32 $0x0;
	s13 =	simm.s32 $0x9;
	s15 =	simm.s32 $0x5000  }
0x4: {  	s16 =	simm.s32 $0x400;
	s17 =	simm.s32 $0x7800;
	s18 =	simm.s32 $0xB800  }
0x5: {  	s20 =	simm.s32 $0xF800;
	s21 =	simm.s32 $0x1;
	s23 =	simm.s32 $0x13800  }
0x6: {  	s24 =	simm.s32 $0x2;
	s29 =	simm.s32 $0x3;
	s31 =	simm.s32 $0x6  }
0x7: {  	s22 =	simm.s32 $0x7;
	s30 =	simm.s32 $0x8;
	s0 =	sand.u32 $0x1, s0  }
0x8: {  	s6 =	smul.u32 $0x2800, s9;
	[smem:$0x7FF] =	sst s3;
	s4 =	sadd.s32 $0x1A400, s5  }
0x9: {  	s28 =	sshll.u32 s9, $0x6;
	s1 =	sshll.u32 s0, $0x4;
	s7 =	smul.u32 $0x28000, s0  }
0xa: {  	_ =	strace $0x8000004A;
	s0 =	ssub.s32 $0x2, s0;
	s1 =	sor.u32 s9, s1  }
0xb: {  	s8 =	sshrl.u32 s6, $0x3;
	s26 =	sshrl.u32 s0, $0x1;
	s12 =	sadd.s32 s6, s2  }
0xc: {  	s1 =	smul.u32 $0x500, s1;
	s7 =	sadd.s32 s6, s7;
	s8 =	sadd.s32 s8, s5  }
0xd: {  	s0 =	ssub.s32 s0, s26;
	s6 =	sor.u32 $0x1C09, s28;
	s12 =	sshrl.u32 s12, $0x3  }
0xe: {  	s26 =	simm.s32 $0x5;
	s7 =	sshrl.u32 s7, $0x3;
	s11 =	smax.u32 s0, $0x1  }
0xf: {  	s0 =	simm.s32 $0x4;
	s1 =	sadd.s32 s1, s5;
	s10 =	sadd.s32 s7, s5  }
0x10: {  	s5 =	sadd.s32 $0x15400, s8;
	s7 =	sadd.s32 $0x24400, s1;
	s8 =	sadd.s32 $0x1400, s1  }
0x11: {  	s9 =	sadd.s32 $0xB400, s1;
	s10 =	sadd.s32 $0x2E400, s10;
	s1 =	simm.s32 $0x0  }
.LBB2_1:
0x12: {  	[spmem:s12], [sflag:s6] =	dma.local [hbm:s5], $0x500  }
0x13: {  	_ =	swait.ge [sflag:s13], $0x500  }
0x14: {  	[sflag:s13] =	ssyncset.done $0x0  }
0x15: {  	[sflag:s13] =	ssyncadd.s32 $0xFFFFFB00  }
0x16: {  	[tilespmem:s3], [sflag:$0x9] =	stream.linear.gather [hbm4b:s7+s3], $0x2800, $0x38;
	[tilespmem:$0x1A000] =	vst v63  }
0x17: {  	_ =	swait.ge [sflag:s13], $0x2800  }
0x18: {  	[sflag:s13] =	ssyncset.done $0x0  }
0x19: {  	s14 =	simm.s32 $0x2800;
	[sflag:s13] =	ssyncadd.s32 $0xFFFFD800  }
0x1a: {  	[tilespmem:s14], [sflag:$0x9] =	stream.linear.gather [hbm4b:s8+s3], $0x2800, $0x38;
	[tilespmem:$0x1A000] =	vst v63  }
0x1b: {  	_ =	swait.ge [sflag:s13], $0x2800  }
0x1c: {  	[sflag:s13] =	ssyncset.done $0x0  }
0x1d: {  	[sflag:s13] =	ssyncadd.s32 $0xFFFFD800  }
0x1e: {  	[tilespmem:s15], [sflag:$0x9] =	stream.linear.gather [hbm4b:s9+s3], $0x2800, $0x38;
	[tilespmem:$0x1A000] =	vst v63  }
0x1f: {  	_ =	swait.ge [sflag:s13], $0x2800  }
0x20: {  	[sflag:s13] =	ssyncset.done $0x0  }
0x21: {  	[sflag:s13] =	ssyncadd.s32 $0xFFFFD800  }
0x22: {  	[bflag:$0x0] =	sbarrier.arrive $0xFFFF  }
0x23: {  	v0 =	vmov s3;
	[tilespmem:s17], [sflag:$0x1] =	stream.indirect.gather [hbm4b:s4+s16], $0x10, s3, s16, $0xb8;
	[tilespmem:$0x1A000] =	vst v63  }
0x24: {  	v0 =	vand.u32 $0xFFFFFFFC, v0  }
0x25: {  	v0 =	vbroadcast v0, $0x0;
	[tilespmem:s18], [sflag:$0x2] =	stream.indirect.gather [hbm4b:s4+s16], $0x10, s16, s16, $0xb8;
	[tilespmem:$0x1A000] =	vst v63  }
0x26: {  	s25 =	simm.s32 $0x800  }
0x27: {  	[tilespmem:s20], [sflag:$0x3] =	stream.indirect.gather [hbm4b:s4+s16], $0x10, s25, s16, $0xb8;
	[tilespmem:$0x1A000] =	vst v63  }
0x28: {  	_ =	swait.ge [sflag:s21], $0x4000  }
0x29: {  	[sflag:s21] =	ssyncset.done $0x0  }
0x2a: {  	[sflag:s21] =	ssyncadd.s32 $0xFFFFC000  }
0x2b: {  	s19 =	simm.s32 $0x7820;
	s25 =	simm.s32 $0x1;
	v0 =	vld.idx.msk [tilespmem:v0+s15+$0x0], $0xffff  }
0x2c: {  	v2 =	vmov s25;
	v1 =	vld [tilespmem:s19+$0xFFFFFFE0]  }
0x2d: {  	v2 =	vand.u32 $0xFFFFFFFD, v2  }
0x2e: {  	v2 =	vbroadcast v2, $0x0;
	_ =	sdelay $0x2  }
0x2f: {  	v0 =	vmul.f32 v1, v0;
	_ =	sdelay $0x1  }
0x30: {  	s14 =	simm.s32 $0x2;
	v1 =	vld [tilespmem:s19+$0xFFFFFFF0];
	[tilespmem:s19+$0xFFFFFFE0] =	vst v0  }
0x31: {  	v0 =	vld.idx.msk [tilespmem:v2+s15+$0x0], $0xffff;
	v2 =	vmov s14  }
0x32: {  	v2 =	vand.u32 $0xFFFFFFFE, v2  }
0x33: {  	v2 =	vbroadcast v2, $0x0;
	_ =	sdelay $0x2  }
0x34: {  	v0 =	vmul.f32 v1, v0;
	_ =	sdelay $0x1  }
0x35: {  	v1 =	vld [tilespmem:s19+$0x0];
	[tilespmem:s19+$0xFFFFFFF0] =	vst v0  }
0x36: {  	v0 =	vld.idx.msk [tilespmem:v2+s15+$0x0], $0xffff;
	_ =	sdelay $0x1  }
0x37: {  	s14 =	simm.s32 $0x3  }
0x38: {  	v2 =	vmov s14;
	_ =	sdelay $0x1  }
0x39: {  	v0 =	vmul.f32 v1, v0;
	_ =	sdelay $0x1  }
0x3a: {  	s25 =	simm.s32 $0x4;
	v1 =	vld [tilespmem:s19+$0x10];
	[tilespmem:s19+$0x0] =	vst v0  }
0x3b: {  	s28 =	simm.s32 $0x8;
	v0 =	vld.idx.msk [tilespmem:v2+s15+$0x0], $0xffff;
	v2 =	vmov s25  }
.LBB2_2:
0x3c: {  	p0 =	sne.s32 s28, $0x3FC;
	v2 =	vand.u32 $0xFFFFFFFC, v2  }
0x3d: {  	v2 =	vbroadcast v2, $0x0;
	_ =	sdelay $0x2  }
0x3e: {  	v0 =	vmul.f32 v1, v0;
	_ =	sdelay $0x1  }
0x3f: {  	[tilespmem:s19+$0x10] =	vst v0  }
0x40: {  	s14 =	sadd.s32 $0x1, s25;
	s19 =	sadd.s32 $0x40, s19;
	v0 =	vld.idx.msk [tilespmem:v2+s15+$0x0], $0xffff  }
0x41: {  	v2 =	vmov s14;
	v1 =	vld [tilespmem:s19+$0xFFFFFFE0]  }
0x42: {  	v2 =	vand.u32 $0xFFFFFFFD, v2  }
0x43: {  	v2 =	vbroadcast v2, $0x0;
	_ =	sdelay $0x2  }
0x44: {  	v0 =	vmul.f32 v1, v0;
	_ =	sdelay $0x1  }
0x45: {  	[tilespmem:s19+$0xFFFFFFE0] =	vst v0  }
0x46: {  	s14 =	sadd.s32 $0x2, s25;
	v0 =	vld.idx.msk [tilespmem:v2+s15+$0x0], $0xffff  }
0x47: {  	v2 =	vmov s14;
	v1 =	vld [tilespmem:s19+$0xFFFFFFF0]  }
0x48: {  	v2 =	vand.u32 $0xFFFFFFFE, v2  }
0x49: {  	v2 =	vbroadcast v2, $0x0;
	_ =	sdelay $0x2  }
0x4a: {  	v0 =	vmul.f32 v1, v0;
	_ =	sdelay $0x1  }
0x4b: {  	[tilespmem:s19+$0xFFFFFFF0] =	vst v0  }
0x4c: {  	v0 =	vld.idx.msk [tilespmem:v2+s15+$0x0], $0xffff  }
0x4d: {  	v1 =	vld [tilespmem:s19+$0x0];
	_ =	sdelay $0x1  }
0x4e: {  	s14 =	sadd.s32 $0x3, s25;
	s25 =	smov.u32 s28  }
0x4f: {  	v2 =	vmov s14;
	_ =	sdelay $0x1  }
.Ltmp0:
0x50: {  	v0 =	vmul.f32 v1, v0;
	(pc) =	sbr.rel @p0 .LBB2_2-.Ltmp0, $4  }
0x51: {  	_ = 	snop  }
0x52: {  	[tilespmem:s19+$0x0] =	vst v0  }
0x53: {  	v0 =	vld.idx.msk [tilespmem:v2+s15+$0x0], $0xffff  }
0x54: {  	s28 =	sadd.s32 $0x4, s28;
	v2 =	vmov s25;
	v1 =	vld [tilespmem:s19+$0x10]  }
0x55: {  	v2 =	vand.u32 $0xFFFFFFFC, v2  }
0x56: {  	v2 =	vbroadcast v2, $0x0;
	_ =	sdelay $0x2  }
0x57: {  	v0 =	vmul.f32 v1, v0;
	_ =	sdelay $0x1  }
0x58: {  	[tilespmem:s19+$0x10] =	vst v0  }
0x59: {  	s14 =	sadd.s32 $0x1, s25;
	s19 =	sadd.s32 $0x40, s19;
	v0 =	vld.idx.msk [tilespmem:v2+s15+$0x0], $0xffff  }
0x5a: {  	v1 =	vld [tilespmem:s19+$0xFFFFFFE0];
	v2 =	vmov s14  }
0x5b: {  	v2 =	vand.u32 $0xFFFFFFFD, v2  }
0x5c: {  	v2 =	vbroadcast v2, $0x0;
	_ =	sdelay $0x2  }
0x5d: {  	v0 =	vmul.f32 v1, v0;
	_ =	sdelay $0x1  }
0x5e: {  	s14 =	sadd.s32 $0x2, s25;
	v1 =	vld [tilespmem:s19+$0xFFFFFFF0];
	[tilespmem:s19+$0xFFFFFFE0] =	vst v0  }
0x5f: {  	v0 =	vld.idx.msk [tilespmem:v2+s15+$0x0], $0xffff;
	v2 =	vmov s14  }
0x60: {  	v2 =	vand.u32 $0xFFFFFFFE, v2  }
0x61: {  	v2 =	vbroadcast v2, $0x0;
	_ =	sdelay $0x2  }
0x62: {  	v0 =	vmul.f32 v1, v0;
	_ =	sdelay $0x1  }
0x63: {  	v1 =	vld [tilespmem:s19+$0x0];
	[tilespmem:s19+$0xFFFFFFF0] =	vst v0  }
0x64: {  	v0 =	vld.idx.msk [tilespmem:v2+s15+$0x0], $0xffff;
	_ =	sdelay $0x1  }
0x65: {  	s25 =	sadd.s32 $0x3, s25  }
0x66: {  	v2 =	vmov s25;
	_ =	sdelay $0x1  }
0x67: {  	v0 =	vmul.f32 v1, v0;
	_ =	sdelay $0x1  }
0x68: {  	v1 =	vld [tilespmem:s19+$0x10];
	[tilespmem:s19+$0x0] =	vst v0  }
0x69: {  	v0 =	vld.idx.msk [tilespmem:v2+s15+$0x0], $0xffff;
	_ =	sdelay $0x3  }
0x6a: {  	s25 =	simm.s32 $0x0  }
0x6b: {  	v0 =	vmul.f32 v1, v0;
	v1 =	vmov s25  }
0x6c: {  	v1 =	vand.u32 $0x3FC, v1  }
0x6d: {  	s25 =	simm.s32 $0x2800;
	[tilespmem:s19+$0x10] =	vst v0;
	v0 =	vor.u32 $0x400, v1  }
0x6e: {  	[spmem:s2] =	stream.indirect.scatter.add.f32 [tilespmem:s17], [sflag:$0x5], $0x10, s25, s16, $0xb8;
	v0 =	vbroadcast v0, $0x0;
	[tilespmem:$0x1A000] =	vst v63  }
0x6f: {  	s19 =	simm.s32 $0xC00  }
0x70: {  	[tilespmem:s23], [sflag:$0x4] =	stream.indirect.gather [hbm4b:s4+s16], $0x10, s19, s16, $0xb8;
	[tilespmem:$0x1A000] =	vst v63  }
0x71: {  	_ =	swait.ge [sflag:s24], $0x4000  }
0x72: {  	[sflag:s24] =	ssyncset.done $0x0  }
0x73: {  	s25 =	simm.s32 $0x1;
	[sflag:s24] =	ssyncadd.s32 $0xFFFFC000  }
0x74: {  	v1 =	vmov s25;
	s19 =	simm.s32 $0xB820;
	v0 =	vld.idx.msk [tilespmem:v0+s15+$0x0], $0xffff  }
0x75: {  	v1 =	vand.u32 $0x3FD, v1;
	v2 =	vld [tilespmem:s19+$0xFFFFFFE0]  }
0x76: {  	v1 =	vor.u32 $0x400, v1  }
0x77: {  	v1 =	vbroadcast v1, $0x0;
	_ =	sdelay $0x2  }
0x78: {  	v0 =	vmul.f32 v2, v0;
	_ =	sdelay $0x1  }
0x79: {  	s25 =	simm.s32 $0x2;
	[tilespmem:s19+$0xFFFFFFE0] =	vst v0  }
0x7a: {  	v0 =	vld.idx.msk [tilespmem:v1+s15+$0x0], $0xffff;
	v1 =	vmov s25  }
0x7b: {  	v2 =	vld [tilespmem:s19+$0xFFFFFFF0];
	v1 =	vand.u32 $0x3FE, v1  }
0x7c: {  	v1 =	vor.u32 $0x400, v1  }
0x7d: {  	v1 =	vbroadcast v1, $0x0;
	_ =	sdelay $0x2  }
0x7e: {  	v0 =	vmul.f32 v2, v0;
	_ =	sdelay $0x1  }
0x7f: {  	s25 =	simm.s32 $0x3;
	[tilespmem:s19+$0xFFFFFFF0] =	vst v0  }
0x80: {  	v0 =	vld.idx.msk [tilespmem:v1+s15+$0x0], $0xffff;
	v1 =	vmov s25  }
0x81: {  	v2 =	vld [tilespmem:s19+$0x0];
	v1 =	vand.u32 $0x3FF, v1  }
0x82: {  	v1 =	vor.u32 $0x400, v1  }
0x83: {  	v3 =	vbroadcast v1, $0x0;
	_ =	sdelay $0x2  }
0x84: {  	v0 =	vmul.f32 v2, v0;
	_ =	sdelay $0x1  }
0x85: {  	s25 =	simm.s32 $0x4;
	[tilespmem:s19+$0x0] =	vst v0  }
0x86: {  	s28 =	simm.s32 $0x8;
	v1 =	vmov s25;
	v0 =	vld.idx.msk [tilespmem:v3+s15+$0x0], $0xffff  }
.LBB2_4:
0x87: {  	p0 =	sne.s32 s28, $0x3FC;
	v1 =	vand.u32 $0x3FC, v1;
	v2 =	vld [tilespmem:s19+$0x10]  }
0x88: {  	v1 =	vor.u32 $0x400, v1  }
0x89: {  	v1 =	vbroadcast v1, $0x0;
	_ =	sdelay $0x2  }
0x8a: {  	v0 =	vmul.f32 v2, v0;
	_ =	sdelay $0x1  }
0x8b: {  	s14 =	sadd.s32 $0x1, s25;
	[tilespmem:s19+$0x10] =	vst v0  }
0x8c: {  	s19 =	sadd.s32 $0x40, s19;
	v0 =	vld.idx.msk [tilespmem:v1+s15+$0x0], $0xffff;
	v1 =	vmov s14  }
0x8d: {  	v2 =	vld [tilespmem:s19+$0xFFFFFFE0];
	v1 =	vand.u32 $0x3FD, v1  }
0x8e: {  	v1 =	vor.u32 $0x400, v1  }
0x8f: {  	v1 =	vbroadcast v1, $0x0;
	_ =	sdelay $0x2  }
0x90: {  	v0 =	vmul.f32 v2, v0;
	_ =	sdelay $0x1  }
0x91: {  	s14 =	sadd.s32 $0x2, s25;
	[tilespmem:s19+$0xFFFFFFE0] =	vst v0  }
0x92: {  	v0 =	vld.idx.msk [tilespmem:v1+s15+$0x0], $0xffff;
	v1 =	vmov s14  }
0x93: {  	v2 =	vld [tilespmem:s19+$0xFFFFFFF0];
	v1 =	vand.u32 $0x3FE, v1  }
0x94: {  	v1 =	vor.u32 $0x400, v1  }
0x95: {  	v1 =	vbroadcast v1, $0x0;
	_ =	sdelay $0x2  }
0x96: {  	v0 =	vmul.f32 v2, v0;
	_ =	sdelay $0x1  }
0x97: {  	s14 =	sadd.s32 $0x3, s25;
	s25 =	smov.u32 s28;
	[tilespmem:s19+$0xFFFFFFF0] =	vst v0  }
0x98: {  	v0 =	vld.idx.msk [tilespmem:v1+s15+$0x0], $0xffff;
	v1 =	vmov s14  }
0x99: {  	v2 =	vld [tilespmem:s19+$0x0];
	v1 =	vand.u32 $0x3FF, v1  }
0x9a: {  	v1 =	vor.u32 $0x400, v1  }
0x9b: {  	v3 =	vbroadcast v1, $0x0;
	_ =	sdelay $0x1  }
.Ltmp1:
0x9c: {  	(pc) =	sbr.rel @p0 .LBB2_4-.Ltmp1, $3  }
0x9d: {  	v0 =	vmul.f32 v2, v0;
	_ =	sdelay $0x1  }
0x9e: {  	[tilespmem:s19+$0x0] =	vst v0  }
0x9f: {  	s28 =	sadd.s32 $0x4, s28;
	v1 =	vmov s25;
	v0 =	vld.idx.msk [tilespmem:v3+s15+$0x0], $0xffff  }
0xa0: {  	v1 =	vand.u32 $0x3FC, v1;
	v2 =	vld [tilespmem:s19+$0x10]  }
0xa1: {  	v1 =	vor.u32 $0x400, v1  }
0xa2: {  	v1 =	vbroadcast v1, $0x0;
	_ =	sdelay $0x2  }
0xa3: {  	v0 =	vmul.f32 v2, v0;
	_ =	sdelay $0x1  }
0xa4: {  	s14 =	sadd.s32 $0x1, s25;
	[tilespmem:s19+$0x10] =	vst v0  }
0xa5: {  	v0 =	vld.idx.msk [tilespmem:v1+s15+$0x0], $0xffff;
	v1 =	vmov s14;
	s14 =	sadd.s32 $0x40, s19  }
0xa6: {  	v2 =	vld [tilespmem:s14+$0xFFFFFFE0];
	v1 =	vand.u32 $0x3FD, v1  }
0xa7: {  	v1 =	vor.u32 $0x400, v1  }
0xa8: {  	v1 =	vbroadcast v1, $0x0;
	_ =	sdelay $0x2  }
0xa9: {  	v0 =	vmul.f32 v2, v0;
	_ =	sdelay $0x1  }
0xaa: {  	s19 =	sadd.s32 $0x2, s25;
	[tilespmem:s14+$0xFFFFFFE0] =	vst v0  }
0xab: {  	v0 =	vld.idx.msk [tilespmem:v1+s15+$0x0], $0xffff;
	v1 =	vmov s19  }
0xac: {  	v2 =	vld [tilespmem:s14+$0xFFFFFFF0];
	v1 =	vand.u32 $0x3FE, v1  }
0xad: {  	v1 =	vor.u32 $0x400, v1  }
0xae: {  	v1 =	vbroadcast v1, $0x0;
	_ =	sdelay $0x2  }
0xaf: {  	v0 =	vmul.f32 v2, v0;
	_ =	sdelay $0x1  }
0xb0: {  	s25 =	sadd.s32 $0x3, s25;
	[tilespmem:s14+$0xFFFFFFF0] =	vst v0  }
0xb1: {  	v0 =	vld.idx.msk [tilespmem:v1+s15+$0x0], $0xffff;
	v1 =	vmov s25  }
0xb2: {  	v2 =	vld [tilespmem:s14+$0x0];
	v1 =	vand.u32 $0x3FF, v1  }
0xb3: {  	v1 =	vor.u32 $0x400, v1  }
0xb4: {  	v1 =	vbroadcast v1, $0x0;
	_ =	sdelay $0x2  }
0xb5: {  	v0 =	vmul.f32 v2, v0;
	_ =	sdelay $0x1  }
0xb6: {  	[tilespmem:s14+$0x0] =	vst v0  }
0xb7: {  	v0 =	vld.idx.msk [tilespmem:v1+s15+$0x0], $0xffff  }
0xb8: {  	v1 =	vld [tilespmem:s14+$0x10];
	_ =	sdelay $0x4  }
0xb9: {  	v0 =	vmul.f32 v1, v0  }
0xba: {  	s25 =	simm.s32 $0x0  }
0xbb: {  	[tilespmem:s14+$0x10] =	vst v0;
	v0 =	vmov s25;
	s25 =	simm.s32 $0x2C00  }
0xbc: {  	[spmem:s2] =	stream.indirect.scatter.add.f32 [tilespmem:s18], [sflag:$0x6], $0x10, s25, s16, $0xb8;
	v0 =	vand.u32 $0x3FC, v0;
	[tilespmem:$0x1A000] =	vst v63  }
0xbd: {  	_ =	swait.ge [sflag:s26], $0x4000;
	v0 =	vor.u32 $0x800, v0  }
0xbe: {  	[sflag:s26] =	ssyncset.done $0x0;
	v0 =	vbroadcast v0, $0x0  }
0xbf: {  	s19 =	simm.s32 $0x1000;
	[sflag:s26] =	ssyncadd.s32 $0xFFFFC000  }
0xc0: {  	[tilespmem:s17], [sflag:$0x1] =	stream.indirect.gather [hbm4b:s4+s16], $0x10, s19, s16, $0xb8;
	[tilespmem:$0x1A000] =	vst v63  }
0xc1: {  	_ =	swait.ge [sflag:s29], $0x4000  }
0xc2: {  	[sflag:s29] =	ssyncset.done $0x0  }
0xc3: {  	s25 =	simm.s32 $0x1;
	[sflag:s29] =	ssyncadd.s32 $0xFFFFC000  }
0xc4: {  	v1 =	vmov s25;
	s19 =	simm.s32 $0xF820;
	v0 =	vld.idx.msk [tilespmem:v0+s15+$0x0], $0xffff  }
0xc5: {  	v1 =	vand.u32 $0x3FD, v1;
	v2 =	vld [tilespmem:s19+$0xFFFFFFE0]  }
0xc6: {  	v1 =	vor.u32 $0x800, v1  }
0xc7: {  	v1 =	vbroadcast v1, $0x0;
	_ =	sdelay $0x2  }
0xc8: {  	v0 =	vmul.f32 v2, v0;
	_ =	sdelay $0x1  }
0xc9: {  	s25 =	simm.s32 $0x2;
	[tilespmem:s19+$0xFFFFFFE0] =	vst v0  }
0xca: {  	v0 =	vld.idx.msk [tilespmem:v1+s15+$0x0], $0xffff;
	v1 =	vmov s25  }
0xcb: {  	v2 =	vld [tilespmem:s19+$0xFFFFFFF0];
	v1 =	vand.u32 $0x3FE, v1  }
0xcc: {  	v1 =	vor.u32 $0x800, v1  }
0xcd: {  	v1 =	vbroadcast v1, $0x0;
	_ =	sdelay $0x2  }
0xce: {  	v0 =	vmul.f32 v2, v0;
	_ =	sdelay $0x1  }
0xcf: {  	s25 =	simm.s32 $0x3;
	[tilespmem:s19+$0xFFFFFFF0] =	vst v0  }
0xd0: {  	v0 =	vld.idx.msk [tilespmem:v1+s15+$0x0], $0xffff;
	v1 =	vmov s25  }
0xd1: {  	v2 =	vld [tilespmem:s19+$0x0];
	v1 =	vand.u32 $0x3FF, v1  }
0xd2: {  	v1 =	vor.u32 $0x800, v1  }
0xd3: {  	v3 =	vbroadcast v1, $0x0;
	_ =	sdelay $0x2  }
0xd4: {  	v0 =	vmul.f32 v2, v0;
	_ =	sdelay $0x1  }
0xd5: {  	s25 =	simm.s32 $0x4;
	[tilespmem:s19+$0x0] =	vst v0  }
0xd6: {  	s28 =	simm.s32 $0x8;
	v1 =	vmov s25;
	v0 =	vld.idx.msk [tilespmem:v3+s15+$0x0], $0xffff  }
.LBB2_6:
0xd7: {  	p0 =	sne.s32 s28, $0x3FC;
	v1 =	vand.u32 $0x3FC, v1;
	v2 =	vld [tilespmem:s19+$0x10]  }
0xd8: {  	v1 =	vor.u32 $0x800, v1  }
0xd9: {  	v1 =	vbroadcast v1, $0x0;
	_ =	sdelay $0x2  }
0xda: {  	v0 =	vmul.f32 v2, v0;
	_ =	sdelay $0x1  }
0xdb: {  	s14 =	sadd.s32 $0x1, s25;
	[tilespmem:s19+$0x10] =	vst v0  }
0xdc: {  	s19 =	sadd.s32 $0x40, s19;
	v0 =	vld.idx.msk [tilespmem:v1+s15+$0x0], $0xffff;
	v1 =	vmov s14  }
0xdd: {  	v2 =	vld [tilespmem:s19+$0xFFFFFFE0];
	v1 =	vand.u32 $0x3FD, v1  }
0xde: {  	v1 =	vor.u32 $0x800, v1  }
0xdf: {  	v1 =	vbroadcast v1, $0x0;
	_ =	sdelay $0x2  }
0xe0: {  	v0 =	vmul.f32 v2, v0;
	_ =	sdelay $0x1  }
0xe1: {  	s14 =	sadd.s32 $0x2, s25;
	[tilespmem:s19+$0xFFFFFFE0] =	vst v0  }
0xe2: {  	v0 =	vld.idx.msk [tilespmem:v1+s15+$0x0], $0xffff;
	v1 =	vmov s14  }
0xe3: {  	v2 =	vld [tilespmem:s19+$0xFFFFFFF0];
	v1 =	vand.u32 $0x3FE, v1  }
0xe4: {  	v1 =	vor.u32 $0x800, v1  }
0xe5: {  	v1 =	vbroadcast v1, $0x0;
	_ =	sdelay $0x2  }
0xe6: {  	v0 =	vmul.f32 v2, v0;
	_ =	sdelay $0x1  }
0xe7: {  	s14 =	sadd.s32 $0x3, s25;
	s25 =	smov.u32 s28;
	[tilespmem:s19+$0xFFFFFFF0] =	vst v0  }
0xe8: {  	v0 =	vld.idx.msk [tilespmem:v1+s15+$0x0], $0xffff;
	v1 =	vmov s14  }
0xe9: {  	v2 =	vld [tilespmem:s19+$0x0];
	v1 =	vand.u32 $0x3FF, v1  }
0xea: {  	v1 =	vor.u32 $0x800, v1  }
0xeb: {  	v3 =	vbroadcast v1, $0x0;
	_ =	sdelay $0x1  }
.Ltmp2:
0xec: {  	(pc) =	sbr.rel @p0 .LBB2_6-.Ltmp2, $3  }
0xed: {  	v0 =	vmul.f32 v2, v0;
	_ =	sdelay $0x1  }
0xee: {  	[tilespmem:s19+$0x0] =	vst v0  }
0xef: {  	s28 =	sadd.s32 $0x4, s28;
	v1 =	vmov s25;
	v0 =	vld.idx.msk [tilespmem:v3+s15+$0x0], $0xffff  }
0xf0: {  	v1 =	vand.u32 $0x3FC, v1;
	v2 =	vld [tilespmem:s19+$0x10]  }
0xf1: {  	v1 =	vor.u32 $0x800, v1  }
0xf2: {  	v1 =	vbroadcast v1, $0x0;
	_ =	sdelay $0x2  }
0xf3: {  	v0 =	vmul.f32 v2, v0;
	_ =	sdelay $0x1  }
0xf4: {  	s14 =	sadd.s32 $0x1, s25;
	[tilespmem:s19+$0x10] =	vst v0  }
0xf5: {  	v0 =	vld.idx.msk [tilespmem:v1+s15+$0x0], $0xffff;
	v1 =	vmov s14;
	s14 =	sadd.s32 $0x40, s19  }
0xf6: {  	v2 =	vld [tilespmem:s14+$0xFFFFFFE0];
	v1 =	vand.u32 $0x3FD, v1  }
0xf7: {  	v1 =	vor.u32 $0x800, v1  }
0xf8: {  	v1 =	vbroadcast v1, $0x0;
	_ =	sdelay $0x2  }
0xf9: {  	v0 =	vmul.f32 v2, v0;
	_ =	sdelay $0x1  }
0xfa: {  	s19 =	sadd.s32 $0x2, s25;
	[tilespmem:s14+$0xFFFFFFE0] =	vst v0  }
0xfb: {  	v0 =	vld.idx.msk [tilespmem:v1+s15+$0x0], $0xffff;
	v1 =	vmov s19  }
0xfc: {  	v2 =	vld [tilespmem:s14+$0xFFFFFFF0];
	v1 =	vand.u32 $0x3FE, v1  }
0xfd: {  	v1 =	vor.u32 $0x800, v1  }
0xfe: {  	v1 =	vbroadcast v1, $0x0;
	_ =	sdelay $0x2  }
0xff: {  	v0 =	vmul.f32 v2, v0;
	_ =	sdelay $0x1  }
0x100: {  	s25 =	sadd.s32 $0x3, s25;
	[tilespmem:s14+$0xFFFFFFF0] =	vst v0  }
0x101: {  	v0 =	vld.idx.msk [tilespmem:v1+s15+$0x0], $0xffff;
	v1 =	vmov s25  }
0x102: {  	v2 =	vld [tilespmem:s14+$0x0];
	v1 =	vand.u32 $0x3FF, v1  }
0x103: {  	v1 =	vor.u32 $0x800, v1  }
0x104: {  	v1 =	vbroadcast v1, $0x0;
	_ =	sdelay $0x2  }
0x105: {  	v0 =	vmul.f32 v2, v0;
	_ =	sdelay $0x1  }
0x106: {  	[tilespmem:s14+$0x0] =	vst v0  }
0x107: {  	v0 =	vld.idx.msk [tilespmem:v1+s15+$0x0], $0xffff  }
0x108: {  	v1 =	vld [tilespmem:s14+$0x10];
	_ =	sdelay $0x4  }
0x109: {  	v0 =	vmul.f32 v1, v0  }
0x10a: {  	s25 =	simm.s32 $0x0  }
0x10b: {  	[tilespmem:s14+$0x10] =	vst v0;
	v0 =	vmov s25;
	s25 =	simm.s32 $0x3000  }
0x10c: {  	[spmem:s2] =	stream.indirect.scatter.add.f32 [tilespmem:s20], [sflag:$0x7], $0x10, s25, s16, $0xb8;
	v0 =	vand.u32 $0x3FC, v0;
	[tilespmem:$0x1A000] =	vst v63  }
0x10d: {  	_ =	swait.ge [sflag:s31], $0x4000;
	v0 =	vor.u32 $0xC00, v0  }
0x10e: {  	[sflag:s31] =	ssyncset.done $0x0;
	v0 =	vbroadcast v0, $0x0  }
0x10f: {  	s19 =	simm.s32 $0x1400;
	[sflag:s31] =	ssyncadd.s32 $0xFFFFC000  }
0x110: {  	[tilespmem:s18], [sflag:$0x2] =	stream.indirect.gather [hbm4b:s4+s16], $0x10, s19, s16, $0xb8;
	[tilespmem:$0x1A000] =	vst v63  }
0x111: {  	_ =	swait.ge [sflag:s0], $0x4000  }
0x112: {  	[sflag:s0] =	ssyncset.done $0x0  }
0x113: {  	s25 =	simm.s32 $0x1;
	[sflag:s0] =	ssyncadd.s32 $0xFFFFC000  }
0x114: {  	v1 =	vmov s25;
	s19 =	simm.s32 $0x13820;
	v0 =	vld.idx.msk [tilespmem:v0+s15+$0x0], $0xffff  }
0x115: {  	v1 =	vand.u32 $0x3FD, v1;
	v2 =	vld [tilespmem:s19+$0xFFFFFFE0]  }
0x116: {  	v1 =	vor.u32 $0xC00, v1  }
0x117: {  	v1 =	vbroadcast v1, $0x0;
	_ =	sdelay $0x2  }
0x118: {  	v0 =	vmul.f32 v2, v0;
	_ =	sdelay $0x1  }
0x119: {  	s25 =	simm.s32 $0x2;
	[tilespmem:s19+$0xFFFFFFE0] =	vst v0  }
0x11a: {  	v0 =	vld.idx.msk [tilespmem:v1+s15+$0x0], $0xffff;
	v1 =	vmov s25  }
0x11b: {  	v2 =	vld [tilespmem:s19+$0xFFFFFFF0];
	v1 =	vand.u32 $0x3FE, v1  }
0x11c: {  	v1 =	vor.u32 $0xC00, v1  }
0x11d: {  	v1 =	vbroadcast v1, $0x0;
	_ =	sdelay $0x2  }
0x11e: {  	v0 =	vmul.f32 v2, v0;
	_ =	sdelay $0x1  }
0x11f: {  	s25 =	simm.s32 $0x3;
	[tilespmem:s19+$0xFFFFFFF0] =	vst v0  }
0x120: {  	v0 =	vld.idx.msk [tilespmem:v1+s15+$0x0], $0xffff;
	v1 =	vmov s25  }
0x121: {  	v2 =	vld [tilespmem:s19+$0x0];
	v1 =	vand.u32 $0x3FF, v1  }
0x122: {  	v1 =	vor.u32 $0xC00, v1  }
0x123: {  	v3 =	vbroadcast v1, $0x0;
	_ =	sdelay $0x2  }
0x124: {  	v0 =	vmul.f32 v2, v0;
	_ =	sdelay $0x1  }
0x125: {  	s25 =	simm.s32 $0x4;
	[tilespmem:s19+$0x0] =	vst v0  }
0x126: {  	s28 =	simm.s32 $0x8;
	v1 =	vmov s25;
	v0 =	vld.idx.msk [tilespmem:v3+s15+$0x0], $0xffff  }
.LBB2_8:
0x127: {  	p0 =	sne.s32 s28, $0x3FC;
	v1 =	vand.u32 $0x3FC, v1;
	v2 =	vld [tilespmem:s19+$0x10]  }
0x128: {  	v1 =	vor.u32 $0xC00, v1  }
0x129: {  	v1 =	vbroadcast v1, $0x0;
	_ =	sdelay $0x2  }
0x12a: {  	v0 =	vmul.f32 v2, v0;
	_ =	sdelay $0x1  }
0x12b: {  	s14 =	sadd.s32 $0x1, s25;
	[tilespmem:s19+$0x10] =	vst v0  }
0x12c: {  	s19 =	sadd.s32 $0x40, s19;
	v0 =	vld.idx.msk [tilespmem:v1+s15+$0x0], $0xffff;
	v1 =	vmov s14  }
0x12d: {  	v2 =	vld [tilespmem:s19+$0xFFFFFFE0];
	v1 =	vand.u32 $0x3FD, v1  }
0x12e: {  	v1 =	vor.u32 $0xC00, v1  }
0x12f: {  	v1 =	vbroadcast v1, $0x0;
	_ =	sdelay $0x2  }
0x130: {  	v0 =	vmul.f32 v2, v0;
	_ =	sdelay $0x1  }
0x131: {  	s14 =	sadd.s32 $0x2, s25;
	[tilespmem:s19+$0xFFFFFFE0] =	vst v0  }
0x132: {  	v0 =	vld.idx.msk [tilespmem:v1+s15+$0x0], $0xffff;
	v1 =	vmov s14  }
0x133: {  	v2 =	vld [tilespmem:s19+$0xFFFFFFF0];
	v1 =	vand.u32 $0x3FE, v1  }
0x134: {  	v1 =	vor.u32 $0xC00, v1  }
0x135: {  	v1 =	vbroadcast v1, $0x0;
	_ =	sdelay $0x2  }
0x136: {  	v0 =	vmul.f32 v2, v0;
	_ =	sdelay $0x1  }
0x137: {  	s14 =	sadd.s32 $0x3, s25;
	s25 =	smov.u32 s28;
	[tilespmem:s19+$0xFFFFFFF0] =	vst v0  }
0x138: {  	v0 =	vld.idx.msk [tilespmem:v1+s15+$0x0], $0xffff;
	v1 =	vmov s14  }
0x139: {  	v2 =	vld [tilespmem:s19+$0x0];
	v1 =	vand.u32 $0x3FF, v1  }
0x13a: {  	v1 =	vor.u32 $0xC00, v1  }
0x13b: {  	v3 =	vbroadcast v1, $0x0;
	_ =	sdelay $0x1  }
.Ltmp3:
0x13c: {  	(pc) =	sbr.rel @p0 .LBB2_8-.Ltmp3, $3  }
0x13d: {  	v0 =	vmul.f32 v2, v0;
	_ =	sdelay $0x1  }
0x13e: {  	[tilespmem:s19+$0x0] =	vst v0  }
0x13f: {  	s28 =	sadd.s32 $0x4, s28;
	v1 =	vmov s25;
	v0 =	vld.idx.msk [tilespmem:v3+s15+$0x0], $0xffff  }
0x140: {  	v1 =	vand.u32 $0x3FC, v1;
	v2 =	vld [tilespmem:s19+$0x10]  }
0x141: {  	v1 =	vor.u32 $0xC00, v1  }
0x142: {  	v1 =	vbroadcast v1, $0x0;
	_ =	sdelay $0x2  }
0x143: {  	v0 =	vmul.f32 v2, v0;
	_ =	sdelay $0x1  }
0x144: {  	s14 =	sadd.s32 $0x1, s25;
	[tilespmem:s19+$0x10] =	vst v0  }
0x145: {  	v0 =	vld.idx.msk [tilespmem:v1+s15+$0x0], $0xffff;
	v1 =	vmov s14;
	s14 =	sadd.s32 $0x40, s19  }
0x146: {  	v2 =	vld [tilespmem:s14+$0xFFFFFFE0];
	v1 =	vand.u32 $0x3FD, v1  }
0x147: {  	v1 =	vor.u32 $0xC00, v1  }
0x148: {  	v1 =	vbroadcast v1, $0x0;
	_ =	sdelay $0x2  }
0x149: {  	v0 =	vmul.f32 v2, v0;
	_ =	sdelay $0x1  }
0x14a: {  	s19 =	sadd.s32 $0x2, s25;
	[tilespmem:s14+$0xFFFFFFE0] =	vst v0  }
0x14b: {  	v0 =	vld.idx.msk [tilespmem:v1+s15+$0x0], $0xffff;
	v1 =	vmov s19  }
0x14c: {  	v2 =	vld [tilespmem:s14+$0xFFFFFFF0];
	v1 =	vand.u32 $0x3FE, v1  }
0x14d: {  	v1 =	vor.u32 $0xC00, v1  }
0x14e: {  	v1 =	vbroadcast v1, $0x0;
	_ =	sdelay $0x2  }
0x14f: {  	v0 =	vmul.f32 v2, v0;
	_ =	sdelay $0x1  }
0x150: {  	s25 =	sadd.s32 $0x3, s25;
	[tilespmem:s14+$0xFFFFFFF0] =	vst v0  }
0x151: {  	v0 =	vld.idx.msk [tilespmem:v1+s15+$0x0], $0xffff;
	v1 =	vmov s25  }
0x152: {  	v2 =	vld [tilespmem:s14+$0x0];
	v1 =	vand.u32 $0x3FF, v1  }
0x153: {  	v1 =	vor.u32 $0xC00, v1  }
0x154: {  	v1 =	vbroadcast v1, $0x0;
	_ =	sdelay $0x2  }
0x155: {  	v0 =	vmul.f32 v2, v0;
	_ =	sdelay $0x1  }
0x156: {  	[tilespmem:s14+$0x0] =	vst v0  }
0x157: {  	v0 =	vld.idx.msk [tilespmem:v1+s15+$0x0], $0xffff  }
0x158: {  	v1 =	vld [tilespmem:s14+$0x10];
	_ =	sdelay $0x4  }
0x159: {  	v0 =	vmul.f32 v1, v0  }
0x15a: {  	s25 =	simm.s32 $0x0  }
0x15b: {  	[tilespmem:s14+$0x10] =	vst v0;
	v0 =	vmov s25;
	s25 =	simm.s32 $0x3400  }
0x15c: {  	[spmem:s2] =	stream.indirect.scatter.add.f32 [tilespmem:s23], [sflag:$0x8], $0x10, s25, s16, $0xb8;
	v0 =	vand.u32 $0x3FC, v0;
	[tilespmem:$0x1A000] =	vst v63  }
0x15d: {  	_ =	swait.ge [sflag:s22], $0x4000;
	v0 =	vor.u32 $0x1000, v0  }
0x15e: {  	[sflag:s22] =	ssyncset.done $0x0;
	v0 =	vbroadcast v0, $0x0  }
0x15f: {  	s19 =	simm.s32 $0x1800;
	[sflag:s22] =	ssyncadd.s32 $0xFFFFC000  }
0x160: {  	[tilespmem:s20], [sflag:$0x3] =	stream.indirect.gather [hbm4b:s4+s16], $0x10, s19, s16, $0xb8;
	[tilespmem:$0x1A000] =	vst v63  }
0x161: {  	_ =	swait.ge [sflag:s21], $0x4000  }
0x162: {  	[sflag:s21] =	ssyncset.done $0x0  }
0x163: {  	s25 =	simm.s32 $0x1;
	[sflag:s21] =	ssyncadd.s32 $0xFFFFC000  }
0x164: {  	v1 =	vmov s25;
	s19 =	simm.s32 $0x7820;
	v0 =	vld.idx.msk [tilespmem:v0+s15+$0x0], $0xffff  }
0x165: {  	v1 =	vand.u32 $0x3FD, v1;
	v2 =	vld [tilespmem:s19+$0xFFFFFFE0]  }
0x166: {  	v1 =	vor.u32 $0x1000, v1  }
0x167: {  	v1 =	vbroadcast v1, $0x0;
	_ =	sdelay $0x2  }
0x168: {  	v0 =	vmul.f32 v2, v0;
	_ =	sdelay $0x1  }
0x169: {  	s25 =	simm.s32 $0x2;
	[tilespmem:s19+$0xFFFFFFE0] =	vst v0  }
0x16a: {  	v0 =	vld.idx.msk [tilespmem:v1+s15+$0x0], $0xffff;
	v1 =	vmov s25  }
0x16b: {  	v2 =	vld [tilespmem:s19+$0xFFFFFFF0];
	v1 =	vand.u32 $0x3FE, v1  }
0x16c: {  	v1 =	vor.u32 $0x1000, v1  }
0x16d: {  	v1 =	vbroadcast v1, $0x0;
	_ =	sdelay $0x2  }
0x16e: {  	v0 =	vmul.f32 v2, v0;
	_ =	sdelay $0x1  }
0x16f: {  	s25 =	simm.s32 $0x3;
	[tilespmem:s19+$0xFFFFFFF0] =	vst v0  }
0x170: {  	v0 =	vld.idx.msk [tilespmem:v1+s15+$0x0], $0xffff;
	v1 =	vmov s25  }
0x171: {  	v2 =	vld [tilespmem:s19+$0x0];
	v1 =	vand.u32 $0x3FF, v1  }
0x172: {  	v1 =	vor.u32 $0x1000, v1  }
0x173: {  	v3 =	vbroadcast v1, $0x0;
	_ =	sdelay $0x2  }
0x174: {  	v0 =	vmul.f32 v2, v0;
	_ =	sdelay $0x1  }
0x175: {  	s25 =	simm.s32 $0x4;
	[tilespmem:s19+$0x0] =	vst v0  }
0x176: {  	s28 =	simm.s32 $0x8;
	v1 =	vmov s25;
	v0 =	vld.idx.msk [tilespmem:v3+s15+$0x0], $0xffff  }
.LBB2_10:
0x177: {  	p0 =	sne.s32 s28, $0x3FC;
	v1 =	vand.u32 $0x3FC, v1;
	v2 =	vld [tilespmem:s19+$0x10]  }
0x178: {  	v1 =	vor.u32 $0x1000, v1  }
0x179: {  	v1 =	vbroadcast v1, $0x0;
	_ =	sdelay $0x2  }
0x17a: {  	v0 =	vmul.f32 v2, v0;
	_ =	sdelay $0x1  }
0x17b: {  	s14 =	sadd.s32 $0x1, s25;
	[tilespmem:s19+$0x10] =	vst v0  }
0x17c: {  	s19 =	sadd.s32 $0x40, s19;
	v0 =	vld.idx.msk [tilespmem:v1+s15+$0x0], $0xffff;
	v1 =	vmov s14  }
0x17d: {  	v2 =	vld [tilespmem:s19+$0xFFFFFFE0];
	v1 =	vand.u32 $0x3FD, v1  }
0x17e: {  	v1 =	vor.u32 $0x1000, v1  }
0x17f: {  	v1 =	vbroadcast v1, $0x0;
	_ =	sdelay $0x2  }
0x180: {  	v0 =	vmul.f32 v2, v0;
	_ =	sdelay $0x1  }
0x181: {  	s14 =	sadd.s32 $0x2, s25;
	[tilespmem:s19+$0xFFFFFFE0] =	vst v0  }
0x182: {  	v0 =	vld.idx.msk [tilespmem:v1+s15+$0x0], $0xffff;
	v1 =	vmov s14  }
0x183: {  	v2 =	vld [tilespmem:s19+$0xFFFFFFF0];
	v1 =	vand.u32 $0x3FE, v1  }
0x184: {  	v1 =	vor.u32 $0x1000, v1  }
0x185: {  	v1 =	vbroadcast v1, $0x0;
	_ =	sdelay $0x2  }
0x186: {  	v0 =	vmul.f32 v2, v0;
	_ =	sdelay $0x1  }
0x187: {  	s14 =	sadd.s32 $0x3, s25;
	s25 =	smov.u32 s28;
	[tilespmem:s19+$0xFFFFFFF0] =	vst v0  }
0x188: {  	v0 =	vld.idx.msk [tilespmem:v1+s15+$0x0], $0xffff;
	v1 =	vmov s14  }
0x189: {  	v2 =	vld [tilespmem:s19+$0x0];
	v1 =	vand.u32 $0x3FF, v1  }
0x18a: {  	v1 =	vor.u32 $0x1000, v1  }
0x18b: {  	v3 =	vbroadcast v1, $0x0;
	_ =	sdelay $0x1  }
.Ltmp4:
0x18c: {  	(pc) =	sbr.rel @p0 .LBB2_10-.Ltmp4, $3  }
0x18d: {  	v0 =	vmul.f32 v2, v0;
	_ =	sdelay $0x1  }
0x18e: {  	[tilespmem:s19+$0x0] =	vst v0  }
0x18f: {  	s28 =	sadd.s32 $0x4, s28;
	v1 =	vmov s25;
	v0 =	vld.idx.msk [tilespmem:v3+s15+$0x0], $0xffff  }
0x190: {  	v1 =	vand.u32 $0x3FC, v1;
	v2 =	vld [tilespmem:s19+$0x10]  }
0x191: {  	v1 =	vor.u32 $0x1000, v1  }
0x192: {  	v1 =	vbroadcast v1, $0x0;
	_ =	sdelay $0x2  }
0x193: {  	v0 =	vmul.f32 v2, v0;
	_ =	sdelay $0x1  }
0x194: {  	s14 =	sadd.s32 $0x1, s25;
	[tilespmem:s19+$0x10] =	vst v0  }
0x195: {  	v0 =	vld.idx.msk [tilespmem:v1+s15+$0x0], $0xffff;
	v1 =	vmov s14;
	s14 =	sadd.s32 $0x40, s19  }
0x196: {  	v2 =	vld [tilespmem:s14+$0xFFFFFFE0];
	v1 =	vand.u32 $0x3FD, v1  }
0x197: {  	v1 =	vor.u32 $0x1000, v1  }
0x198: {  	v1 =	vbroadcast v1, $0x0;
	_ =	sdelay $0x2  }
0x199: {  	v0 =	vmul.f32 v2, v0;
	_ =	sdelay $0x1  }
0x19a: {  	s19 =	sadd.s32 $0x2, s25;
	[tilespmem:s14+$0xFFFFFFE0] =	vst v0  }
0x19b: {  	v0 =	vld.idx.msk [tilespmem:v1+s15+$0x0], $0xffff;
	v1 =	vmov s19  }
0x19c: {  	v2 =	vld [tilespmem:s14+$0xFFFFFFF0];
	v1 =	vand.u32 $0x3FE, v1  }
0x19d: {  	v1 =	vor.u32 $0x1000, v1  }
0x19e: {  	v1 =	vbroadcast v1, $0x0;
	_ =	sdelay $0x2  }
0x19f: {  	v0 =	vmul.f32 v2, v0;
	_ =	sdelay $0x1  }
0x1a0: {  	s25 =	sadd.s32 $0x3, s25;
	[tilespmem:s14+$0xFFFFFFF0] =	vst v0  }
0x1a1: {  	v0 =	vld.idx.msk [tilespmem:v1+s15+$0x0], $0xffff;
	v1 =	vmov s25  }
0x1a2: {  	v2 =	vld [tilespmem:s14+$0x0];
	v1 =	vand.u32 $0x3FF, v1  }
0x1a3: {  	v1 =	vor.u32 $0x1000, v1  }
0x1a4: {  	v1 =	vbroadcast v1, $0x0;
	_ =	sdelay $0x2  }
0x1a5: {  	v0 =	vmul.f32 v2, v0;
	_ =	sdelay $0x1  }
0x1a6: {  	[tilespmem:s14+$0x0] =	vst v0  }
0x1a7: {  	v0 =	vld.idx.msk [tilespmem:v1+s15+$0x0], $0xffff  }
0x1a8: {  	v1 =	vld [tilespmem:s14+$0x10];
	_ =	sdelay $0x4  }
0x1a9: {  	v0 =	vmul.f32 v1, v0  }
0x1aa: {  	s25 =	simm.s32 $0x0  }
0x1ab: {  	[tilespmem:s14+$0x10] =	vst v0;
	v0 =	vmov s25;
	s25 =	simm.s32 $0x3800  }
0x1ac: {  	[spmem:s2] =	stream.indirect.scatter.add.f32 [tilespmem:s17], [sflag:$0x5], $0x10, s25, s16, $0xb8;
	v0 =	vand.u32 $0x3FC, v0;
	[tilespmem:$0x1A000] =	vst v63  }
0x1ad: {  	_ =	swait.ge [sflag:s30], $0x4000;
	v0 =	vor.u32 $0x1400, v0  }
0x1ae: {  	[sflag:s30] =	ssyncset.done $0x0;
	v0 =	vbroadcast v0, $0x0  }
0x1af: {  	s19 =	simm.s32 $0x1C00;
	[sflag:s30] =	ssyncadd.s32 $0xFFFFC000  }
0x1b0: {  	[tilespmem:s23], [sflag:$0x4] =	stream.indirect.gather [hbm4b:s4+s16], $0x10, s19, s16, $0xb8;
	[tilespmem:$0x1A000] =	vst v63  }
0x1b1: {  	_ =	swait.ge [sflag:s24], $0x4000  }
0x1b2: {  	[sflag:s24] =	ssyncset.done $0x0  }
0x1b3: {  	s25 =	simm.s32 $0x1;
	[sflag:s24] =	ssyncadd.s32 $0xFFFFC000  }
0x1b4: {  	v1 =	vmov s25;
	s19 =	simm.s32 $0xB820;
	v0 =	vld.idx.msk [tilespmem:v0+s15+$0x0], $0xffff  }
0x1b5: {  	v1 =	vand.u32 $0x3FD, v1;
	v2 =	vld [tilespmem:s19+$0xFFFFFFE0]  }
0x1b6: {  	v1 =	vor.u32 $0x1400, v1  }
0x1b7: {  	v1 =	vbroadcast v1, $0x0;
	_ =	sdelay $0x2  }
0x1b8: {  	v0 =	vmul.f32 v2, v0;
	_ =	sdelay $0x1  }
0x1b9: {  	s25 =	simm.s32 $0x2;
	[tilespmem:s19+$0xFFFFFFE0] =	vst v0  }
0x1ba: {  	v0 =	vld.idx.msk [tilespmem:v1+s15+$0x0], $0xffff;
	v1 =	vmov s25  }
0x1bb: {  	v2 =	vld [tilespmem:s19+$0xFFFFFFF0];
	v1 =	vand.u32 $0x3FE, v1  }
0x1bc: {  	v1 =	vor.u32 $0x1400, v1  }
0x1bd: {  	v1 =	vbroadcast v1, $0x0;
	_ =	sdelay $0x2  }
0x1be: {  	v0 =	vmul.f32 v2, v0;
	_ =	sdelay $0x1  }
0x1bf: {  	s25 =	simm.s32 $0x3;
	[tilespmem:s19+$0xFFFFFFF0] =	vst v0  }
0x1c0: {  	v0 =	vld.idx.msk [tilespmem:v1+s15+$0x0], $0xffff;
	v1 =	vmov s25  }
0x1c1: {  	v2 =	vld [tilespmem:s19+$0x0];
	v1 =	vand.u32 $0x3FF, v1  }
0x1c2: {  	v1 =	vor.u32 $0x1400, v1  }
0x1c3: {  	v3 =	vbroadcast v1, $0x0;
	_ =	sdelay $0x2  }
0x1c4: {  	v0 =	vmul.f32 v2, v0;
	_ =	sdelay $0x1  }
0x1c5: {  	s25 =	simm.s32 $0x4;
	[tilespmem:s19+$0x0] =	vst v0  }
0x1c6: {  	s28 =	simm.s32 $0x8;
	v1 =	vmov s25;
	v0 =	vld.idx.msk [tilespmem:v3+s15+$0x0], $0xffff  }
.LBB2_12:
0x1c7: {  	p0 =	sne.s32 s28, $0x3FC;
	v1 =	vand.u32 $0x3FC, v1;
	v2 =	vld [tilespmem:s19+$0x10]  }
0x1c8: {  	v1 =	vor.u32 $0x1400, v1  }
0x1c9: {  	v1 =	vbroadcast v1, $0x0;
	_ =	sdelay $0x2  }
0x1ca: {  	v0 =	vmul.f32 v2, v0;
	_ =	sdelay $0x1  }
0x1cb: {  	s14 =	sadd.s32 $0x1, s25;
	[tilespmem:s19+$0x10] =	vst v0  }
0x1cc: {  	s19 =	sadd.s32 $0x40, s19;
	v0 =	vld.idx.msk [tilespmem:v1+s15+$0x0], $0xffff;
	v1 =	vmov s14  }
0x1cd: {  	v2 =	vld [tilespmem:s19+$0xFFFFFFE0];
	v1 =	vand.u32 $0x3FD, v1  }
0x1ce: {  	v1 =	vor.u32 $0x1400, v1  }
0x1cf: {  	v1 =	vbroadcast v1, $0x0;
	_ =	sdelay $0x2  }
0x1d0: {  	v0 =	vmul.f32 v2, v0;
	_ =	sdelay $0x1  }
0x1d1: {  	s14 =	sadd.s32 $0x2, s25;
	[tilespmem:s19+$0xFFFFFFE0] =	vst v0  }
0x1d2: {  	v0 =	vld.idx.msk [tilespmem:v1+s15+$0x0], $0xffff;
	v1 =	vmov s14  }
0x1d3: {  	v2 =	vld [tilespmem:s19+$0xFFFFFFF0];
	v1 =	vand.u32 $0x3FE, v1  }
0x1d4: {  	v1 =	vor.u32 $0x1400, v1  }
0x1d5: {  	v1 =	vbroadcast v1, $0x0;
	_ =	sdelay $0x2  }
0x1d6: {  	v0 =	vmul.f32 v2, v0;
	_ =	sdelay $0x1  }
0x1d7: {  	s14 =	sadd.s32 $0x3, s25;
	s25 =	smov.u32 s28;
	[tilespmem:s19+$0xFFFFFFF0] =	vst v0  }
0x1d8: {  	v0 =	vld.idx.msk [tilespmem:v1+s15+$0x0], $0xffff;
	v1 =	vmov s14  }
0x1d9: {  	v2 =	vld [tilespmem:s19+$0x0];
	v1 =	vand.u32 $0x3FF, v1  }
0x1da: {  	v1 =	vor.u32 $0x1400, v1  }
0x1db: {  	v3 =	vbroadcast v1, $0x0;
	_ =	sdelay $0x1  }
.Ltmp5:
0x1dc: {  	(pc) =	sbr.rel @p0 .LBB2_12-.Ltmp5, $3  }
0x1dd: {  	v0 =	vmul.f32 v2, v0;
	_ =	sdelay $0x1  }
0x1de: {  	[tilespmem:s19+$0x0] =	vst v0  }
0x1df: {  	s28 =	sadd.s32 $0x4, s28;
	v1 =	vmov s25;
	v0 =	vld.idx.msk [tilespmem:v3+s15+$0x0], $0xffff  }
0x1e0: {  	v1 =	vand.u32 $0x3FC, v1;
	v2 =	vld [tilespmem:s19+$0x10]  }
0x1e1: {  	v1 =	vor.u32 $0x1400, v1  }
0x1e2: {  	v1 =	vbroadcast v1, $0x0;
	_ =	sdelay $0x2  }
0x1e3: {  	v0 =	vmul.f32 v2, v0;
	_ =	sdelay $0x1  }
0x1e4: {  	s14 =	sadd.s32 $0x1, s25;
	[tilespmem:s19+$0x10] =	vst v0  }
0x1e5: {  	v0 =	vld.idx.msk [tilespmem:v1+s15+$0x0], $0xffff;
	v1 =	vmov s14;
	s14 =	sadd.s32 $0x40, s19  }
0x1e6: {  	v2 =	vld [tilespmem:s14+$0xFFFFFFE0];
	v1 =	vand.u32 $0x3FD, v1  }
0x1e7: {  	v1 =	vor.u32 $0x1400, v1  }
0x1e8: {  	v1 =	vbroadcast v1, $0x0;
	_ =	sdelay $0x2  }
0x1e9: {  	v0 =	vmul.f32 v2, v0;
	_ =	sdelay $0x1  }
0x1ea: {  	s19 =	sadd.s32 $0x2, s25;
	[tilespmem:s14+$0xFFFFFFE0] =	vst v0  }
0x1eb: {  	v0 =	vld.idx.msk [tilespmem:v1+s15+$0x0], $0xffff;
	v1 =	vmov s19  }
0x1ec: {  	v2 =	vld [tilespmem:s14+$0xFFFFFFF0];
	v1 =	vand.u32 $0x3FE, v1  }
0x1ed: {  	v1 =	vor.u32 $0x1400, v1  }
0x1ee: {  	v1 =	vbroadcast v1, $0x0;
	_ =	sdelay $0x2  }
0x1ef: {  	v0 =	vmul.f32 v2, v0;
	_ =	sdelay $0x1  }
0x1f0: {  	s25 =	sadd.s32 $0x3, s25;
	[tilespmem:s14+$0xFFFFFFF0] =	vst v0  }
0x1f1: {  	v0 =	vld.idx.msk [tilespmem:v1+s15+$0x0], $0xffff;
	v1 =	vmov s25  }
0x1f2: {  	v2 =	vld [tilespmem:s14+$0x0];
	v1 =	vand.u32 $0x3FF, v1  }
0x1f3: {  	v1 =	vor.u32 $0x1400, v1  }
0x1f4: {  	v1 =	vbroadcast v1, $0x0;
	_ =	sdelay $0x2  }
0x1f5: {  	v0 =	vmul.f32 v2, v0;
	_ =	sdelay $0x1  }
0x1f6: {  	[tilespmem:s14+$0x0] =	vst v0  }
0x1f7: {  	v0 =	vld.idx.msk [tilespmem:v1+s15+$0x0], $0xffff  }
0x1f8: {  	v1 =	vld [tilespmem:s14+$0x10];
	_ =	sdelay $0x4  }
0x1f9: {  	v0 =	vmul.f32 v1, v0  }
0x1fa: {  	s25 =	simm.s32 $0x0  }
0x1fb: {  	[tilespmem:s14+$0x10] =	vst v0;
	v0 =	vmov s25;
	s25 =	simm.s32 $0x3C00  }
0x1fc: {  	[spmem:s2] =	stream.indirect.scatter.add.f32 [tilespmem:s18], [sflag:$0x6], $0x10, s25, s16, $0xb8;
	v0 =	vand.u32 $0x3FC, v0;
	[tilespmem:$0x1A000] =	vst v63  }
0x1fd: {  	_ =	swait.ge [sflag:s26], $0x4000;
	v0 =	vor.u32 $0x1800, v0  }
0x1fe: {  	[sflag:s26] =	ssyncset.done $0x0;
	v0 =	vbroadcast v0, $0x0  }
0x1ff: {  	s19 =	simm.s32 $0x2000;
	[sflag:s26] =	ssyncadd.s32 $0xFFFFC000  }
0x200: {  	[tilespmem:s17], [sflag:$0x1] =	stream.indirect.gather [hbm4b:s4+s16], $0x10, s19, s16, $0xb8;
	[tilespmem:$0x1A000] =	vst v63  }
0x201: {  	_ =	swait.ge [sflag:s29], $0x4000  }
0x202: {  	[sflag:s29] =	ssyncset.done $0x0  }
0x203: {  	s25 =	simm.s32 $0x1;
	[sflag:s29] =	ssyncadd.s32 $0xFFFFC000  }
0x204: {  	v1 =	vmov s25;
	s19 =	simm.s32 $0xF820;
	v0 =	vld.idx.msk [tilespmem:v0+s15+$0x0], $0xffff  }
0x205: {  	v1 =	vand.u32 $0x3FD, v1;
	v2 =	vld [tilespmem:s19+$0xFFFFFFE0]  }
0x206: {  	v1 =	vor.u32 $0x1800, v1  }
0x207: {  	v1 =	vbroadcast v1, $0x0;
	_ =	sdelay $0x2  }
0x208: {  	v0 =	vmul.f32 v2, v0;
	_ =	sdelay $0x1  }
0x209: {  	s25 =	simm.s32 $0x2;
	[tilespmem:s19+$0xFFFFFFE0] =	vst v0  }
0x20a: {  	v0 =	vld.idx.msk [tilespmem:v1+s15+$0x0], $0xffff;
	v1 =	vmov s25  }
0x20b: {  	v2 =	vld [tilespmem:s19+$0xFFFFFFF0];
	v1 =	vand.u32 $0x3FE, v1  }
0x20c: {  	v1 =	vor.u32 $0x1800, v1  }
0x20d: {  	v1 =	vbroadcast v1, $0x0;
	_ =	sdelay $0x2  }
0x20e: {  	v0 =	vmul.f32 v2, v0;
	_ =	sdelay $0x1  }
0x20f: {  	s25 =	simm.s32 $0x3;
	[tilespmem:s19+$0xFFFFFFF0] =	vst v0  }
0x210: {  	v0 =	vld.idx.msk [tilespmem:v1+s15+$0x0], $0xffff;
	v1 =	vmov s25  }
0x211: {  	v2 =	vld [tilespmem:s19+$0x0];
	v1 =	vand.u32 $0x3FF, v1  }
0x212: {  	v1 =	vor.u32 $0x1800, v1  }
0x213: {  	v3 =	vbroadcast v1, $0x0;
	_ =	sdelay $0x2  }
0x214: {  	v0 =	vmul.f32 v2, v0;
	_ =	sdelay $0x1  }
0x215: {  	s25 =	simm.s32 $0x4;
	[tilespmem:s19+$0x0] =	vst v0  }
0x216: {  	s28 =	simm.s32 $0x8;
	v1 =	vmov s25;
	v0 =	vld.idx.msk [tilespmem:v3+s15+$0x0], $0xffff  }
.LBB2_14:
0x217: {  	p0 =	sne.s32 s28, $0x3FC;
	v1 =	vand.u32 $0x3FC, v1;
	v2 =	vld [tilespmem:s19+$0x10]  }
0x218: {  	v1 =	vor.u32 $0x1800, v1  }
0x219: {  	v1 =	vbroadcast v1, $0x0;
	_ =	sdelay $0x2  }
0x21a: {  	v0 =	vmul.f32 v2, v0;
	_ =	sdelay $0x1  }
0x21b: {  	s14 =	sadd.s32 $0x1, s25;
	[tilespmem:s19+$0x10] =	vst v0  }
0x21c: {  	s19 =	sadd.s32 $0x40, s19;
	v0 =	vld.idx.msk [tilespmem:v1+s15+$0x0], $0xffff;
	v1 =	vmov s14  }
0x21d: {  	v2 =	vld [tilespmem:s19+$0xFFFFFFE0];
	v1 =	vand.u32 $0x3FD, v1  }
0x21e: {  	v1 =	vor.u32 $0x1800, v1  }
0x21f: {  	v1 =	vbroadcast v1, $0x0;
	_ =	sdelay $0x2  }
0x220: {  	v0 =	vmul.f32 v2, v0;
	_ =	sdelay $0x1  }
0x221: {  	s14 =	sadd.s32 $0x2, s25;
	[tilespmem:s19+$0xFFFFFFE0] =	vst v0  }
0x222: {  	v0 =	vld.idx.msk [tilespmem:v1+s15+$0x0], $0xffff;
	v1 =	vmov s14  }
0x223: {  	v2 =	vld [tilespmem:s19+$0xFFFFFFF0];
	v1 =	vand.u32 $0x3FE, v1  }
0x224: {  	v1 =	vor.u32 $0x1800, v1  }
0x225: {  	v1 =	vbroadcast v1, $0x0;
	_ =	sdelay $0x2  }
0x226: {  	v0 =	vmul.f32 v2, v0;
	_ =	sdelay $0x1  }
0x227: {  	s14 =	sadd.s32 $0x3, s25;
	s25 =	smov.u32 s28;
	[tilespmem:s19+$0xFFFFFFF0] =	vst v0  }
0x228: {  	v0 =	vld.idx.msk [tilespmem:v1+s15+$0x0], $0xffff;
	v1 =	vmov s14  }
0x229: {  	v2 =	vld [tilespmem:s19+$0x0];
	v1 =	vand.u32 $0x3FF, v1  }
0x22a: {  	v1 =	vor.u32 $0x1800, v1  }
0x22b: {  	v3 =	vbroadcast v1, $0x0;
	_ =	sdelay $0x1  }
.Ltmp6:
0x22c: {  	(pc) =	sbr.rel @p0 .LBB2_14-.Ltmp6, $3  }
0x22d: {  	v0 =	vmul.f32 v2, v0;
	_ =	sdelay $0x1  }
0x22e: {  	[tilespmem:s19+$0x0] =	vst v0  }
0x22f: {  	s28 =	sadd.s32 $0x4, s28;
	v1 =	vmov s25;
	v0 =	vld.idx.msk [tilespmem:v3+s15+$0x0], $0xffff  }
0x230: {  	v1 =	vand.u32 $0x3FC, v1;
	v2 =	vld [tilespmem:s19+$0x10]  }
0x231: {  	v1 =	vor.u32 $0x1800, v1  }
0x232: {  	v1 =	vbroadcast v1, $0x0;
	_ =	sdelay $0x2  }
0x233: {  	v0 =	vmul.f32 v2, v0;
	_ =	sdelay $0x1  }
0x234: {  	s14 =	sadd.s32 $0x1, s25;
	[tilespmem:s19+$0x10] =	vst v0  }
0x235: {  	v0 =	vld.idx.msk [tilespmem:v1+s15+$0x0], $0xffff;
	v1 =	vmov s14;
	s14 =	sadd.s32 $0x40, s19  }
0x236: {  	v2 =	vld [tilespmem:s14+$0xFFFFFFE0];
	v1 =	vand.u32 $0x3FD, v1  }
0x237: {  	v1 =	vor.u32 $0x1800, v1  }
0x238: {  	v1 =	vbroadcast v1, $0x0;
	_ =	sdelay $0x2  }
0x239: {  	v0 =	vmul.f32 v2, v0;
	_ =	sdelay $0x1  }
0x23a: {  	s19 =	sadd.s32 $0x2, s25;
	[tilespmem:s14+$0xFFFFFFE0] =	vst v0  }
0x23b: {  	v0 =	vld.idx.msk [tilespmem:v1+s15+$0x0], $0xffff;
	v1 =	vmov s19  }
0x23c: {  	v2 =	vld [tilespmem:s14+$0xFFFFFFF0];
	v1 =	vand.u32 $0x3FE, v1  }
0x23d: {  	v1 =	vor.u32 $0x1800, v1  }
0x23e: {  	v1 =	vbroadcast v1, $0x0;
	_ =	sdelay $0x2  }
0x23f: {  	v0 =	vmul.f32 v2, v0;
	_ =	sdelay $0x1  }
0x240: {  	s25 =	sadd.s32 $0x3, s25;
	[tilespmem:s14+$0xFFFFFFF0] =	vst v0  }
0x241: {  	v0 =	vld.idx.msk [tilespmem:v1+s15+$0x0], $0xffff;
	v1 =	vmov s25  }
0x242: {  	v2 =	vld [tilespmem:s14+$0x0];
	v1 =	vand.u32 $0x3FF, v1  }
0x243: {  	v1 =	vor.u32 $0x1800, v1  }
0x244: {  	v1 =	vbroadcast v1, $0x0;
	_ =	sdelay $0x2  }
0x245: {  	v0 =	vmul.f32 v2, v0;
	_ =	sdelay $0x1  }
0x246: {  	[tilespmem:s14+$0x0] =	vst v0  }
0x247: {  	v0 =	vld.idx.msk [tilespmem:v1+s15+$0x0], $0xffff  }
0x248: {  	v1 =	vld [tilespmem:s14+$0x10];
	_ =	sdelay $0x4  }
0x249: {  	v0 =	vmul.f32 v1, v0  }
0x24a: {  	s25 =	simm.s32 $0x0  }
0x24b: {  	[tilespmem:s14+$0x10] =	vst v0;
	v0 =	vmov s25;
	s25 =	simm.s32 $0x4000  }
0x24c: {  	[spmem:s2] =	stream.indirect.scatter.add.f32 [tilespmem:s20], [sflag:$0x7], $0x10, s25, s16, $0xb8;
	v0 =	vand.u32 $0x3FC, v0;
	[tilespmem:$0x1A000] =	vst v63  }
0x24d: {  	_ =	swait.ge [sflag:s31], $0x4000;
	v0 =	vor.u32 $0x1C00, v0  }
0x24e: {  	[sflag:s31] =	ssyncset.done $0x0;
	v0 =	vbroadcast v0, $0x0  }
0x24f: {  	s19 =	simm.s32 $0x2400;
	[sflag:s31] =	ssyncadd.s32 $0xFFFFC000  }
0x250: {  	[tilespmem:s18], [sflag:$0x2] =	stream.indirect.gather [hbm4b:s4+s16], $0x10, s19, s16, $0xb8;
	[tilespmem:$0x1A000] =	vst v63  }
0x251: {  	_ =	swait.ge [sflag:s0], $0x4000  }
0x252: {  	[sflag:s0] =	ssyncset.done $0x0  }
0x253: {  	s25 =	simm.s32 $0x1;
	[sflag:s0] =	ssyncadd.s32 $0xFFFFC000  }
0x254: {  	v1 =	vmov s25;
	s19 =	simm.s32 $0x13820;
	v0 =	vld.idx.msk [tilespmem:v0+s15+$0x0], $0xffff  }
0x255: {  	v1 =	vand.u32 $0x3FD, v1;
	v2 =	vld [tilespmem:s19+$0xFFFFFFE0]  }
0x256: {  	v1 =	vor.u32 $0x1C00, v1  }
0x257: {  	v1 =	vbroadcast v1, $0x0;
	_ =	sdelay $0x2  }
0x258: {  	v0 =	vmul.f32 v2, v0;
	_ =	sdelay $0x1  }
0x259: {  	s25 =	simm.s32 $0x2;
	[tilespmem:s19+$0xFFFFFFE0] =	vst v0  }
0x25a: {  	v0 =	vld.idx.msk [tilespmem:v1+s15+$0x0], $0xffff;
	v1 =	vmov s25  }
0x25b: {  	v2 =	vld [tilespmem:s19+$0xFFFFFFF0];
	v1 =	vand.u32 $0x3FE, v1  }
0x25c: {  	v1 =	vor.u32 $0x1C00, v1  }
0x25d: {  	v1 =	vbroadcast v1, $0x0;
	_ =	sdelay $0x2  }
0x25e: {  	v0 =	vmul.f32 v2, v0;
	_ =	sdelay $0x1  }
0x25f: {  	s25 =	simm.s32 $0x3;
	[tilespmem:s19+$0xFFFFFFF0] =	vst v0  }
0x260: {  	v0 =	vld.idx.msk [tilespmem:v1+s15+$0x0], $0xffff;
	v1 =	vmov s25  }
0x261: {  	v2 =	vld [tilespmem:s19+$0x0];
	v1 =	vand.u32 $0x3FF, v1  }
0x262: {  	v1 =	vor.u32 $0x1C00, v1  }
0x263: {  	v3 =	vbroadcast v1, $0x0;
	_ =	sdelay $0x2  }
0x264: {  	v0 =	vmul.f32 v2, v0;
	_ =	sdelay $0x1  }
0x265: {  	s25 =	simm.s32 $0x4;
	[tilespmem:s19+$0x0] =	vst v0  }
0x266: {  	s28 =	simm.s32 $0x8;
	v1 =	vmov s25;
	v0 =	vld.idx.msk [tilespmem:v3+s15+$0x0], $0xffff  }
.LBB2_16:
0x267: {  	p0 =	sne.s32 s28, $0x3FC;
	v1 =	vand.u32 $0x3FC, v1;
	v2 =	vld [tilespmem:s19+$0x10]  }
0x268: {  	v1 =	vor.u32 $0x1C00, v1  }
0x269: {  	v1 =	vbroadcast v1, $0x0;
	_ =	sdelay $0x2  }
0x26a: {  	v0 =	vmul.f32 v2, v0;
	_ =	sdelay $0x1  }
0x26b: {  	s14 =	sadd.s32 $0x1, s25;
	[tilespmem:s19+$0x10] =	vst v0  }
0x26c: {  	s19 =	sadd.s32 $0x40, s19;
	v0 =	vld.idx.msk [tilespmem:v1+s15+$0x0], $0xffff;
	v1 =	vmov s14  }
0x26d: {  	v2 =	vld [tilespmem:s19+$0xFFFFFFE0];
	v1 =	vand.u32 $0x3FD, v1  }
0x26e: {  	v1 =	vor.u32 $0x1C00, v1  }
0x26f: {  	v1 =	vbroadcast v1, $0x0;
	_ =	sdelay $0x2  }
0x270: {  	v0 =	vmul.f32 v2, v0;
	_ =	sdelay $0x1  }
0x271: {  	s14 =	sadd.s32 $0x2, s25;
	[tilespmem:s19+$0xFFFFFFE0] =	vst v0  }
0x272: {  	v0 =	vld.idx.msk [tilespmem:v1+s15+$0x0], $0xffff;
	v1 =	vmov s14  }
0x273: {  	v2 =	vld [tilespmem:s19+$0xFFFFFFF0];
	v1 =	vand.u32 $0x3FE, v1  }
0x274: {  	v1 =	vor.u32 $0x1C00, v1  }
0x275: {  	v1 =	vbroadcast v1, $0x0;
	_ =	sdelay $0x2  }
0x276: {  	v0 =	vmul.f32 v2, v0;
	_ =	sdelay $0x1  }
0x277: {  	s14 =	sadd.s32 $0x3, s25;
	s25 =	smov.u32 s28;
	[tilespmem:s19+$0xFFFFFFF0] =	vst v0  }
0x278: {  	v0 =	vld.idx.msk [tilespmem:v1+s15+$0x0], $0xffff;
	v1 =	vmov s14  }
0x279: {  	v2 =	vld [tilespmem:s19+$0x0];
	v1 =	vand.u32 $0x3FF, v1  }
0x27a: {  	v1 =	vor.u32 $0x1C00, v1  }
0x27b: {  	v3 =	vbroadcast v1, $0x0;
	_ =	sdelay $0x1  }
.Ltmp7:
0x27c: {  	(pc) =	sbr.rel @p0 .LBB2_16-.Ltmp7, $3  }
0x27d: {  	v0 =	vmul.f32 v2, v0;
	_ =	sdelay $0x1  }
0x27e: {  	[tilespmem:s19+$0x0] =	vst v0  }
0x27f: {  	s28 =	sadd.s32 $0x4, s28;
	v1 =	vmov s25;
	v0 =	vld.idx.msk [tilespmem:v3+s15+$0x0], $0xffff  }
0x280: {  	v1 =	vand.u32 $0x3FC, v1;
	v2 =	vld [tilespmem:s19+$0x10]  }
0x281: {  	v1 =	vor.u32 $0x1C00, v1  }
0x282: {  	v1 =	vbroadcast v1, $0x0;
	_ =	sdelay $0x2  }
0x283: {  	v0 =	vmul.f32 v2, v0;
	_ =	sdelay $0x1  }
0x284: {  	s14 =	sadd.s32 $0x1, s25;
	[tilespmem:s19+$0x10] =	vst v0  }
0x285: {  	v0 =	vld.idx.msk [tilespmem:v1+s15+$0x0], $0xffff;
	v1 =	vmov s14;
	s14 =	sadd.s32 $0x40, s19  }
0x286: {  	v2 =	vld [tilespmem:s14+$0xFFFFFFE0];
	v1 =	vand.u32 $0x3FD, v1  }
0x287: {  	v1 =	vor.u32 $0x1C00, v1  }
0x288: {  	v1 =	vbroadcast v1, $0x0;
	_ =	sdelay $0x2  }
0x289: {  	v0 =	vmul.f32 v2, v0;
	_ =	sdelay $0x1  }
0x28a: {  	s19 =	sadd.s32 $0x2, s25;
	[tilespmem:s14+$0xFFFFFFE0] =	vst v0  }
0x28b: {  	v0 =	vld.idx.msk [tilespmem:v1+s15+$0x0], $0xffff;
	v1 =	vmov s19  }
0x28c: {  	v2 =	vld [tilespmem:s14+$0xFFFFFFF0];
	v1 =	vand.u32 $0x3FE, v1  }
0x28d: {  	v1 =	vor.u32 $0x1C00, v1  }
0x28e: {  	v1 =	vbroadcast v1, $0x0;
	_ =	sdelay $0x2  }
0x28f: {  	v0 =	vmul.f32 v2, v0;
	_ =	sdelay $0x1  }
0x290: {  	s25 =	sadd.s32 $0x3, s25;
	[tilespmem:s14+$0xFFFFFFF0] =	vst v0  }
0x291: {  	v0 =	vld.idx.msk [tilespmem:v1+s15+$0x0], $0xffff;
	v1 =	vmov s25  }
0x292: {  	v2 =	vld [tilespmem:s14+$0x0];
	v1 =	vand.u32 $0x3FF, v1  }
0x293: {  	v1 =	vor.u32 $0x1C00, v1  }
0x294: {  	v1 =	vbroadcast v1, $0x0;
	_ =	sdelay $0x2  }
0x295: {  	v0 =	vmul.f32 v2, v0;
	_ =	sdelay $0x1  }
0x296: {  	[tilespmem:s14+$0x0] =	vst v0  }
0x297: {  	v0 =	vld.idx.msk [tilespmem:v1+s15+$0x0], $0xffff  }
0x298: {  	v1 =	vld [tilespmem:s14+$0x10];
	_ =	sdelay $0x1  }
0x299: {  	s25 =	simm.s32 $0x0  }
0x29a: {  	v2 =	vmov s25  }
0x29b: {  	v2 =	vand.u32 $0x3FC, v2  }
0x29c: {  	v0 =	vmul.f32 v1, v0;
	v1 =	vor.u32 $0x2000, v2  }
0x29d: {  	v1 =	vbroadcast v1, $0x0  }
0x29e: {  	s19 =	simm.s32 $0x4400;
	[tilespmem:s14+$0x10] =	vst v0  }
0x29f: {  	[spmem:s2] =	stream.indirect.scatter.add.f32 [tilespmem:s23], [sflag:$0x8], $0x10, s19, s16, $0xb8;
	[tilespmem:$0x1A000] =	vst v63  }
0x2a0: {  	_ =	swait.ge [sflag:s21], $0x4000  }
0x2a1: {  	[sflag:s21] =	ssyncset.done $0x0  }
0x2a2: {  	s25 =	simm.s32 $0x1;
	[sflag:s21] =	ssyncadd.s32 $0xFFFFC000  }
0x2a3: {  	s19 =	simm.s32 $0x7820;
	v0 =	vld.idx.msk [tilespmem:v1+s15+$0x0], $0xffff;
	v1 =	vmov s25  }
0x2a4: {  	v2 =	vld [tilespmem:s19+$0xFFFFFFE0];
	v1 =	vand.u32 $0x3FD, v1  }
0x2a5: {  	v1 =	vor.u32 $0x2000, v1  }
0x2a6: {  	v1 =	vbroadcast v1, $0x0;
	_ =	sdelay $0x2  }
0x2a7: {  	v0 =	vmul.f32 v2, v0;
	_ =	sdelay $0x1  }
0x2a8: {  	s25 =	simm.s32 $0x2;
	[tilespmem:s19+$0xFFFFFFE0] =	vst v0  }
0x2a9: {  	v0 =	vld.idx.msk [tilespmem:v1+s15+$0x0], $0xffff;
	v1 =	vmov s25  }
0x2aa: {  	v2 =	vld [tilespmem:s19+$0xFFFFFFF0];
	v1 =	vand.u32 $0x3FE, v1  }
0x2ab: {  	v1 =	vor.u32 $0x2000, v1  }
0x2ac: {  	v1 =	vbroadcast v1, $0x0;
	_ =	sdelay $0x2  }
0x2ad: {  	v0 =	vmul.f32 v2, v0;
	_ =	sdelay $0x1  }
0x2ae: {  	s25 =	simm.s32 $0x3;
	[tilespmem:s19+$0xFFFFFFF0] =	vst v0  }
0x2af: {  	v0 =	vld.idx.msk [tilespmem:v1+s15+$0x0], $0xffff;
	v1 =	vmov s25  }
0x2b0: {  	v2 =	vld [tilespmem:s19+$0x0];
	v1 =	vand.u32 $0x3FF, v1  }
0x2b1: {  	v1 =	vor.u32 $0x2000, v1  }
0x2b2: {  	v3 =	vbroadcast v1, $0x0;
	_ =	sdelay $0x2  }
0x2b3: {  	v0 =	vmul.f32 v2, v0;
	_ =	sdelay $0x1  }
0x2b4: {  	s25 =	simm.s32 $0x4;
	[tilespmem:s19+$0x0] =	vst v0  }
0x2b5: {  	s28 =	simm.s32 $0x8;
	v1 =	vmov s25;
	v0 =	vld.idx.msk [tilespmem:v3+s15+$0x0], $0xffff  }
.LBB2_18:
0x2b6: {  	p0 =	sne.s32 s28, $0x3FC;
	v1 =	vand.u32 $0x3FC, v1;
	v2 =	vld [tilespmem:s19+$0x10]  }
0x2b7: {  	v1 =	vor.u32 $0x2000, v1  }
0x2b8: {  	v1 =	vbroadcast v1, $0x0;
	_ =	sdelay $0x2  }
0x2b9: {  	v0 =	vmul.f32 v2, v0;
	_ =	sdelay $0x1  }
0x2ba: {  	s14 =	sadd.s32 $0x1, s25;
	[tilespmem:s19+$0x10] =	vst v0  }
0x2bb: {  	s19 =	sadd.s32 $0x40, s19;
	v0 =	vld.idx.msk [tilespmem:v1+s15+$0x0], $0xffff;
	v1 =	vmov s14  }
0x2bc: {  	v2 =	vld [tilespmem:s19+$0xFFFFFFE0];
	v1 =	vand.u32 $0x3FD, v1  }
0x2bd: {  	v1 =	vor.u32 $0x2000, v1  }
0x2be: {  	v1 =	vbroadcast v1, $0x0;
	_ =	sdelay $0x2  }
0x2bf: {  	v0 =	vmul.f32 v2, v0;
	_ =	sdelay $0x1  }
0x2c0: {  	s14 =	sadd.s32 $0x2, s25;
	[tilespmem:s19+$0xFFFFFFE0] =	vst v0  }
0x2c1: {  	v0 =	vld.idx.msk [tilespmem:v1+s15+$0x0], $0xffff;
	v1 =	vmov s14  }
0x2c2: {  	v2 =	vld [tilespmem:s19+$0xFFFFFFF0];
	v1 =	vand.u32 $0x3FE, v1  }
0x2c3: {  	v1 =	vor.u32 $0x2000, v1  }
0x2c4: {  	v1 =	vbroadcast v1, $0x0;
	_ =	sdelay $0x2  }
0x2c5: {  	v0 =	vmul.f32 v2, v0;
	_ =	sdelay $0x1  }
0x2c6: {  	s14 =	sadd.s32 $0x3, s25;
	s25 =	smov.u32 s28;
	[tilespmem:s19+$0xFFFFFFF0] =	vst v0  }
0x2c7: {  	v0 =	vld.idx.msk [tilespmem:v1+s15+$0x0], $0xffff;
	v1 =	vmov s14  }
0x2c8: {  	v2 =	vld [tilespmem:s19+$0x0];
	v1 =	vand.u32 $0x3FF, v1  }
0x2c9: {  	v1 =	vor.u32 $0x2000, v1  }
0x2ca: {  	v3 =	vbroadcast v1, $0x0;
	_ =	sdelay $0x1  }
.Ltmp8:
0x2cb: {  	(pc) =	sbr.rel @p0 .LBB2_18-.Ltmp8, $3  }
0x2cc: {  	v0 =	vmul.f32 v2, v0;
	_ =	sdelay $0x1  }
0x2cd: {  	[tilespmem:s19+$0x0] =	vst v0  }
0x2ce: {  	s28 =	sadd.s32 $0x4, s28;
	v1 =	vmov s25;
	v0 =	vld.idx.msk [tilespmem:v3+s15+$0x0], $0xffff  }
0x2cf: {  	v1 =	vand.u32 $0x3FC, v1;
	v2 =	vld [tilespmem:s19+$0x10]  }
0x2d0: {  	v1 =	vor.u32 $0x2000, v1  }
0x2d1: {  	v1 =	vbroadcast v1, $0x0;
	_ =	sdelay $0x2  }
0x2d2: {  	v0 =	vmul.f32 v2, v0;
	_ =	sdelay $0x1  }
0x2d3: {  	s14 =	sadd.s32 $0x1, s25;
	[tilespmem:s19+$0x10] =	vst v0  }
0x2d4: {  	v0 =	vld.idx.msk [tilespmem:v1+s15+$0x0], $0xffff;
	v1 =	vmov s14;
	s14 =	sadd.s32 $0x40, s19  }
0x2d5: {  	v2 =	vld [tilespmem:s14+$0xFFFFFFE0];
	v1 =	vand.u32 $0x3FD, v1  }
0x2d6: {  	v1 =	vor.u32 $0x2000, v1  }
0x2d7: {  	v1 =	vbroadcast v1, $0x0;
	_ =	sdelay $0x2  }
0x2d8: {  	v0 =	vmul.f32 v2, v0;
	_ =	sdelay $0x1  }
0x2d9: {  	s19 =	sadd.s32 $0x2, s25;
	[tilespmem:s14+$0xFFFFFFE0] =	vst v0  }
0x2da: {  	v0 =	vld.idx.msk [tilespmem:v1+s15+$0x0], $0xffff;
	v1 =	vmov s19  }
0x2db: {  	v2 =	vld [tilespmem:s14+$0xFFFFFFF0];
	v1 =	vand.u32 $0x3FE, v1  }
0x2dc: {  	v1 =	vor.u32 $0x2000, v1  }
0x2dd: {  	v1 =	vbroadcast v1, $0x0;
	_ =	sdelay $0x2  }
0x2de: {  	v0 =	vmul.f32 v2, v0;
	_ =	sdelay $0x1  }
0x2df: {  	s25 =	sadd.s32 $0x3, s25;
	[tilespmem:s14+$0xFFFFFFF0] =	vst v0  }
0x2e0: {  	v0 =	vld.idx.msk [tilespmem:v1+s15+$0x0], $0xffff;
	v1 =	vmov s25  }
0x2e1: {  	v2 =	vld [tilespmem:s14+$0x0];
	v1 =	vand.u32 $0x3FF, v1  }
0x2e2: {  	v1 =	vor.u32 $0x2000, v1  }
0x2e3: {  	v1 =	vbroadcast v1, $0x0;
	_ =	sdelay $0x2  }
0x2e4: {  	v0 =	vmul.f32 v2, v0;
	_ =	sdelay $0x1  }
0x2e5: {  	[tilespmem:s14+$0x0] =	vst v0  }
0x2e6: {  	v0 =	vld.idx.msk [tilespmem:v1+s15+$0x0], $0xffff  }
0x2e7: {  	v1 =	vld [tilespmem:s14+$0x10];
	_ =	sdelay $0x1  }
0x2e8: {  	s25 =	simm.s32 $0x0  }
0x2e9: {  	v2 =	vmov s25  }
0x2ea: {  	v2 =	vand.u32 $0x3FC, v2  }
0x2eb: {  	v0 =	vmul.f32 v1, v0;
	v1 =	vor.u32 $0x2400, v2  }
0x2ec: {  	v1 =	vbroadcast v1, $0x0  }
0x2ed: {  	s19 =	simm.s32 $0x4800;
	[tilespmem:s14+$0x10] =	vst v0  }
0x2ee: {  	[spmem:s2] =	stream.indirect.scatter.add.f32 [tilespmem:s17], [sflag:$0x5], $0x10, s19, s16, $0xb8;
	[tilespmem:$0x1A000] =	vst v63  }
0x2ef: {  	_ =	swait.ge [sflag:s24], $0x4000  }
0x2f0: {  	[sflag:s24] =	ssyncset.done $0x0  }
0x2f1: {  	s25 =	simm.s32 $0x1;
	[sflag:s24] =	ssyncadd.s32 $0xFFFFC000  }
0x2f2: {  	s19 =	simm.s32 $0xB820;
	v0 =	vld.idx.msk [tilespmem:v1+s15+$0x0], $0xffff;
	v1 =	vmov s25  }
0x2f3: {  	v2 =	vld [tilespmem:s19+$0xFFFFFFE0];
	v1 =	vand.u32 $0x3FD, v1  }
0x2f4: {  	v1 =	vor.u32 $0x2400, v1  }
0x2f5: {  	v1 =	vbroadcast v1, $0x0;
	_ =	sdelay $0x2  }
0x2f6: {  	v0 =	vmul.f32 v2, v0;
	_ =	sdelay $0x1  }
0x2f7: {  	s25 =	simm.s32 $0x2;
	[tilespmem:s19+$0xFFFFFFE0] =	vst v0  }
0x2f8: {  	v0 =	vld.idx.msk [tilespmem:v1+s15+$0x0], $0xffff;
	v1 =	vmov s25  }
0x2f9: {  	v2 =	vld [tilespmem:s19+$0xFFFFFFF0];
	v1 =	vand.u32 $0x3FE, v1  }
0x2fa: {  	v1 =	vor.u32 $0x2400, v1  }
0x2fb: {  	v1 =	vbroadcast v1, $0x0;
	_ =	sdelay $0x2  }
0x2fc: {  	v0 =	vmul.f32 v2, v0;
	_ =	sdelay $0x1  }
0x2fd: {  	s25 =	simm.s32 $0x3;
	[tilespmem:s19+$0xFFFFFFF0] =	vst v0  }
0x2fe: {  	v0 =	vld.idx.msk [tilespmem:v1+s15+$0x0], $0xffff;
	v1 =	vmov s25  }
0x2ff: {  	v2 =	vld [tilespmem:s19+$0x0];
	v1 =	vand.u32 $0x3FF, v1  }
0x300: {  	v1 =	vor.u32 $0x2400, v1  }
0x301: {  	v3 =	vbroadcast v1, $0x0;
	_ =	sdelay $0x2  }
0x302: {  	v0 =	vmul.f32 v2, v0;
	_ =	sdelay $0x1  }
0x303: {  	s25 =	simm.s32 $0x4;
	[tilespmem:s19+$0x0] =	vst v0  }
0x304: {  	s28 =	simm.s32 $0x8;
	v1 =	vmov s25;
	v0 =	vld.idx.msk [tilespmem:v3+s15+$0x0], $0xffff  }
.LBB2_20:
0x305: {  	p0 =	sne.s32 s28, $0x3FC;
	v1 =	vand.u32 $0x3FC, v1;
	v2 =	vld [tilespmem:s19+$0x10]  }
0x306: {  	v1 =	vor.u32 $0x2400, v1  }
0x307: {  	v1 =	vbroadcast v1, $0x0;
	_ =	sdelay $0x2  }
0x308: {  	v0 =	vmul.f32 v2, v0;
	_ =	sdelay $0x1  }
0x309: {  	s14 =	sadd.s32 $0x1, s25;
	[tilespmem:s19+$0x10] =	vst v0  }
0x30a: {  	s19 =	sadd.s32 $0x40, s19;
	v0 =	vld.idx.msk [tilespmem:v1+s15+$0x0], $0xffff;
	v1 =	vmov s14  }
0x30b: {  	v2 =	vld [tilespmem:s19+$0xFFFFFFE0];
	v1 =	vand.u32 $0x3FD, v1  }
0x30c: {  	v1 =	vor.u32 $0x2400, v1  }
0x30d: {  	v1 =	vbroadcast v1, $0x0;
	_ =	sdelay $0x2  }
0x30e: {  	v0 =	vmul.f32 v2, v0;
	_ =	sdelay $0x1  }
0x30f: {  	s14 =	sadd.s32 $0x2, s25;
	[tilespmem:s19+$0xFFFFFFE0] =	vst v0  }
0x310: {  	v0 =	vld.idx.msk [tilespmem:v1+s15+$0x0], $0xffff;
	v1 =	vmov s14  }
0x311: {  	v2 =	vld [tilespmem:s19+$0xFFFFFFF0];
	v1 =	vand.u32 $0x3FE, v1  }
0x312: {  	v1 =	vor.u32 $0x2400, v1  }
0x313: {  	v1 =	vbroadcast v1, $0x0;
	_ =	sdelay $0x2  }
0x314: {  	v0 =	vmul.f32 v2, v0;
	_ =	sdelay $0x1  }
0x315: {  	s14 =	sadd.s32 $0x3, s25;
	s25 =	smov.u32 s28;
	[tilespmem:s19+$0xFFFFFFF0] =	vst v0  }
0x316: {  	v0 =	vld.idx.msk [tilespmem:v1+s15+$0x0], $0xffff;
	v1 =	vmov s14  }
0x317: {  	v2 =	vld [tilespmem:s19+$0x0];
	v1 =	vand.u32 $0x3FF, v1  }
0x318: {  	v1 =	vor.u32 $0x2400, v1  }
0x319: {  	v3 =	vbroadcast v1, $0x0;
	_ =	sdelay $0x1  }
.Ltmp9:
0x31a: {  	(pc) =	sbr.rel @p0 .LBB2_20-.Ltmp9, $3  }
0x31b: {  	v0 =	vmul.f32 v2, v0;
	_ =	sdelay $0x1  }
0x31c: {  	[tilespmem:s19+$0x0] =	vst v0  }
0x31d: {  	s28 =	sadd.s32 $0x4, s28;
	v1 =	vmov s25;
	v0 =	vld.idx.msk [tilespmem:v3+s15+$0x0], $0xffff  }
0x31e: {  	v1 =	vand.u32 $0x3FC, v1;
	v2 =	vld [tilespmem:s19+$0x10]  }
0x31f: {  	v1 =	vor.u32 $0x2400, v1  }
0x320: {  	v1 =	vbroadcast v1, $0x0;
	_ =	sdelay $0x2  }
0x321: {  	v0 =	vmul.f32 v2, v0;
	_ =	sdelay $0x1  }
0x322: {  	s14 =	sadd.s32 $0x1, s25;
	[tilespmem:s19+$0x10] =	vst v0  }
0x323: {  	v57 =	vmov s14;
	s14 =	sadd.s32 $0x40, s19;
	v0 =	vld.idx.msk [tilespmem:v1+s15+$0x0], $0xffff  }
0x324: {  	v58 =	vld [tilespmem:s14+$0xFFFFFFE0];
	v1 =	vand.u32 $0x3FD, v57  }
0x325: {  	v1 =	vor.u32 $0x2400, v1  }
0x326: {  	v1 =	vbroadcast v1, $0x0;
	_ =	sdelay $0x2  }
0x327: {  	v0 =	vmul.f32 v58, v0  }
0x328: {  	s28 =	sadd.s32 $0x2, s25  }
0x329: {  	v59 =	vmov s28;
	v60 =	vld [tilespmem:s14+$0xFFFFFFF0];
	[tilespmem:s14+$0xFFFFFFE0] =	vst v0  }
0x32a: {  	v0 =	vld.idx.msk [tilespmem:v1+s15+$0x0], $0xffff;
	v1 =	vand.u32 $0x3FE, v59  }
0x32b: {  	v1 =	vor.u32 $0x2400, v1  }
0x32c: {  	v1 =	vbroadcast v1, $0x0;
	_ =	sdelay $0x2  }
0x32d: {  	v0 =	vmul.f32 v60, v0  }
0x32e: {  	s25 =	sadd.s32 $0x3, s25  }
0x32f: {  	v61 =	vmov s25;
	v62 =	vld [tilespmem:s14+$0x0];
	[tilespmem:s14+$0xFFFFFFF0] =	vst v0  }
0x330: {  	v0 =	vld.idx.msk [tilespmem:v1+s15+$0x0], $0xffff;
	v1 =	vand.u32 $0x3FF, v61  }
0x331: {  	v1 =	vor.u32 $0x2400, v1  }
0x332: {  	v1 =	vbroadcast v1, $0x0;
	_ =	sdelay $0x2  }
0x333: {  	v0 =	vmul.f32 v62, v0;
	_ =	sdelay $0x1  }
0x334: {  	v63 =	vld [tilespmem:s14+$0x10];
	[tilespmem:s14+$0x0] =	vst v0  }
0x335: {  	v0 =	vld.idx.msk [tilespmem:v1+s15+$0x0], $0xffff;
	_ =	sdelay $0x4  }
0x336: {  	v0 =	vmul.f32 v63, v0;
	_ =	sdelay $0x1  }
0x337: {  	s28 =	simm.s32 $0x4C00;
	[tilespmem:s14+$0x10] =	vst v0  }
0x338: {  	[spmem:s2] =	stream.indirect.scatter.add.f32 [tilespmem:s18], [sflag:$0x6], $0x10, s28, s16, $0xb8;
	[tilespmem:$0x1A000] =	vst v63  }
0x339: {  	_ =	swait.ge [sflag:s22], $0x4000  }
0x33a: {  	[sflag:s22] =	ssyncset.done $0x0  }
0x33b: {  	[sflag:s22] =	ssyncadd.s32 $0xFFFFC000  }
0x33c: {  	_ =	swait.ge [sflag:s30], $0x4000  }
0x33d: {  	[sflag:s30] =	ssyncset.done $0x0  }
0x33e: {  	[sflag:s30] =	ssyncadd.s32 $0xFFFFC000  }
0x33f: {  	_ =	swait.ge [sflag:s26], $0x4000  }
0x340: {  	[sflag:s26] =	ssyncset.done $0x0  }
0x341: {  	[sflag:s26] =	ssyncadd.s32 $0xFFFFC000  }
0x342: {  	_ =	swait.ge [sflag:s31], $0x4000  }
0x343: {  	s1 =	sadd.s32 $0x1, s1;
	[sflag:s31] =	ssyncset.done $0x0  }
0x344: {  	p0 =	sne.s32 s1, s11;
	[sflag:s31] =	ssyncadd.s32 $0xFFFFC000  }
.Ltmp10:
0x345: {  	[bflag:$0x0] =	sbarrier.arrive $0xFFFF;
	(pc) =	sbr.rel @p0 .LBB2_1-.Ltmp10, $4  }
0x346: {  	[hbm:s10], [sflag:s6] =	dma.local [spmem:s12], $0x500  }
0x347: {  	_ =	swait.ge [sflag:s13], $0x500  }
0x348: {  	[sflag:s13] =	ssyncset.done $0x0  }
0x349: {  	[sflag:s13] =	ssyncadd.s32 $0xFFFFFB00  }
0x34a: {  	_ =	sfence.sel $0x180000  }
0x34b: {  	[bflag:$0x0] =	sbarrier.arrive $0xFFFF  }
0x34c: {  	_ =	strace $0x9000004A  }
0x34d: {  	s0 =	stileid.u32;
	[bflag:$0x2] =	sbarrier.arrive $0xFFFF  }
0x34e: {  	p0 =	sne.s32 s0, $0x0;
	s0 =	rddreg [dreg:$0x2]  }
0x34f: {  	s0 =	sadd.s32 @!p0 $0x100000, s0  }
0x350: {  	[sflag:s0] =	ssyncadd.tile.s32 @!p0 $0x1;
	_ =	shalt  }
.Lfunc_end2:
_tile_overlayer_lowered:
.L_overlay_start_2:
0x351: {  	(tag) =	ssettag $0x2  }
0x352: {  	s0 =	rddreg [dreg:$0x0];
	s2 =	stileid.u32  }
0x353: {  	s1 =	rddreg [dreg:$0x1];
	p0 =	sne.s32 s2, $0x0  }
0x354: {  	s3 =	rddreg [dreg:$0x2];
	[bflag:$0x3] =	sbarrier.arrive $0xFFFF;
	s2 =	simm.s32 @!p0 $0x1C09  }
0x355: {  	[timem:s3], [sflag:s2] =	dma.local @!p0 [hbm:s0], s1  }
0x356: {  	s0 =	simm.s32 @!p0 $0x9  }
0x357: {  	_ =	swait.ge @!p0 [sflag:s0], s1  }
0x358: {  	s1 =	ssub.s32 @!p0 $0x0, s1;
	[sflag:s0] =	ssyncset.done @!p0 $0x0  }
0x359: {  	[sflag:s0] =	ssyncadd.s32 @!p0 s1  }
0x35a: {  	[bflag:$0x3] =	sbarrier.arrive $0xFFFF  }
0x35b: {  	_ =	shalt  }

// kernel: kernel.15.cloned.1.call-start
scs
__scs_entry_jumppad:
0x0: {  	(pc) =	sbr.rel $0x88, $3  }
0x1: {  	(tag) =	ssettag $0x0;
	lr =	simm.s32 $0x1  }
0x2: {  	[smem:$0x3F9A] =	sst lr;
	_ =	strace $0xD0000000  }
0x3: {  	_ = 	snop  }
0x4: {  	_ = 	snop  }
0x5: {  	_ = 	snop  }
0x6: {  	_ = 	snop  }
0x7: {  	_ = 	snop  }
__scs_overlays_trampoline_lowered:
0x8: {  	[smem:$0x3FA9] =	sst s0  }
0x9: {  	[smem:$0x3FAA] =	sst s1  }
0xa: {  	[smem:$0x3FAB] =	sst s2  }
0xb: {  	[smem:$0x3FAC] =	sst s3  }
0xc: {  	[smem:$0x3FAD] =	sst s4  }
0xd: {  	[smem:$0x3FAE] =	sst s5  }
0xe: {  	[smem:$0x3FAF] =	sst s6  }
0xf: {  	[smem:$0x3FB0] =	sst s7  }
0x10: {  	[smem:$0x3FB1] =	sst s8  }
0x11: {  	[smem:$0x3FB2] =	sst s9;
	s0 =	simm.s32 @!p0 $0x0  }
0x12: {  	s1 =	sld [smem:$0x3F98];
	s0 =	simm.s32 @p0 $0x1  }
0x13: {  	[smem:$0x3FB3] =	sst s0;
	s0 =	simm.s32 @!p1 $0x0  }
0x14: {  	s2 =	sld [smem:$0x3F97];
	s0 =	simm.s32 @p1 $0x1  }
0x15: {  	[smem:$0x3FB4] =	sst s0;
	s0 =	simm.s32 @!p2 $0x0  }
0x16: {  	s3 =	sld [smem:$0x3FDB];
	s0 =	simm.s32 @p2 $0x1  }
0x17: {  	s4 =	simm.s32 $0x1BF5;
	[smem:$0x3FB6] =	sst s0  }
0x18: {  	s0 =	sld [smem:$0x3F99];
	_ =	swait.ge [sflag:s4], $0x0  }
0x19: {  	s7 =	sld [smem:$0x3F9A]  }
0x1a: {  	s8 =	sadd.s32 $0xFFFFE003, lr  }
0x1b: {  	s9 =	sadd.s32 $0xFFFFFEF7, lr;
	s5 =	simm.s32 $0xFFFFFFFF;
	p2 =	slt.u32 s8, $0xFFFFF086  }
0x1c: {  	p1 =	slt.u32 s9, $0xF7A;
	s5 =	simm.s32 @!p2 $0x0  }
0x1d: {  	s5 =	simm.s32 @p1 $0x1;
	p0 =	seq.s32 s7, s2  }
0x1e: {  	s7 =	smul.u32 @!p0 $0xF7A, s2;
	p2 =	seq.s32 @!p0 s5, $0x0  }
0x1f: {  	s9 =	smul.u32 $0xF7A, s1;
	s8 =	simm.s32 @!p0 $0x1BF5;
	p2 =	por !p2, p0  }
0x20: {  	[sflag:s8] =	ssyncset.s32 @!p0 $0xFFFFF086;
	s6 =	sadd.s32 @!p0 s3, s7;
	s7 =	simm.s32 @!p0 $0x108  }
0x21: {  	s3 =	sadd.s32 s3, s9;
	s6 =	sadd.s32 @!p0 $0x88, s6;
	s7 =	simm.s32 @p2 $0x1082  }
0x22: {  	[simem:s7], [sflag:s8] =	dma.local @!p0 [hbm:s6], $0xF7A  }
0x23: {  	s9 =	sor.u32 $0xD0000000, s2;
	s6 =	simm.s32 $0x108;
	_ =	swait.ge @!p0 [sflag:s8], $0x0  }
0x24: {  	s3 =	sadd.s32 $0x88, s3;
	s6 =	simm.s32 @!p1 $0x1082;
	[sflag:s4] =	ssyncset.s32 $0xFFFFF086  }
0x25: {  	[simem:s6], [sflag:s4] =	dma.local [hbm:s3], $0xF7A  }
0x26: {  	[smem:$0x3F9A] =	sst s1;
	(tag) =	ssettag s2;
	_ =	strace s9  }
0x27: {  	s1 =	sld [smem:$0x3FAA]  }
0x28: {  	s2 =	sld [smem:$0x3FAB]  }
0x29: {  	s4 =	sld [smem:$0x3FAD]  }
0x2a: {  	p0 =	seq.s32 s5, $0x0;
	s5 =	sld [smem:$0x3FAE]  }
0x2b: {  	s6 =	sld [smem:$0x3FAF]  }
0x2c: {  	s7 =	sld [smem:$0x3FB0]  }
0x2d: {  	s3 =	simm.s32 $0x108;
	s8 =	sld [smem:$0x3FB1]  }
0x2e: {  	s3 =	simm.s32 @!p0 $0x1082;
	s9 =	sld [smem:$0x3FB2]  }
0x2f: {  	lr =	sadd.s32 s0, s3;
	s0 =	sld [smem:$0x3FA9]  }
0x30: {  	s3 =	sld [smem:$0x3FAC]  }
0x31: {  	[smem:$0x3FB5] =	sst s10  }
0x32: {  	s10 =	sld [smem:$0x3FB3];
	_ =	sdelay $0x3  }
0x33: {  	p0 =	seq.s32 s10, $0x1;
	s10 =	sld [smem:$0x3FB5];
	_ =	sdelay $0x3  }
0x34: {  	[smem:$0x3FB5] =	sst s10  }
0x35: {  	s10 =	sld [smem:$0x3FB4];
	_ =	sdelay $0x3  }
0x36: {  	p1 =	seq.s32 s10, $0x1;
	s10 =	sld [smem:$0x3FB5];
	_ =	sdelay $0x3  }
0x37: {  	[smem:$0x3FB5] =	sst s10  }
0x38: {  	s10 =	sld [smem:$0x3FB6]  }
0x39: {  	_ = 	snop;
	(pc) =	sbr.ind lr, $3  }
0x3a: {  	_ = 	snop  }
0x3b: {  	_ = 	snop  }
0x3c: {  	p2 =	seq.s32 s10, $0x1;
	s10 =	sld [smem:$0x3FB5]  }
0x3d: {  	_ =	shalt  }
0x3e: {  	_ =	shalt  }
0x3f: {  	_ =	shalt  }
0x40: {  	_ =	shalt  }
0x41: {  	_ =	shalt  }
0x42: {  	_ =	shalt  }
0x43: {  	_ =	shalt  }
0x44: {  	_ =	shalt  }
0x45: {  	_ =	shalt  }
0x46: {  	_ =	shalt  }
0x47: {  	_ =	shalt  }
0x48: {  	_ =	shalt  }
0x49: {  	_ =	shalt  }
0x4a: {  	_ =	shalt  }
0x4b: {  	_ =	shalt  }
0x4c: {  	_ =	shalt  }
0x4d: {  	_ =	shalt  }
0x4e: {  	_ =	shalt  }
0x4f: {  	_ =	shalt  }
0x50: {  	_ =	shalt  }
0x51: {  	_ =	shalt  }
0x52: {  	_ =	shalt  }
0x53: {  	_ =	shalt  }
0x54: {  	_ =	shalt  }
0x55: {  	_ =	shalt  }
0x56: {  	_ =	shalt  }
0x57: {  	_ =	shalt  }
0x58: {  	_ =	shalt  }
0x59: {  	_ =	shalt  }
0x5a: {  	_ =	shalt  }
0x5b: {  	_ =	shalt  }
0x5c: {  	_ =	shalt  }
0x5d: {  	_ =	shalt  }
0x5e: {  	_ =	shalt  }
0x5f: {  	_ =	shalt  }
0x60: {  	_ =	shalt  }
0x61: {  	_ =	shalt  }
0x62: {  	_ =	shalt  }
0x63: {  	_ =	shalt  }
0x64: {  	_ =	shalt  }
0x65: {  	_ =	shalt  }
0x66: {  	_ =	shalt  }
0x67: {  	_ =	shalt  }
0x68: {  	_ =	shalt  }
0x69: {  	_ =	shalt  }
0x6a: {  	_ =	shalt  }
0x6b: {  	_ =	shalt  }
0x6c: {  	_ =	shalt  }
0x6d: {  	_ =	shalt  }
0x6e: {  	_ =	shalt  }
0x6f: {  	_ =	shalt  }
0x70: {  	_ =	shalt  }
0x71: {  	_ =	shalt  }
0x72: {  	_ =	shalt  }
0x73: {  	_ =	shalt  }
0x74: {  	_ =	shalt  }
0x75: {  	_ =	shalt  }
0x76: {  	_ =	shalt  }
0x77: {  	_ =	shalt  }
0x78: {  	_ =	shalt  }
0x79: {  	_ =	shalt  }
0x7a: {  	_ =	shalt  }
0x7b: {  	_ =	shalt  }
0x7c: {  	_ =	shalt  }
0x7d: {  	_ =	shalt  }
0x7e: {  	_ =	shalt  }
0x7f: {  	_ =	shalt  }
0x80: {  	_ =	shalt  }
0x81: {  	_ =	shalt  }
0x82: {  	_ =	shalt  }
0x83: {  	_ =	shalt  }
0x84: {  	_ =	shalt  }
0x85: {  	_ =	shalt  }
0x86: {  	_ =	shalt  }
0x87: {  	_ =	shalt  }
.Lfunc_end0:
.L_simem_size_0:
called_computation.2_lowered:
.L_overlay_start_0:
0x88: {  	s2 =	sld [smem:$0x3FD9]  }
0x89: {  	s3 =	sld [smem:$0x3FFE];
	_ =	sdelay $0x1  }
0x8a: {  	s1 =	srdreg.scid  }
0x8b: {  	s0 =	sand.u32 $0x1, s1  }
0x8c: {  	s16 =	sshll.u32 s0, $0xA;
	s2 =	sadd.s32 s3, s2  }
0x8d: {  	s2 =	sadd.s32 s2, s16  }
0x8e: {  	[smem:$0x3FC1] =	sst s2  }
0x8f: {  	_ = 	snop  }
0x90: {  	(tm) =	ssettm $0x1  }
0x91: {  	s17 =	sld [smem:$0x3FFB];
	_ =	sdelay $0x3  }
0x92: {  	_ =	strace s17  }
0x93: {  	s2 =	sld [smem:$0x3FFC];
	_ =	sdelay $0x3  }
0x94: {  	_ =	strace s2  }
0x95: {  	s2 =	sld [smem:$0x3FFD];
	_ =	sdelay $0x3  }
0x96: {  	_ =	strace s2  }
0x97: {  	_ =	strace $0x8FFFFFFF  }
0x98: {  	s18 =	sld [smem:$0x3FDB];
	_ =	sdelay $0x1  }
0x99: {  	s19 =	simm.s32 $_scs_section_size  }
0x9a: {  	s4 =	simm.s32 $_size__tile_overlayer_lowered;
	s5 =	simm.s32 $_tile_overlayer_lowered  }
0x9b: {  	s22 =	simm.s32 $0x1BFF;
	s21 =	sshll.u32 s5, $0x1;
	s2 =	sadd.s32 s19, s18  }
0x9c: {  	s6 =	simm.s32 $0x0;
	s20 =	sshll.u32 s4, $0x1;
	s4 =	sadd.s32 s21, s2  }
0x9d: {  	[timem:s6], [sflag:s22] =	dma.local [hbm:s4], s20  }
0x9e: {  	_ =	swait.ge [sflag:s22], s20  }
0x9f: {  	s3 =	ssub.s32 $0x0, s20;
	[sflag:s22] =	ssyncset.done $0x0  }
0xa0: {  	[sflag:s22] =	ssyncadd.s32 s3;
	_ =	sdelay $0x1  }
0xa1: {  	s23 =	simm.s32 $0x1B8B  }
0xa2: {  	_ =	swait.ge [sflag:s23], $0x1  }
0xa3: {  	[sflag:s23] =	ssyncset.done $0x0  }
0xa4: {  	s25 =	simm.s32 $0x1B8E;
	s24 =	sld [smem:$0x3FFE];
	[sflag:s23] =	ssyncadd.s32 $0xFFFFFFFF  }
0xa5: {  	s26 =	simm.s32 $execute0_lowered;
	[smem:$0x3FD2] =	sst s25  }
0xa6: {  	s4 =	sshll.u32 s26, $0x1;
	_ =	strace $0x8000004C;
	[dreg:$0x1] =	wrdreg $0xFFFFFFFF  }
0xa7: {  	s28 =	simm.s32 $_size_execute0_lowered;
	s2 =	sadd.s32 s2, s4;
	[dreg:$0x0] =	wrdreg $0x0  }
0xa8: {  	s4 =	sshll.u32 s28, $0x1;
	[dreg:$0x2] =	wrdreg s2  }
0xa9: {  	[dreg:$0x3] =	wrdreg s4  }
0xaa: {  	[dreg:$0x4] =	wrdreg $0xC0  }
0xab: {  	_ =	task [dreg:s6], $0x5FFFF  }
0xac: {  	[dreg:$0x1] =	wrdreg $0xFFFFFFFF  }
0xad: {  	[dreg:$0x0] =	wrdreg $0x60  }
0xae: {  	[dreg:$0x2] =	wrdreg s24  }
0xaf: {  	[dreg:$0x3] =	wrdreg $0x178000  }
0xb0: {  	[dreg:$0x4] =	wrdreg $0x9  }
0xb1: {  	_ =	task.clear_ibuf [dreg:s6], $0x5FFFF;
	_ =	strace $0x9000004C  }
0xb2: {  	s29 =	simm.s32 $0x9;
	_ =	strace $0x8000004E  }
0xb3: {  	_ =	swait.ge [sflag:s29], $0x1  }
0xb4: {  	[sflag:s29] =	ssyncadd.s32 $0xFFFFFFFF  }
0xb5: {  	_ =	strace $0x9000004E  }
0xb6: {  	_ =	sfence  }
0xb7: {  	s30 =	sld [smem:$0x0];
	_ =	sdelay $0x2  }
0xb8: {  	s31 =	sshll.u32 s1, $0xD;
	s1 =	sshrl.u32 s1, $0x2  }
0xb9: {  	s3 =	sand.u32 $0x4000, s31;
	s1 =	sadd.s32 s1, s30  }
0xba: {  	s0 =	sor.u32 s3, s0;
	s1 =	sshll.u32 s1, $0x11  }
0xbb: {  	s0 =	sor.u32 s1, s0  }
0xbc: {  	s0 =	sadd.s32 $0x8F2B, s0  }
0xbd: {  	[sflag:s0] =	ssyncadd.remote.s32 $0x1  }
0xbe: {  	_ =	sfence.sel $0xFFFF  }
0xbf: {  	[dreg:$0x0] =	wrdreg $0xFFFFFFFF;
	(pc) =	sbr.abs _section_cstart, $3  }
0xc0: {  	[dreg:$0x1] =	wrdreg $0xFFFFFFFF  }
0xc1: {  	_ =	task.clear_ibuf [dreg:s6], $0x2FFFF;
	_ =	strace $0x9FFFFFFF  }
0xc2: {  	(tm) =	ssettm $0x7FFFFFFF  }
0xc3: {  	_ =	shalt  }
tec
execute0_lowered:
.L_overlay_start_1:
0x0: {  	(tag) =	ssettag $0x1  }
0x1: {  	s0 =	srdreg.scid;
	s5 =	rddreg [dreg:$0x0]  }
0x2: {  	s9 =	stileid.u32;
	s2 =	rddreg [dreg:$0x1]  }
0x3: {  	s3 =	simm.s32 $0x0;
	s13 =	simm.s32 $0x9;
	s15 =	simm.s32 $0x5000  }
0x4: {  	s16 =	simm.s32 $0x400;
	s17 =	simm.s32 $0x7800;
	s18 =	simm.s32 $0xB800  }
0x5: {  	s20 =	simm.s32 $0xF800;
	s21 =	simm.s32 $0x1;
	s23 =	simm.s32 $0x13800  }
0x6: {  	s24 =	simm.s32 $0x2;
	s29 =	simm.s32 $0x3;
	s31 =	simm.s32 $0x6  }
0x7: {  	s22 =	simm.s32 $0x7;
	s30 =	simm.s32 $0x8;
	s0 =	sand.u32 $0x1, s0  }
0x8: {  	s6 =	smul.u32 $0x2800, s9;
	[smem:$0x7FF] =	sst s3;
	s4 =	sadd.s32 $0x1A400, s5  }
0x9: {  	s28 =	sshll.u32 s9, $0x6;
	s1 =	sshll.u32 s0, $0x4;
	s7 =	smul.u32 $0x28000, s0  }
0xa: {  	_ =	strace $0x8000004D;
	s0 =	ssub.s32 $0x2, s0;
	s1 =	sor.u32 s9, s1  }
0xb: {  	s8 =	sshrl.u32 s6, $0x3;
	s26 =	sshrl.u32 s0, $0x1;
	s12 =	sadd.s32 s6, s2  }
0xc: {  	s1 =	smul.u32 $0x500, s1;
	s7 =	sadd.s32 s6, s7;
	s8 =	sadd.s32 s8, s5  }
0xd: {  	s0 =	ssub.s32 s0, s26;
	s6 =	sor.u32 $0x1C09, s28;
	s12 =	sshrl.u32 s12, $0x3  }
0xe: {  	s26 =	simm.s32 $0x5;
	s7 =	sshrl.u32 s7, $0x3;
	s11 =	smax.u32 s0, $0x1  }
0xf: {  	s0 =	simm.s32 $0x4;
	s1 =	sadd.s32 s1, s5;
	s10 =	sadd.s32 s7, s5  }
0x10: {  	s5 =	sadd.s32 $0x15400, s8;
	s7 =	sadd.s32 $0x24400, s1;
	s8 =	sadd.s32 $0x1400, s1  }
0x11: {  	s9 =	sadd.s32 $0xB400, s1;
	s10 =	sadd.s32 $0x2E400, s10;
	s1 =	simm.s32 $0x0  }
.LBB2_1:
0x12: {  	[spmem:s12], [sflag:s6] =	dma.local [hbm:s5], $0x500  }
0x13: {  	_ =	swait.ge [sflag:s13], $0x500  }
0x14: {  	[sflag:s13] =	ssyncset.done $0x0  }
0x15: {  	[sflag:s13] =	ssyncadd.s32 $0xFFFFFB00  }
0x16: {  	[tilespmem:s3], [sflag:$0x9] =	stream.linear.gather [hbm4b:s7+s3], $0x2800, $0x38;
	[tilespmem:$0x1A000] =	vst v63  }
0x17: {  	_ =	swait.ge [sflag:s13], $0x2800  }
0x18: {  	[sflag:s13] =	ssyncset.done $0x0  }
0x19: {  	s14 =	simm.s32 $0x2800;
	[sflag:s13] =	ssyncadd.s32 $0xFFFFD800  }
0x1a: {  	[tilespmem:s14], [sflag:$0x9] =	stream.linear.gather [hbm4b:s8+s3], $0x2800, $0x38;
	[tilespmem:$0x1A000] =	vst v63  }
0x1b: {  	_ =	swait.ge [sflag:s13], $0x2800  }
0x1c: {  	[sflag:s13] =	ssyncset.done $0x0  }
0x1d: {  	[sflag:s13] =	ssyncadd.s32 $0xFFFFD800  }
0x1e: {  	[tilespmem:s15], [sflag:$0x9] =	stream.linear.gather [hbm4b:s9+s3], $0x2800, $0x38;
	[tilespmem:$0x1A000] =	vst v63  }
0x1f: {  	_ =	swait.ge [sflag:s13], $0x2800  }
0x20: {  	[sflag:s13] =	ssyncset.done $0x0  }
0x21: {  	[sflag:s13] =	ssyncadd.s32 $0xFFFFD800  }
0x22: {  	[bflag:$0x0] =	sbarrier.arrive $0xFFFF  }
0x23: {  	v0 =	vmov s3;
	[tilespmem:s17], [sflag:$0x1] =	stream.indirect.gather [hbm4b:s4+s16], $0x10, s3, s16, $0xb8;
	[tilespmem:$0x1A000] =	vst v63  }
0x24: {  	v0 =	vand.u32 $0xFFFFFFFC, v0  }
0x25: {  	v0 =	vbroadcast v0, $0x0;
	[tilespmem:s18], [sflag:$0x2] =	stream.indirect.gather [hbm4b:s4+s16], $0x10, s16, s16, $0xb8;
	[tilespmem:$0x1A000] =	vst v63  }
0x26: {  	s25 =	simm.s32 $0x800  }
0x27: {  	[tilespmem:s20], [sflag:$0x3] =	stream.indirect.gather [hbm4b:s4+s16], $0x10, s25, s16, $0xb8;
	[tilespmem:$0x1A000] =	vst v63  }
0x28: {  	_ =	swait.ge [sflag:s21], $0x4000  }
0x29: {  	[sflag:s21] =	ssyncset.done $0x0  }
0x2a: {  	[sflag:s21] =	ssyncadd.s32 $0xFFFFC000  }
0x2b: {  	s19 =	simm.s32 $0x7820;
	s25 =	simm.s32 $0x1;
	v0 =	vld.idx.msk [tilespmem:v0+s15+$0x0], $0xffff  }
0x2c: {  	v2 =	vmov s25;
	v1 =	vld [tilespmem:s19+$0xFFFFFFE0]  }
0x2d: {  	v2 =	vand.u32 $0xFFFFFFFD, v2  }
0x2e: {  	v2 =	vbroadcast v2, $0x0;
	_ =	sdelay $0x2  }
0x2f: {  	v0 =	vmul.f32 v1, v0;
	_ =	sdelay $0x1  }
0x30: {  	s14 =	simm.s32 $0x2;
	v1 =	vld [tilespmem:s19+$0xFFFFFFF0];
	[tilespmem:s19+$0xFFFFFFE0] =	vst v0  }
0x31: {  	v0 =	vld.idx.msk [tilespmem:v2+s15+$0x0], $0xffff;
	v2 =	vmov s14  }
0x32: {  	v2 =	vand.u32 $0xFFFFFFFE, v2  }
0x33: {  	v2 =	vbroadcast v2, $0x0;
	_ =	sdelay $0x2  }
0x34: {  	v0 =	vmul.f32 v1, v0;
	_ =	sdelay $0x1  }
0x35: {  	v1 =	vld [tilespmem:s19+$0x0];
	[tilespmem:s19+$0xFFFFFFF0] =	vst v0  }
0x36: {  	v0 =	vld.idx.msk [tilespmem:v2+s15+$0x0], $0xffff;
	_ =	sdelay $0x1  }
0x37: {  	s14 =	simm.s32 $0x3  }
0x38: {  	v2 =	vmov s14;
	_ =	sdelay $0x1  }
0x39: {  	v0 =	vmul.f32 v1, v0;
	_ =	sdelay $0x1  }
0x3a: {  	s25 =	simm.s32 $0x4;
	v1 =	vld [tilespmem:s19+$0x10];
	[tilespmem:s19+$0x0] =	vst v0  }
0x3b: {  	s28 =	simm.s32 $0x8;
	v0 =	vld.idx.msk [tilespmem:v2+s15+$0x0], $0xffff;
	v2 =	vmov s25  }
.LBB2_2:
0x3c: {  	p0 =	sne.s32 s28, $0x3FC;
	v2 =	vand.u32 $0xFFFFFFFC, v2  }
0x3d: {  	v2 =	vbroadcast v2, $0x0;
	_ =	sdelay $0x2  }
0x3e: {  	v0 =	vmul.f32 v1, v0;
	_ =	sdelay $0x1  }
0x3f: {  	[tilespmem:s19+$0x10] =	vst v0  }
0x40: {  	s14 =	sadd.s32 $0x1, s25;
	s19 =	sadd.s32 $0x40, s19;
	v0 =	vld.idx.msk [tilespmem:v2+s15+$0x0], $0xffff  }
0x41: {  	v2 =	vmov s14;
	v1 =	vld [tilespmem:s19+$0xFFFFFFE0]  }
0x42: {  	v2 =	vand.u32 $0xFFFFFFFD, v2  }
0x43: {  	v2 =	vbroadcast v2, $0x0;
	_ =	sdelay $0x2  }
0x44: {  	v0 =	vmul.f32 v1, v0;
	_ =	sdelay $0x1  }
0x45: {  	[tilespmem:s19+$0xFFFFFFE0] =	vst v0  }
0x46: {  	s14 =	sadd.s32 $0x2, s25;
	v0 =	vld.idx.msk [tilespmem:v2+s15+$0x0], $0xffff  }
0x47: {  	v2 =	vmov s14;
	v1 =	vld [tilespmem:s19+$0xFFFFFFF0]  }
0x48: {  	v2 =	vand.u32 $0xFFFFFFFE, v2  }
0x49: {  	v2 =	vbroadcast v2, $0x0;
	_ =	sdelay $0x2  }
0x4a: {  	v0 =	vmul.f32 v1, v0;
	_ =	sdelay $0x1  }
0x4b: {  	[tilespmem:s19+$0xFFFFFFF0] =	vst v0  }
0x4c: {  	v0 =	vld.idx.msk [tilespmem:v2+s15+$0x0], $0xffff  }
0x4d: {  	v1 =	vld [tilespmem:s19+$0x0];
	_ =	sdelay $0x1  }
0x4e: {  	s14 =	sadd.s32 $0x3, s25;
	s25 =	smov.u32 s28  }
0x4f: {  	v2 =	vmov s14;
	_ =	sdelay $0x1  }
.Ltmp0:
0x50: {  	v0 =	vmul.f32 v1, v0;
	(pc) =	sbr.rel @p0 .LBB2_2-.Ltmp0, $4  }
0x51: {  	_ = 	snop  }
0x52: {  	[tilespmem:s19+$0x0] =	vst v0  }
0x53: {  	v0 =	vld.idx.msk [tilespmem:v2+s15+$0x0], $0xffff  }
0x54: {  	s28 =	sadd.s32 $0x4, s28;
	v2 =	vmov s25;
	v1 =	vld [tilespmem:s19+$0x10]  }
0x55: {  	v2 =	vand.u32 $0xFFFFFFFC, v2  }
0x56: {  	v2 =	vbroadcast v2, $0x0;
	_ =	sdelay $0x2  }
0x57: {  	v0 =	vmul.f32 v1, v0;
	_ =	sdelay $0x1  }
0x58: {  	[tilespmem:s19+$0x10] =	vst v0  }
0x59: {  	s14 =	sadd.s32 $0x1, s25;
	s19 =	sadd.s32 $0x40, s19;
	v0 =	vld.idx.msk [tilespmem:v2+s15+$0x0], $0xffff  }
0x5a: {  	v1 =	vld [tilespmem:s19+$0xFFFFFFE0];
	v2 =	vmov s14  }
0x5b: {  	v2 =	vand.u32 $0xFFFFFFFD, v2  }
0x5c: {  	v2 =	vbroadcast v2, $0x0;
	_ =	sdelay $0x2  }
0x5d: {  	v0 =	vmul.f32 v1, v0;
	_ =	sdelay $0x1  }
0x5e: {  	s14 =	sadd.s32 $0x2, s25;
	v1 =	vld [tilespmem:s19+$0xFFFFFFF0];
	[tilespmem:s19+$0xFFFFFFE0] =	vst v0  }
0x5f: {  	v0 =	vld.idx.msk [tilespmem:v2+s15+$0x0], $0xffff;
	v2 =	vmov s14  }
0x60: {  	v2 =	vand.u32 $0xFFFFFFFE, v2  }
0x61: {  	v2 =	vbroadcast v2, $0x0;
	_ =	sdelay $0x2  }
0x62: {  	v0 =	vmul.f32 v1, v0;
	_ =	sdelay $0x1  }
0x63: {  	v1 =	vld [tilespmem:s19+$0x0];
	[tilespmem:s19+$0xFFFFFFF0] =	vst v0  }
0x64: {  	v0 =	vld.idx.msk [tilespmem:v2+s15+$0x0], $0xffff;
	_ =	sdelay $0x1  }
0x65: {  	s25 =	sadd.s32 $0x3, s25  }
0x66: {  	v2 =	vmov s25;
	_ =	sdelay $0x1  }
0x67: {  	v0 =	vmul.f32 v1, v0;
	_ =	sdelay $0x1  }
0x68: {  	v1 =	vld [tilespmem:s19+$0x10];
	[tilespmem:s19+$0x0] =	vst v0  }
0x69: {  	v0 =	vld.idx.msk [tilespmem:v2+s15+$0x0], $0xffff;
	_ =	sdelay $0x3  }
0x6a: {  	s25 =	simm.s32 $0x0  }
0x6b: {  	v0 =	vmul.f32 v1, v0;
	v1 =	vmov s25  }
0x6c: {  	v1 =	vand.u32 $0x3FC, v1  }
0x6d: {  	s25 =	simm.s32 $0x2800;
	[tilespmem:s19+$0x10] =	vst v0;
	v0 =	vor.u32 $0x400, v1  }
0x6e: {  	[spmem:s2] =	stream.indirect.scatter.add.f32 [tilespmem:s17], [sflag:$0x5], $0x10, s25, s16, $0xb8;
	v0 =	vbroadcast v0, $0x0;
	[tilespmem:$0x1A000] =	vst v63  }
0x6f: {  	s19 =	simm.s32 $0xC00  }
0x70: {  	[tilespmem:s23], [sflag:$0x4] =	stream.indirect.gather [hbm4b:s4+s16], $0x10, s19, s16, $0xb8;
	[tilespmem:$0x1A000] =	vst v63  }
0x71: {  	_ =	swait.ge [sflag:s24], $0x4000  }
0x72: {  	[sflag:s24] =	ssyncset.done $0x0  }
0x73: {  	s25 =	simm.s32 $0x1;
	[sflag:s24] =	ssyncadd.s32 $0xFFFFC000  }
0x74: {  	v1 =	vmov s25;
	s19 =	simm.s32 $0xB820;
	v0 =	vld.idx.msk [tilespmem:v0+s15+$0x0], $0xffff  }
0x75: {  	v1 =	vand.u32 $0x3FD, v1;
	v2 =	vld [tilespmem:s19+$0xFFFFFFE0]  }
0x76: {  	v1 =	vor.u32 $0x400, v1  }
0x77: {  	v1 =	vbroadcast v1, $0x0;
	_ =	sdelay $0x2  }
0x78: {  	v0 =	vmul.f32 v2, v0;
	_ =	sdelay $0x1  }
0x79: {  	s25 =	simm.s32 $0x2;
	[tilespmem:s19+$0xFFFFFFE0] =	vst v0  }
0x7a: {  	v0 =	vld.idx.msk [tilespmem:v1+s15+$0x0], $0xffff;
	v1 =	vmov s25  }
0x7b: {  	v2 =	vld [tilespmem:s19+$0xFFFFFFF0];
	v1 =	vand.u32 $0x3FE, v1  }
0x7c: {  	v1 =	vor.u32 $0x400, v1  }
0x7d: {  	v1 =	vbroadcast v1, $0x0;
	_ =	sdelay $0x2  }
0x7e: {  	v0 =	vmul.f32 v2, v0;
	_ =	sdelay $0x1  }
0x7f: {  	s25 =	simm.s32 $0x3;
	[tilespmem:s19+$0xFFFFFFF0] =	vst v0  }
0x80: {  	v0 =	vld.idx.msk [tilespmem:v1+s15+$0x0], $0xffff;
	v1 =	vmov s25  }
0x81: {  	v2 =	vld [tilespmem:s19+$0x0];
	v1 =	vand.u32 $0x3FF, v1  }
0x82: {  	v1 =	vor.u32 $0x400, v1  }
0x83: {  	v3 =	vbroadcast v1, $0x0;
	_ =	sdelay $0x2  }
0x84: {  	v0 =	vmul.f32 v2, v0;
	_ =	sdelay $0x1  }
0x85: {  	s25 =	simm.s32 $0x4;
	[tilespmem:s19+$0x0] =	vst v0  }
0x86: {  	s28 =	simm.s32 $0x8;
	v1 =	vmov s25;
	v0 =	vld.idx.msk [tilespmem:v3+s15+$0x0], $0xffff  }
.LBB2_4:
0x87: {  	p0 =	sne.s32 s28, $0x3FC;
	v1 =	vand.u32 $0x3FC, v1;
	v2 =	vld [tilespmem:s19+$0x10]  }
0x88: {  	v1 =	vor.u32 $0x400, v1  }
0x89: {  	v1 =	vbroadcast v1, $0x0;
	_ =	sdelay $0x2  }
0x8a: {  	v0 =	vmul.f32 v2, v0;
	_ =	sdelay $0x1  }
0x8b: {  	s14 =	sadd.s32 $0x1, s25;
	[tilespmem:s19+$0x10] =	vst v0  }
0x8c: {  	s19 =	sadd.s32 $0x40, s19;
	v0 =	vld.idx.msk [tilespmem:v1+s15+$0x0], $0xffff;
	v1 =	vmov s14  }
0x8d: {  	v2 =	vld [tilespmem:s19+$0xFFFFFFE0];
	v1 =	vand.u32 $0x3FD, v1  }
0x8e: {  	v1 =	vor.u32 $0x400, v1  }
0x8f: {  	v1 =	vbroadcast v1, $0x0;
	_ =	sdelay $0x2  }
0x90: {  	v0 =	vmul.f32 v2, v0;
	_ =	sdelay $0x1  }
0x91: {  	s14 =	sadd.s32 $0x2, s25;
	[tilespmem:s19+$0xFFFFFFE0] =	vst v0  }
0x92: {  	v0 =	vld.idx.msk [tilespmem:v1+s15+$0x0], $0xffff;
	v1 =	vmov s14  }
0x93: {  	v2 =	vld [tilespmem:s19+$0xFFFFFFF0];
	v1 =	vand.u32 $0x3FE, v1  }
0x94: {  	v1 =	vor.u32 $0x400, v1  }
0x95: {  	v1 =	vbroadcast v1, $0x0;
	_ =	sdelay $0x2  }
0x96: {  	v0 =	vmul.f32 v2, v0;
	_ =	sdelay $0x1  }
0x97: {  	s14 =	sadd.s32 $0x3, s25;
	s25 =	smov.u32 s28;
	[tilespmem:s19+$0xFFFFFFF0] =	vst v0  }
0x98: {  	v0 =	vld.idx.msk [tilespmem:v1+s15+$0x0], $0xffff;
	v1 =	vmov s14  }
0x99: {  	v2 =	vld [tilespmem:s19+$0x0];
	v1 =	vand.u32 $0x3FF, v1  }
0x9a: {  	v1 =	vor.u32 $0x400, v1  }
0x9b: {  	v3 =	vbroadcast v1, $0x0;
	_ =	sdelay $0x1  }
.Ltmp1:
0x9c: {  	(pc) =	sbr.rel @p0 .LBB2_4-.Ltmp1, $3  }
0x9d: {  	v0 =	vmul.f32 v2, v0;
	_ =	sdelay $0x1  }
0x9e: {  	[tilespmem:s19+$0x0] =	vst v0  }
0x9f: {  	s28 =	sadd.s32 $0x4, s28;
	v1 =	vmov s25;
	v0 =	vld.idx.msk [tilespmem:v3+s15+$0x0], $0xffff  }
0xa0: {  	v1 =	vand.u32 $0x3FC, v1;
	v2 =	vld [tilespmem:s19+$0x10]  }
0xa1: {  	v1 =	vor.u32 $0x400, v1  }
0xa2: {  	v1 =	vbroadcast v1, $0x0;
	_ =	sdelay $0x2  }
0xa3: {  	v0 =	vmul.f32 v2, v0;
	_ =	sdelay $0x1  }
0xa4: {  	s14 =	sadd.s32 $0x1, s25;
	[tilespmem:s19+$0x10] =	vst v0  }
0xa5: {  	v0 =	vld.idx.msk [tilespmem:v1+s15+$0x0], $0xffff;
	v1 =	vmov s14;
	s14 =	sadd.s32 $0x40, s19  }
0xa6: {  	v2 =	vld [tilespmem:s14+$0xFFFFFFE0];
	v1 =	vand.u32 $0x3FD, v1  }
0xa7: {  	v1 =	vor.u32 $0x400, v1  }
0xa8: {  	v1 =	vbroadcast v1, $0x0;
	_ =	sdelay $0x2  }
0xa9: {  	v0 =	vmul.f32 v2, v0;
	_ =	sdelay $0x1  }
0xaa: {  	s19 =	sadd.s32 $0x2, s25;
	[tilespmem:s14+$0xFFFFFFE0] =	vst v0  }
0xab: {  	v0 =	vld.idx.msk [tilespmem:v1+s15+$0x0], $0xffff;
	v1 =	vmov s19  }
0xac: {  	v2 =	vld [tilespmem:s14+$0xFFFFFFF0];
	v1 =	vand.u32 $0x3FE, v1  }
0xad: {  	v1 =	vor.u32 $0x400, v1  }
0xae: {  	v1 =	vbroadcast v1, $0x0;
	_ =	sdelay $0x2  }
0xaf: {  	v0 =	vmul.f32 v2, v0;
	_ =	sdelay $0x1  }
0xb0: {  	s25 =	sadd.s32 $0x3, s25;
	[tilespmem:s14+$0xFFFFFFF0] =	vst v0  }
0xb1: {  	v0 =	vld.idx.msk [tilespmem:v1+s15+$0x0], $0xffff;
	v1 =	vmov s25  }
0xb2: {  	v2 =	vld [tilespmem:s14+$0x0];
	v1 =	vand.u32 $0x3FF, v1  }
0xb3: {  	v1 =	vor.u32 $0x400, v1  }
0xb4: {  	v1 =	vbroadcast v1, $0x0;
	_ =	sdelay $0x2  }
0xb5: {  	v0 =	vmul.f32 v2, v0;
	_ =	sdelay $0x1  }
0xb6: {  	[tilespmem:s14+$0x0] =	vst v0  }
0xb7: {  	v0 =	vld.idx.msk [tilespmem:v1+s15+$0x0], $0xffff  }
0xb8: {  	v1 =	vld [tilespmem:s14+$0x10];
	_ =	sdelay $0x4  }
0xb9: {  	v0 =	vmul.f32 v1, v0  }
0xba: {  	s25 =	simm.s32 $0x0  }
0xbb: {  	[tilespmem:s14+$0x10] =	vst v0;
	v0 =	vmov s25;
	s25 =	simm.s32 $0x2C00  }
0xbc: {  	[spmem:s2] =	stream.indirect.scatter.add.f32 [tilespmem:s18], [sflag:$0x6], $0x10, s25, s16, $0xb8;
	v0 =	vand.u32 $0x3FC, v0;
	[tilespmem:$0x1A000] =	vst v63  }
0xbd: {  	_ =	swait.ge [sflag:s26], $0x4000;
	v0 =	vor.u32 $0x800, v0  }
0xbe: {  	[sflag:s26] =	ssyncset.done $0x0;
	v0 =	vbroadcast v0, $0x0  }
0xbf: {  	s19 =	simm.s32 $0x1000;
	[sflag:s26] =	ssyncadd.s32 $0xFFFFC000  }
0xc0: {  	[tilespmem:s17], [sflag:$0x1] =	stream.indirect.gather [hbm4b:s4+s16], $0x10, s19, s16, $0xb8;
	[tilespmem:$0x1A000] =	vst v63  }
0xc1: {  	_ =	swait.ge [sflag:s29], $0x4000  }
0xc2: {  	[sflag:s29] =	ssyncset.done $0x0  }
0xc3: {  	s25 =	simm.s32 $0x1;
	[sflag:s29] =	ssyncadd.s32 $0xFFFFC000  }
0xc4: {  	v1 =	vmov s25;
	s19 =	simm.s32 $0xF820;
	v0 =	vld.idx.msk [tilespmem:v0+s15+$0x0], $0xffff  }
0xc5: {  	v1 =	vand.u32 $0x3FD, v1;
	v2 =	vld [tilespmem:s19+$0xFFFFFFE0]  }
0xc6: {  	v1 =	vor.u32 $0x800, v1  }
0xc7: {  	v1 =	vbroadcast v1, $0x0;
	_ =	sdelay $0x2  }
0xc8: {  	v0 =	vmul.f32 v2, v0;
	_ =	sdelay $0x1  }
0xc9: {  	s25 =	simm.s32 $0x2;
	[tilespmem:s19+$0xFFFFFFE0] =	vst v0  }
0xca: {  	v0 =	vld.idx.msk [tilespmem:v1+s15+$0x0], $0xffff;
	v1 =	vmov s25  }
0xcb: {  	v2 =	vld [tilespmem:s19+$0xFFFFFFF0];
	v1 =	vand.u32 $0x3FE, v1  }
0xcc: {  	v1 =	vor.u32 $0x800, v1  }
0xcd: {  	v1 =	vbroadcast v1, $0x0;
	_ =	sdelay $0x2  }
0xce: {  	v0 =	vmul.f32 v2, v0;
	_ =	sdelay $0x1  }
0xcf: {  	s25 =	simm.s32 $0x3;
	[tilespmem:s19+$0xFFFFFFF0] =	vst v0  }
0xd0: {  	v0 =	vld.idx.msk [tilespmem:v1+s15+$0x0], $0xffff;
	v1 =	vmov s25  }
0xd1: {  	v2 =	vld [tilespmem:s19+$0x0];
	v1 =	vand.u32 $0x3FF, v1  }
0xd2: {  	v1 =	vor.u32 $0x800, v1  }
0xd3: {  	v3 =	vbroadcast v1, $0x0;
	_ =	sdelay $0x2  }
0xd4: {  	v0 =	vmul.f32 v2, v0;
	_ =	sdelay $0x1  }
0xd5: {  	s25 =	simm.s32 $0x4;
	[tilespmem:s19+$0x0] =	vst v0  }
0xd6: {  	s28 =	simm.s32 $0x8;
	v1 =	vmov s25;
	v0 =	vld.idx.msk [tilespmem:v3+s15+$0x0], $0xffff  }
.LBB2_6:
0xd7: {  	p0 =	sne.s32 s28, $0x3FC;
	v1 =	vand.u32 $0x3FC, v1;
	v2 =	vld [tilespmem:s19+$0x10]  }
0xd8: {  	v1 =	vor.u32 $0x800, v1  }
0xd9: {  	v1 =	vbroadcast v1, $0x0;
	_ =	sdelay $0x2  }
0xda: {  	v0 =	vmul.f32 v2, v0;
	_ =	sdelay $0x1  }
0xdb: {  	s14 =	sadd.s32 $0x1, s25;
	[tilespmem:s19+$0x10] =	vst v0  }
0xdc: {  	s19 =	sadd.s32 $0x40, s19;
	v0 =	vld.idx.msk [tilespmem:v1+s15+$0x0], $0xffff;
	v1 =	vmov s14  }
0xdd: {  	v2 =	vld [tilespmem:s19+$0xFFFFFFE0];
	v1 =	vand.u32 $0x3FD, v1  }
0xde: {  	v1 =	vor.u32 $0x800, v1  }
0xdf: {  	v1 =	vbroadcast v1, $0x0;
	_ =	sdelay $0x2  }
0xe0: {  	v0 =	vmul.f32 v2, v0;
	_ =	sdelay $0x1  }
0xe1: {  	s14 =	sadd.s32 $0x2, s25;
	[tilespmem:s19+$0xFFFFFFE0] =	vst v0  }
0xe2: {  	v0 =	vld.idx.msk [tilespmem:v1+s15+$0x0], $0xffff;
	v1 =	vmov s14  }
0xe3: {  	v2 =	vld [tilespmem:s19+$0xFFFFFFF0];
	v1 =	vand.u32 $0x3FE, v1  }
0xe4: {  	v1 =	vor.u32 $0x800, v1  }
0xe5: {  	v1 =	vbroadcast v1, $0x0;
	_ =	sdelay $0x2  }
0xe6: {  	v0 =	vmul.f32 v2, v0;
	_ =	sdelay $0x1  }
0xe7: {  	s14 =	sadd.s32 $0x3, s25;
	s25 =	smov.u32 s28;
	[tilespmem:s19+$0xFFFFFFF0] =	vst v0  }
0xe8: {  	v0 =	vld.idx.msk [tilespmem:v1+s15+$0x0], $0xffff;
	v1 =	vmov s14  }
0xe9: {  	v2 =	vld [tilespmem:s19+$0x0];
	v1 =	vand.u32 $0x3FF, v1  }
0xea: {  	v1 =	vor.u32 $0x800, v1  }
0xeb: {  	v3 =	vbroadcast v1, $0x0;
	_ =	sdelay $0x1  }
.Ltmp2:
0xec: {  	(pc) =	sbr.rel @p0 .LBB2_6-.Ltmp2, $3  }
0xed: {  	v0 =	vmul.f32 v2, v0;
	_ =	sdelay $0x1  }
0xee: {  	[tilespmem:s19+$0x0] =	vst v0  }
0xef: {  	s28 =	sadd.s32 $0x4, s28;
	v1 =	vmov s25;
	v0 =	vld.idx.msk [tilespmem:v3+s15+$0x0], $0xffff  }
0xf0: {  	v1 =	vand.u32 $0x3FC, v1;
	v2 =	vld [tilespmem:s19+$0x10]  }
0xf1: {  	v1 =	vor.u32 $0x800, v1  }
0xf2: {  	v1 =	vbroadcast v1, $0x0;
	_ =	sdelay $0x2  }
0xf3: {  	v0 =	vmul.f32 v2, v0;
	_ =	sdelay $0x1  }
0xf4: {  	s14 =	sadd.s32 $0x1, s25;
	[tilespmem:s19+$0x10] =	vst v0  }
0xf5: {  	v0 =	vld.idx.msk [tilespmem:v1+s15+$0x0], $0xffff;
	v1 =	vmov s14;
	s14 =	sadd.s32 $0x40, s19  }
0xf6: {  	v2 =	vld [tilespmem:s14+$0xFFFFFFE0];
	v1 =	vand.u32 $0x3FD, v1  }
0xf7: {  	v1 =	vor.u32 $0x800, v1  }
0xf8: {  	v1 =	vbroadcast v1, $0x0;
	_ =	sdelay $0x2  }
0xf9: {  	v0 =	vmul.f32 v2, v0;
	_ =	sdelay $0x1  }
0xfa: {  	s19 =	sadd.s32 $0x2, s25;
	[tilespmem:s14+$0xFFFFFFE0] =	vst v0  }
0xfb: {  	v0 =	vld.idx.msk [tilespmem:v1+s15+$0x0], $0xffff;
	v1 =	vmov s19  }
0xfc: {  	v2 =	vld [tilespmem:s14+$0xFFFFFFF0];
	v1 =	vand.u32 $0x3FE, v1  }
0xfd: {  	v1 =	vor.u32 $0x800, v1  }
0xfe: {  	v1 =	vbroadcast v1, $0x0;
	_ =	sdelay $0x2  }
0xff: {  	v0 =	vmul.f32 v2, v0;
	_ =	sdelay $0x1  }
0x100: {  	s25 =	sadd.s32 $0x3, s25;
	[tilespmem:s14+$0xFFFFFFF0] =	vst v0  }
0x101: {  	v0 =	vld.idx.msk [tilespmem:v1+s15+$0x0], $0xffff;
	v1 =	vmov s25  }
0x102: {  	v2 =	vld [tilespmem:s14+$0x0];
	v1 =	vand.u32 $0x3FF, v1  }
0x103: {  	v1 =	vor.u32 $0x800, v1  }
0x104: {  	v1 =	vbroadcast v1, $0x0;
	_ =	sdelay $0x2  }
0x105: {  	v0 =	vmul.f32 v2, v0;
	_ =	sdelay $0x1  }
0x106: {  	[tilespmem:s14+$0x0] =	vst v0  }
0x107: {  	v0 =	vld.idx.msk [tilespmem:v1+s15+$0x0], $0xffff  }
0x108: {  	v1 =	vld [tilespmem:s14+$0x10];
	_ =	sdelay $0x4  }
0x109: {  	v0 =	vmul.f32 v1, v0  }
0x10a: {  	s25 =	simm.s32 $0x0  }
0x10b: {  	[tilespmem:s14+$0x10] =	vst v0;
	v0 =	vmov s25;
	s25 =	simm.s32 $0x3000  }
0x10c: {  	[spmem:s2] =	stream.indirect.scatter.add.f32 [tilespmem:s20], [sflag:$0x7], $0x10, s25, s16, $0xb8;
	v0 =	vand.u32 $0x3FC, v0;
	[tilespmem:$0x1A000] =	vst v63  }
0x10d: {  	_ =	swait.ge [sflag:s31], $0x4000;
	v0 =	vor.u32 $0xC00, v0  }
0x10e: {  	[sflag:s31] =	ssyncset.done $0x0;
	v0 =	vbroadcast v0, $0x0  }
0x10f: {  	s19 =	simm.s32 $0x1400;
	[sflag:s31] =	ssyncadd.s32 $0xFFFFC000  }
0x110: {  	[tilespmem:s18], [sflag:$0x2] =	stream.indirect.gather [hbm4b:s4+s16], $0x10, s19, s16, $0xb8;
	[tilespmem:$0x1A000] =	vst v63  }
0x111: {  	_ =	swait.ge [sflag:s0], $0x4000  }
0x112: {  	[sflag:s0] =	ssyncset.done $0x0  }
0x113: {  	s25 =	simm.s32 $0x1;
	[sflag:s0] =	ssyncadd.s32 $0xFFFFC000  }
0x114: {  	v1 =	vmov s25;
	s19 =	simm.s32 $0x13820;
	v0 =	vld.idx.msk [tilespmem:v0+s15+$0x0], $0xffff  }
0x115: {  	v1 =	vand.u32 $0x3FD, v1;
	v2 =	vld [tilespmem:s19+$0xFFFFFFE0]  }
0x116: {  	v1 =	vor.u32 $0xC00, v1  }
0x117: {  	v1 =	vbroadcast v1, $0x0;
	_ =	sdelay $0x2  }
0x118: {  	v0 =	vmul.f32 v2, v0;
	_ =	sdelay $0x1  }
0x119: {  	s25 =	simm.s32 $0x2;
	[tilespmem:s19+$0xFFFFFFE0] =	vst v0  }
0x11a: {  	v0 =	vld.idx.msk [tilespmem:v1+s15+$0x0], $0xffff;
	v1 =	vmov s25  }
0x11b: {  	v2 =	vld [tilespmem:s19+$0xFFFFFFF0];
	v1 =	vand.u32 $0x3FE, v1  }
0x11c: {  	v1 =	vor.u32 $0xC00, v1  }
0x11d: {  	v1 =	vbroadcast v1, $0x0;
	_ =	sdelay $0x2  }
0x11e: {  	v0 =	vmul.f32 v2, v0;
	_ =	sdelay $0x1  }
0x11f: {  	s25 =	simm.s32 $0x3;
	[tilespmem:s19+$0xFFFFFFF0] =	vst v0  }
0x120: {  	v0 =	vld.idx.msk [tilespmem:v1+s15+$0x0], $0xffff;
	v1 =	vmov s25  }
0x121: {  	v2 =	vld [tilespmem:s19+$0x0];
	v1 =	vand.u32 $0x3FF, v1  }
0x122: {  	v1 =	vor.u32 $0xC00, v1  }
0x123: {  	v3 =	vbroadcast v1, $0x0;
	_ =	sdelay $0x2  }
0x124: {  	v0 =	vmul.f32 v2, v0;
	_ =	sdelay $0x1  }
0x125: {  	s25 =	simm.s32 $0x4;
	[tilespmem:s19+$0x0] =	vst v0  }
0x126: {  	s28 =	simm.s32 $0x8;
	v1 =	vmov s25;
	v0 =	vld.idx.msk [tilespmem:v3+s15+$0x0], $0xffff  }
.LBB2_8:
0x127: {  	p0 =	sne.s32 s28, $0x3FC;
	v1 =	vand.u32 $0x3FC, v1;
	v2 =	vld [tilespmem:s19+$0x10]  }
0x128: {  	v1 =	vor.u32 $0xC00, v1  }
0x129: {  	v1 =	vbroadcast v1, $0x0;
	_ =	sdelay $0x2  }
0x12a: {  	v0 =	vmul.f32 v2, v0;
	_ =	sdelay $0x1  }
0x12b: {  	s14 =	sadd.s32 $0x1, s25;
	[tilespmem:s19+$0x10] =	vst v0  }
0x12c: {  	s19 =	sadd.s32 $0x40, s19;
	v0 =	vld.idx.msk [tilespmem:v1+s15+$0x0], $0xffff;
	v1 =	vmov s14  }
0x12d: {  	v2 =	vld [tilespmem:s19+$0xFFFFFFE0];
	v1 =	vand.u32 $0x3FD, v1  }
0x12e: {  	v1 =	vor.u32 $0xC00, v1  }
0x12f: {  	v1 =	vbroadcast v1, $0x0;
	_ =	sdelay $0x2  }
0x130: {  	v0 =	vmul.f32 v2, v0;
	_ =	sdelay $0x1  }
0x131: {  	s14 =	sadd.s32 $0x2, s25;
	[tilespmem:s19+$0xFFFFFFE0] =	vst v0  }
0x132: {  	v0 =	vld.idx.msk [tilespmem:v1+s15+$0x0], $0xffff;
	v1 =	vmov s14  }
0x133: {  	v2 =	vld [tilespmem:s19+$0xFFFFFFF0];
	v1 =	vand.u32 $0x3FE, v1  }
0x134: {  	v1 =	vor.u32 $0xC00, v1  }
0x135: {  	v1 =	vbroadcast v1, $0x0;
	_ =	sdelay $0x2  }
0x136: {  	v0 =	vmul.f32 v2, v0;
	_ =	sdelay $0x1  }
0x137: {  	s14 =	sadd.s32 $0x3, s25;
	s25 =	smov.u32 s28;
	[tilespmem:s19+$0xFFFFFFF0] =	vst v0  }
0x138: {  	v0 =	vld.idx.msk [tilespmem:v1+s15+$0x0], $0xffff;
	v1 =	vmov s14  }
0x139: {  	v2 =	vld [tilespmem:s19+$0x0];
	v1 =	vand.u32 $0x3FF, v1  }
0x13a: {  	v1 =	vor.u32 $0xC00, v1  }
0x13b: {  	v3 =	vbroadcast v1, $0x0;
	_ =	sdelay $0x1  }
.Ltmp3:
0x13c: {  	(pc) =	sbr.rel @p0 .LBB2_8-.Ltmp3, $3  }
0x13d: {  	v0 =	vmul.f32 v2, v0;
	_ =	sdelay $0x1  }
0x13e: {  	[tilespmem:s19+$0x0] =	vst v0  }
0x13f: {  	s28 =	sadd.s32 $0x4, s28;
	v1 =	vmov s25;
	v0 =	vld.idx.msk [tilespmem:v3+s15+$0x0], $0xffff  }
0x140: {  	v1 =	vand.u32 $0x3FC, v1;
	v2 =	vld [tilespmem:s19+$0x10]  }
0x141: {  	v1 =	vor.u32 $0xC00, v1  }
0x142: {  	v1 =	vbroadcast v1, $0x0;
	_ =	sdelay $0x2  }
0x143: {  	v0 =	vmul.f32 v2, v0;
	_ =	sdelay $0x1  }
0x144: {  	s14 =	sadd.s32 $0x1, s25;
	[tilespmem:s19+$0x10] =	vst v0  }
0x145: {  	v0 =	vld.idx.msk [tilespmem:v1+s15+$0x0], $0xffff;
	v1 =	vmov s14;
	s14 =	sadd.s32 $0x40, s19  }
0x146: {  	v2 =	vld [tilespmem:s14+$0xFFFFFFE0];
	v1 =	vand.u32 $0x3FD, v1  }
0x147: {  	v1 =	vor.u32 $0xC00, v1  }
0x148: {  	v1 =	vbroadcast v1, $0x0;
	_ =	sdelay $0x2  }
0x149: {  	v0 =	vmul.f32 v2, v0;
	_ =	sdelay $0x1  }
0x14a: {  	s19 =	sadd.s32 $0x2, s25;
	[tilespmem:s14+$0xFFFFFFE0] =	vst v0  }
0x14b: {  	v0 =	vld.idx.msk [tilespmem:v1+s15+$0x0], $0xffff;
	v1 =	vmov s19  }
0x14c: {  	v2 =	vld [tilespmem:s14+$0xFFFFFFF0];
	v1 =	vand.u32 $0x3FE, v1  }
0x14d: {  	v1 =	vor.u32 $0xC00, v1  }
0x14e: {  	v1 =	vbroadcast v1, $0x0;
	_ =	sdelay $0x2  }
0x14f: {  	v0 =	vmul.f32 v2, v0;
	_ =	sdelay $0x1  }
0x150: {  	s25 =	sadd.s32 $0x3, s25;
	[tilespmem:s14+$0xFFFFFFF0] =	vst v0  }
0x151: {  	v0 =	vld.idx.msk [tilespmem:v1+s15+$0x0], $0xffff;
	v1 =	vmov s25  }
0x152: {  	v2 =	vld [tilespmem:s14+$0x0];
	v1 =	vand.u32 $0x3FF, v1  }
0x153: {  	v1 =	vor.u32 $0xC00, v1  }
0x154: {  	v1 =	vbroadcast v1, $0x0;
	_ =	sdelay $0x2  }
0x155: {  	v0 =	vmul.f32 v2, v0;
	_ =	sdelay $0x1  }
0x156: {  	[tilespmem:s14+$0x0] =	vst v0  }
0x157: {  	v0 =	vld.idx.msk [tilespmem:v1+s15+$0x0], $0xffff  }
0x158: {  	v1 =	vld [tilespmem:s14+$0x10];
	_ =	sdelay $0x4  }
0x159: {  	v0 =	vmul.f32 v1, v0  }
0x15a: {  	s25 =	simm.s32 $0x0  }
0x15b: {  	[tilespmem:s14+$0x10] =	vst v0;
	v0 =	vmov s25;
	s25 =	simm.s32 $0x3400  }
0x15c: {  	[spmem:s2] =	stream.indirect.scatter.add.f32 [tilespmem:s23], [sflag:$0x8], $0x10, s25, s16, $0xb8;
	v0 =	vand.u32 $0x3FC, v0;
	[tilespmem:$0x1A000] =	vst v63  }
0x15d: {  	_ =	swait.ge [sflag:s22], $0x4000;
	v0 =	vor.u32 $0x1000, v0  }
0x15e: {  	[sflag:s22] =	ssyncset.done $0x0;
	v0 =	vbroadcast v0, $0x0  }
0x15f: {  	s19 =	simm.s32 $0x1800;
	[sflag:s22] =	ssyncadd.s32 $0xFFFFC000  }
0x160: {  	[tilespmem:s20], [sflag:$0x3] =	stream.indirect.gather [hbm4b:s4+s16], $0x10, s19, s16, $0xb8;
	[tilespmem:$0x1A000] =	vst v63  }
0x161: {  	_ =	swait.ge [sflag:s21], $0x4000  }
0x162: {  	[sflag:s21] =	ssyncset.done $0x0  }
0x163: {  	s25 =	simm.s32 $0x1;
	[sflag:s21] =	ssyncadd.s32 $0xFFFFC000  }
0x164: {  	v1 =	vmov s25;
	s19 =	simm.s32 $0x7820;
	v0 =	vld.idx.msk [tilespmem:v0+s15+$0x0], $0xffff  }
0x165: {  	v1 =	vand.u32 $0x3FD, v1;
	v2 =	vld [tilespmem:s19+$0xFFFFFFE0]  }
0x166: {  	v1 =	vor.u32 $0x1000, v1  }
0x167: {  	v1 =	vbroadcast v1, $0x0;
	_ =	sdelay $0x2  }
0x168: {  	v0 =	vmul.f32 v2, v0;
	_ =	sdelay $0x1  }
0x169: {  	s25 =	simm.s32 $0x2;
	[tilespmem:s19+$0xFFFFFFE0] =	vst v0  }
0x16a: {  	v0 =	vld.idx.msk [tilespmem:v1+s15+$0x0], $0xffff;
	v1 =	vmov s25  }
0x16b: {  	v2 =	vld [tilespmem:s19+$0xFFFFFFF0];
	v1 =	vand.u32 $0x3FE, v1  }
0x16c: {  	v1 =	vor.u32 $0x1000, v1  }
0x16d: {  	v1 =	vbroadcast v1, $0x0;
	_ =	sdelay $0x2  }
0x16e: {  	v0 =	vmul.f32 v2, v0;
	_ =	sdelay $0x1  }
0x16f: {  	s25 =	simm.s32 $0x3;
	[tilespmem:s19+$0xFFFFFFF0] =	vst v0  }
0x170: {  	v0 =	vld.idx.msk [tilespmem:v1+s15+$0x0], $0xffff;
	v1 =	vmov s25  }
0x171: {  	v2 =	vld [tilespmem:s19+$0x0];
	v1 =	vand.u32 $0x3FF, v1  }
0x172: {  	v1 =	vor.u32 $0x1000, v1  }
0x173: {  	v3 =	vbroadcast v1, $0x0;
	_ =	sdelay $0x2  }
0x174: {  	v0 =	vmul.f32 v2, v0;
	_ =	sdelay $0x1  }
0x175: {  	s25 =	simm.s32 $0x4;
	[tilespmem:s19+$0x0] =	vst v0  }
0x176: {  	s28 =	simm.s32 $0x8;
	v1 =	vmov s25;
	v0 =	vld.idx.msk [tilespmem:v3+s15+$0x0], $0xffff  }
.LBB2_10:
0x177: {  	p0 =	sne.s32 s28, $0x3FC;
	v1 =	vand.u32 $0x3FC, v1;
	v2 =	vld [tilespmem:s19+$0x10]  }
0x178: {  	v1 =	vor.u32 $0x1000, v1  }
0x179: {  	v1 =	vbroadcast v1, $0x0;
	_ =	sdelay $0x2  }
0x17a: {  	v0 =	vmul.f32 v2, v0;
	_ =	sdelay $0x1  }
0x17b: {  	s14 =	sadd.s32 $0x1, s25;
	[tilespmem:s19+$0x10] =	vst v0  }
0x17c: {  	s19 =	sadd.s32 $0x40, s19;
	v0 =	vld.idx.msk [tilespmem:v1+s15+$0x0], $0xffff;
	v1 =	vmov s14  }
0x17d: {  	v2 =	vld [tilespmem:s19+$0xFFFFFFE0];
	v1 =	vand.u32 $0x3FD, v1  }
0x17e: {  	v1 =	vor.u32 $0x1000, v1  }
0x17f: {  	v1 =	vbroadcast v1, $0x0;
	_ =	sdelay $0x2  }
0x180: {  	v0 =	vmul.f32 v2, v0;
	_ =	sdelay $0x1  }
0x181: {  	s14 =	sadd.s32 $0x2, s25;
	[tilespmem:s19+$0xFFFFFFE0] =	vst v0  }
0x182: {  	v0 =	vld.idx.msk [tilespmem:v1+s15+$0x0], $0xffff;
	v1 =	vmov s14  }
0x183: {  	v2 =	vld [tilespmem:s19+$0xFFFFFFF0];
	v1 =	vand.u32 $0x3FE, v1  }
0x184: {  	v1 =	vor.u32 $0x1000, v1  }
0x185: {  	v1 =	vbroadcast v1, $0x0;
	_ =	sdelay $0x2  }
0x186: {  	v0 =	vmul.f32 v2, v0;
	_ =	sdelay $0x1  }
0x187: {  	s14 =	sadd.s32 $0x3, s25;
	s25 =	smov.u32 s28;
	[tilespmem:s19+$0xFFFFFFF0] =	vst v0  }
0x188: {  	v0 =	vld.idx.msk [tilespmem:v1+s15+$0x0], $0xffff;
	v1 =	vmov s14  }
0x189: {  	v2 =	vld [tilespmem:s19+$0x0];
	v1 =	vand.u32 $0x3FF, v1  }
0x18a: {  	v1 =	vor.u32 $0x1000, v1  }
0x18b: {  	v3 =	vbroadcast v1, $0x0;
	_ =	sdelay $0x1  }
.Ltmp4:
0x18c: {  	(pc) =	sbr.rel @p0 .LBB2_10-.Ltmp4, $3  }
0x18d: {  	v0 =	vmul.f32 v2, v0;
	_ =	sdelay $0x1  }
0x18e: {  	[tilespmem:s19+$0x0] =	vst v0  }
0x18f: {  	s28 =	sadd.s32 $0x4, s28;
	v1 =	vmov s25;
	v0 =	vld.idx.msk [tilespmem:v3+s15+$0x0], $0xffff  }
0x190: {  	v1 =	vand.u32 $0x3FC, v1;
	v2 =	vld [tilespmem:s19+$0x10]  }
0x191: {  	v1 =	vor.u32 $0x1000, v1  }
0x192: {  	v1 =	vbroadcast v1, $0x0;
	_ =	sdelay $0x2  }
0x193: {  	v0 =	vmul.f32 v2, v0;
	_ =	sdelay $0x1  }
0x194: {  	s14 =	sadd.s32 $0x1, s25;
	[tilespmem:s19+$0x10] =	vst v0  }
0x195: {  	v0 =	vld.idx.msk [tilespmem:v1+s15+$0x0], $0xffff;
	v1 =	vmov s14;
	s14 =	sadd.s32 $0x40, s19  }
0x196: {  	v2 =	vld [tilespmem:s14+$0xFFFFFFE0];
	v1 =	vand.u32 $0x3FD, v1  }
0x197: {  	v1 =	vor.u32 $0x1000, v1  }
0x198: {  	v1 =	vbroadcast v1, $0x0;
	_ =	sdelay $0x2  }
0x199: {  	v0 =	vmul.f32 v2, v0;
	_ =	sdelay $0x1  }
0x19a: {  	s19 =	sadd.s32 $0x2, s25;
	[tilespmem:s14+$0xFFFFFFE0] =	vst v0  }
0x19b: {  	v0 =	vld.idx.msk [tilespmem:v1+s15+$0x0], $0xffff;
	v1 =	vmov s19  }
0x19c: {  	v2 =	vld [tilespmem:s14+$0xFFFFFFF0];
	v1 =	vand.u32 $0x3FE, v1  }
0x19d: {  	v1 =	vor.u32 $0x1000, v1  }
0x19e: {  	v1 =	vbroadcast v1, $0x0;
	_ =	sdelay $0x2  }
0x19f: {  	v0 =	vmul.f32 v2, v0;
	_ =	sdelay $0x1  }
0x1a0: {  	s25 =	sadd.s32 $0x3, s25;
	[tilespmem:s14+$0xFFFFFFF0] =	vst v0  }
0x1a1: {  	v0 =	vld.idx.msk [tilespmem:v1+s15+$0x0], $0xffff;
	v1 =	vmov s25  }
0x1a2: {  	v2 =	vld [tilespmem:s14+$0x0];
	v1 =	vand.u32 $0x3FF, v1  }
0x1a3: {  	v1 =	vor.u32 $0x1000, v1  }
0x1a4: {  	v1 =	vbroadcast v1, $0x0;
	_ =	sdelay $0x2  }
0x1a5: {  	v0 =	vmul.f32 v2, v0;
	_ =	sdelay $0x1  }
0x1a6: {  	[tilespmem:s14+$0x0] =	vst v0  }
0x1a7: {  	v0 =	vld.idx.msk [tilespmem:v1+s15+$0x0], $0xffff  }
0x1a8: {  	v1 =	vld [tilespmem:s14+$0x10];
	_ =	sdelay $0x4  }
0x1a9: {  	v0 =	vmul.f32 v1, v0  }
0x1aa: {  	s25 =	simm.s32 $0x0  }
0x1ab: {  	[tilespmem:s14+$0x10] =	vst v0;
	v0 =	vmov s25;
	s25 =	simm.s32 $0x3800  }
0x1ac: {  	[spmem:s2] =	stream.indirect.scatter.add.f32 [tilespmem:s17], [sflag:$0x5], $0x10, s25, s16, $0xb8;
	v0 =	vand.u32 $0x3FC, v0;
	[tilespmem:$0x1A000] =	vst v63  }
0x1ad: {  	_ =	swait.ge [sflag:s30], $0x4000;
	v0 =	vor.u32 $0x1400, v0  }
0x1ae: {  	[sflag:s30] =	ssyncset.done $0x0;
	v0 =	vbroadcast v0, $0x0  }
0x1af: {  	s19 =	simm.s32 $0x1C00;
	[sflag:s30] =	ssyncadd.s32 $0xFFFFC000  }
0x1b0: {  	[tilespmem:s23], [sflag:$0x4] =	stream.indirect.gather [hbm4b:s4+s16], $0x10, s19, s16, $0xb8;
	[tilespmem:$0x1A000] =	vst v63  }
0x1b1: {  	_ =	swait.ge [sflag:s24], $0x4000  }
0x1b2: {  	[sflag:s24] =	ssyncset.done $0x0  }
0x1b3: {  	s25 =	simm.s32 $0x1;
	[sflag:s24] =	ssyncadd.s32 $0xFFFFC000  }
0x1b4: {  	v1 =	vmov s25;
	s19 =	simm.s32 $0xB820;
	v0 =	vld.idx.msk [tilespmem:v0+s15+$0x0], $0xffff  }
0x1b5: {  	v1 =	vand.u32 $0x3FD, v1;
	v2 =	vld [tilespmem:s19+$0xFFFFFFE0]  }
0x1b6: {  	v1 =	vor.u32 $0x1400, v1  }
0x1b7: {  	v1 =	vbroadcast v1, $0x0;
	_ =	sdelay $0x2  }
0x1b8: {  	v0 =	vmul.f32 v2, v0;
	_ =	sdelay $0x1  }
0x1b9: {  	s25 =	simm.s32 $0x2;
	[tilespmem:s19+$0xFFFFFFE0] =	vst v0  }
0x1ba: {  	v0 =	vld.idx.msk [tilespmem:v1+s15+$0x0], $0xffff;
	v1 =	vmov s25  }
0x1bb: {  	v2 =	vld [tilespmem:s19+$0xFFFFFFF0];
	v1 =	vand.u32 $0x3FE, v1  }
0x1bc: {  	v1 =	vor.u32 $0x1400, v1  }
0x1bd: {  	v1 =	vbroadcast v1, $0x0;
	_ =	sdelay $0x2  }
0x1be: {  	v0 =	vmul.f32 v2, v0;
	_ =	sdelay $0x1  }
0x1bf: {  	s25 =	simm.s32 $0x3;
	[tilespmem:s19+$0xFFFFFFF0] =	vst v0  }
0x1c0: {  	v0 =	vld.idx.msk [tilespmem:v1+s15+$0x0], $0xffff;
	v1 =	vmov s25  }
0x1c1: {  	v2 =	vld [tilespmem:s19+$0x0];
	v1 =	vand.u32 $0x3FF, v1  }
0x1c2: {  	v1 =	vor.u32 $0x1400, v1  }
0x1c3: {  	v3 =	vbroadcast v1, $0x0;
	_ =	sdelay $0x2  }
0x1c4: {  	v0 =	vmul.f32 v2, v0;
	_ =	sdelay $0x1  }
0x1c5: {  	s25 =	simm.s32 $0x4;
	[tilespmem:s19+$0x0] =	vst v0  }
0x1c6: {  	s28 =	simm.s32 $0x8;
	v1 =	vmov s25;
	v0 =	vld.idx.msk [tilespmem:v3+s15+$0x0], $0xffff  }
.LBB2_12:
0x1c7: {  	p0 =	sne.s32 s28, $0x3FC;
	v1 =	vand.u32 $0x3FC, v1;
	v2 =	vld [tilespmem:s19+$0x10]  }
0x1c8: {  	v1 =	vor.u32 $0x1400, v1  }
0x1c9: {  	v1 =	vbroadcast v1, $0x0;
	_ =	sdelay $0x2  }
0x1ca: {  	v0 =	vmul.f32 v2, v0;
	_ =	sdelay $0x1  }
0x1cb: {  	s14 =	sadd.s32 $0x1, s25;
	[tilespmem:s19+$0x10] =	vst v0  }
0x1cc: {  	s19 =	sadd.s32 $0x40, s19;
	v0 =	vld.idx.msk [tilespmem:v1+s15+$0x0], $0xffff;
	v1 =	vmov s14  }
0x1cd: {  	v2 =	vld [tilespmem:s19+$0xFFFFFFE0];
	v1 =	vand.u32 $0x3FD, v1  }
0x1ce: {  	v1 =	vor.u32 $0x1400, v1  }
0x1cf: {  	v1 =	vbroadcast v1, $0x0;
	_ =	sdelay $0x2  }
0x1d0: {  	v0 =	vmul.f32 v2, v0;
	_ =	sdelay $0x1  }
0x1d1: {  	s14 =	sadd.s32 $0x2, s25;
	[tilespmem:s19+$0xFFFFFFE0] =	vst v0  }
0x1d2: {  	v0 =	vld.idx.msk [tilespmem:v1+s15+$0x0], $0xffff;
	v1 =	vmov s14  }
0x1d3: {  	v2 =	vld [tilespmem:s19+$0xFFFFFFF0];
	v1 =	vand.u32 $0x3FE, v1  }
0x1d4: {  	v1 =	vor.u32 $0x1400, v1  }
0x1d5: {  	v1 =	vbroadcast v1, $0x0;
	_ =	sdelay $0x2  }
0x1d6: {  	v0 =	vmul.f32 v2, v0;
	_ =	sdelay $0x1  }
0x1d7: {  	s14 =	sadd.s32 $0x3, s25;
	s25 =	smov.u32 s28;
	[tilespmem:s19+$0xFFFFFFF0] =	vst v0  }
0x1d8: {  	v0 =	vld.idx.msk [tilespmem:v1+s15+$0x0], $0xffff;
	v1 =	vmov s14  }
0x1d9: {  	v2 =	vld [tilespmem:s19+$0x0];
	v1 =	vand.u32 $0x3FF, v1  }
0x1da: {  	v1 =	vor.u32 $0x1400, v1  }
0x1db: {  	v3 =	vbroadcast v1, $0x0;
	_ =	sdelay $0x1  }
.Ltmp5:
0x1dc: {  	(pc) =	sbr.rel @p0 .LBB2_12-.Ltmp5, $3  }
0x1dd: {  	v0 =	vmul.f32 v2, v0;
	_ =	sdelay $0x1  }
0x1de: {  	[tilespmem:s19+$0x0] =	vst v0  }
0x1df: {  	s28 =	sadd.s32 $0x4, s28;
	v1 =	vmov s25;
	v0 =	vld.idx.msk [tilespmem:v3+s15+$0x0], $0xffff  }
0x1e0: {  	v1 =	vand.u32 $0x3FC, v1;
	v2 =	vld [tilespmem:s19+$0x10]  }
0x1e1: {  	v1 =	vor.u32 $0x1400, v1  }
0x1e2: {  	v1 =	vbroadcast v1, $0x0;
	_ =	sdelay $0x2  }
0x1e3: {  	v0 =	vmul.f32 v2, v0;
	_ =	sdelay $0x1  }
0x1e4: {  	s14 =	sadd.s32 $0x1, s25;
	[tilespmem:s19+$0x10] =	vst v0  }
0x1e5: {  	v0 =	vld.idx.msk [tilespmem:v1+s15+$0x0], $0xffff;
	v1 =	vmov s14;
	s14 =	sadd.s32 $0x40, s19  }
0x1e6: {  	v2 =	vld [tilespmem:s14+$0xFFFFFFE0];
	v1 =	vand.u32 $0x3FD, v1  }
0x1e7: {  	v1 =	vor.u32 $0x1400, v1  }
0x1e8: {  	v1 =	vbroadcast v1, $0x0;
	_ =	sdelay $0x2  }
0x1e9: {  	v0 =	vmul.f32 v2, v0;
	_ =	sdelay $0x1  }
0x1ea: {  	s19 =	sadd.s32 $0x2, s25;
	[tilespmem:s14+$0xFFFFFFE0] =	vst v0  }
0x1eb: {  	v0 =	vld.idx.msk [tilespmem:v1+s15+$0x0], $0xffff;
	v1 =	vmov s19  }
0x1ec: {  	v2 =	vld [tilespmem:s14+$0xFFFFFFF0];
	v1 =	vand.u32 $0x3FE, v1  }
0x1ed: {  	v1 =	vor.u32 $0x1400, v1  }
0x1ee: {  	v1 =	vbroadcast v1, $0x0;
	_ =	sdelay $0x2  }
0x1ef: {  	v0 =	vmul.f32 v2, v0;
	_ =	sdelay $0x1  }
0x1f0: {  	s25 =	sadd.s32 $0x3, s25;
	[tilespmem:s14+$0xFFFFFFF0] =	vst v0  }
0x1f1: {  	v0 =	vld.idx.msk [tilespmem:v1+s15+$0x0], $0xffff;
	v1 =	vmov s25  }
0x1f2: {  	v2 =	vld [tilespmem:s14+$0x0];
	v1 =	vand.u32 $0x3FF, v1  }
0x1f3: {  	v1 =	vor.u32 $0x1400, v1  }
0x1f4: {  	v1 =	vbroadcast v1, $0x0;
	_ =	sdelay $0x2  }
0x1f5: {  	v0 =	vmul.f32 v2, v0;
	_ =	sdelay $0x1  }
0x1f6: {  	[tilespmem:s14+$0x0] =	vst v0  }
0x1f7: {  	v0 =	vld.idx.msk [tilespmem:v1+s15+$0x0], $0xffff  }
0x1f8: {  	v1 =	vld [tilespmem:s14+$0x10];
	_ =	sdelay $0x4  }
0x1f9: {  	v0 =	vmul.f32 v1, v0  }
0x1fa: {  	s25 =	simm.s32 $0x0  }
0x1fb: {  	[tilespmem:s14+$0x10] =	vst v0;
	v0 =	vmov s25;
	s25 =	simm.s32 $0x3C00  }
0x1fc: {  	[spmem:s2] =	stream.indirect.scatter.add.f32 [tilespmem:s18], [sflag:$0x6], $0x10, s25, s16, $0xb8;
	v0 =	vand.u32 $0x3FC, v0;
	[tilespmem:$0x1A000] =	vst v63  }
0x1fd: {  	_ =	swait.ge [sflag:s26], $0x4000;
	v0 =	vor.u32 $0x1800, v0  }
0x1fe: {  	[sflag:s26] =	ssyncset.done $0x0;
	v0 =	vbroadcast v0, $0x0  }
0x1ff: {  	s19 =	simm.s32 $0x2000;
	[sflag:s26] =	ssyncadd.s32 $0xFFFFC000  }
0x200: {  	[tilespmem:s17], [sflag:$0x1] =	stream.indirect.gather [hbm4b:s4+s16], $0x10, s19, s16, $0xb8;
	[tilespmem:$0x1A000] =	vst v63  }
0x201: {  	_ =	swait.ge [sflag:s29], $0x4000  }
0x202: {  	[sflag:s29] =	ssyncset.done $0x0  }
0x203: {  	s25 =	simm.s32 $0x1;
	[sflag:s29] =	ssyncadd.s32 $0xFFFFC000  }
0x204: {  	v1 =	vmov s25;
	s19 =	simm.s32 $0xF820;
	v0 =	vld.idx.msk [tilespmem:v0+s15+$0x0], $0xffff  }
0x205: {  	v1 =	vand.u32 $0x3FD, v1;
	v2 =	vld [tilespmem:s19+$0xFFFFFFE0]  }
0x206: {  	v1 =	vor.u32 $0x1800, v1  }
0x207: {  	v1 =	vbroadcast v1, $0x0;
	_ =	sdelay $0x2  }
0x208: {  	v0 =	vmul.f32 v2, v0;
	_ =	sdelay $0x1  }
0x209: {  	s25 =	simm.s32 $0x2;
	[tilespmem:s19+$0xFFFFFFE0] =	vst v0  }
0x20a: {  	v0 =	vld.idx.msk [tilespmem:v1+s15+$0x0], $0xffff;
	v1 =	vmov s25  }
0x20b: {  	v2 =	vld [tilespmem:s19+$0xFFFFFFF0];
	v1 =	vand.u32 $0x3FE, v1  }
0x20c: {  	v1 =	vor.u32 $0x1800, v1  }
0x20d: {  	v1 =	vbroadcast v1, $0x0;
	_ =	sdelay $0x2  }
0x20e: {  	v0 =	vmul.f32 v2, v0;
	_ =	sdelay $0x1  }
0x20f: {  	s25 =	simm.s32 $0x3;
	[tilespmem:s19+$0xFFFFFFF0] =	vst v0  }
0x210: {  	v0 =	vld.idx.msk [tilespmem:v1+s15+$0x0], $0xffff;
	v1 =	vmov s25  }
0x211: {  	v2 =	vld [tilespmem:s19+$0x0];
	v1 =	vand.u32 $0x3FF, v1  }
0x212: {  	v1 =	vor.u32 $0x1800, v1  }
0x213: {  	v3 =	vbroadcast v1, $0x0;
	_ =	sdelay $0x2  }
0x214: {  	v0 =	vmul.f32 v2, v0;
	_ =	sdelay $0x1  }
0x215: {  	s25 =	simm.s32 $0x4;
	[tilespmem:s19+$0x0] =	vst v0  }
0x216: {  	s28 =	simm.s32 $0x8;
	v1 =	vmov s25;
	v0 =	vld.idx.msk [tilespmem:v3+s15+$0x0], $0xffff  }
.LBB2_14:
0x217: {  	p0 =	sne.s32 s28, $0x3FC;
	v1 =	vand.u32 $0x3FC, v1;
	v2 =	vld [tilespmem:s19+$0x10]  }
0x218: {  	v1 =	vor.u32 $0x1800, v1  }
0x219: {  	v1 =	vbroadcast v1, $0x0;
	_ =	sdelay $0x2  }
0x21a: {  	v0 =	vmul.f32 v2, v0;
	_ =	sdelay $0x1  }
0x21b: {  	s14 =	sadd.s32 $0x1, s25;
	[tilespmem:s19+$0x10] =	vst v0  }
0x21c: {  	s19 =	sadd.s32 $0x40, s19;
	v0 =	vld.idx.msk [tilespmem:v1+s15+$0x0], $0xffff;
	v1 =	vmov s14  }
0x21d: {  	v2 =	vld [tilespmem:s19+$0xFFFFFFE0];
	v1 =	vand.u32 $0x3FD, v1  }
0x21e: {  	v1 =	vor.u32 $0x1800, v1  }
0x21f: {  	v1 =	vbroadcast v1, $0x0;
	_ =	sdelay $0x2  }
0x220: {  	v0 =	vmul.f32 v2, v0;
	_ =	sdelay $0x1  }
0x221: {  	s14 =	sadd.s32 $0x2, s25;
	[tilespmem:s19+$0xFFFFFFE0] =	vst v0  }
0x222: {  	v0 =	vld.idx.msk [tilespmem:v1+s15+$0x0], $0xffff;
	v1 =	vmov s14  }
0x223: {  	v2 =	vld [tilespmem:s19+$0xFFFFFFF0];
	v1 =	vand.u32 $0x3FE, v1  }
0x224: {  	v1 =	vor.u32 $0x1800, v1  }
0x225: {  	v1 =	vbroadcast v1, $0x0;
	_ =	sdelay $0x2  }
0x226: {  	v0 =	vmul.f32 v2, v0;
	_ =	sdelay $0x1  }
0x227: {  	s14 =	sadd.s32 $0x3, s25;
	s25 =	smov.u32 s28;
	[tilespmem:s19+$0xFFFFFFF0] =	vst v0  }
0x228: {  	v0 =	vld.idx.msk [tilespmem:v1+s15+$0x0], $0xffff;
	v1 =	vmov s14  }
0x229: {  	v2 =	vld [tilespmem:s19+$0x0];
	v1 =	vand.u32 $0x3FF, v1  }
0x22a: {  	v1 =	vor.u32 $0x1800, v1  }
0x22b: {  	v3 =	vbroadcast v1, $0x0;
	_ =	sdelay $0x1  }
.Ltmp6:
0x22c: {  	(pc) =	sbr.rel @p0 .LBB2_14-.Ltmp6, $3  }
0x22d: {  	v0 =	vmul.f32 v2, v0;
	_ =	sdelay $0x1  }
0x22e: {  	[tilespmem:s19+$0x0] =	vst v0  }
0x22f: {  	s28 =	sadd.s32 $0x4, s28;
	v1 =	vmov s25;
	v0 =	vld.idx.msk [tilespmem:v3+s15+$0x0], $0xffff  }
0x230: {  	v1 =	vand.u32 $0x3FC, v1;
	v2 =	vld [tilespmem:s19+$0x10]  }
0x231: {  	v1 =	vor.u32 $0x1800, v1  }
0x232: {  	v1 =	vbroadcast v1, $0x0;
	_ =	sdelay $0x2  }
0x233: {  	v0 =	vmul.f32 v2, v0;
	_ =	sdelay $0x1  }
0x234: {  	s14 =	sadd.s32 $0x1, s25;
	[tilespmem:s19+$0x10] =	vst v0  }
0x235: {  	v0 =	vld.idx.msk [tilespmem:v1+s15+$0x0], $0xffff;
	v1 =	vmov s14;
	s14 =	sadd.s32 $0x40, s19  }
0x236: {  	v2 =	vld [tilespmem:s14+$0xFFFFFFE0];
	v1 =	vand.u32 $0x3FD, v1  }
0x237: {  	v1 =	vor.u32 $0x1800, v1  }
0x238: {  	v1 =	vbroadcast v1, $0x0;
	_ =	sdelay $0x2  }
0x239: {  	v0 =	vmul.f32 v2, v0;
	_ =	sdelay $0x1  }
0x23a: {  	s19 =	sadd.s32 $0x2, s25;
	[tilespmem:s14+$0xFFFFFFE0] =	vst v0  }
0x23b: {  	v0 =	vld.idx.msk [tilespmem:v1+s15+$0x0], $0xffff;
	v1 =	vmov s19  }
0x23c: {  	v2 =	vld [tilespmem:s14+$0xFFFFFFF0];
	v1 =	vand.u32 $0x3FE, v1  }
0x23d: {  	v1 =	vor.u32 $0x1800, v1  }
0x23e: {  	v1 =	vbroadcast v1, $0x0;
	_ =	sdelay $0x2  }
0x23f: {  	v0 =	vmul.f32 v2, v0;
	_ =	sdelay $0x1  }
0x240: {  	s25 =	sadd.s32 $0x3, s25;
	[tilespmem:s14+$0xFFFFFFF0] =	vst v0  }
0x241: {  	v0 =	vld.idx.msk [tilespmem:v1+s15+$0x0], $0xffff;
	v1 =	vmov s25  }
0x242: {  	v2 =	vld [tilespmem:s14+$0x0];
	v1 =	vand.u32 $0x3FF, v1  }
0x243: {  	v1 =	vor.u32 $0x1800, v1  }
0x244: {  	v1 =	vbroadcast v1, $0x0;
	_ =	sdelay $0x2  }
0x245: {  	v0 =	vmul.f32 v2, v0;
	_ =	sdelay $0x1  }
0x246: {  	[tilespmem:s14+$0x0] =	vst v0  }
0x247: {  	v0 =	vld.idx.msk [tilespmem:v1+s15+$0x0], $0xffff  }
0x248: {  	v1 =	vld [tilespmem:s14+$0x10];
	_ =	sdelay $0x4  }
0x249: {  	v0 =	vmul.f32 v1, v0  }
0x24a: {  	s25 =	simm.s32 $0x0  }
0x24b: {  	[tilespmem:s14+$0x10] =	vst v0;
	v0 =	vmov s25;
	s25 =	simm.s32 $0x4000  }
0x24c: {  	[spmem:s2] =	stream.indirect.scatter.add.f32 [tilespmem:s20], [sflag:$0x7], $0x10, s25, s16, $0xb8;
	v0 =	vand.u32 $0x3FC, v0;
	[tilespmem:$0x1A000] =	vst v63  }
0x24d: {  	_ =	swait.ge [sflag:s31], $0x4000;
	v0 =	vor.u32 $0x1C00, v0  }
0x24e: {  	[sflag:s31] =	ssyncset.done $0x0;
	v0 =	vbroadcast v0, $0x0  }
0x24f: {  	s19 =	simm.s32 $0x2400;
	[sflag:s31] =	ssyncadd.s32 $0xFFFFC000  }
0x250: {  	[tilespmem:s18], [sflag:$0x2] =	stream.indirect.gather [hbm4b:s4+s16], $0x10, s19, s16, $0xb8;
	[tilespmem:$0x1A000] =	vst v63  }
0x251: {  	_ =	swait.ge [sflag:s0], $0x4000  }
0x252: {  	[sflag:s0] =	ssyncset.done $0x0  }
0x253: {  	s25 =	simm.s32 $0x1;
	[sflag:s0] =	ssyncadd.s32 $0xFFFFC000  }
0x254: {  	v1 =	vmov s25;
	s19 =	simm.s32 $0x13820;
	v0 =	vld.idx.msk [tilespmem:v0+s15+$0x0], $0xffff  }
0x255: {  	v1 =	vand.u32 $0x3FD, v1;
	v2 =	vld [tilespmem:s19+$0xFFFFFFE0]  }
0x256: {  	v1 =	vor.u32 $0x1C00, v1  }
0x257: {  	v1 =	vbroadcast v1, $0x0;
	_ =	sdelay $0x2  }
0x258: {  	v0 =	vmul.f32 v2, v0;
	_ =	sdelay $0x1  }
0x259: {  	s25 =	simm.s32 $0x2;
	[tilespmem:s19+$0xFFFFFFE0] =	vst v0  }
0x25a: {  	v0 =	vld.idx.msk [tilespmem:v1+s15+$0x0], $0xffff;
	v1 =	vmov s25  }
0x25b: {  	v2 =	vld [tilespmem:s19+$0xFFFFFFF0];
	v1 =	vand.u32 $0x3FE, v1  }
0x25c: {  	v1 =	vor.u32 $0x1C00, v1  }
0x25d: {  	v1 =	vbroadcast v1, $0x0;
	_ =	sdelay $0x2  }
0x25e: {  	v0 =	vmul.f32 v2, v0;
	_ =	sdelay $0x1  }
0x25f: {  	s25 =	simm.s32 $0x3;
	[tilespmem:s19+$0xFFFFFFF0] =	vst v0  }
0x260: {  	v0 =	vld.idx.msk [tilespmem:v1+s15+$0x0], $0xffff;
	v1 =	vmov s25  }
0x261: {  	v2 =	vld [tilespmem:s19+$0x0];
	v1 =	vand.u32 $0x3FF, v1  }
0x262: {  	v1 =	vor.u32 $0x1C00, v1  }
0x263: {  	v3 =	vbroadcast v1, $0x0;
	_ =	sdelay $0x2  }
0x264: {  	v0 =	vmul.f32 v2, v0;
	_ =	sdelay $0x1  }
0x265: {  	s25 =	simm.s32 $0x4;
	[tilespmem:s19+$0x0] =	vst v0  }
0x266: {  	s28 =	simm.s32 $0x8;
	v1 =	vmov s25;
	v0 =	vld.idx.msk [tilespmem:v3+s15+$0x0], $0xffff  }
.LBB2_16:
0x267: {  	p0 =	sne.s32 s28, $0x3FC;
	v1 =	vand.u32 $0x3FC, v1;
	v2 =	vld [tilespmem:s19+$0x10]  }
0x268: {  	v1 =	vor.u32 $0x1C00, v1  }
0x269: {  	v1 =	vbroadcast v1, $0x0;
	_ =	sdelay $0x2  }
0x26a: {  	v0 =	vmul.f32 v2, v0;
	_ =	sdelay $0x1  }
0x26b: {  	s14 =	sadd.s32 $0x1, s25;
	[tilespmem:s19+$0x10] =	vst v0  }
0x26c: {  	s19 =	sadd.s32 $0x40, s19;
	v0 =	vld.idx.msk [tilespmem:v1+s15+$0x0], $0xffff;
	v1 =	vmov s14  }
0x26d: {  	v2 =	vld [tilespmem:s19+$0xFFFFFFE0];
	v1 =	vand.u32 $0x3FD, v1  }
0x26e: {  	v1 =	vor.u32 $0x1C00, v1  }
0x26f: {  	v1 =	vbroadcast v1, $0x0;
	_ =	sdelay $0x2  }
0x270: {  	v0 =	vmul.f32 v2, v0;
	_ =	sdelay $0x1  }
0x271: {  	s14 =	sadd.s32 $0x2, s25;
	[tilespmem:s19+$0xFFFFFFE0] =	vst v0  }
0x272: {  	v0 =	vld.idx.msk [tilespmem:v1+s15+$0x0], $0xffff;
	v1 =	vmov s14  }
0x273: {  	v2 =	vld [tilespmem:s19+$0xFFFFFFF0];
	v1 =	vand.u32 $0x3FE, v1  }
0x274: {  	v1 =	vor.u32 $0x1C00, v1  }
0x275: {  	v1 =	vbroadcast v1, $0x0;
	_ =	sdelay $0x2  }
0x276: {  	v0 =	vmul.f32 v2, v0;
	_ =	sdelay $0x1  }
0x277: {  	s14 =	sadd.s32 $0x3, s25;
	s25 =	smov.u32 s28;
	[tilespmem:s19+$0xFFFFFFF0] =	vst v0  }
0x278: {  	v0 =	vld.idx.msk [tilespmem:v1+s15+$0x0], $0xffff;
	v1 =	vmov s14  }
0x279: {  	v2 =	vld [tilespmem:s19+$0x0];
	v1 =	vand.u32 $0x3FF, v1  }
0x27a: {  	v1 =	vor.u32 $0x1C00, v1  }
0x27b: {  	v3 =	vbroadcast v1, $0x0;
	_ =	sdelay $0x1  }
.Ltmp7:
0x27c: {  	(pc) =	sbr.rel @p0 .LBB2_16-.Ltmp7, $3  }
0x27d: {  	v0 =	vmul.f32 v2, v0;
	_ =	sdelay $0x1  }
0x27e: {  	[tilespmem:s19+$0x0] =	vst v0  }
0x27f: {  	s28 =	sadd.s32 $0x4, s28;
	v1 =	vmov s25;
	v0 =	vld.idx.msk [tilespmem:v3+s15+$0x0], $0xffff  }
0x280: {  	v1 =	vand.u32 $0x3FC, v1;
	v2 =	vld [tilespmem:s19+$0x10]  }
0x281: {  	v1 =	vor.u32 $0x1C00, v1  }
0x282: {  	v1 =	vbroadcast v1, $0x0;
	_ =	sdelay $0x2  }
0x283: {  	v0 =	vmul.f32 v2, v0;
	_ =	sdelay $0x1  }
0x284: {  	s14 =	sadd.s32 $0x1, s25;
	[tilespmem:s19+$0x10] =	vst v0  }
0x285: {  	v0 =	vld.idx.msk [tilespmem:v1+s15+$0x0], $0xffff;
	v1 =	vmov s14;
	s14 =	sadd.s32 $0x40, s19  }
0x286: {  	v2 =	vld [tilespmem:s14+$0xFFFFFFE0];
	v1 =	vand.u32 $0x3FD, v1  }
0x287: {  	v1 =	vor.u32 $0x1C00, v1  }
0x288: {  	v1 =	vbroadcast v1, $0x0;
	_ =	sdelay $0x2  }
0x289: {  	v0 =	vmul.f32 v2, v0;
	_ =	sdelay $0x1  }
0x28a: {  	s19 =	sadd.s32 $0x2, s25;
	[tilespmem:s14+$0xFFFFFFE0] =	vst v0  }
0x28b: {  	v0 =	vld.idx.msk [tilespmem:v1+s15+$0x0], $0xffff;
	v1 =	vmov s19  }
0x28c: {  	v2 =	vld [tilespmem:s14+$0xFFFFFFF0];
	v1 =	vand.u32 $0x3FE, v1  }
0x28d: {  	v1 =	vor.u32 $0x1C00, v1  }
0x28e: {  	v1 =	vbroadcast v1, $0x0;
	_ =	sdelay $0x2  }
0x28f: {  	v0 =	vmul.f32 v2, v0;
	_ =	sdelay $0x1  }
0x290: {  	s25 =	sadd.s32 $0x3, s25;
	[tilespmem:s14+$0xFFFFFFF0] =	vst v0  }
0x291: {  	v0 =	vld.idx.msk [tilespmem:v1+s15+$0x0], $0xffff;
	v1 =	vmov s25  }
0x292: {  	v2 =	vld [tilespmem:s14+$0x0];
	v1 =	vand.u32 $0x3FF, v1  }
0x293: {  	v1 =	vor.u32 $0x1C00, v1  }
0x294: {  	v1 =	vbroadcast v1, $0x0;
	_ =	sdelay $0x2  }
0x295: {  	v0 =	vmul.f32 v2, v0;
	_ =	sdelay $0x1  }
0x296: {  	[tilespmem:s14+$0x0] =	vst v0  }
0x297: {  	v0 =	vld.idx.msk [tilespmem:v1+s15+$0x0], $0xffff  }
0x298: {  	v1 =	vld [tilespmem:s14+$0x10];
	_ =	sdelay $0x1  }
0x299: {  	s25 =	simm.s32 $0x0  }
0x29a: {  	v2 =	vmov s25  }
0x29b: {  	v2 =	vand.u32 $0x3FC, v2  }
0x29c: {  	v0 =	vmul.f32 v1, v0;
	v1 =	vor.u32 $0x2000, v2  }
0x29d: {  	v1 =	vbroadcast v1, $0x0  }
0x29e: {  	s19 =	simm.s32 $0x4400;
	[tilespmem:s14+$0x10] =	vst v0  }
0x29f: {  	[spmem:s2] =	stream.indirect.scatter.add.f32 [tilespmem:s23], [sflag:$0x8], $0x10, s19, s16, $0xb8;
	[tilespmem:$0x1A000] =	vst v63  }
0x2a0: {  	_ =	swait.ge [sflag:s21], $0x4000  }
0x2a1: {  	[sflag:s21] =	ssyncset.done $0x0  }
0x2a2: {  	s25 =	simm.s32 $0x1;
	[sflag:s21] =	ssyncadd.s32 $0xFFFFC000  }
0x2a3: {  	s19 =	simm.s32 $0x7820;
	v0 =	vld.idx.msk [tilespmem:v1+s15+$0x0], $0xffff;
	v1 =	vmov s25  }
0x2a4: {  	v2 =	vld [tilespmem:s19+$0xFFFFFFE0];
	v1 =	vand.u32 $0x3FD, v1  }
0x2a5: {  	v1 =	vor.u32 $0x2000, v1  }
0x2a6: {  	v1 =	vbroadcast v1, $0x0;
	_ =	sdelay $0x2  }
0x2a7: {  	v0 =	vmul.f32 v2, v0;
	_ =	sdelay $0x1  }
0x2a8: {  	s25 =	simm.s32 $0x2;
	[tilespmem:s19+$0xFFFFFFE0] =	vst v0  }
0x2a9: {  	v0 =	vld.idx.msk [tilespmem:v1+s15+$0x0], $0xffff;
	v1 =	vmov s25  }
0x2aa: {  	v2 =	vld [tilespmem:s19+$0xFFFFFFF0];
	v1 =	vand.u32 $0x3FE, v1  }
0x2ab: {  	v1 =	vor.u32 $0x2000, v1  }
0x2ac: {  	v1 =	vbroadcast v1, $0x0;
	_ =	sdelay $0x2  }
0x2ad: {  	v0 =	vmul.f32 v2, v0;
	_ =	sdelay $0x1  }
0x2ae: {  	s25 =	simm.s32 $0x3;
	[tilespmem:s19+$0xFFFFFFF0] =	vst v0  }
0x2af: {  	v0 =	vld.idx.msk [tilespmem:v1+s15+$0x0], $0xffff;
	v1 =	vmov s25  }
0x2b0: {  	v2 =	vld [tilespmem:s19+$0x0];
	v1 =	vand.u32 $0x3FF, v1  }
0x2b1: {  	v1 =	vor.u32 $0x2000, v1  }
0x2b2: {  	v3 =	vbroadcast v1, $0x0;
	_ =	sdelay $0x2  }
0x2b3: {  	v0 =	vmul.f32 v2, v0;
	_ =	sdelay $0x1  }
0x2b4: {  	s25 =	simm.s32 $0x4;
	[tilespmem:s19+$0x0] =	vst v0  }
0x2b5: {  	s28 =	simm.s32 $0x8;
	v1 =	vmov s25;
	v0 =	vld.idx.msk [tilespmem:v3+s15+$0x0], $0xffff  }
.LBB2_18:
0x2b6: {  	p0 =	sne.s32 s28, $0x3FC;
	v1 =	vand.u32 $0x3FC, v1;
	v2 =	vld [tilespmem:s19+$0x10]  }
0x2b7: {  	v1 =	vor.u32 $0x2000, v1  }
0x2b8: {  	v1 =	vbroadcast v1, $0x0;
	_ =	sdelay $0x2  }
0x2b9: {  	v0 =	vmul.f32 v2, v0;
	_ =	sdelay $0x1  }
0x2ba: {  	s14 =	sadd.s32 $0x1, s25;
	[tilespmem:s19+$0x10] =	vst v0  }
0x2bb: {  	s19 =	sadd.s32 $0x40, s19;
	v0 =	vld.idx.msk [tilespmem:v1+s15+$0x0], $0xffff;
	v1 =	vmov s14  }
0x2bc: {  	v2 =	vld [tilespmem:s19+$0xFFFFFFE0];
	v1 =	vand.u32 $0x3FD, v1  }
0x2bd: {  	v1 =	vor.u32 $0x2000, v1  }
0x2be: {  	v1 =	vbroadcast v1, $0x0;
	_ =	sdelay $0x2  }
0x2bf: {  	v0 =	vmul.f32 v2, v0;
	_ =	sdelay $0x1  }
0x2c0: {  	s14 =	sadd.s32 $0x2, s25;
	[tilespmem:s19+$0xFFFFFFE0] =	vst v0  }
0x2c1: {  	v0 =	vld.idx.msk [tilespmem:v1+s15+$0x0], $0xffff;
	v1 =	vmov s14  }
0x2c2: {  	v2 =	vld [tilespmem:s19+$0xFFFFFFF0];
	v1 =	vand.u32 $0x3FE, v1  }
0x2c3: {  	v1 =	vor.u32 $0x2000, v1  }
0x2c4: {  	v1 =	vbroadcast v1, $0x0;
	_ =	sdelay $0x2  }
0x2c5: {  	v0 =	vmul.f32 v2, v0;
	_ =	sdelay $0x1  }
0x2c6: {  	s14 =	sadd.s32 $0x3, s25;
	s25 =	smov.u32 s28;
	[tilespmem:s19+$0xFFFFFFF0] =	vst v0  }
0x2c7: {  	v0 =	vld.idx.msk [tilespmem:v1+s15+$0x0], $0xffff;
	v1 =	vmov s14  }
0x2c8: {  	v2 =	vld [tilespmem:s19+$0x0];
	v1 =	vand.u32 $0x3FF, v1  }
0x2c9: {  	v1 =	vor.u32 $0x2000, v1  }
0x2ca: {  	v3 =	vbroadcast v1, $0x0;
	_ =	sdelay $0x1  }
.Ltmp8:
0x2cb: {  	(pc) =	sbr.rel @p0 .LBB2_18-.Ltmp8, $3  }
0x2cc: {  	v0 =	vmul.f32 v2, v0;
	_ =	sdelay $0x1  }
0x2cd: {  	[tilespmem:s19+$0x0] =	vst v0  }
0x2ce: {  	s28 =	sadd.s32 $0x4, s28;
	v1 =	vmov s25;
	v0 =	vld.idx.msk [tilespmem:v3+s15+$0x0], $0xffff  }
0x2cf: {  	v1 =	vand.u32 $0x3FC, v1;
	v2 =	vld [tilespmem:s19+$0x10]  }
0x2d0: {  	v1 =	vor.u32 $0x2000, v1  }
0x2d1: {  	v1 =	vbroadcast v1, $0x0;
	_ =	sdelay $0x2  }
0x2d2: {  	v0 =	vmul.f32 v2, v0;
	_ =	sdelay $0x1  }
0x2d3: {  	s14 =	sadd.s32 $0x1, s25;
	[tilespmem:s19+$0x10] =	vst v0  }
0x2d4: {  	v0 =	vld.idx.msk [tilespmem:v1+s15+$0x0], $0xffff;
	v1 =	vmov s14;
	s14 =	sadd.s32 $0x40, s19  }
0x2d5: {  	v2 =	vld [tilespmem:s14+$0xFFFFFFE0];
	v1 =	vand.u32 $0x3FD, v1  }
0x2d6: {  	v1 =	vor.u32 $0x2000, v1  }
0x2d7: {  	v1 =	vbroadcast v1, $0x0;
	_ =	sdelay $0x2  }
0x2d8: {  	v0 =	vmul.f32 v2, v0;
	_ =	sdelay $0x1  }
0x2d9: {  	s19 =	sadd.s32 $0x2, s25;
	[tilespmem:s14+$0xFFFFFFE0] =	vst v0  }
0x2da: {  	v0 =	vld.idx.msk [tilespmem:v1+s15+$0x0], $0xffff;
	v1 =	vmov s19  }
0x2db: {  	v2 =	vld [tilespmem:s14+$0xFFFFFFF0];
	v1 =	vand.u32 $0x3FE, v1  }
0x2dc: {  	v1 =	vor.u32 $0x2000, v1  }
0x2dd: {  	v1 =	vbroadcast v1, $0x0;
	_ =	sdelay $0x2  }
0x2de: {  	v0 =	vmul.f32 v2, v0;
	_ =	sdelay $0x1  }
0x2df: {  	s25 =	sadd.s32 $0x3, s25;
	[tilespmem:s14+$0xFFFFFFF0] =	vst v0  }
0x2e0: {  	v0 =	vld.idx.msk [tilespmem:v1+s15+$0x0], $0xffff;
	v1 =	vmov s25  }
0x2e1: {  	v2 =	vld [tilespmem:s14+$0x0];
	v1 =	vand.u32 $0x3FF, v1  }
0x2e2: {  	v1 =	vor.u32 $0x2000, v1  }
0x2e3: {  	v1 =	vbroadcast v1, $0x0;
	_ =	sdelay $0x2  }
0x2e4: {  	v0 =	vmul.f32 v2, v0;
	_ =	sdelay $0x1  }
0x2e5: {  	[tilespmem:s14+$0x0] =	vst v0  }
0x2e6: {  	v0 =	vld.idx.msk [tilespmem:v1+s15+$0x0], $0xffff  }
0x2e7: {  	v1 =	vld [tilespmem:s14+$0x10];
	_ =	sdelay $0x1  }
0x2e8: {  	s25 =	simm.s32 $0x0  }
0x2e9: {  	v2 =	vmov s25  }
0x2ea: {  	v2 =	vand.u32 $0x3FC, v2  }
0x2eb: {  	v0 =	vmul.f32 v1, v0;
	v1 =	vor.u32 $0x2400, v2  }
0x2ec: {  	v1 =	vbroadcast v1, $0x0  }
0x2ed: {  	s19 =	simm.s32 $0x4800;
	[tilespmem:s14+$0x10] =	vst v0  }
0x2ee: {  	[spmem:s2] =	stream.indirect.scatter.add.f32 [tilespmem:s17], [sflag:$0x5], $0x10, s19, s16, $0xb8;
	[tilespmem:$0x1A000] =	vst v63  }
0x2ef: {  	_ =	swait.ge [sflag:s24], $0x4000  }
0x2f0: {  	[sflag:s24] =	ssyncset.done $0x0  }
0x2f1: {  	s25 =	simm.s32 $0x1;
	[sflag:s24] =	ssyncadd.s32 $0xFFFFC000  }
0x2f2: {  	s19 =	simm.s32 $0xB820;
	v0 =	vld.idx.msk [tilespmem:v1+s15+$0x0], $0xffff;
	v1 =	vmov s25  }
0x2f3: {  	v2 =	vld [tilespmem:s19+$0xFFFFFFE0];
	v1 =	vand.u32 $0x3FD, v1  }
0x2f4: {  	v1 =	vor.u32 $0x2400, v1  }
0x2f5: {  	v1 =	vbroadcast v1, $0x0;
	_ =	sdelay $0x2  }
0x2f6: {  	v0 =	vmul.f32 v2, v0;
	_ =	sdelay $0x1  }
0x2f7: {  	s25 =	simm.s32 $0x2;
	[tilespmem:s19+$0xFFFFFFE0] =	vst v0  }
0x2f8: {  	v0 =	vld.idx.msk [tilespmem:v1+s15+$0x0], $0xffff;
	v1 =	vmov s25  }
0x2f9: {  	v2 =	vld [tilespmem:s19+$0xFFFFFFF0];
	v1 =	vand.u32 $0x3FE, v1  }
0x2fa: {  	v1 =	vor.u32 $0x2400, v1  }
0x2fb: {  	v1 =	vbroadcast v1, $0x0;
	_ =	sdelay $0x2  }
0x2fc: {  	v0 =	vmul.f32 v2, v0;
	_ =	sdelay $0x1  }
0x2fd: {  	s25 =	simm.s32 $0x3;
	[tilespmem:s19+$0xFFFFFFF0] =	vst v0  }
0x2fe: {  	v0 =	vld.idx.msk [tilespmem:v1+s15+$0x0], $0xffff;
	v1 =	vmov s25  }
0x2ff: {  	v2 =	vld [tilespmem:s19+$0x0];
	v1 =	vand.u32 $0x3FF, v1  }
0x300: {  	v1 =	vor.u32 $0x2400, v1  }
0x301: {  	v3 =	vbroadcast v1, $0x0;
	_ =	sdelay $0x2  }
0x302: {  	v0 =	vmul.f32 v2, v0;
	_ =	sdelay $0x1  }
0x303: {  	s25 =	simm.s32 $0x4;
	[tilespmem:s19+$0x0] =	vst v0  }
0x304: {  	s28 =	simm.s32 $0x8;
	v1 =	vmov s25;
	v0 =	vld.idx.msk [tilespmem:v3+s15+$0x0], $0xffff  }
.LBB2_20:
0x305: {  	p0 =	sne.s32 s28, $0x3FC;
	v1 =	vand.u32 $0x3FC, v1;
	v2 =	vld [tilespmem:s19+$0x10]  }
0x306: {  	v1 =	vor.u32 $0x2400, v1  }
0x307: {  	v1 =	vbroadcast v1, $0x0;
	_ =	sdelay $0x2  }
0x308: {  	v0 =	vmul.f32 v2, v0;
	_ =	sdelay $0x1  }
0x309: {  	s14 =	sadd.s32 $0x1, s25;
	[tilespmem:s19+$0x10] =	vst v0  }
0x30a: {  	s19 =	sadd.s32 $0x40, s19;
	v0 =	vld.idx.msk [tilespmem:v1+s15+$0x0], $0xffff;
	v1 =	vmov s14  }
0x30b: {  	v2 =	vld [tilespmem:s19+$0xFFFFFFE0];
	v1 =	vand.u32 $0x3FD, v1  }
0x30c: {  	v1 =	vor.u32 $0x2400, v1  }
0x30d: {  	v1 =	vbroadcast v1, $0x0;
	_ =	sdelay $0x2  }
0x30e: {  	v0 =	vmul.f32 v2, v0;
	_ =	sdelay $0x1  }
0x30f: {  	s14 =	sadd.s32 $0x2, s25;
	[tilespmem:s19+$0xFFFFFFE0] =	vst v0  }
0x310: {  	v0 =	vld.idx.msk [tilespmem:v1+s15+$0x0], $0xffff;
	v1 =	vmov s14  }
0x311: {  	v2 =	vld [tilespmem:s19+$0xFFFFFFF0];
	v1 =	vand.u32 $0x3FE, v1  }
0x312: {  	v1 =	vor.u32 $0x2400, v1  }
0x313: {  	v1 =	vbroadcast v1, $0x0;
	_ =	sdelay $0x2  }
0x314: {  	v0 =	vmul.f32 v2, v0;
	_ =	sdelay $0x1  }
0x315: {  	s14 =	sadd.s32 $0x3, s25;
	s25 =	smov.u32 s28;
	[tilespmem:s19+$0xFFFFFFF0] =	vst v0  }
0x316: {  	v0 =	vld.idx.msk [tilespmem:v1+s15+$0x0], $0xffff;
	v1 =	vmov s14  }
0x317: {  	v2 =	vld [tilespmem:s19+$0x0];
	v1 =	vand.u32 $0x3FF, v1  }
0x318: {  	v1 =	vor.u32 $0x2400, v1  }
0x319: {  	v3 =	vbroadcast v1, $0x0;
	_ =	sdelay $0x1  }
.Ltmp9:
0x31a: {  	(pc) =	sbr.rel @p0 .LBB2_20-.Ltmp9, $3  }
0x31b: {  	v0 =	vmul.f32 v2, v0;
	_ =	sdelay $0x1  }
0x31c: {  	[tilespmem:s19+$0x0] =	vst v0  }
0x31d: {  	s28 =	sadd.s32 $0x4, s28;
	v1 =	vmov s25;
	v0 =	vld.idx.msk [tilespmem:v3+s15+$0x0], $0xffff  }
0x31e: {  	v1 =	vand.u32 $0x3FC, v1;
	v2 =	vld [tilespmem:s19+$0x10]  }
0x31f: {  	v1 =	vor.u32 $0x2400, v1  }
0x320: {  	v1 =	vbroadcast v1, $0x0;
	_ =	sdelay $0x2  }
0x321: {  	v0 =	vmul.f32 v2, v0;
	_ =	sdelay $0x1  }
0x322: {  	s14 =	sadd.s32 $0x1, s25;
	[tilespmem:s19+$0x10] =	vst v0  }
0x323: {  	v57 =	vmov s14;
	s14 =	sadd.s32 $0x40, s19;
	v0 =	vld.idx.msk [tilespmem:v1+s15+$0x0], $0xffff  }
0x324: {  	v58 =	vld [tilespmem:s14+$0xFFFFFFE0];
	v1 =	vand.u32 $0x3FD, v57  }
0x325: {  	v1 =	vor.u32 $0x2400, v1  }
0x326: {  	v1 =	vbroadcast v1, $0x0;
	_ =	sdelay $0x2  }
0x327: {  	v0 =	vmul.f32 v58, v0  }
0x328: {  	s28 =	sadd.s32 $0x2, s25  }
0x329: {  	v59 =	vmov s28;
	v60 =	vld [tilespmem:s14+$0xFFFFFFF0];
	[tilespmem:s14+$0xFFFFFFE0] =	vst v0  }
0x32a: {  	v0 =	vld.idx.msk [tilespmem:v1+s15+$0x0], $0xffff;
	v1 =	vand.u32 $0x3FE, v59  }
0x32b: {  	v1 =	vor.u32 $0x2400, v1  }
0x32c: {  	v1 =	vbroadcast v1, $0x0;
	_ =	sdelay $0x2  }
0x32d: {  	v0 =	vmul.f32 v60, v0  }
0x32e: {  	s25 =	sadd.s32 $0x3, s25  }
0x32f: {  	v61 =	vmov s25;
	v62 =	vld [tilespmem:s14+$0x0];
	[tilespmem:s14+$0xFFFFFFF0] =	vst v0  }
0x330: {  	v0 =	vld.idx.msk [tilespmem:v1+s15+$0x0], $0xffff;
	v1 =	vand.u32 $0x3FF, v61  }
0x331: {  	v1 =	vor.u32 $0x2400, v1  }
0x332: {  	v1 =	vbroadcast v1, $0x0;
	_ =	sdelay $0x2  }
0x333: {  	v0 =	vmul.f32 v62, v0;
	_ =	sdelay $0x1  }
0x334: {  	v63 =	vld [tilespmem:s14+$0x10];
	[tilespmem:s14+$0x0] =	vst v0  }
0x335: {  	v0 =	vld.idx.msk [tilespmem:v1+s15+$0x0], $0xffff;
	_ =	sdelay $0x4  }
0x336: {  	v0 =	vmul.f32 v63, v0;
	_ =	sdelay $0x1  }
0x337: {  	s28 =	simm.s32 $0x4C00;
	[tilespmem:s14+$0x10] =	vst v0  }
0x338: {  	[spmem:s2] =	stream.indirect.scatter.add.f32 [tilespmem:s18], [sflag:$0x6], $0x10, s28, s16, $0xb8;
	[tilespmem:$0x1A000] =	vst v63  }
0x339: {  	_ =	swait.ge [sflag:s22], $0x4000  }
0x33a: {  	[sflag:s22] =	ssyncset.done $0x0  }
0x33b: {  	[sflag:s22] =	ssyncadd.s32 $0xFFFFC000  }
0x33c: {  	_ =	swait.ge [sflag:s30], $0x4000  }
0x33d: {  	[sflag:s30] =	ssyncset.done $0x0  }
0x33e: {  	[sflag:s30] =	ssyncadd.s32 $0xFFFFC000  }
0x33f: {  	_ =	swait.ge [sflag:s26], $0x4000  }
0x340: {  	[sflag:s26] =	ssyncset.done $0x0  }
0x341: {  	[sflag:s26] =	ssyncadd.s32 $0xFFFFC000  }
0x342: {  	_ =	swait.ge [sflag:s31], $0x4000  }
0x343: {  	s1 =	sadd.s32 $0x1, s1;
	[sflag:s31] =	ssyncset.done $0x0  }
0x344: {  	p0 =	sne.s32 s1, s11;
	[sflag:s31] =	ssyncadd.s32 $0xFFFFC000  }
.Ltmp10:
0x345: {  	[bflag:$0x0] =	sbarrier.arrive $0xFFFF;
	(pc) =	sbr.rel @p0 .LBB2_1-.Ltmp10, $4  }
0x346: {  	[hbm:s10], [sflag:s6] =	dma.local [spmem:s12], $0x500  }
0x347: {  	_ =	swait.ge [sflag:s13], $0x500  }
0x348: {  	[sflag:s13] =	ssyncset.done $0x0  }
0x349: {  	[sflag:s13] =	ssyncadd.s32 $0xFFFFFB00  }
0x34a: {  	_ =	sfence.sel $0x180000  }
0x34b: {  	[bflag:$0x0] =	sbarrier.arrive $0xFFFF  }
0x34c: {  	_ =	strace $0x9000004D  }
0x34d: {  	s0 =	stileid.u32;
	[bflag:$0x2] =	sbarrier.arrive $0xFFFF  }
0x34e: {  	p0 =	sne.s32 s0, $0x0;
	s0 =	rddreg [dreg:$0x2]  }
0x34f: {  	s0 =	sadd.s32 @!p0 $0x100000, s0  }
0x350: {  	[sflag:s0] =	ssyncadd.tile.s32 @!p0 $0x1;
	_ =	shalt  }
.Lfunc_end2:
_tile_overlayer_lowered:
.L_overlay_start_2:
0x351: {  	(tag) =	ssettag $0x2  }
0x352: {  	s0 =	rddreg [dreg:$0x0];
	s2 =	stileid.u32  }
0x353: {  	s1 =	rddreg [dreg:$0x1];
	p0 =	sne.s32 s2, $0x0  }
0x354: {  	s3 =	rddreg [dreg:$0x2];
	[bflag:$0x3] =	sbarrier.arrive $0xFFFF;
	s2 =	simm.s32 @!p0 $0x1C09  }
0x355: {  	[timem:s3], [sflag:s2] =	dma.local @!p0 [hbm:s0], s1  }
0x356: {  	s0 =	simm.s32 @!p0 $0x9  }
0x357: {  	_ =	swait.ge @!p0 [sflag:s0], s1  }
0x358: {  	s1 =	ssub.s32 @!p0 $0x0, s1;
	[sflag:s0] =	ssyncset.done @!p0 $0x0  }
0x359: {  	[sflag:s0] =	ssyncadd.s32 @!p0 s1  }
0x35a: {  	[bflag:$0x3] =	sbarrier.arrive $0xFFFF  }
0x35b: {  	_ =	shalt  }

// kernel: kernel.9.cloned.1.call-start
scs
__scs_entry_jumppad:
0x0: {  	(pc) =	sbr.rel $0x88, $3  }
0x1: {  	(tag) =	ssettag $0x0;
	lr =	simm.s32 $0x1  }
0x2: {  	[smem:$0x3F9A] =	sst lr;
	_ =	strace $0xD0000000  }
0x3: {  	_ = 	snop  }
0x4: {  	_ = 	snop  }
0x5: {  	_ = 	snop  }
0x6: {  	_ = 	snop  }
0x7: {  	_ = 	snop  }
__scs_overlays_trampoline_lowered:
0x8: {  	[smem:$0x3FA9] =	sst s0  }
0x9: {  	[smem:$0x3FAA] =	sst s1  }
0xa: {  	[smem:$0x3FAB] =	sst s2  }
0xb: {  	[smem:$0x3FAC] =	sst s3  }
0xc: {  	[smem:$0x3FAD] =	sst s4  }
0xd: {  	[smem:$0x3FAE] =	sst s5  }
0xe: {  	[smem:$0x3FAF] =	sst s6  }
0xf: {  	[smem:$0x3FB0] =	sst s7  }
0x10: {  	[smem:$0x3FB1] =	sst s8  }
0x11: {  	[smem:$0x3FB2] =	sst s9;
	s0 =	simm.s32 @!p0 $0x0  }
0x12: {  	s1 =	sld [smem:$0x3F98];
	s0 =	simm.s32 @p0 $0x1  }
0x13: {  	[smem:$0x3FB3] =	sst s0;
	s0 =	simm.s32 @!p1 $0x0  }
0x14: {  	s2 =	sld [smem:$0x3F97];
	s0 =	simm.s32 @p1 $0x1  }
0x15: {  	[smem:$0x3FB4] =	sst s0;
	s0 =	simm.s32 @!p2 $0x0  }
0x16: {  	s3 =	sld [smem:$0x3FDB];
	s0 =	simm.s32 @p2 $0x1  }
0x17: {  	s4 =	simm.s32 $0x1BF5;
	[smem:$0x3FB6] =	sst s0  }
0x18: {  	s0 =	sld [smem:$0x3F99];
	_ =	swait.ge [sflag:s4], $0x0  }
0x19: {  	s7 =	sld [smem:$0x3F9A]  }
0x1a: {  	s8 =	sadd.s32 $0xFFFFE003, lr  }
0x1b: {  	s9 =	sadd.s32 $0xFFFFFEF7, lr;
	s5 =	simm.s32 $0xFFFFFFFF;
	p2 =	slt.u32 s8, $0xFFFFF086  }
0x1c: {  	p1 =	slt.u32 s9, $0xF7A;
	s5 =	simm.s32 @!p2 $0x0  }
0x1d: {  	s5 =	simm.s32 @p1 $0x1;
	p0 =	seq.s32 s7, s2  }
0x1e: {  	s7 =	smul.u32 @!p0 $0xF7A, s2;
	p2 =	seq.s32 @!p0 s5, $0x0  }
0x1f: {  	s9 =	smul.u32 $0xF7A, s1;
	s8 =	simm.s32 @!p0 $0x1BF5;
	p2 =	por !p2, p0  }
0x20: {  	[sflag:s8] =	ssyncset.s32 @!p0 $0xFFFFF086;
	s6 =	sadd.s32 @!p0 s3, s7;
	s7 =	simm.s32 @!p0 $0x108  }
0x21: {  	s3 =	sadd.s32 s3, s9;
	s6 =	sadd.s32 @!p0 $0x88, s6;
	s7 =	simm.s32 @p2 $0x1082  }
0x22: {  	[simem:s7], [sflag:s8] =	dma.local @!p0 [hbm:s6], $0xF7A  }
0x23: {  	s9 =	sor.u32 $0xD0000000, s2;
	s6 =	simm.s32 $0x108;
	_ =	swait.ge @!p0 [sflag:s8], $0x0  }
0x24: {  	s3 =	sadd.s32 $0x88, s3;
	s6 =	simm.s32 @!p1 $0x1082;
	[sflag:s4] =	ssyncset.s32 $0xFFFFF086  }
0x25: {  	[simem:s6], [sflag:s4] =	dma.local [hbm:s3], $0xF7A  }
0x26: {  	[smem:$0x3F9A] =	sst s1;
	(tag) =	ssettag s2;
	_ =	strace s9  }
0x27: {  	s1 =	sld [smem:$0x3FAA]  }
0x28: {  	s2 =	sld [smem:$0x3FAB]  }
0x29: {  	s4 =	sld [smem:$0x3FAD]  }
0x2a: {  	p0 =	seq.s32 s5, $0x0;
	s5 =	sld [smem:$0x3FAE]  }
0x2b: {  	s6 =	sld [smem:$0x3FAF]  }
0x2c: {  	s7 =	sld [smem:$0x3FB0]  }
0x2d: {  	s3 =	simm.s32 $0x108;
	s8 =	sld [smem:$0x3FB1]  }
0x2e: {  	s3 =	simm.s32 @!p0 $0x1082;
	s9 =	sld [smem:$0x3FB2]  }
0x2f: {  	lr =	sadd.s32 s0, s3;
	s0 =	sld [smem:$0x3FA9]  }
0x30: {  	s3 =	sld [smem:$0x3FAC]  }
0x31: {  	[smem:$0x3FB5] =	sst s10  }
0x32: {  	s10 =	sld [smem:$0x3FB3];
	_ =	sdelay $0x3  }
0x33: {  	p0 =	seq.s32 s10, $0x1;
	s10 =	sld [smem:$0x3FB5];
	_ =	sdelay $0x3  }
0x34: {  	[smem:$0x3FB5] =	sst s10  }
0x35: {  	s10 =	sld [smem:$0x3FB4];
	_ =	sdelay $0x3  }
0x36: {  	p1 =	seq.s32 s10, $0x1;
	s10 =	sld [smem:$0x3FB5];
	_ =	sdelay $0x3  }
0x37: {  	[smem:$0x3FB5] =	sst s10  }
0x38: {  	s10 =	sld [smem:$0x3FB6]  }
0x39: {  	_ = 	snop;
	(pc) =	sbr.ind lr, $3  }
0x3a: {  	_ = 	snop  }
0x3b: {  	_ = 	snop  }
0x3c: {  	p2 =	seq.s32 s10, $0x1;
	s10 =	sld [smem:$0x3FB5]  }
0x3d: {  	_ =	shalt  }
0x3e: {  	_ =	shalt  }
0x3f: {  	_ =	shalt  }
0x40: {  	_ =	shalt  }
0x41: {  	_ =	shalt  }
0x42: {  	_ =	shalt  }
0x43: {  	_ =	shalt  }
0x44: {  	_ =	shalt  }
0x45: {  	_ =	shalt  }
0x46: {  	_ =	shalt  }
0x47: {  	_ =	shalt  }
0x48: {  	_ =	shalt  }
0x49: {  	_ =	shalt  }
0x4a: {  	_ =	shalt  }
0x4b: {  	_ =	shalt  }
0x4c: {  	_ =	shalt  }
0x4d: {  	_ =	shalt  }
0x4e: {  	_ =	shalt  }
0x4f: {  	_ =	shalt  }
0x50: {  	_ =	shalt  }
0x51: {  	_ =	shalt  }
0x52: {  	_ =	shalt  }
0x53: {  	_ =	shalt  }
0x54: {  	_ =	shalt  }
0x55: {  	_ =	shalt  }
0x56: {  	_ =	shalt  }
0x57: {  	_ =	shalt  }
0x58: {  	_ =	shalt  }
0x59: {  	_ =	shalt  }
0x5a: {  	_ =	shalt  }
0x5b: {  	_ =	shalt  }
0x5c: {  	_ =	shalt  }
0x5d: {  	_ =	shalt  }
0x5e: {  	_ =	shalt  }
0x5f: {  	_ =	shalt  }
0x60: {  	_ =	shalt  }
0x61: {  	_ =	shalt  }
0x62: {  	_ =	shalt  }
0x63: {  	_ =	shalt  }
0x64: {  	_ =	shalt  }
0x65: {  	_ =	shalt  }
0x66: {  	_ =	shalt  }
0x67: {  	_ =	shalt  }
0x68: {  	_ =	shalt  }
0x69: {  	_ =	shalt  }
0x6a: {  	_ =	shalt  }
0x6b: {  	_ =	shalt  }
0x6c: {  	_ =	shalt  }
0x6d: {  	_ =	shalt  }
0x6e: {  	_ =	shalt  }
0x6f: {  	_ =	shalt  }
0x70: {  	_ =	shalt  }
0x71: {  	_ =	shalt  }
0x72: {  	_ =	shalt  }
0x73: {  	_ =	shalt  }
0x74: {  	_ =	shalt  }
0x75: {  	_ =	shalt  }
0x76: {  	_ =	shalt  }
0x77: {  	_ =	shalt  }
0x78: {  	_ =	shalt  }
0x79: {  	_ =	shalt  }
0x7a: {  	_ =	shalt  }
0x7b: {  	_ =	shalt  }
0x7c: {  	_ =	shalt  }
0x7d: {  	_ =	shalt  }
0x7e: {  	_ =	shalt  }
0x7f: {  	_ =	shalt  }
0x80: {  	_ =	shalt  }
0x81: {  	_ =	shalt  }
0x82: {  	_ =	shalt  }
0x83: {  	_ =	shalt  }
0x84: {  	_ =	shalt  }
0x85: {  	_ =	shalt  }
0x86: {  	_ =	shalt  }
0x87: {  	_ =	shalt  }
.Lfunc_end0:
.L_simem_size_0:
called_computation_lowered:
.L_overlay_start_0:
0x88: {  	s2 =	sld [smem:$0x3FD9]  }
0x89: {  	s3 =	sld [smem:$0x3FFE];
	_ =	sdelay $0x1  }
0x8a: {  	s1 =	srdreg.scid  }
0x8b: {  	s0 =	sand.u32 $0x1, s1  }
0x8c: {  	s16 =	sshll.u32 s0, $0xA;
	s2 =	sadd.s32 s3, s2  }
0x8d: {  	s2 =	sadd.s32 s2, s16  }
0x8e: {  	[smem:$0x3FC1] =	sst s2  }
0x8f: {  	_ = 	snop  }
0x90: {  	(tm) =	ssettm $0x1  }
0x91: {  	s17 =	sld [smem:$0x3FFB];
	_ =	sdelay $0x3  }
0x92: {  	_ =	strace s17  }
0x93: {  	s2 =	sld [smem:$0x3FFC];
	_ =	sdelay $0x3  }
0x94: {  	_ =	strace s2  }
0x95: {  	s2 =	sld [smem:$0x3FFD];
	_ =	sdelay $0x3  }
0x96: {  	_ =	strace s2  }
0x97: {  	_ =	strace $0x8FFFFFFF  }
0x98: {  	s18 =	sld [smem:$0x3FDB];
	_ =	sdelay $0x1  }
0x99: {  	s19 =	simm.s32 $_scs_section_size  }
0x9a: {  	s4 =	simm.s32 $_size__tile_overlayer_lowered;
	s5 =	simm.s32 $_tile_overlayer_lowered  }
0x9b: {  	s22 =	simm.s32 $0x1BFF;
	s21 =	sshll.u32 s5, $0x1;
	s2 =	sadd.s32 s19, s18  }
0x9c: {  	s6 =	simm.s32 $0x0;
	s20 =	sshll.u32 s4, $0x1;
	s4 =	sadd.s32 s21, s2  }
0x9d: {  	[timem:s6], [sflag:s22] =	dma.local [hbm:s4], s20  }
0x9e: {  	_ =	swait.ge [sflag:s22], s20  }
0x9f: {  	s3 =	ssub.s32 $0x0, s20;
	[sflag:s22] =	ssyncset.done $0x0  }
0xa0: {  	[sflag:s22] =	ssyncadd.s32 s3;
	_ =	sdelay $0x1  }
0xa1: {  	s23 =	simm.s32 $0x1B8B  }
0xa2: {  	_ =	swait.ge [sflag:s23], $0x1  }
0xa3: {  	[sflag:s23] =	ssyncset.done $0x0  }
0xa4: {  	s25 =	simm.s32 $0x1B8E;
	s24 =	sld [smem:$0x3FFE];
	[sflag:s23] =	ssyncadd.s32 $0xFFFFFFFF  }
0xa5: {  	s26 =	simm.s32 $execute0_lowered;
	[smem:$0x3FD2] =	sst s25  }
0xa6: {  	s4 =	sshll.u32 s26, $0x1;
	_ =	strace $0x80000046;
	[dreg:$0x1] =	wrdreg $0xFFFFFFFF  }
0xa7: {  	s28 =	simm.s32 $_size_execute0_lowered;
	s2 =	sadd.s32 s2, s4;
	[dreg:$0x0] =	wrdreg $0x0  }
0xa8: {  	s4 =	sshll.u32 s28, $0x1;
	[dreg:$0x2] =	wrdreg s2  }
0xa9: {  	[dreg:$0x3] =	wrdreg s4  }
0xaa: {  	[dreg:$0x4] =	wrdreg $0xC0  }
0xab: {  	_ =	task [dreg:s6], $0x5FFFF  }
0xac: {  	[dreg:$0x1] =	wrdreg $0xFFFFFFFF  }
0xad: {  	[dreg:$0x0] =	wrdreg $0x60  }
0xae: {  	[dreg:$0x2] =	wrdreg s24  }
0xaf: {  	[dreg:$0x3] =	wrdreg $0xD0000  }
0xb0: {  	[dreg:$0x4] =	wrdreg $0x9  }
0xb1: {  	_ =	task.clear_ibuf [dreg:s6], $0x5FFFF;
	_ =	strace $0x90000046  }
0xb2: {  	s29 =	simm.s32 $0x9;
	_ =	strace $0x80000048  }
0xb3: {  	_ =	swait.ge [sflag:s29], $0x1  }
0xb4: {  	[sflag:s29] =	ssyncadd.s32 $0xFFFFFFFF  }
0xb5: {  	_ =	strace $0x90000048  }
0xb6: {  	_ =	sfence  }
0xb7: {  	s30 =	sld [smem:$0x0];
	_ =	sdelay $0x2  }
0xb8: {  	s31 =	sshll.u32 s1, $0xD;
	s1 =	sshrl.u32 s1, $0x2  }
0xb9: {  	s3 =	sand.u32 $0x4000, s31;
	s1 =	sadd.s32 s1, s30  }
0xba: {  	s0 =	sor.u32 s3, s0;
	s1 =	sshll.u32 s1, $0x11  }
0xbb: {  	s0 =	sor.u32 s1, s0  }
0xbc: {  	s0 =	sadd.s32 $0x8F2B, s0  }
0xbd: {  	[sflag:s0] =	ssyncadd.remote.s32 $0x1  }
0xbe: {  	_ =	sfence.sel $0xFFFF  }
0xbf: {  	[dreg:$0x0] =	wrdreg $0xFFFFFFFF;
	(pc) =	sbr.abs _section_cstart, $3  }
0xc0: {  	[dreg:$0x1] =	wrdreg $0xFFFFFFFF  }
0xc1: {  	_ =	task.clear_ibuf [dreg:s6], $0x2FFFF;
	_ =	strace $0x9FFFFFFF  }
0xc2: {  	(tm) =	ssettm $0x7FFFFFFF  }
0xc3: {  	_ =	shalt  }
tec
execute0_lowered:
.L_overlay_start_1:
0x0: {  	(tag) =	ssettag $0x1  }
0x1: {  	s5 =	rddreg [dreg:$0x0]  }
0x2: {  	s0 =	srdreg.scid;
	s2 =	rddreg [dreg:$0x1]  }
0x3: {  	s3 =	simm.s32 $0x0;
	s12 =	simm.s32 $0x2800;
	s13 =	simm.s32 $0x5000  }
0x4: {  	s14 =	simm.s32 $0x400;
	s15 =	simm.s32 $0x9000;
	s16 =	simm.s32 $0x1  }
0x5: {  	s17 =	simm.s32 $0x800;
	s18 =	simm.s32 $0x2;
	s19 =	simm.s32 $0xC00  }
0x6: {  	s20 =	simm.s32 $0x1000;
	s21 =	simm.s32 $0x1400;
	s22 =	simm.s32 $0x1800  }
0x7: {  	s23 =	simm.s32 $0x1C00;
	s24 =	simm.s32 $0x2000;
	s25 =	simm.s32 $0x2400  }
0x8: {  	s26 =	simm.s32 $0x0;
	s4 =	sand.u32 $0x1, s0;
	s0 =	stileid.u32  }
0x9: {  	[smem:$0x7FF] =	sst s3;
	s1 =	sshll.u32 s4, $0x4;
	s7 =	smul.u32 $0x2800, s0  }
0xa: {  	s8 =	smul.u32 $0x28000, s4;
	s4 =	ssub.s32 $0x2, s4;
	s1 =	sor.u32 s0, s1  }
0xb: {  	s31 =	sshll.u32 s0, $0x6;
	s10 =	sshrl.u32 s4, $0x1;
	s6 =	smul.u32 $0x500, s1  }
0xc: {  	s1 =	rddreg [dreg:$0x2];
	_ =	strace $0x80000047;
	s30 =	sshrl.u32 s7, $0x3  }
0xd: {  	v0 =	vlaneseq.u32;
	s8 =	sadd.s32 s7, s8;
	s10 =	ssub.s32 s4, s10;
	s11 =	sadd.s32 s7, s2  }
0xe: {  	v1 =	vimm.f32 $0.0e+00;
	v2 =	vor.u32 $0xFFFFFFF8, v0;
	v11 =	vand.u32 $0x7, v0;
	s8 =	sshrl.u32 s8, $0x3;
	s9 =	sadd.s32 s6, s5;
	s6 =	sadd.s32 s30, s5  }
0xf: {  	v3 =	vor.u32 $0x400, v11;
	v4 =	vor.u32 $0x800, v11;
	v5 =	vor.u32 $0xC00, v11;
	s8 =	sadd.s32 s8, s5;
	s5 =	sor.u32 $0x1C03, s31;
	s4 =	sadd.s32 $0x15400, s6  }
0x10: {  	v6 =	vor.u32 $0x1000, v11;
	v7 =	vor.u32 $0x1400, v11;
	v8 =	vor.u32 $0x1800, v11;
	s6 =	sadd.s32 $0x1400, s9;
	s7 =	sadd.s32 $0xB400, s9;
	s8 =	sadd.s32 $0x1A400, s8  }
0x11: {  	v9 =	vor.u32 $0x1C00, v11;
	v10 =	vor.u32 $0x2000, v11;
	v11 =	vor.u32 $0x2400, v11;
	s9 =	smax.u32 s10, $0x1;
	s10 =	sshrl.u32 s11, $0x3;
	s11 =	simm.s32 $0x3  }
.LBB2_1:
0x12: {  	[spmem:s10], [sflag:s5] =	dma.local [hbm:s4], $0x500  }
0x13: {  	_ =	swait.ge [sflag:s11], $0x500  }
0x14: {  	[sflag:s11] =	ssyncset.done $0x0  }
0x15: {  	[sflag:s11] =	ssyncadd.s32 $0xFFFFFB00  }
0x16: {  	[tilespmem:s3], [sflag:$0x3] =	stream.linear.gather [hbm4b:s6+s3], $0x2800, $0x38;
	[tilespmem:$0xF800] =	vst v63  }
0x17: {  	_ =	swait.ge [sflag:s11], $0x2800  }
0x18: {  	[sflag:s11] =	ssyncset.done $0x0  }
0x19: {  	[sflag:s11] =	ssyncadd.s32 $0xFFFFD800  }
0x1a: {  	[tilespmem:s12], [sflag:$0x3] =	stream.linear.gather [hbm4b:s7+s3], $0x2800, $0x38;
	[tilespmem:$0xF800] =	vst v63  }
0x1b: {  	_ =	swait.ge [sflag:s11], $0x2800  }
0x1c: {  	[sflag:s11] =	ssyncset.done $0x0  }
0x1d: {  	s28 =	simm.s32 $0x0;
	[sflag:s11] =	ssyncadd.s32 $0xFFFFD800  }
.LBB2_2:
0x1e: {  	p0 =	sne.s32 s28, $0xFFC0  }
.Ltmp0:
0x1f: {  	_ = 	snop;
	(pc) =	sbr.rel @p0 .LBB2_2-.Ltmp0, $3  }
0x20: {  	_ =	sdelay $0x1  }
0x21: {  	s29 =	sshra.s32 s28, $0x2  }
0x22: {  	s28 =	sadd.s32 $0x40, s28;
	[tilespmem:s29+$0x5000] =	vst v1  }
0x23: {  	s28 =	simm.s32 $0x40;
	s29 =	simm.s32 $0x0  }
.LBB2_4:
0x24: {  	p0 =	sne.s32 s28, $0xFFC0;
	[tilespmem:s29+$0x9000] =	vst v1;
	s29 =	smov.u32 s28;
	s28 =	sadd.s32 $0x40, s28  }
.Ltmp1:
0x25: {  	(pc) =	sbr.rel @p0 .LBB2_4-.Ltmp1, $2  }
0x26: {  	_ =	sdelay $0x2  }
0x27: {  	s29 =	sshra.s32 s29, $0x2  }
0x28: {  	s28 =	simm.s32 $0x0  }
0x29: {  	v14 =	vor.u32 s28, v0  }
0x2a: {  	v12 =	vand.u32 v2, v14;
	_ =	sdelay $0x2  }
0x2b: {  	[tilespmem:s29+$0x9000] =	vst v1  }
0x2c: {  	[bflag:$0x0] =	sbarrier.arrive $0xFFFF;
	s28 =	simm.s32 $0x10  }
0x2d: {  	v14 =	vshll.u32 v14, $0x4;
	v13 =	vld.idx.msk [tilespmem:v12+s12+$0x0], $0xffff;
	v12 =	vor.u32 s28, v0;
	s28 =	simm.s32 $0x20  }
.LBB2_6:
0x2e: {  	p0 =	sne.s32 s28, $0x3F0;
	v15 =	vand.u32 v2, v12;
	_ =	sdelay $0x1  }
.Ltmp2:
0x2f: {  	(pc) =	sbr.rel @p0 .LBB2_6-.Ltmp2, $4  }
0x30: {  	_ = 	snop  }
0x31: {  	[tilespmem:v14+s13+$0x0] =	vst.idx.msk $0xffff, v13  }
0x32: {  	v13 =	vld.idx.msk [tilespmem:v15+s12+$0x0], $0xffff  }
0x33: {  	v14 =	vshll.u32 v12, $0x4;
	v12 =	vor.u32 s28, v0;
	s28 =	sadd.s32 $0x10, s28  }
0x34: {  	v15 =	vand.u32 v2, v12;
	_ =	sdelay $0x3  }
0x35: {  	[tilespmem:v14+s13+$0x0] =	vst.idx.msk $0xffff, v13  }
0x36: {  	s28 =	simm.s32 $0x0;
	v14 =	vshll.u32 v12, $0x4;
	v13 =	vld.idx.msk [tilespmem:v15+s12+$0x0], $0xffff  }
0x37: {  	v12 =	vor.u32 s28, v0  }
0x38: {  	v15 =	vand.u32 $0x3F8, v12  }
0x39: {  	v15 =	vor.u32 v3, v15;
	_ =	sdelay $0x1  }
0x3a: {  	[tilespmem:v14+s13+$0x0] =	vst.idx.msk $0xffff, v13  }
0x3b: {  	[spmem:s2] =	stream.indirect.scatter.add.f32 [tilespmem:s13], [sflag:$0x1], $0x10, s28, s14, $0xb8;
	[tilespmem:$0xF800] =	vst v63  }
0x3c: {  	s28 =	simm.s32 $0x10  }
0x3d: {  	v14 =	vor.u32 s28, v0;
	s28 =	simm.s32 $0x20;
	v13 =	vld.idx.msk [tilespmem:v15+s12+$0x0], $0xffff  }
.LBB2_8:
0x3e: {  	p0 =	sne.s32 s28, $0x3F0;
	v15 =	vand.u32 $0x3F8, v14;
	v16 =	vshll.u32 v12, $0x4;
	v12 =	vmov v14  }
0x3f: {  	v15 =	vor.u32 v3, v15  }
.Ltmp3:
0x40: {  	(pc) =	sbr.rel @p0 .LBB2_8-.Ltmp3, $3  }
0x41: {  	_ =	sdelay $0x1  }
0x42: {  	[tilespmem:v16+s15+$0x0] =	vst.idx.msk $0xffff, v13  }
0x43: {  	v14 =	vor.u32 s28, v0;
	s28 =	sadd.s32 $0x10, s28;
	v13 =	vld.idx.msk [tilespmem:v15+s12+$0x0], $0xffff  }
0x44: {  	v15 =	vand.u32 $0x3F8, v14;
	v12 =	vshll.u32 v12, $0x4  }
0x45: {  	v15 =	vor.u32 v3, v15;
	_ =	sdelay $0x3  }
0x46: {  	[tilespmem:v12+s15+$0x0] =	vst.idx.msk $0xffff, v13  }
0x47: {  	v14 =	vshll.u32 v14, $0x4;
	v13 =	vld.idx.msk [tilespmem:v15+s12+$0x0], $0xffff;
	_ =	sdelay $0x1  }
0x48: {  	s28 =	simm.s32 $0x0  }
0x49: {  	v12 =	vor.u32 s28, v0  }
0x4a: {  	v15 =	vand.u32 $0x3F8, v12  }
0x4b: {  	[tilespmem:v14+s15+$0x0] =	vst.idx.msk $0xffff, v13;
	v13 =	vor.u32 v4, v15  }
0x4c: {  	[spmem:s2] =	stream.indirect.scatter.add.f32 [tilespmem:s15], [sflag:$0x2], $0x10, s14, s14, $0xb8;
	[tilespmem:$0xF800] =	vst v63  }
0x4d: {  	_ =	swait.ge [sflag:s16], $0x4000  }
0x4e: {  	[sflag:s16] =	ssyncset.done $0x0  }
0x4f: {  	s28 =	simm.s32 $0x10;
	[sflag:s16] =	ssyncadd.s32 $0xFFFFC000  }
0x50: {  	v14 =	vor.u32 s28, v0;
	s28 =	simm.s32 $0x20;
	v13 =	vld.idx.msk [tilespmem:v13+s12+$0x0], $0xffff  }
.LBB2_10:
0x51: {  	p0 =	sne.s32 s28, $0x3F0;
	v15 =	vand.u32 $0x3F8, v14;
	v16 =	vshll.u32 v12, $0x4;
	v12 =	vmov v14  }
0x52: {  	v15 =	vor.u32 v4, v15  }
.Ltmp4:
0x53: {  	(pc) =	sbr.rel @p0 .LBB2_10-.Ltmp4, $3  }
0x54: {  	_ =	sdelay $0x1  }
0x55: {  	[tilespmem:v16+s13+$0x0] =	vst.idx.msk $0xffff, v13  }
0x56: {  	v14 =	vor.u32 s28, v0;
	s28 =	sadd.s32 $0x10, s28;
	v13 =	vld.idx.msk [tilespmem:v15+s12+$0x0], $0xffff  }
0x57: {  	v15 =	vand.u32 $0x3F8, v14;
	v12 =	vshll.u32 v12, $0x4  }
0x58: {  	v15 =	vor.u32 v4, v15;
	_ =	sdelay $0x3  }
0x59: {  	[tilespmem:v12+s13+$0x0] =	vst.idx.msk $0xffff, v13  }
0x5a: {  	v14 =	vshll.u32 v14, $0x4;
	v13 =	vld.idx.msk [tilespmem:v15+s12+$0x0], $0xffff;
	_ =	sdelay $0x1  }
0x5b: {  	s28 =	simm.s32 $0x0  }
0x5c: {  	v12 =	vor.u32 s28, v0  }
0x5d: {  	v15 =	vand.u32 $0x3F8, v12  }
0x5e: {  	[tilespmem:v14+s13+$0x0] =	vst.idx.msk $0xffff, v13;
	v13 =	vor.u32 v5, v15  }
0x5f: {  	[spmem:s2] =	stream.indirect.scatter.add.f32 [tilespmem:s13], [sflag:$0x1], $0x10, s17, s14, $0xb8;
	[tilespmem:$0xF800] =	vst v63  }
0x60: {  	_ =	swait.ge [sflag:s18], $0x4000  }
0x61: {  	[sflag:s18] =	ssyncset.done $0x0  }
0x62: {  	s28 =	simm.s32 $0x10;
	[sflag:s18] =	ssyncadd.s32 $0xFFFFC000  }
0x63: {  	v14 =	vor.u32 s28, v0;
	s28 =	simm.s32 $0x20;
	v13 =	vld.idx.msk [tilespmem:v13+s12+$0x0], $0xffff  }
.LBB2_12:
0x64: {  	p0 =	sne.s32 s28, $0x3F0;
	v15 =	vand.u32 $0x3F8, v14;
	v16 =	vshll.u32 v12, $0x4;
	v12 =	vmov v14  }
0x65: {  	v15 =	vor.u32 v5, v15  }
.Ltmp5:
0x66: {  	(pc) =	sbr.rel @p0 .LBB2_12-.Ltmp5, $3  }
0x67: {  	_ =	sdelay $0x1  }
0x68: {  	[tilespmem:v16+s15+$0x0] =	vst.idx.msk $0xffff, v13  }
0x69: {  	v14 =	vor.u32 s28, v0;
	s28 =	sadd.s32 $0x10, s28;
	v13 =	vld.idx.msk [tilespmem:v15+s12+$0x0], $0xffff  }
0x6a: {  	v15 =	vand.u32 $0x3F8, v14;
	v12 =	vshll.u32 v12, $0x4  }
0x6b: {  	v15 =	vor.u32 v5, v15;
	_ =	sdelay $0x3  }
0x6c: {  	[tilespmem:v12+s15+$0x0] =	vst.idx.msk $0xffff, v13  }
0x6d: {  	v14 =	vshll.u32 v14, $0x4;
	v13 =	vld.idx.msk [tilespmem:v15+s12+$0x0], $0xffff;
	_ =	sdelay $0x1  }
0x6e: {  	s28 =	simm.s32 $0x0  }
0x6f: {  	v12 =	vor.u32 s28, v0  }
0x70: {  	v15 =	vand.u32 $0x3F8, v12  }
0x71: {  	[tilespmem:v14+s15+$0x0] =	vst.idx.msk $0xffff, v13;
	v13 =	vor.u32 v6, v15  }
0x72: {  	[spmem:s2] =	stream.indirect.scatter.add.f32 [tilespmem:s15], [sflag:$0x2], $0x10, s19, s14, $0xb8;
	[tilespmem:$0xF800] =	vst v63  }
0x73: {  	_ =	swait.ge [sflag:s16], $0x4000  }
0x74: {  	[sflag:s16] =	ssyncset.done $0x0  }
0x75: {  	s28 =	simm.s32 $0x10;
	[sflag:s16] =	ssyncadd.s32 $0xFFFFC000  }
0x76: {  	v14 =	vor.u32 s28, v0;
	s28 =	simm.s32 $0x20;
	v13 =	vld.idx.msk [tilespmem:v13+s12+$0x0], $0xffff  }
.LBB2_14:
0x77: {  	p0 =	sne.s32 s28, $0x3F0;
	v15 =	vand.u32 $0x3F8, v14;
	v16 =	vshll.u32 v12, $0x4;
	v12 =	vmov v14  }
0x78: {  	v15 =	vor.u32 v6, v15  }
.Ltmp6:
0x79: {  	(pc) =	sbr.rel @p0 .LBB2_14-.Ltmp6, $3  }
0x7a: {  	_ =	sdelay $0x1  }
0x7b: {  	[tilespmem:v16+s13+$0x0] =	vst.idx.msk $0xffff, v13  }
0x7c: {  	v14 =	vor.u32 s28, v0;
	s28 =	sadd.s32 $0x10, s28;
	v13 =	vld.idx.msk [tilespmem:v15+s12+$0x0], $0xffff  }
0x7d: {  	v15 =	vand.u32 $0x3F8, v14;
	v12 =	vshll.u32 v12, $0x4  }
0x7e: {  	v15 =	vor.u32 v6, v15;
	_ =	sdelay $0x3  }
0x7f: {  	[tilespmem:v12+s13+$0x0] =	vst.idx.msk $0xffff, v13  }
0x80: {  	v14 =	vshll.u32 v14, $0x4;
	v13 =	vld.idx.msk [tilespmem:v15+s12+$0x0], $0xffff;
	_ =	sdelay $0x1  }
0x81: {  	s28 =	simm.s32 $0x0  }
0x82: {  	v12 =	vor.u32 s28, v0  }
0x83: {  	v15 =	vand.u32 $0x3F8, v12  }
0x84: {  	[tilespmem:v14+s13+$0x0] =	vst.idx.msk $0xffff, v13;
	v13 =	vor.u32 v7, v15  }
0x85: {  	[spmem:s2] =	stream.indirect.scatter.add.f32 [tilespmem:s13], [sflag:$0x1], $0x10, s20, s14, $0xb8;
	[tilespmem:$0xF800] =	vst v63  }
0x86: {  	_ =	swait.ge [sflag:s18], $0x4000  }
0x87: {  	[sflag:s18] =	ssyncset.done $0x0  }
0x88: {  	s28 =	simm.s32 $0x10;
	[sflag:s18] =	ssyncadd.s32 $0xFFFFC000  }
0x89: {  	v14 =	vor.u32 s28, v0;
	s28 =	simm.s32 $0x20;
	v13 =	vld.idx.msk [tilespmem:v13+s12+$0x0], $0xffff  }
.LBB2_16:
0x8a: {  	p0 =	sne.s32 s28, $0x3F0;
	v15 =	vand.u32 $0x3F8, v14;
	v16 =	vshll.u32 v12, $0x4;
	v12 =	vmov v14  }
0x8b: {  	v15 =	vor.u32 v7, v15  }
.Ltmp7:
0x8c: {  	(pc) =	sbr.rel @p0 .LBB2_16-.Ltmp7, $3  }
0x8d: {  	_ =	sdelay $0x1  }
0x8e: {  	[tilespmem:v16+s15+$0x0] =	vst.idx.msk $0xffff, v13  }
0x8f: {  	v14 =	vor.u32 s28, v0;
	s28 =	sadd.s32 $0x10, s28;
	v13 =	vld.idx.msk [tilespmem:v15+s12+$0x0], $0xffff  }
0x90: {  	v15 =	vand.u32 $0x3F8, v14;
	v12 =	vshll.u32 v12, $0x4  }
0x91: {  	v15 =	vor.u32 v7, v15;
	_ =	sdelay $0x3  }
0x92: {  	[tilespmem:v12+s15+$0x0] =	vst.idx.msk $0xffff, v13  }
0x93: {  	v14 =	vshll.u32 v14, $0x4;
	v13 =	vld.idx.msk [tilespmem:v15+s12+$0x0], $0xffff;
	_ =	sdelay $0x1  }
0x94: {  	s28 =	simm.s32 $0x0  }
0x95: {  	v12 =	vor.u32 s28, v0  }
0x96: {  	v15 =	vand.u32 $0x3F8, v12  }
0x97: {  	[tilespmem:v14+s15+$0x0] =	vst.idx.msk $0xffff, v13;
	v13 =	vor.u32 v8, v15  }
0x98: {  	[spmem:s2] =	stream.indirect.scatter.add.f32 [tilespmem:s15], [sflag:$0x2], $0x10, s21, s14, $0xb8;
	[tilespmem:$0xF800] =	vst v63  }
0x99: {  	_ =	swait.ge [sflag:s16], $0x4000  }
0x9a: {  	[sflag:s16] =	ssyncset.done $0x0  }
0x9b: {  	s28 =	simm.s32 $0x10;
	[sflag:s16] =	ssyncadd.s32 $0xFFFFC000  }
0x9c: {  	v14 =	vor.u32 s28, v0;
	s28 =	simm.s32 $0x20;
	v13 =	vld.idx.msk [tilespmem:v13+s12+$0x0], $0xffff  }
.LBB2_18:
0x9d: {  	p0 =	sne.s32 s28, $0x3F0;
	v15 =	vand.u32 $0x3F8, v14;
	v16 =	vshll.u32 v12, $0x4;
	v12 =	vmov v14  }
0x9e: {  	v15 =	vor.u32 v8, v15  }
.Ltmp8:
0x9f: {  	(pc) =	sbr.rel @p0 .LBB2_18-.Ltmp8, $3  }
0xa0: {  	_ =	sdelay $0x1  }
0xa1: {  	[tilespmem:v16+s13+$0x0] =	vst.idx.msk $0xffff, v13  }
0xa2: {  	v14 =	vor.u32 s28, v0;
	s28 =	sadd.s32 $0x10, s28;
	v13 =	vld.idx.msk [tilespmem:v15+s12+$0x0], $0xffff  }
0xa3: {  	v15 =	vand.u32 $0x3F8, v14;
	v12 =	vshll.u32 v12, $0x4  }
0xa4: {  	v15 =	vor.u32 v8, v15;
	_ =	sdelay $0x3  }
0xa5: {  	[tilespmem:v12+s13+$0x0] =	vst.idx.msk $0xffff, v13  }
0xa6: {  	v14 =	vshll.u32 v14, $0x4;
	v13 =	vld.idx.msk [tilespmem:v15+s12+$0x0], $0xffff;
	_ =	sdelay $0x1  }
0xa7: {  	s28 =	simm.s32 $0x0  }
0xa8: {  	v12 =	vor.u32 s28, v0  }
0xa9: {  	v15 =	vand.u32 $0x3F8, v12  }
0xaa: {  	[tilespmem:v14+s13+$0x0] =	vst.idx.msk $0xffff, v13;
	v13 =	vor.u32 v9, v15  }
0xab: {  	[spmem:s2] =	stream.indirect.scatter.add.f32 [tilespmem:s13], [sflag:$0x1], $0x10, s22, s14, $0xb8;
	[tilespmem:$0xF800] =	vst v63  }
0xac: {  	_ =	swait.ge [sflag:s18], $0x4000  }
0xad: {  	[sflag:s18] =	ssyncset.done $0x0  }
0xae: {  	s28 =	simm.s32 $0x10;
	[sflag:s18] =	ssyncadd.s32 $0xFFFFC000  }
0xaf: {  	v14 =	vor.u32 s28, v0;
	s28 =	simm.s32 $0x20;
	v13 =	vld.idx.msk [tilespmem:v13+s12+$0x0], $0xffff  }
.LBB2_20:
0xb0: {  	p0 =	sne.s32 s28, $0x3F0;
	v15 =	vand.u32 $0x3F8, v14;
	v16 =	vshll.u32 v12, $0x4;
	v12 =	vmov v14  }
0xb1: {  	v15 =	vor.u32 v9, v15  }
.Ltmp9:
0xb2: {  	(pc) =	sbr.rel @p0 .LBB2_20-.Ltmp9, $3  }
0xb3: {  	_ =	sdelay $0x1  }
0xb4: {  	[tilespmem:v16+s15+$0x0] =	vst.idx.msk $0xffff, v13  }
0xb5: {  	v14 =	vor.u32 s28, v0;
	s28 =	sadd.s32 $0x10, s28;
	v13 =	vld.idx.msk [tilespmem:v15+s12+$0x0], $0xffff  }
0xb6: {  	v15 =	vand.u32 $0x3F8, v14;
	v12 =	vshll.u32 v12, $0x4  }
0xb7: {  	v15 =	vor.u32 v9, v15;
	_ =	sdelay $0x3  }
0xb8: {  	[tilespmem:v12+s15+$0x0] =	vst.idx.msk $0xffff, v13  }
0xb9: {  	v14 =	vshll.u32 v14, $0x4;
	v13 =	vld.idx.msk [tilespmem:v15+s12+$0x0], $0xffff;
	_ =	sdelay $0x1  }
0xba: {  	s28 =	simm.s32 $0x0  }
0xbb: {  	v12 =	vor.u32 s28, v0  }
0xbc: {  	v15 =	vand.u32 $0x3F8, v12  }
0xbd: {  	[tilespmem:v14+s15+$0x0] =	vst.idx.msk $0xffff, v13;
	v13 =	vor.u32 v10, v15  }
0xbe: {  	[spmem:s2] =	stream.indirect.scatter.add.f32 [tilespmem:s15], [sflag:$0x2], $0x10, s23, s14, $0xb8;
	[tilespmem:$0xF800] =	vst v63  }
0xbf: {  	_ =	swait.ge [sflag:s16], $0x4000  }
0xc0: {  	[sflag:s16] =	ssyncset.done $0x0  }
0xc1: {  	s28 =	simm.s32 $0x10;
	[sflag:s16] =	ssyncadd.s32 $0xFFFFC000  }
0xc2: {  	v14 =	vor.u32 s28, v0;
	s28 =	simm.s32 $0x20;
	v13 =	vld.idx.msk [tilespmem:v13+s12+$0x0], $0xffff  }
.LBB2_22:
0xc3: {  	p0 =	sne.s32 s28, $0x3F0;
	v15 =	vand.u32 $0x3F8, v14;
	v16 =	vshll.u32 v12, $0x4;
	v12 =	vmov v14  }
0xc4: {  	v15 =	vor.u32 v10, v15  }
.Ltmp10:
0xc5: {  	(pc) =	sbr.rel @p0 .LBB2_22-.Ltmp10, $3  }
0xc6: {  	_ =	sdelay $0x1  }
0xc7: {  	[tilespmem:v16+s13+$0x0] =	vst.idx.msk $0xffff, v13  }
0xc8: {  	v14 =	vor.u32 s28, v0;
	s28 =	sadd.s32 $0x10, s28;
	v13 =	vld.idx.msk [tilespmem:v15+s12+$0x0], $0xffff  }
0xc9: {  	v15 =	vand.u32 $0x3F8, v14;
	v12 =	vshll.u32 v12, $0x4  }
0xca: {  	v15 =	vor.u32 v10, v15;
	_ =	sdelay $0x3  }
0xcb: {  	[tilespmem:v12+s13+$0x0] =	vst.idx.msk $0xffff, v13  }
0xcc: {  	v14 =	vshll.u32 v14, $0x4;
	v13 =	vld.idx.msk [tilespmem:v15+s12+$0x0], $0xffff;
	_ =	sdelay $0x1  }
0xcd: {  	s28 =	simm.s32 $0x0  }
0xce: {  	v12 =	vor.u32 s28, v0  }
0xcf: {  	v15 =	vand.u32 $0x3F8, v12  }
0xd0: {  	[tilespmem:v14+s13+$0x0] =	vst.idx.msk $0xffff, v13;
	v13 =	vor.u32 v11, v15  }
0xd1: {  	[spmem:s2] =	stream.indirect.scatter.add.f32 [tilespmem:s13], [sflag:$0x1], $0x10, s24, s14, $0xb8;
	[tilespmem:$0xF800] =	vst v63  }
0xd2: {  	_ =	swait.ge [sflag:s18], $0x4000  }
0xd3: {  	[sflag:s18] =	ssyncset.done $0x0  }
0xd4: {  	s28 =	simm.s32 $0x10;
	[sflag:s18] =	ssyncadd.s32 $0xFFFFC000  }
0xd5: {  	v14 =	vor.u32 s28, v0;
	s28 =	simm.s32 $0x20;
	v13 =	vld.idx.msk [tilespmem:v13+s12+$0x0], $0xffff  }
.LBB2_24:
0xd6: {  	p0 =	sne.s32 s28, $0x3F0;
	v15 =	vand.u32 $0x3F8, v14;
	v16 =	vshll.u32 v12, $0x4;
	v12 =	vmov v14  }
0xd7: {  	v15 =	vor.u32 v11, v15  }
.Ltmp11:
0xd8: {  	(pc) =	sbr.rel @p0 .LBB2_24-.Ltmp11, $3  }
0xd9: {  	_ =	sdelay $0x1  }
0xda: {  	[tilespmem:v16+s15+$0x0] =	vst.idx.msk $0xffff, v13  }
0xdb: {  	v14 =	vor.u32 s28, v0;
	s28 =	sadd.s32 $0x10, s28;
	v13 =	vld.idx.msk [tilespmem:v15+s12+$0x0], $0xffff  }
0xdc: {  	v15 =	vand.u32 $0x3F8, v14;
	v12 =	vshll.u32 v12, $0x4  }
0xdd: {  	v15 =	vor.u32 v11, v15;
	_ =	sdelay $0x3  }
0xde: {  	[tilespmem:v12+s15+$0x0] =	vst.idx.msk $0xffff, v13  }
0xdf: {  	v63 =	vshll.u32 v14, $0x4;
	v12 =	vld.idx.msk [tilespmem:v15+s12+$0x0], $0xffff;
	_ =	sdelay $0x4  }
0xe0: {  	[tilespmem:v63+s15+$0x0] =	vst.idx.msk $0xffff, v12  }
0xe1: {  	[spmem:s2] =	stream.indirect.scatter.add.f32 [tilespmem:s15], [sflag:$0x2], $0x10, s25, s14, $0xb8;
	[tilespmem:$0xF800] =	vst v63  }
0xe2: {  	_ =	swait.ge [sflag:s16], $0x4000  }
0xe3: {  	[sflag:s16] =	ssyncset.done $0x0  }
0xe4: {  	[sflag:s16] =	ssyncadd.s32 $0xFFFFC000  }
0xe5: {  	_ =	swait.ge [sflag:s18], $0x4000  }
0xe6: {  	s26 =	sadd.s32 $0x1, s26;
	[sflag:s18] =	ssyncset.done $0x0  }
0xe7: {  	p0 =	sne.s32 s26, s9;
	[sflag:s18] =	ssyncadd.s32 $0xFFFFC000  }
.Ltmp12:
0xe8: {  	[bflag:$0x0] =	sbarrier.arrive $0xFFFF;
	(pc) =	sbr.rel @p0 .LBB2_1-.Ltmp12, $4  }
0xe9: {  	[hbm:s8], [sflag:s5] =	dma.local [spmem:s10], $0x500  }
0xea: {  	_ =	swait.ge [sflag:s11], $0x500  }
0xeb: {  	[sflag:s11] =	ssyncset.done $0x0  }
0xec: {  	[sflag:s11] =	ssyncadd.s32 $0xFFFFFB00  }
0xed: {  	_ =	sfence.sel $0x180000  }
0xee: {  	[bflag:$0x0] =	sbarrier.arrive $0xFFFF  }
0xef: {  	p0 =	sne.s32 s0, $0x0;
	_ =	strace $0x90000047  }
0xf0: {  	s0 =	sadd.s32 @!p0 $0x100000, s1;
	[bflag:$0x2] =	sbarrier.arrive $0xFFFF  }
0xf1: {  	[sflag:s0] =	ssyncadd.tile.s32 @!p0 $0x1;
	_ =	shalt  }
.Lfunc_end2:
_tile_overlayer_lowered:
.L_overlay_start_2:
0xf2: {  	(tag) =	ssettag $0x2  }
0xf3: {  	s0 =	rddreg [dreg:$0x0];
	s2 =	stileid.u32  }
0xf4: {  	s1 =	rddreg [dreg:$0x1];
	p0 =	sne.s32 s2, $0x0  }
0xf5: {  	s3 =	rddreg [dreg:$0x2];
	[bflag:$0x3] =	sbarrier.arrive $0xFFFF;
	s2 =	simm.s32 @!p0 $0x1C03  }
0xf6: {  	[timem:s3], [sflag:s2] =	dma.local @!p0 [hbm:s0], s1  }
0xf7: {  	s0 =	simm.s32 @!p0 $0x3  }
0xf8: {  	_ =	swait.ge @!p0 [sflag:s0], s1  }
0xf9: {  	s1 =	ssub.s32 @!p0 $0x0, s1;
	[sflag:s0] =	ssyncset.done @!p0 $0x0  }
0xfa: {  	[sflag:s0] =	ssyncadd.s32 @!p0 s1  }
0xfb: {  	[bflag:$0x3] =	sbarrier.arrive $0xFFFF  }
0xfc: {  	_ =	shalt  }

</sc_bundles>
